<compile_context>
chip_gen: v7x
topology: tpu7x:2x2x1
jax: 0.10.2.dev20260603
libtpu: 0.0.44.dev20260713+nightly
codegen_flags: <defaults>
</compile_context>

<pallas_src>
import functools

import numpy as np
import jax
import jax.numpy as jnp
from jax import lax
from jax.experimental import pallas as pl
from jax.experimental.pallas import tpu as pltpu
from jax.experimental.pallas import tpu_sc as plsc
from jax._src.pallas.primitives import reciprocal as _pl_reciprocal

_H = 32
_W = 32
_C = 196
_HW = _H * _W
_NB = 64
_ROWS = _NB * _C
_LANES = 128
_GRID = _ROWS // _LANES
_NCHUNK = _HW // 8
_DEPTH_N = _NB * 640 * 480

_ORDER = [4 * i + c for c in range(4) for i in range(32)]

_ZPX = float(np.float32(640.0) / np.float32(900.0))
_ZPY = float(np.float32(480.0) / np.float32(900.0))

_pxg, _pyg = np.meshgrid(np.linspace(-1.0, 1.0, _H), np.linspace(-1.0, 1.0, _W))
_POS_X_NP = _pxg.reshape(_HW, 1).astype(np.float32)
_POS_Y_NP = _pyg.reshape(_HW, 1).astype(np.float32)


def _fold8(a, op):
    t1 = op(a[0:4, :], a[4:8, :])
    t2 = op(t1[0:2, :], t1[2:4, :])
    return op(t2[0:1, :], t2[1:2, :])


def _make_tc_body(order=tuple(_ORDER)):
    def body(ft_ref, px_ref, py_ref, ex_ref, ey_ref, ci_ref, e_ref):
        j = pl.program_id(0)
        m = ft_ref[pl.ds(0, 8), :]
        for t in range(1, _NCHUNK):
            m = jnp.maximum(m, ft_ref[pl.ds(8 * t, 8), :])
        m1 = _fold8(m, jnp.maximum)

        acc = None
        for t in order:
            x = ft_ref[pl.ds(8 * t, 8), :]
            et = jnp.exp(x - m1)
            e_ref[pl.ds(8 * t, 8), :] = et
            acc = et if acc is None else acc + et
        s = _fold8(acc, jnp.add)

        r = _pl_reciprocal(s, approx=True)
        ex = ey = None
        for g in range(4):
            accx = accy = None
            for t in range(32 * g, 32 * g + 32):
                et = e_ref[pl.ds(8 * t, 8), :]
                w = et * r
                tx = px_ref[pl.ds(8 * t, 8), :] * w
                ty = py_ref[pl.ds(8 * t, 8), :] * w
                accx = tx if accx is None else accx + tx
                accy = ty if accy is None else accy + ty
            fx = _fold8(accx, jnp.add)
            fy = _fold8(accy, jnp.add)
            ex = fx if ex is None else ex + fx
            ey = fy if ey is None else ey + fy

        rows = j * _LANES + lax.broadcasted_iota(jnp.int32, (1, _LANES), 1)
        bf = jnp.floor((rows.astype(jnp.float32) + 0.5) * (1.0 / 196.0))
        coord = (ex * 320.0 + 319.0) + ((ey * 240.0 + 239.0) * 640.0)
        tot = coord + bf * 307200.0
        ci = jnp.round(tot).astype(jnp.int32)
        ci = jnp.where(ci < 0, ci + _DEPTH_N, ci)
        ci = jnp.clip(ci, 0, _DEPTH_N - 1)
        ex_ref[...] = ex.reshape(1, 1, _LANES)
        ey_ref[...] = ey.reshape(1, 1, _LANES)
        ci_ref[...] = ci.reshape(1, 1, _LANES)
    return body


def _tc_stage(ft, px, py):
    return pl.pallas_call(
        _make_tc_body(),
        grid=(_GRID,),
        in_specs=[
            pl.BlockSpec((_HW, _LANES), lambda i: (0, i)),
            pl.BlockSpec((_HW, 1), lambda i: (0, 0)),
            pl.BlockSpec((_HW, 1), lambda i: (0, 0)),
        ],
        out_specs=[
            pl.BlockSpec((1, 1, _LANES), lambda i: (i, 0, 0)),
            pl.BlockSpec((1, 1, _LANES), lambda i: (i, 0, 0)),
            pl.BlockSpec((1, 1, _LANES), lambda i: (i, 0, 0)),
        ],
        out_shape=[
            jax.ShapeDtypeStruct((_GRID, 1, _LANES), jnp.float32),
            jax.ShapeDtypeStruct((_GRID, 1, _LANES), jnp.float32),
            jax.ShapeDtypeStruct((_GRID, 1, _LANES), jnp.int32),
        ],
        scratch_shapes=[pltpu.VMEM((_HW, _LANES), jnp.float32)],
    )(ft, px, py)



_NC = 2
_NS = 16
_NW = _NC * _NS
_BPW = _ROWS // _NW


@functools.cache
def _make_sc_stage():
    return functools.partial(
        pl.kernel,
        mesh=plsc.VectorSubcoreMesh(core_axis_name="c", subcore_axis_name="s"),
        out_type=[
            jax.ShapeDtypeStruct((_ROWS,), jnp.float32),
            jax.ShapeDtypeStruct((_ROWS,), jnp.float32),
            jax.ShapeDtypeStruct((_ROWS,), jnp.float32),
        ],
        scratch_types=[
            pltpu.VMEM((_BPW,), jnp.float32),
            pltpu.VMEM((_BPW,), jnp.float32),
            pltpu.VMEM((_BPW,), jnp.int32),
            pltpu.VMEM((_BPW,), jnp.float32),
            pltpu.VMEM((_BPW,), jnp.float32),
            pltpu.VMEM((_BPW,), jnp.float32),
            pltpu.SemaphoreType.DMA,
        ],
    )(_sc_body)


def _sc_body(ex_hbm, ey_hbm, ci_hbm, depth_hbm, xz_hbm, yz_hbm, z_hbm,
             ex_v, ey_v, ci_v, z_v, xz_v, yz_v, sem):
    wid = lax.axis_index("s") * _NC + lax.axis_index("c")
    base = wid * _BPW
    pltpu.sync_copy(ex_hbm.at[pl.ds(base, _BPW)], ex_v)
    pltpu.sync_copy(ey_hbm.at[pl.ds(base, _BPW)], ey_v)
    pltpu.sync_copy(ci_hbm.at[pl.ds(base, _BPW)], ci_v)
    handles = []
    for off, n in ((0, 128), (128, 128), (256, 128), (384, 8)):
        handles.append(
            pltpu.async_copy(
                depth_hbm.at[ci_v.at[pl.ds(off, n)]],
                z_v.at[pl.ds(off, n)],
                sem,
            )
        )
    for h in handles:
        h.wait()
    for off in [16 * j for j in range(24)] + [_BPW - 16]:
        z = z_v[pl.ds(off, 16)]
        ex16 = ex_v[pl.ds(off, 16)]
        ey16 = ey_v[pl.ds(off, 16)]
        xz_v[pl.ds(off, 16)] = ex16 * (z * _ZPX)
        yz_v[pl.ds(off, 16)] = ey16 * (z * _ZPY)
    pltpu.sync_copy(xz_v, xz_hbm.at[pl.ds(base, _BPW)])
    pltpu.sync_copy(yz_v, yz_hbm.at[pl.ds(base, _BPW)])
    pltpu.sync_copy(z_v, z_hbm.at[pl.ds(base, _BPW)])


def kernel(feature, depth):
    ft = feature.reshape(_ROWS, _HW).T
    px = jnp.asarray(_POS_X_NP)
    py = jnp.asarray(_POS_Y_NP)
    ex, ey, ci = _tc_stage(ft, px, py)
    xz, yz, z = _make_sc_stage()(
        ex.reshape(_ROWS),
        ey.reshape(_ROWS),
        ci.reshape(_ROWS),
        depth.reshape(_DEPTH_N),
    )
    out = jnp.stack([xz, yz, z], axis=1)
    return out.reshape(_NB, _C * 3)

# --- scband reference (transcript-rebuilt; emitter-appended) ---
"""Pipeline reference for scband-extended-spatial-softarg-max-9466107920600 (READ-ONLY COPY).

The authoritative reference and input builder live on the scoring server;
editing this copy changes nothing except your own understanding.
"""

import jax, jax.numpy as jnp
import numpy as np

HEIGHT = 32
WIDTH = 32
CHANNEL = 196


def setup_inputs(seed: int = 0) -> dict:
    key = jax.random.key(seed)
    k1, k2 = jax.random.split(key)
    feature = jax.random.normal(k1, (64, CHANNEL, HEIGHT, WIDTH), dtype=jnp.float32)
    depth = jax.random.uniform(k2, (64, 1, 640, 480), dtype=jnp.float32)
    return {"feature": feature, "depth": depth}


def reference(feature, depth):
    # buffers (match torch: np.meshgrid(linspace(height), linspace(width)))
    pos_x_np, pos_y_np = np.meshgrid(np.linspace(-1.0, 1.0, HEIGHT), np.linspace(-1.0, 1.0, WIDTH))
    pos_x = jnp.asarray(pos_x_np.reshape(HEIGHT * WIDTH), dtype=jnp.float32)
    pos_y = jnp.asarray(pos_y_np.reshape(HEIGHT * WIDTH), dtype=jnp.float32)
    cx = 320.0
    cy = 240.0
    temperature = 1.0

    batch_size = feature.shape[0]
    f = feature.reshape(-1, HEIGHT * WIDTH)  # NCHW path
    softmax_attention = jax.nn.softmax(f / temperature, axis=-1)
    expected_x = jnp.sum(pos_x * softmax_attention, axis=1, keepdims=True)
    expected_y = jnp.sum(pos_y * softmax_attention, axis=1, keepdims=True)

    image_height = depth.shape[3]
    image_width = depth.shape[2]
    flattened_depth = depth.reshape(-1)  # torch.take treats input as flat

    # rcbaseline: arange(B)*640*480 -> repeat(196,1) -> transpose -> [B*196,1]
    baseline = jnp.repeat(jnp.arange(batch_size, dtype=jnp.float32) * 640.0 * 480.0, 196).reshape(batch_size * 196, 1)

    coord = expected_x * cx - 1 + cx + (expected_y * cy + cy - 1) * image_width
    coord = jnp.round(coord + baseline).astype(jnp.int32)
    z = jnp.take(flattened_depth, coord)  # [B*196, 1]

    z_prime_x = z / 900.0 * image_width
    z_prime_y = z / 900.0 * image_height
    result = jnp.concatenate([expected_x * z_prime_x, expected_y * z_prime_y, z], axis=1)
    feature_keypoints = result.reshape(-1, CHANNEL * 3)
    return feature_keypoints

if __name__ == "__main__":
    import jax
    _d = setup_inputs()
    print(jax.jit(kernel)(*tuple(_d.values())))

</pallas_src>

<mosaic_0001>
#map = affine_map<(d0, d1) -> (0)>
module attributes {stable_mosaic.version = 14 : i64} {
  func.func @_sc_body(%arg0: i32, %arg1: i32, %arg2: memref<12544xf32, #tpu.memory_space<hbm>>, %arg3: memref<12544xf32, #tpu.memory_space<hbm>>, %arg4: memref<12544xi32, #tpu.memory_space<hbm>>, %arg5: memref<19660800xf32, #tpu.memory_space<hbm>>, %arg6: memref<12544xf32, #tpu.memory_space<hbm>>, %arg7: memref<12544xf32, #tpu.memory_space<hbm>>, %arg8: memref<12544xf32, #tpu.memory_space<hbm>>, %arg9: memref<392xf32, #tpu.memory_space<vmem>>, %arg10: memref<392xf32, #tpu.memory_space<vmem>>, %arg11: memref<392xi32, #tpu.memory_space<vmem>>, %arg12: memref<392xf32, #tpu.memory_space<vmem>>, %arg13: memref<392xf32, #tpu.memory_space<vmem>>, %arg14: memref<392xf32, #tpu.memory_space<vmem>>, %arg15: memref<!tpu.dma_semaphore, #tpu.memory_space<semaphore_mem>>) attributes {dimension_semantics = [#tpu.dimension_semantics<core_parallel>, #tpu.dimension_semantics<subcore_parallel>], iteration_bounds = array<i64: 2, 16>, scalar_prefetch = 0 : i64, scratch_operands = 7 : i64, tpu.core_type = #tpu.core_type<sc_vector_subcore>, window_params = [{transform_indices = #map}, {transform_indices = #map}, {transform_indices = #map}, {transform_indices = #map}, {transform_indices = #map}, {transform_indices = #map}, {transform_indices = #map}]} {
    %mul3A = arith.constant 2 : i32
    %mul3A_0 = arith.muli %arg1, %mul3A : i32
    %add3A = arith.addi %mul3A_0, %arg0 : i32
    %mul3A_1 = arith.constant 392 : i32
    %mul3A_2 = arith.muli %add3A, %mul3A_1 : i32
    "tpu.region"() ({
      %run_scoped3A = tpu.sem_alloc : memref<!tpu.dma_semaphore, #tpu.memory_space<semaphore_mem>>
      %dma_start3A_672 = tpu.memref_slice %arg2[%mul3A_2] : memref<12544xf32, #tpu.memory_space<hbm>> -> memref<392xf32, #tpu.memory_space<hbm>>
      %dma_start3A_673 = tpu.memref_slice %arg2[%mul3A_2] : memref<12544xf32, #tpu.memory_space<hbm>> -> memref<392xf32, #tpu.memory_space<hbm>>
      tpu.enqueue_dma source(%dma_start3A_673 : memref<392xf32, #tpu.memory_space<hbm>>) target(%arg9 : memref<392xf32, #tpu.memory_space<vmem>>) target_semaphore(%run_scoped3A : memref<!tpu.dma_semaphore, #tpu.memory_space<semaphore_mem>>)
      %dma_wait3A_674 = tpu.memref_slice %arg2[%mul3A_2] : memref<12544xf32, #tpu.memory_space<hbm>> -> memref<392xf32, #tpu.memory_space<hbm>>
      %dma_wait3A_675 = tpu.memref_slice %arg2[%mul3A_2] : memref<12544xf32, #tpu.memory_space<hbm>> -> memref<392xf32, #tpu.memory_space<hbm>>
      tpu.wait_dma2 semaphore(%run_scoped3A : memref<!tpu.dma_semaphore, #tpu.memory_space<semaphore_mem>>) src(%dma_wait3A_675 : memref<392xf32, #tpu.memory_space<hbm>>) dst(%arg9 : memref<392xf32, #tpu.memory_space<vmem>>)
      tpu.yield
    }) : () -> ()
    "tpu.region"() ({
      %run_scoped3A = tpu.sem_alloc : memref<!tpu.dma_semaphore, #tpu.memory_space<semaphore_mem>>
      %dma_start3A_672 = tpu.memref_slice %arg3[%mul3A_2] : memref<12544xf32, #tpu.memory_space<hbm>> -> memref<392xf32, #tpu.memory_space<hbm>>
      %dma_start3A_673 = tpu.memref_slice %arg3[%mul3A_2] : memref<12544xf32, #tpu.memory_space<hbm>> -> memref<392xf32, #tpu.memory_space<hbm>>
      tpu.enqueue_dma source(%dma_start3A_673 : memref<392xf32, #tpu.memory_space<hbm>>) target(%arg10 : memref<392xf32, #tpu.memory_space<vmem>>) target_semaphore(%run_scoped3A : memref<!tpu.dma_semaphore, #tpu.memory_space<semaphore_mem>>)
      %dma_wait3A_674 = tpu.memref_slice %arg3[%mul3A_2] : memref<12544xf32, #tpu.memory_space<hbm>> -> memref<392xf32, #tpu.memory_space<hbm>>
      %dma_wait3A_675 = tpu.memref_slice %arg3[%mul3A_2] : memref<12544xf32, #tpu.memory_space<hbm>> -> memref<392xf32, #tpu.memory_space<hbm>>
      tpu.wait_dma2 semaphore(%run_scoped3A : memref<!tpu.dma_semaphore, #tpu.memory_space<semaphore_mem>>) src(%dma_wait3A_675 : memref<392xf32, #tpu.memory_space<hbm>>) dst(%arg10 : memref<392xf32, #tpu.memory_space<vmem>>)
      tpu.yield
    }) : () -> ()
    "tpu.region"() ({
      %run_scoped3A = tpu.sem_alloc : memref<!tpu.dma_semaphore, #tpu.memory_space<semaphore_mem>>
      %dma_start3A_672 = tpu.memref_slice %arg4[%mul3A_2] : memref<12544xi32, #tpu.memory_space<hbm>> -> memref<392xi32, #tpu.memory_space<hbm>>
      %dma_start3A_673 = tpu.memref_slice %arg4[%mul3A_2] : memref<12544xi32, #tpu.memory_space<hbm>> -> memref<392xi32, #tpu.memory_space<hbm>>
      tpu.enqueue_dma source(%dma_start3A_673 : memref<392xi32, #tpu.memory_space<hbm>>) target(%arg11 : memref<392xi32, #tpu.memory_space<vmem>>) target_semaphore(%run_scoped3A : memref<!tpu.dma_semaphore, #tpu.memory_space<semaphore_mem>>)
      %dma_wait3A_674 = tpu.memref_slice %arg4[%mul3A_2] : memref<12544xi32, #tpu.memory_space<hbm>> -> memref<392xi32, #tpu.memory_space<hbm>>
      %dma_wait3A_675 = tpu.memref_slice %arg4[%mul3A_2] : memref<12544xi32, #tpu.memory_space<hbm>> -> memref<392xi32, #tpu.memory_space<hbm>>
      tpu.wait_dma2 semaphore(%run_scoped3A : memref<!tpu.dma_semaphore, #tpu.memory_space<semaphore_mem>>) src(%dma_wait3A_675 : memref<392xi32, #tpu.memory_space<hbm>>) dst(%arg11 : memref<392xi32, #tpu.memory_space<vmem>>)
      tpu.yield
    }) : () -> ()
    %dma_start3A = arith.constant 0 : i32
    %dma_start3A_3 = tpu.memref_slice %arg12[%dma_start3A] : memref<392xf32, #tpu.memory_space<vmem>> -> memref<128xf32, #tpu.memory_space<vmem>>
    %dma_start3A_4 = arith.constant 0 : i32
    %dma_start3A_5 = tpu.memref_slice %arg11[%dma_start3A_4] : memref<392xi32, #tpu.memory_space<vmem>> -> memref<128xi32, #tpu.memory_space<vmem>>
    %dma_start3A_6 = arith.constant 0 : i32
    %dma_start3A_7 = tpu.memref_slice %arg5[%dma_start3A_6] : memref<19660800xf32, #tpu.memory_space<hbm>> -> memref<19660800xf32, #tpu.memory_space<hbm>>
    tpu.enqueue_indirect_dma source(%dma_start3A_7 : memref<19660800xf32, #tpu.memory_space<hbm>>) target(%dma_start3A_3 : memref<128xf32, #tpu.memory_space<vmem>>) offsets(%dma_start3A_5 : memref<128xi32, #tpu.memory_space<vmem>>) semaphore(%arg15 : memref<!tpu.dma_semaphore, #tpu.memory_space<semaphore_mem>>)
    %dma_start3A_8 = arith.constant 128 : i32
    %dma_start3A_9 = tpu.memref_slice %arg12[%dma_start3A_8] : memref<392xf32, #tpu.memory_space<vmem>> -> memref<128xf32, #tpu.memory_space<vmem>>
    %dma_start3A_10 = arith.constant 128 : i32
    %dma_start3A_11 = tpu.memref_slice %arg11[%dma_start3A_10] : memref<392xi32, #tpu.memory_space<vmem>> -> memref<128xi32, #tpu.memory_space<vmem>>
    %dma_start3A_12 = arith.constant 0 : i32
    %dma_start3A_13 = tpu.memref_slice %arg5[%dma_start3A_12] : memref<19660800xf32, #tpu.memory_space<hbm>> -> memref<19660800xf32, #tpu.memory_space<hbm>>
    tpu.enqueue_indirect_dma source(%dma_start3A_13 : memref<19660800xf32, #tpu.memory_space<hbm>>) target(%dma_start3A_9 : memref<128xf32, #tpu.memory_space<vmem>>) offsets(%dma_start3A_11 : memref<128xi32, #tpu.memory_space<vmem>>) semaphore(%arg15 : memref<!tpu.dma_semaphore, #tpu.memory_space<semaphore_mem>>)
    %dma_start3A_14 = arith.constant 256 : i32
    %dma_start3A_15 = tpu.memref_slice %arg12[%dma_start3A_14] : memref<392xf32, #tpu.memory_space<vmem>> -> memref<128xf32, #tpu.memory_space<vmem>>
    %dma_start3A_16 = arith.constant 256 : i32
    %dma_start3A_17 = tpu.memref_slice %arg11[%dma_start3A_16] : memref<392xi32, #tpu.memory_space<vmem>> -> memref<128xi32, #tpu.memory_space<vmem>>
    %dma_start3A_18 = arith.constant 0 : i32
    %dma_start3A_19 = tpu.memref_slice %arg5[%dma_start3A_18] : memref<19660800xf32, #tpu.memory_space<hbm>> -> memref<19660800xf32, #tpu.memory_space<hbm>>
    tpu.enqueue_indirect_dma source(%dma_start3A_19 : memref<19660800xf32, #tpu.memory_space<hbm>>) target(%dma_start3A_15 : memref<128xf32, #tpu.memory_space<vmem>>) offsets(%dma_start3A_17 : memref<128xi32, #tpu.memory_space<vmem>>) semaphore(%arg15 : memref<!tpu.dma_semaphore, #tpu.memory_space<semaphore_mem>>)
    %dma_start3A_20 = arith.constant 384 : i32
    %dma_start3A_21 = tpu.memref_slice %arg12[%dma_start3A_20] : memref<392xf32, #tpu.memory_space<vmem>> -> memref<8xf32, #tpu.memory_space<vmem>>
    %dma_start3A_22 = arith.constant 384 : i32
    %dma_start3A_23 = tpu.memref_slice %arg11[%dma_start3A_22] : memref<392xi32, #tpu.memory_space<vmem>> -> memref<8xi32, #tpu.memory_space<vmem>>
    %dma_start3A_24 = arith.constant 0 : i32
    %dma_start3A_25 = tpu.memref_slice %arg5[%dma_start3A_24] : memref<19660800xf32, #tpu.memory_space<hbm>> -> memref<19660800xf32, #tpu.memory_space<hbm>>
    tpu.enqueue_indirect_dma source(%dma_start3A_25 : memref<19660800xf32, #tpu.memory_space<hbm>>) target(%dma_start3A_21 : memref<8xf32, #tpu.memory_space<vmem>>) offsets(%dma_start3A_23 : memref<8xi32, #tpu.memory_space<vmem>>) semaphore(%arg15 : memref<!tpu.dma_semaphore, #tpu.memory_space<semaphore_mem>>)
    %dma_wait3A = arith.constant 0 : i32
    %dma_wait3A_26 = tpu.memref_slice %arg12[%dma_wait3A] : memref<392xf32, #tpu.memory_space<vmem>> -> memref<128xf32, #tpu.memory_space<vmem>>
    %dma_wait3A_27 = arith.constant 0 : i32
    %dma_wait3A_28 = tpu.memref_slice %arg11[%dma_wait3A_27] : memref<392xi32, #tpu.memory_space<vmem>> -> memref<128xi32, #tpu.memory_space<vmem>>
    %dma_wait3A_29 = arith.constant 0 : i32
    %dma_wait3A_30 = tpu.memref_slice %arg5[%dma_wait3A_29] : memref<19660800xf32, #tpu.memory_space<hbm>> -> memref<19660800xf32, #tpu.memory_space<hbm>>
    tpu.wait_indirect_dma semaphore(%arg15 : memref<!tpu.dma_semaphore, #tpu.memory_space<semaphore_mem>>) src(%dma_wait3A_30 : memref<19660800xf32, #tpu.memory_space<hbm>>) dst(%dma_wait3A_26 : memref<128xf32, #tpu.memory_space<vmem>>)
    %dma_wait3A_31 = arith.constant 128 : i32
    %dma_wait3A_32 = tpu.memref_slice %arg12[%dma_wait3A_31] : memref<392xf32, #tpu.memory_space<vmem>> -> memref<128xf32, #tpu.memory_space<vmem>>
    %dma_wait3A_33 = arith.constant 128 : i32
    %dma_wait3A_34 = tpu.memref_slice %arg11[%dma_wait3A_33] : memref<392xi32, #tpu.memory_space<vmem>> -> memref<128xi32, #tpu.memory_space<vmem>>
    %dma_wait3A_35 = arith.constant 0 : i32
    %dma_wait3A_36 = tpu.memref_slice %arg5[%dma_wait3A_35] : memref<19660800xf32, #tpu.memory_space<hbm>> -> memref<19660800xf32, #tpu.memory_space<hbm>>
    tpu.wait_indirect_dma semaphore(%arg15 : memref<!tpu.dma_semaphore, #tpu.memory_space<semaphore_mem>>) src(%dma_wait3A_36 : memref<19660800xf32, #tpu.memory_space<hbm>>) dst(%dma_wait3A_32 : memref<128xf32, #tpu.memory_space<vmem>>)
    %dma_wait3A_37 = arith.constant 256 : i32
    %dma_wait3A_38 = tpu.memref_slice %arg12[%dma_wait3A_37] : memref<392xf32, #tpu.memory_space<vmem>> -> memref<128xf32, #tpu.memory_space<vmem>>
    %dma_wait3A_39 = arith.constant 256 : i32
    %dma_wait3A_40 = tpu.memref_slice %arg11[%dma_wait3A_39] : memref<392xi32, #tpu.memory_space<vmem>> -> memref<128xi32, #tpu.memory_space<vmem>>
    %dma_wait3A_41 = arith.constant 0 : i32
    %dma_wait3A_42 = tpu.memref_slice %arg5[%dma_wait3A_41] : memref<19660800xf32, #tpu.memory_space<hbm>> -> memref<19660800xf32, #tpu.memory_space<hbm>>
    tpu.wait_indirect_dma semaphore(%arg15 : memref<!tpu.dma_semaphore, #tpu.memory_space<semaphore_mem>>) src(%dma_wait3A_42 : memref<19660800xf32, #tpu.memory_space<hbm>>) dst(%dma_wait3A_38 : memref<128xf32, #tpu.memory_space<vmem>>)
    %dma_wait3A_43 = arith.constant 384 : i32
    %dma_wait3A_44 = tpu.memref_slice %arg12[%dma_wait3A_43] : memref<392xf32, #tpu.memory_space<vmem>> -> memref<8xf32, #tpu.memory_space<vmem>>
    %dma_wait3A_45 = arith.constant 384 : i32
    %dma_wait3A_46 = tpu.memref_slice %arg11[%dma_wait3A_45] : memref<392xi32, #tpu.memory_space<vmem>> -> memref<8xi32, #tpu.memory_space<vmem>>
    %dma_wait3A_47 = arith.constant 0 : i32
    %dma_wait3A_48 = tpu.memref_slice %arg5[%dma_wait3A_47] : memref<19660800xf32, #tpu.memory_space<hbm>> -> memref<19660800xf32, #tpu.memory_space<hbm>>
    tpu.wait_indirect_dma semaphore(%arg15 : memref<!tpu.dma_semaphore, #tpu.memory_space<semaphore_mem>>) src(%dma_wait3A_48 : memref<19660800xf32, #tpu.memory_space<hbm>>) dst(%dma_wait3A_44 : memref<8xf32, #tpu.memory_space<vmem>>)
    %get3A = arith.constant 0 : index
    %get3A_49 = tpu.vector_load %arg12[%get3A] {strides = array<i32>} : memref<392xf32, #tpu.memory_space<vmem>>, vector<16xf32>,
    %get3A_50 = vector.shape_cast %get3A_49 : vector<16xf32> to vector<16xf32>
    %get3A_51 = arith.constant 0 : index
    %get3A_52 = tpu.vector_load %arg9[%get3A_51] {strides = array<i32>} : memref<392xf32, #tpu.memory_space<vmem>>, vector<16xf32>,
    %get3A_53 = vector.shape_cast %get3A_52 : vector<16xf32> to vector<16xf32>
    %get3A_54 = arith.constant 0 : index
    %get3A_55 = tpu.vector_load %arg10[%get3A_54] {strides = array<i32>} : memref<392xf32, #tpu.memory_space<vmem>>, vector<16xf32>,
    %get3A_56 = vector.shape_cast %get3A_55 : vector<16xf32> to vector<16xf32>
    %mul3A_57 = arith.constant 0.711111128 : f32
    %mul3A_58 = vector.broadcast %mul3A_57 : f32 to vector<16xf32>
    %mul3A_59 = arith.mulf %get3A_50, %mul3A_58 : vector<16xf32>
    %mul3A_60 = arith.mulf %get3A_53, %mul3A_59 : vector<16xf32>
    %swap3A = arith.constant 0 : index
    %swap3A_61 = tpu.vector_load %arg13[%swap3A] {strides = array<i32>} : memref<392xf32, #tpu.memory_space<vmem>>, vector<16xf32>,
    %swap3A_62 = vector.shape_cast %swap3A_61 : vector<16xf32> to vector<16xf32>
    %swap3A_63 = vector.shape_cast %mul3A_60 : vector<16xf32> to vector<16xf32>
    tpu.vector_store %arg13[%swap3A], %swap3A_63 {strides = array<i32>} : memref<392xf32, #tpu.memory_space<vmem>>, vector<16xf32>,
    %mul3A_64 = arith.constant 0.533333361 : f32
    %mul3A_65 = vector.broadcast %mul3A_64 : f32 to vector<16xf32>
    %mul3A_66 = arith.mulf %get3A_50, %mul3A_65 : vector<16xf32>
    %mul3A_67 = arith.mulf %get3A_56, %mul3A_66 : vector<16xf32>
    %swap3A_68 = arith.constant 0 : index
    %swap3A_69 = tpu.vector_load %arg14[%swap3A_68] {strides = array<i32>} : memref<392xf32, #tpu.memory_space<vmem>>, vector<16xf32>,
    %swap3A_70 = vector.shape_cast %swap3A_69 : vector<16xf32> to vector<16xf32>
    %swap3A_71 = vector.shape_cast %mul3A_67 : vector<16xf32> to vector<16xf32>
    tpu.vector_store %arg14[%swap3A_68], %swap3A_71 {strides = array<i32>} : memref<392xf32, #tpu.memory_space<vmem>>, vector<16xf32>,
    %get3A_72 = arith.constant 16 : index
    %get3A_73 = tpu.vector_load %arg12[%get3A_72] {strides = array<i32>} : memref<392xf32, #tpu.memory_space<vmem>>, vector<16xf32>,
    %get3A_74 = vector.shape_cast %get3A_73 : vector<16xf32> to vector<16xf32>
    %get3A_75 = arith.constant 16 : index
    %get3A_76 = tpu.vector_load %arg9[%get3A_75] {strides = array<i32>} : memref<392xf32, #tpu.memory_space<vmem>>, vector<16xf32>,
    %get3A_77 = vector.shape_cast %get3A_76 : vector<16xf32> to vector<16xf32>
    %get3A_78 = arith.constant 16 : index
    %get3A_79 = tpu.vector_load %arg10[%get3A_78] {strides = array<i32>} : memref<392xf32, #tpu.memory_space<vmem>>, vector<16xf32>,
    %get3A_80 = vector.shape_cast %get3A_79 : vector<16xf32> to vector<16xf32>
    %mul3A_81 = arith.constant 0.711111128 : f32
    %mul3A_82 = vector.broadcast %mul3A_81 : f32 to vector<16xf32>
    %mul3A_83 = arith.mulf %get3A_74, %mul3A_82 : vector<16xf32>
    %mul3A_84 = arith.mulf %get3A_77, %mul3A_83 : vector<16xf32>
    %swap3A_85 = arith.constant 16 : index
    %swap3A_86 = tpu.vector_load %arg13[%swap3A_85] {strides = array<i32>} : memref<392xf32, #tpu.memory_space<vmem>>, vector<16xf32>,
    %swap3A_87 = vector.shape_cast %swap3A_86 : vector<16xf32> to vector<16xf32>
    %swap3A_88 = vector.shape_cast %mul3A_84 : vector<16xf32> to vector<16xf32>
    tpu.vector_store %arg13[%swap3A_85], %swap3A_88 {strides = array<i32>} : memref<392xf32, #tpu.memory_space<vmem>>, vector<16xf32>,
    %mul3A_89 = arith.constant 0.533333361 : f32
    %mul3A_90 = vector.broadcast %mul3A_89 : f32 to vector<16xf32>
    %mul3A_91 = arith.mulf %get3A_74, %mul3A_90 : vector<16xf32>
    %mul3A_92 = arith.mulf %get3A_80, %mul3A_91 : vector<16xf32>
    %swap3A_93 = arith.constant 16 : index
    %swap3A_94 = tpu.vector_load %arg14[%swap3A_93] {strides = array<i32>} : memref<392xf32, #tpu.memory_space<vmem>>, vector<16xf32>,
    %swap3A_95 = vector.shape_cast %swap3A_94 : vector<16xf32> to vector<16xf32>
    %swap3A_96 = vector.shape_cast %mul3A_92 : vector<16xf32> to vector<16xf32>
    tpu.vector_store %arg14[%swap3A_93], %swap3A_96 {strides = array<i32>} : memref<392xf32, #tpu.memory_space<vmem>>, vector<16xf32>,
    %get3A_97 = arith.constant 32 : index
    %get3A_98 = tpu.vector_load %arg12[%get3A_97] {strides = array<i32>} : memref<392xf32, #tpu.memory_space<vmem>>, vector<16xf32>,
    %get3A_99 = vector.shape_cast %get3A_98 : vector<16xf32> to vector<16xf32>
    %get3A_100 = arith.constant 32 : index
    %get3A_101 = tpu.vector_load %arg9[%get3A_100] {strides = array<i32>} : memref<392xf32, #tpu.memory_space<vmem>>, vector<16xf32>,
    %get3A_102 = vector.shape_cast %get3A_101 : vector<16xf32> to vector<16xf32>
    %get3A_103 = arith.constant 32 : index
    %get3A_104 = tpu.vector_load %arg10[%get3A_103] {strides = array<i32>} : memref<392xf32, #tpu.memory_space<vmem>>, vector<16xf32>,
    %get3A_105 = vector.shape_cast %get3A_104 : vector<16xf32> to vector<16xf32>
    %mul3A_106 = arith.constant 0.711111128 : f32
    %mul3A_107 = vector.broadcast %mul3A_106 : f32 to vector<16xf32>
    %mul3A_108 = arith.mulf %get3A_99, %mul3A_107 : vector<16xf32>
    %mul3A_109 = arith.mulf %get3A_102, %mul3A_108 : vector<16xf32>
    %swap3A_110 = arith.constant 32 : index
    %swap3A_111 = tpu.vector_load %arg13[%swap3A_110] {strides = array<i32>} : memref<392xf32, #tpu.memory_space<vmem>>, vector<16xf32>,
    %swap3A_112 = vector.shape_cast %swap3A_111 : vector<16xf32> to vector<16xf32>
    %swap3A_113 = vector.shape_cast %mul3A_109 : vector<16xf32> to vector<16xf32>
    tpu.vector_store %arg13[%swap3A_110], %swap3A_113 {strides = array<i32>} : memref<392xf32, #tpu.memory_space<vmem>>, vector<16xf32>,
    %mul3A_114 = arith.constant 0.533333361 : f32
    %mul3A_115 = vector.broadcast %mul3A_114 : f32 to vector<16xf32>
    %mul3A_116 = arith.mulf %get3A_99, %mul3A_115 : vector<16xf32>
    %mul3A_117 = arith.mulf %get3A_105, %mul3A_116 : vector<16xf32>
    %swap3A_118 = arith.constant 32 : index
    %swap3A_119 = tpu.vector_load %arg14[%swap3A_118] {strides = array<i32>} : memref<392xf32, #tpu.memory_space<vmem>>, vector<16xf32>,
    %swap3A_120 = vector.shape_cast %swap3A_119 : vector<16xf32> to vector<16xf32>
    %swap3A_121 = vector.shape_cast %mul3A_117 : vector<16xf32> to vector<16xf32>
    tpu.vector_store %arg14[%swap3A_118], %swap3A_121 {strides = array<i32>} : memref<392xf32, #tpu.memory_space<vmem>>, vector<16xf32>,
    %get3A_122 = arith.constant 48 : index
    %get3A_123 = tpu.vector_load %arg12[%get3A_122] {strides = array<i32>} : memref<392xf32, #tpu.memory_space<vmem>>, vector<16xf32>,
    %get3A_124 = vector.shape_cast %get3A_123 : vector<16xf32> to vector<16xf32>
    %get3A_125 = arith.constant 48 : index
    %get3A_126 = tpu.vector_load %arg9[%get3A_125] {strides = array<i32>} : memref<392xf32, #tpu.memory_space<vmem>>, vector<16xf32>,
    %get3A_127 = vector.shape_cast %get3A_126 : vector<16xf32> to vector<16xf32>
    %get3A_128 = arith.constant 48 : index
    %get3A_129 = tpu.vector_load %arg10[%get3A_128] {strides = array<i32>} : memref<392xf32, #tpu.memory_space<vmem>>, vector<16xf32>,
    %get3A_130 = vector.shape_cast %get3A_129 : vector<16xf32> to vector<16xf32>
    %mul3A_131 = arith.constant 0.711111128 : f32
    %mul3A_132 = vector.broadcast %mul3A_131 : f32 to vector<16xf32>
    %mul3A_133 = arith.mulf %get3A_124, %mul3A_132 : vector<16xf32>
    %mul3A_134 = arith.mulf %get3A_127, %mul3A_133 : vector<16xf32>
    %swap3A_135 = arith.constant 48 : index
    %swap3A_136 = tpu.vector_load %arg13[%swap3A_135] {strides = array<i32>} : memref<392xf32, #tpu.memory_space<vmem>>, vector<16xf32>,
    %swap3A_137 = vector.shape_cast %swap3A_136 : vector<16xf32> to vector<16xf32>
    %swap3A_138 = vector.shape_cast %mul3A_134 : vector<16xf32> to vector<16xf32>
    tpu.vector_store %arg13[%swap3A_135], %swap3A_138 {strides = array<i32>} : memref<392xf32, #tpu.memory_space<vmem>>, vector<16xf32>,
    %mul3A_139 = arith.constant 0.533333361 : f32
    %mul3A_140 = vector.broadcast %mul3A_139 : f32 to vector<16xf32>
    %mul3A_141 = arith.mulf %get3A_124, %mul3A_140 : vector<16xf32>
    %mul3A_142 = arith.mulf %get3A_130, %mul3A_141 : vector<16xf32>
    %swap3A_143 = arith.constant 48 : index
    %swap3A_144 = tpu.vector_load %arg14[%swap3A_143] {strides = array<i32>} : memref<392xf32, #tpu.memory_space<vmem>>, vector<16xf32>,
    %swap3A_145 = vector.shape_cast %swap3A_144 : vector<16xf32> to vector<16xf32>
    %swap3A_146 = vector.shape_cast %mul3A_142 : vector<16xf32> to vector<16xf32>
    tpu.vector_store %arg14[%swap3A_143], %swap3A_146 {strides = array<i32>} : memref<392xf32, #tpu.memory_space<vmem>>, vector<16xf32>,
    %get3A_147 = arith.constant 64 : index
    %get3A_148 = tpu.vector_load %arg12[%get3A_147] {strides = array<i32>} : memref<392xf32, #tpu.memory_space<vmem>>, vector<16xf32>,
    %get3A_149 = vector.shape_cast %get3A_148 : vector<16xf32> to vector<16xf32>
    %get3A_150 = arith.constant 64 : index
    %get3A_151 = tpu.vector_load %arg9[%get3A_150] {strides = array<i32>} : memref<392xf32, #tpu.memory_space<vmem>>, vector<16xf32>,
    %get3A_152 = vector.shape_cast %get3A_151 : vector<16xf32> to vector<16xf32>
    %get3A_153 = arith.constant 64 : index
    %get3A_154 = tpu.vector_load %arg10[%get3A_153] {strides = array<i32>} : memref<392xf32, #tpu.memory_space<vmem>>, vector<16xf32>,
    %get3A_155 = vector.shape_cast %get3A_154 : vector<16xf32> to vector<16xf32>
    %mul3A_156 = arith.constant 0.711111128 : f32
    %mul3A_157 = vector.broadcast %mul3A_156 : f32 to vector<16xf32>
    %mul3A_158 = arith.mulf %get3A_149, %mul3A_157 : vector<16xf32>
    %mul3A_159 = arith.mulf %get3A_152, %mul3A_158 : vector<16xf32>
    %swap3A_160 = arith.constant 64 : index
    %swap3A_161 = tpu.vector_load %arg13[%swap3A_160] {strides = array<i32>} : memref<392xf32, #tpu.memory_space<vmem>>, vector<16xf32>,
    %swap3A_162 = vector.shape_cast %swap3A_161 : vector<16xf32> to vector<16xf32>
    %swap3A_163 = vector.shape_cast %mul3A_159 : vector<16xf32> to vector<16xf32>
    tpu.vector_store %arg13[%swap3A_160], %swap3A_163 {strides = array<i32>} : memref<392xf32, #tpu.memory_space<vmem>>, vector<16xf32>,
    %mul3A_164 = arith.constant 0.533333361 : f32
    %mul3A_165 = vector.broadcast %mul3A_164 : f32 to vector<16xf32>
    %mul3A_166 = arith.mulf %get3A_149, %mul3A_165 : vector<16xf32>
    %mul3A_167 = arith.mulf %get3A_155, %mul3A_166 : vector<16xf32>
    %swap3A_168 = arith.constant 64 : index
    %swap3A_169 = tpu.vector_load %arg14[%swap3A_168] {strides = array<i32>} : memref<392xf32, #tpu.memory_space<vmem>>, vector<16xf32>,
    %swap3A_170 = vector.shape_cast %swap3A_169 : vector<16xf32> to vector<16xf32>
    %swap3A_171 = vector.shape_cast %mul3A_167 : vector<16xf32> to vector<16xf32>
    tpu.vector_store %arg14[%swap3A_168], %swap3A_171 {strides = array<i32>} : memref<392xf32, #tpu.memory_space<vmem>>, vector<16xf32>,
    %get3A_172 = arith.constant 80 : index
    %get3A_173 = tpu.vector_load %arg12[%get3A_172] {strides = array<i32>} : memref<392xf32, #tpu.memory_space<vmem>>, vector<16xf32>,
    %get3A_174 = vector.shape_cast %get3A_173 : vector<16xf32> to vector<16xf32>
    %get3A_175 = arith.constant 80 : index
    %get3A_176 = tpu.vector_load %arg9[%get3A_175] {strides = array<i32>} : memref<392xf32, #tpu.memory_space<vmem>>, vector<16xf32>,
    %get3A_177 = vector.shape_cast %get3A_176 : vector<16xf32> to vector<16xf32>
    %get3A_178 = arith.constant 80 : index
    %get3A_179 = tpu.vector_load %arg10[%get3A_178] {strides = array<i32>} : memref<392xf32, #tpu.memory_space<vmem>>, vector<16xf32>,
    %get3A_180 = vector.shape_cast %get3A_179 : vector<16xf32> to vector<16xf32>
    %mul3A_181 = arith.constant 0.711111128 : f32
    %mul3A_182 = vector.broadcast %mul3A_181 : f32 to vector<16xf32>
    %mul3A_183 = arith.mulf %get3A_174, %mul3A_182 : vector<16xf32>
    %mul3A_184 = arith.mulf %get3A_177, %mul3A_183 : vector<16xf32>
    %swap3A_185 = arith.constant 80 : index
    %swap3A_186 = tpu.vector_load %arg13[%swap3A_185] {strides = array<i32>} : memref<392xf32, #tpu.memory_space<vmem>>, vector<16xf32>,
    %swap3A_187 = vector.shape_cast %swap3A_186 : vector<16xf32> to vector<16xf32>
    %swap3A_188 = vector.shape_cast %mul3A_184 : vector<16xf32> to vector<16xf32>
    tpu.vector_store %arg13[%swap3A_185], %swap3A_188 {strides = array<i32>} : memref<392xf32, #tpu.memory_space<vmem>>, vector<16xf32>,
    %mul3A_189 = arith.constant 0.533333361 : f32
    %mul3A_190 = vector.broadcast %mul3A_189 : f32 to vector<16xf32>
    %mul3A_191 = arith.mulf %get3A_174, %mul3A_190 : vector<16xf32>
    %mul3A_192 = arith.mulf %get3A_180, %mul3A_191 : vector<16xf32>
    %swap3A_193 = arith.constant 80 : index
    %swap3A_194 = tpu.vector_load %arg14[%swap3A_193] {strides = array<i32>} : memref<392xf32, #tpu.memory_space<vmem>>, vector<16xf32>,
    %swap3A_195 = vector.shape_cast %swap3A_194 : vector<16xf32> to vector<16xf32>
    %swap3A_196 = vector.shape_cast %mul3A_192 : vector<16xf32> to vector<16xf32>
    tpu.vector_store %arg14[%swap3A_193], %swap3A_196 {strides = array<i32>} : memref<392xf32, #tpu.memory_space<vmem>>, vector<16xf32>,
    %get3A_197 = arith.constant 96 : index
    %get3A_198 = tpu.vector_load %arg12[%get3A_197] {strides = array<i32>} : memref<392xf32, #tpu.memory_space<vmem>>, vector<16xf32>,
    %get3A_199 = vector.shape_cast %get3A_198 : vector<16xf32> to vector<16xf32>
    %get3A_200 = arith.constant 96 : index
    %get3A_201 = tpu.vector_load %arg9[%get3A_200] {strides = array<i32>} : memref<392xf32, #tpu.memory_space<vmem>>, vector<16xf32>,
    %get3A_202 = vector.shape_cast %get3A_201 : vector<16xf32> to vector<16xf32>
    %get3A_203 = arith.constant 96 : index
    %get3A_204 = tpu.vector_load %arg10[%get3A_203] {strides = array<i32>} : memref<392xf32, #tpu.memory_space<vmem>>, vector<16xf32>,
    %get3A_205 = vector.shape_cast %get3A_204 : vector<16xf32> to vector<16xf32>
    %mul3A_206 = arith.constant 0.711111128 : f32
    %mul3A_207 = vector.broadcast %mul3A_206 : f32 to vector<16xf32>
    %mul3A_208 = arith.mulf %get3A_199, %mul3A_207 : vector<16xf32>
    %mul3A_209 = arith.mulf %get3A_202, %mul3A_208 : vector<16xf32>
    %swap3A_210 = arith.constant 96 : index
    %swap3A_211 = tpu.vector_load %arg13[%swap3A_210] {strides = array<i32>} : memref<392xf32, #tpu.memory_space<vmem>>, vector<16xf32>,
    %swap3A_212 = vector.shape_cast %swap3A_211 : vector<16xf32> to vector<16xf32>
    %swap3A_213 = vector.shape_cast %mul3A_209 : vector<16xf32> to vector<16xf32>
    tpu.vector_store %arg13[%swap3A_210], %swap3A_213 {strides = array<i32>} : memref<392xf32, #tpu.memory_space<vmem>>, vector<16xf32>,
    %mul3A_214 = arith.constant 0.533333361 : f32
    %mul3A_215 = vector.broadcast %mul3A_214 : f32 to vector<16xf32>
    %mul3A_216 = arith.mulf %get3A_199, %mul3A_215 : vector<16xf32>
    %mul3A_217 = arith.mulf %get3A_205, %mul3A_216 : vector<16xf32>
    %swap3A_218 = arith.constant 96 : index
    %swap3A_219 = tpu.vector_load %arg14[%swap3A_218] {strides = array<i32>} : memref<392xf32, #tpu.memory_space<vmem>>, vector<16xf32>,
    %swap3A_220 = vector.shape_cast %swap3A_219 : vector<16xf32> to vector<16xf32>
    %swap3A_221 = vector.shape_cast %mul3A_217 : vector<16xf32> to vector<16xf32>
    tpu.vector_store %arg14[%swap3A_218], %swap3A_221 {strides = array<i32>} : memref<392xf32, #tpu.memory_space<vmem>>, vector<16xf32>,
    %get3A_222 = arith.constant 112 : index
    %get3A_223 = tpu.vector_load %arg12[%get3A_222] {strides = array<i32>} : memref<392xf32, #tpu.memory_space<vmem>>, vector<16xf32>,
    %get3A_224 = vector.shape_cast %get3A_223 : vector<16xf32> to vector<16xf32>
    %get3A_225 = arith.constant 112 : index
    %get3A_226 = tpu.vector_load %arg9[%get3A_225] {strides = array<i32>} : memref<392xf32, #tpu.memory_space<vmem>>, vector<16xf32>,
    %get3A_227 = vector.shape_cast %get3A_226 : vector<16xf32> to vector<16xf32>
    %get3A_228 = arith.constant 112 : index
    %get3A_229 = tpu.vector_load %arg10[%get3A_228] {strides = array<i32>} : memref<392xf32, #tpu.memory_space<vmem>>, vector<16xf32>,
    %get3A_230 = vector.shape_cast %get3A_229 : vector<16xf32> to vector<16xf32>
    %mul3A_231 = arith.constant 0.711111128 : f32
    %mul3A_232 = vector.broadcast %mul3A_231 : f32 to vector<16xf32>
    %mul3A_233 = arith.mulf %get3A_224, %mul3A_232 : vector<16xf32>
    %mul3A_234 = arith.mulf %get3A_227, %mul3A_233 : vector<16xf32>
    %swap3A_235 = arith.constant 112 : index
    %swap3A_236 = tpu.vector_load %arg13[%swap3A_235] {strides = array<i32>} : memref<392xf32, #tpu.memory_space<vmem>>, vector<16xf32>,
    %swap3A_237 = vector.shape_cast %swap3A_236 : vector<16xf32> to vector<16xf32>
    %swap3A_238 = vector.shape_cast %mul3A_234 : vector<16xf32> to vector<16xf32>
    tpu.vector_store %arg13[%swap3A_235], %swap3A_238 {strides = array<i32>} : memref<392xf32, #tpu.memory_space<vmem>>, vector<16xf32>,
    %mul3A_239 = arith.constant 0.533333361 : f32
    %mul3A_240 = vector.broadcast %mul3A_239 : f32 to vector<16xf32>
    %mul3A_241 = arith.mulf %get3A_224, %mul3A_240 : vector<16xf32>
    %mul3A_242 = arith.mulf %get3A_230, %mul3A_241 : vector<16xf32>
    %swap3A_243 = arith.constant 112 : index
    %swap3A_244 = tpu.vector_load %arg14[%swap3A_243] {strides = array<i32>} : memref<392xf32, #tpu.memory_space<vmem>>, vector<16xf32>,
    %swap3A_245 = vector.shape_cast %swap3A_244 : vector<16xf32> to vector<16xf32>
    %swap3A_246 = vector.shape_cast %mul3A_242 : vector<16xf32> to vector<16xf32>
    tpu.vector_store %arg14[%swap3A_243], %swap3A_246 {strides = array<i32>} : memref<392xf32, #tpu.memory_space<vmem>>, vector<16xf32>,
    %get3A_247 = arith.constant 128 : index
    %get3A_248 = tpu.vector_load %arg12[%get3A_247] {strides = array<i32>} : memref<392xf32, #tpu.memory_space<vmem>>, vector<16xf32>,
    %get3A_249 = vector.shape_cast %get3A_248 : vector<16xf32> to vector<16xf32>
    %get3A_250 = arith.constant 128 : index
    %get3A_251 = tpu.vector_load %arg9[%get3A_250] {strides = array<i32>} : memref<392xf32, #tpu.memory_space<vmem>>, vector<16xf32>,
    %get3A_252 = vector.shape_cast %get3A_251 : vector<16xf32> to vector<16xf32>
    %get3A_253 = arith.constant 128 : index
    %get3A_254 = tpu.vector_load %arg10[%get3A_253] {strides = array<i32>} : memref<392xf32, #tpu.memory_space<vmem>>, vector<16xf32>,
    %get3A_255 = vector.shape_cast %get3A_254 : vector<16xf32> to vector<16xf32>
    %mul3A_256 = arith.constant 0.711111128 : f32
    %mul3A_257 = vector.broadcast %mul3A_256 : f32 to vector<16xf32>
    %mul3A_258 = arith.mulf %get3A_249, %mul3A_257 : vector<16xf32>
    %mul3A_259 = arith.mulf %get3A_252, %mul3A_258 : vector<16xf32>
    %swap3A_260 = arith.constant 128 : index
    %swap3A_261 = tpu.vector_load %arg13[%swap3A_260] {strides = array<i32>} : memref<392xf32, #tpu.memory_space<vmem>>, vector<16xf32>,
    %swap3A_262 = vector.shape_cast %swap3A_261 : vector<16xf32> to vector<16xf32>
    %swap3A_263 = vector.shape_cast %mul3A_259 : vector<16xf32> to vector<16xf32>
    tpu.vector_store %arg13[%swap3A_260], %swap3A_263 {strides = array<i32>} : memref<392xf32, #tpu.memory_space<vmem>>, vector<16xf32>,
    %mul3A_264 = arith.constant 0.533333361 : f32
    %mul3A_265 = vector.broadcast %mul3A_264 : f32 to vector<16xf32>
    %mul3A_266 = arith.mulf %get3A_249, %mul3A_265 : vector<16xf32>
    %mul3A_267 = arith.mulf %get3A_255, %mul3A_266 : vector<16xf32>
    %swap3A_268 = arith.constant 128 : index
    %swap3A_269 = tpu.vector_load %arg14[%swap3A_268] {strides = array<i32>} : memref<392xf32, #tpu.memory_space<vmem>>, vector<16xf32>,
    %swap3A_270 = vector.shape_cast %swap3A_269 : vector<16xf32> to vector<16xf32>
    %swap3A_271 = vector.shape_cast %mul3A_267 : vector<16xf32> to vector<16xf32>
    tpu.vector_store %arg14[%swap3A_268], %swap3A_271 {strides = array<i32>} : memref<392xf32, #tpu.memory_space<vmem>>, vector<16xf32>,
    %get3A_272 = arith.constant 144 : index
    %get3A_273 = tpu.vector_load %arg12[%get3A_272] {strides = array<i32>} : memref<392xf32, #tpu.memory_space<vmem>>, vector<16xf32>,
    %get3A_274 = vector.shape_cast %get3A_273 : vector<16xf32> to vector<16xf32>
    %get3A_275 = arith.constant 144 : index
    %get3A_276 = tpu.vector_load %arg9[%get3A_275] {strides = array<i32>} : memref<392xf32, #tpu.memory_space<vmem>>, vector<16xf32>,
    %get3A_277 = vector.shape_cast %get3A_276 : vector<16xf32> to vector<16xf32>
    %get3A_278 = arith.constant 144 : index
    %get3A_279 = tpu.vector_load %arg10[%get3A_278] {strides = array<i32>} : memref<392xf32, #tpu.memory_space<vmem>>, vector<16xf32>,
    %get3A_280 = vector.shape_cast %get3A_279 : vector<16xf32> to vector<16xf32>
    %mul3A_281 = arith.constant 0.711111128 : f32
    %mul3A_282 = vector.broadcast %mul3A_281 : f32 to vector<16xf32>
    %mul3A_283 = arith.mulf %get3A_274, %mul3A_282 : vector<16xf32>
    %mul3A_284 = arith.mulf %get3A_277, %mul3A_283 : vector<16xf32>
    %swap3A_285 = arith.constant 144 : index
    %swap3A_286 = tpu.vector_load %arg13[%swap3A_285] {strides = array<i32>} : memref<392xf32, #tpu.memory_space<vmem>>, vector<16xf32>,
    %swap3A_287 = vector.shape_cast %swap3A_286 : vector<16xf32> to vector<16xf32>
    %swap3A_288 = vector.shape_cast %mul3A_284 : vector<16xf32> to vector<16xf32>
    tpu.vector_store %arg13[%swap3A_285], %swap3A_288 {strides = array<i32>} : memref<392xf32, #tpu.memory_space<vmem>>, vector<16xf32>,
    %mul3A_289 = arith.constant 0.533333361 : f32
    %mul3A_290 = vector.broadcast %mul3A_289 : f32 to vector<16xf32>
    %mul3A_291 = arith.mulf %get3A_274, %mul3A_290 : vector<16xf32>
    %mul3A_292 = arith.mulf %get3A_280, %mul3A_291 : vector<16xf32>
    %swap3A_293 = arith.constant 144 : index
    %swap3A_294 = tpu.vector_load %arg14[%swap3A_293] {strides = array<i32>} : memref<392xf32, #tpu.memory_space<vmem>>, vector<16xf32>,
    %swap3A_295 = vector.shape_cast %swap3A_294 : vector<16xf32> to vector<16xf32>
    %swap3A_296 = vector.shape_cast %mul3A_292 : vector<16xf32> to vector<16xf32>
    tpu.vector_store %arg14[%swap3A_293], %swap3A_296 {strides = array<i32>} : memref<392xf32, #tpu.memory_space<vmem>>, vector<16xf32>,
    %get3A_297 = arith.constant 160 : index
    %get3A_298 = tpu.vector_load %arg12[%get3A_297] {strides = array<i32>} : memref<392xf32, #tpu.memory_space<vmem>>, vector<16xf32>,
    %get3A_299 = vector.shape_cast %get3A_298 : vector<16xf32> to vector<16xf32>
    %get3A_300 = arith.constant 160 : index
    %get3A_301 = tpu.vector_load %arg9[%get3A_300] {strides = array<i32>} : memref<392xf32, #tpu.memory_space<vmem>>, vector<16xf32>,
    %get3A_302 = vector.shape_cast %get3A_301 : vector<16xf32> to vector<16xf32>
    %get3A_303 = arith.constant 160 : index
    %get3A_304 = tpu.vector_load %arg10[%get3A_303] {strides = array<i32>} : memref<392xf32, #tpu.memory_space<vmem>>, vector<16xf32>,
    %get3A_305 = vector.shape_cast %get3A_304 : vector<16xf32> to vector<16xf32>
    %mul3A_306 = arith.constant 0.711111128 : f32
    %mul3A_307 = vector.broadcast %mul3A_306 : f32 to vector<16xf32>
    %mul3A_308 = arith.mulf %get3A_299, %mul3A_307 : vector<16xf32>
    %mul3A_309 = arith.mulf %get3A_302, %mul3A_308 : vector<16xf32>
    %swap3A_310 = arith.constant 160 : index
    %swap3A_311 = tpu.vector_load %arg13[%swap3A_310] {strides = array<i32>} : memref<392xf32, #tpu.memory_space<vmem>>, vector<16xf32>,
    %swap3A_312 = vector.shape_cast %swap3A_311 : vector<16xf32> to vector<16xf32>
    %swap3A_313 = vector.shape_cast %mul3A_309 : vector<16xf32> to vector<16xf32>
    tpu.vector_store %arg13[%swap3A_310], %swap3A_313 {strides = array<i32>} : memref<392xf32, #tpu.memory_space<vmem>>, vector<16xf32>,
    %mul3A_314 = arith.constant 0.533333361 : f32
    %mul3A_315 = vector.broadcast %mul3A_314 : f32 to vector<16xf32>
    %mul3A_316 = arith.mulf %get3A_299, %mul3A_315 : vector<16xf32>
    %mul3A_317 = arith.mulf %get3A_305, %mul3A_316 : vector<16xf32>
    %swap3A_318 = arith.constant 160 : index
    %swap3A_319 = tpu.vector_load %arg14[%swap3A_318] {strides = array<i32>} : memref<392xf32, #tpu.memory_space<vmem>>, vector<16xf32>,
    %swap3A_320 = vector.shape_cast %swap3A_319 : vector<16xf32> to vector<16xf32>
    %swap3A_321 = vector.shape_cast %mul3A_317 : vector<16xf32> to vector<16xf32>
    tpu.vector_store %arg14[%swap3A_318], %swap3A_321 {strides = array<i32>} : memref<392xf32, #tpu.memory_space<vmem>>, vector<16xf32>,
    %get3A_322 = arith.constant 176 : index
    %get3A_323 = tpu.vector_load %arg12[%get3A_322] {strides = array<i32>} : memref<392xf32, #tpu.memory_space<vmem>>, vector<16xf32>,
    %get3A_324 = vector.shape_cast %get3A_323 : vector<16xf32> to vector<16xf32>
    %get3A_325 = arith.constant 176 : index
    %get3A_326 = tpu.vector_load %arg9[%get3A_325] {strides = array<i32>} : memref<392xf32, #tpu.memory_space<vmem>>, vector<16xf32>,
    %get3A_327 = vector.shape_cast %get3A_326 : vector<16xf32> to vector<16xf32>
    %get3A_328 = arith.constant 176 : index
    %get3A_329 = tpu.vector_load %arg10[%get3A_328] {strides = array<i32>} : memref<392xf32, #tpu.memory_space<vmem>>, vector<16xf32>,
    %get3A_330 = vector.shape_cast %get3A_329 : vector<16xf32> to vector<16xf32>
    %mul3A_331 = arith.constant 0.711111128 : f32
    %mul3A_332 = vector.broadcast %mul3A_331 : f32 to vector<16xf32>
    %mul3A_333 = arith.mulf %get3A_324, %mul3A_332 : vector<16xf32>
    %mul3A_334 = arith.mulf %get3A_327, %mul3A_333 : vector<16xf32>
    %swap3A_335 = arith.constant 176 : index
    %swap3A_336 = tpu.vector_load %arg13[%swap3A_335] {strides = array<i32>} : memref<392xf32, #tpu.memory_space<vmem>>, vector<16xf32>,
    %swap3A_337 = vector.shape_cast %swap3A_336 : vector<16xf32> to vector<16xf32>
    %swap3A_338 = vector.shape_cast %mul3A_334 : vector<16xf32> to vector<16xf32>
    tpu.vector_store %arg13[%swap3A_335], %swap3A_338 {strides = array<i32>} : memref<392xf32, #tpu.memory_space<vmem>>, vector<16xf32>,
    %mul3A_339 = arith.constant 0.533333361 : f32
    %mul3A_340 = vector.broadcast %mul3A_339 : f32 to vector<16xf32>
    %mul3A_341 = arith.mulf %get3A_324, %mul3A_340 : vector<16xf32>
    %mul3A_342 = arith.mulf %get3A_330, %mul3A_341 : vector<16xf32>
    %swap3A_343 = arith.constant 176 : index
    %swap3A_344 = tpu.vector_load %arg14[%swap3A_343] {strides = array<i32>} : memref<392xf32, #tpu.memory_space<vmem>>, vector<16xf32>,
    %swap3A_345 = vector.shape_cast %swap3A_344 : vector<16xf32> to vector<16xf32>
    %swap3A_346 = vector.shape_cast %mul3A_342 : vector<16xf32> to vector<16xf32>
    tpu.vector_store %arg14[%swap3A_343], %swap3A_346 {strides = array<i32>} : memref<392xf32, #tpu.memory_space<vmem>>, vector<16xf32>,
    %get3A_347 = arith.constant 192 : index
    %get3A_348 = tpu.vector_load %arg12[%get3A_347] {strides = array<i32>} : memref<392xf32, #tpu.memory_space<vmem>>, vector<16xf32>,
    %get3A_349 = vector.shape_cast %get3A_348 : vector<16xf32> to vector<16xf32>
    %get3A_350 = arith.constant 192 : index
    %get3A_351 = tpu.vector_load %arg9[%get3A_350] {strides = array<i32>} : memref<392xf32, #tpu.memory_space<vmem>>, vector<16xf32>,
    %get3A_352 = vector.shape_cast %get3A_351 : vector<16xf32> to vector<16xf32>
    %get3A_353 = arith.constant 192 : index
    %get3A_354 = tpu.vector_load %arg10[%get3A_353] {strides = array<i32>} : memref<392xf32, #tpu.memory_space<vmem>>, vector<16xf32>,
    %get3A_355 = vector.shape_cast %get3A_354 : vector<16xf32> to vector<16xf32>
    %mul3A_356 = arith.constant 0.711111128 : f32
    %mul3A_357 = vector.broadcast %mul3A_356 : f32 to vector<16xf32>
    %mul3A_358 = arith.mulf %get3A_349, %mul3A_357 : vector<16xf32>
    %mul3A_359 = arith.mulf %get3A_352, %mul3A_358 : vector<16xf32>
    %swap3A_360 = arith.constant 192 : index
    %swap3A_361 = tpu.vector_load %arg13[%swap3A_360] {strides = array<i32>} : memref<392xf32, #tpu.memory_space<vmem>>, vector<16xf32>,
    %swap3A_362 = vector.shape_cast %swap3A_361 : vector<16xf32> to vector<16xf32>
    %swap3A_363 = vector.shape_cast %mul3A_359 : vector<16xf32> to vector<16xf32>
    tpu.vector_store %arg13[%swap3A_360], %swap3A_363 {strides = array<i32>} : memref<392xf32, #tpu.memory_space<vmem>>, vector<16xf32>,
    %mul3A_364 = arith.constant 0.533333361 : f32
    %mul3A_365 = vector.broadcast %mul3A_364 : f32 to vector<16xf32>
    %mul3A_366 = arith.mulf %get3A_349, %mul3A_365 : vector<16xf32>
    %mul3A_367 = arith.mulf %get3A_355, %mul3A_366 : vector<16xf32>
    %swap3A_368 = arith.constant 192 : index
    %swap3A_369 = tpu.vector_load %arg14[%swap3A_368] {strides = array<i32>} : memref<392xf32, #tpu.memory_space<vmem>>, vector<16xf32>,
    %swap3A_370 = vector.shape_cast %swap3A_369 : vector<16xf32> to vector<16xf32>
    %swap3A_371 = vector.shape_cast %mul3A_367 : vector<16xf32> to vector<16xf32>
    tpu.vector_store %arg14[%swap3A_368], %swap3A_371 {strides = array<i32>} : memref<392xf32, #tpu.memory_space<vmem>>, vector<16xf32>,
    %get3A_372 = arith.constant 208 : index
    %get3A_373 = tpu.vector_load %arg12[%get3A_372] {strides = array<i32>} : memref<392xf32, #tpu.memory_space<vmem>>, vector<16xf32>,
    %get3A_374 = vector.shape_cast %get3A_373 : vector<16xf32> to vector<16xf32>
    %get3A_375 = arith.constant 208 : index
    %get3A_376 = tpu.vector_load %arg9[%get3A_375] {strides = array<i32>} : memref<392xf32, #tpu.memory_space<vmem>>, vector<16xf32>,
    %get3A_377 = vector.shape_cast %get3A_376 : vector<16xf32> to vector<16xf32>
    %get3A_378 = arith.constant 208 : index
    %get3A_379 = tpu.vector_load %arg10[%get3A_378] {strides = array<i32>} : memref<392xf32, #tpu.memory_space<vmem>>, vector<16xf32>,
    %get3A_380 = vector.shape_cast %get3A_379 : vector<16xf32> to vector<16xf32>
    %mul3A_381 = arith.constant 0.711111128 : f32
    %mul3A_382 = vector.broadcast %mul3A_381 : f32 to vector<16xf32>
    %mul3A_383 = arith.mulf %get3A_374, %mul3A_382 : vector<16xf32>
    %mul3A_384 = arith.mulf %get3A_377, %mul3A_383 : vector<16xf32>
    %swap3A_385 = arith.constant 208 : index
    %swap3A_386 = tpu.vector_load %arg13[%swap3A_385] {strides = array<i32>} : memref<392xf32, #tpu.memory_space<vmem>>, vector<16xf32>,
    %swap3A_387 = vector.shape_cast %swap3A_386 : vector<16xf32> to vector<16xf32>
    %swap3A_388 = vector.shape_cast %mul3A_384 : vector<16xf32> to vector<16xf32>
    tpu.vector_store %arg13[%swap3A_385], %swap3A_388 {strides = array<i32>} : memref<392xf32, #tpu.memory_space<vmem>>, vector<16xf32>,
    %mul3A_389 = arith.constant 0.533333361 : f32
    %mul3A_390 = vector.broadcast %mul3A_389 : f32 to vector<16xf32>
    %mul3A_391 = arith.mulf %get3A_374, %mul3A_390 : vector<16xf32>
    %mul3A_392 = arith.mulf %get3A_380, %mul3A_391 : vector<16xf32>
    %swap3A_393 = arith.constant 208 : index
    %swap3A_394 = tpu.vector_load %arg14[%swap3A_393] {strides = array<i32>} : memref<392xf32, #tpu.memory_space<vmem>>, vector<16xf32>,
    %swap3A_395 = vector.shape_cast %swap3A_394 : vector<16xf32> to vector<16xf32>
    %swap3A_396 = vector.shape_cast %mul3A_392 : vector<16xf32> to vector<16xf32>
    tpu.vector_store %arg14[%swap3A_393], %swap3A_396 {strides = array<i32>} : memref<392xf32, #tpu.memory_space<vmem>>, vector<16xf32>,
    %get3A_397 = arith.constant 224 : index
    %get3A_398 = tpu.vector_load %arg12[%get3A_397] {strides = array<i32>} : memref<392xf32, #tpu.memory_space<vmem>>, vector<16xf32>,
    %get3A_399 = vector.shape_cast %get3A_398 : vector<16xf32> to vector<16xf32>
    %get3A_400 = arith.constant 224 : index
    %get3A_401 = tpu.vector_load %arg9[%get3A_400] {strides = array<i32>} : memref<392xf32, #tpu.memory_space<vmem>>, vector<16xf32>,
    %get3A_402 = vector.shape_cast %get3A_401 : vector<16xf32> to vector<16xf32>
    %get3A_403 = arith.constant 224 : index
    %get3A_404 = tpu.vector_load %arg10[%get3A_403] {strides = array<i32>} : memref<392xf32, #tpu.memory_space<vmem>>, vector<16xf32>,
    %get3A_405 = vector.shape_cast %get3A_404 : vector<16xf32> to vector<16xf32>
    %mul3A_406 = arith.constant 0.711111128 : f32
    %mul3A_407 = vector.broadcast %mul3A_406 : f32 to vector<16xf32>
    %mul3A_408 = arith.mulf %get3A_399, %mul3A_407 : vector<16xf32>
    %mul3A_409 = arith.mulf %get3A_402, %mul3A_408 : vector<16xf32>
    %swap3A_410 = arith.constant 224 : index
    %swap3A_411 = tpu.vector_load %arg13[%swap3A_410] {strides = array<i32>} : memref<392xf32, #tpu.memory_space<vmem>>, vector<16xf32>,
    %swap3A_412 = vector.shape_cast %swap3A_411 : vector<16xf32> to vector<16xf32>
    %swap3A_413 = vector.shape_cast %mul3A_409 : vector<16xf32> to vector<16xf32>
    tpu.vector_store %arg13[%swap3A_410], %swap3A_413 {strides = array<i32>} : memref<392xf32, #tpu.memory_space<vmem>>, vector<16xf32>,
    %mul3A_414 = arith.constant 0.533333361 : f32
    %mul3A_415 = vector.broadcast %mul3A_414 : f32 to vector<16xf32>
    %mul3A_416 = arith.mulf %get3A_399, %mul3A_415 : vector<16xf32>
    %mul3A_417 = arith.mulf %get3A_405, %mul3A_416 : vector<16xf32>
    %swap3A_418 = arith.constant 224 : index
    %swap3A_419 = tpu.vector_load %arg14[%swap3A_418] {strides = array<i32>} : memref<392xf32, #tpu.memory_space<vmem>>, vector<16xf32>,
    %swap3A_420 = vector.shape_cast %swap3A_419 : vector<16xf32> to vector<16xf32>
    %swap3A_421 = vector.shape_cast %mul3A_417 : vector<16xf32> to vector<16xf32>
    tpu.vector_store %arg14[%swap3A_418], %swap3A_421 {strides = array<i32>} : memref<392xf32, #tpu.memory_space<vmem>>, vector<16xf32>,
    %get3A_422 = arith.constant 240 : index
    %get3A_423 = tpu.vector_load %arg12[%get3A_422] {strides = array<i32>} : memref<392xf32, #tpu.memory_space<vmem>>, vector<16xf32>,
    %get3A_424 = vector.shape_cast %get3A_423 : vector<16xf32> to vector<16xf32>
    %get3A_425 = arith.constant 240 : index
    %get3A_426 = tpu.vector_load %arg9[%get3A_425] {strides = array<i32>} : memref<392xf32, #tpu.memory_space<vmem>>, vector<16xf32>,
    %get3A_427 = vector.shape_cast %get3A_426 : vector<16xf32> to vector<16xf32>
    %get3A_428 = arith.constant 240 : index
    %get3A_429 = tpu.vector_load %arg10[%get3A_428] {strides = array<i32>} : memref<392xf32, #tpu.memory_space<vmem>>, vector<16xf32>,
    %get3A_430 = vector.shape_cast %get3A_429 : vector<16xf32> to vector<16xf32>
    %mul3A_431 = arith.constant 0.711111128 : f32
    %mul3A_432 = vector.broadcast %mul3A_431 : f32 to vector<16xf32>
    %mul3A_433 = arith.mulf %get3A_424, %mul3A_432 : vector<16xf32>
    %mul3A_434 = arith.mulf %get3A_427, %mul3A_433 : vector<16xf32>
    %swap3A_435 = arith.constant 240 : index
    %swap3A_436 = tpu.vector_load %arg13[%swap3A_435] {strides = array<i32>} : memref<392xf32, #tpu.memory_space<vmem>>, vector<16xf32>,
    %swap3A_437 = vector.shape_cast %swap3A_436 : vector<16xf32> to vector<16xf32>
    %swap3A_438 = vector.shape_cast %mul3A_434 : vector<16xf32> to vector<16xf32>
    tpu.vector_store %arg13[%swap3A_435], %swap3A_438 {strides = array<i32>} : memref<392xf32, #tpu.memory_space<vmem>>, vector<16xf32>,
    %mul3A_439 = arith.constant 0.533333361 : f32
    %mul3A_440 = vector.broadcast %mul3A_439 : f32 to vector<16xf32>
    %mul3A_441 = arith.mulf %get3A_424, %mul3A_440 : vector<16xf32>
    %mul3A_442 = arith.mulf %get3A_430, %mul3A_441 : vector<16xf32>
    %swap3A_443 = arith.constant 240 : index
    %swap3A_444 = tpu.vector_load %arg14[%swap3A_443] {strides = array<i32>} : memref<392xf32, #tpu.memory_space<vmem>>, vector<16xf32>,
    %swap3A_445 = vector.shape_cast %swap3A_444 : vector<16xf32> to vector<16xf32>
    %swap3A_446 = vector.shape_cast %mul3A_442 : vector<16xf32> to vector<16xf32>
    tpu.vector_store %arg14[%swap3A_443], %swap3A_446 {strides = array<i32>} : memref<392xf32, #tpu.memory_space<vmem>>, vector<16xf32>,
    %get3A_447 = arith.constant 256 : index
    %get3A_448 = tpu.vector_load %arg12[%get3A_447] {strides = array<i32>} : memref<392xf32, #tpu.memory_space<vmem>>, vector<16xf32>,
    %get3A_449 = vector.shape_cast %get3A_448 : vector<16xf32> to vector<16xf32>
    %get3A_450 = arith.constant 256 : index
    %get3A_451 = tpu.vector_load %arg9[%get3A_450] {strides = array<i32>} : memref<392xf32, #tpu.memory_space<vmem>>, vector<16xf32>,
    %get3A_452 = vector.shape_cast %get3A_451 : vector<16xf32> to vector<16xf32>
    %get3A_453 = arith.constant 256 : index
    %get3A_454 = tpu.vector_load %arg10[%get3A_453] {strides = array<i32>} : memref<392xf32, #tpu.memory_space<vmem>>, vector<16xf32>,
    %get3A_455 = vector.shape_cast %get3A_454 : vector<16xf32> to vector<16xf32>
    %mul3A_456 = arith.constant 0.711111128 : f32
    %mul3A_457 = vector.broadcast %mul3A_456 : f32 to vector<16xf32>
    %mul3A_458 = arith.mulf %get3A_449, %mul3A_457 : vector<16xf32>
    %mul3A_459 = arith.mulf %get3A_452, %mul3A_458 : vector<16xf32>
    %swap3A_460 = arith.constant 256 : index
    %swap3A_461 = tpu.vector_load %arg13[%swap3A_460] {strides = array<i32>} : memref<392xf32, #tpu.memory_space<vmem>>, vector<16xf32>,
    %swap3A_462 = vector.shape_cast %swap3A_461 : vector<16xf32> to vector<16xf32>
    %swap3A_463 = vector.shape_cast %mul3A_459 : vector<16xf32> to vector<16xf32>
    tpu.vector_store %arg13[%swap3A_460], %swap3A_463 {strides = array<i32>} : memref<392xf32, #tpu.memory_space<vmem>>, vector<16xf32>,
    %mul3A_464 = arith.constant 0.533333361 : f32
    %mul3A_465 = vector.broadcast %mul3A_464 : f32 to vector<16xf32>
    %mul3A_466 = arith.mulf %get3A_449, %mul3A_465 : vector<16xf32>
    %mul3A_467 = arith.mulf %get3A_455, %mul3A_466 : vector<16xf32>
    %swap3A_468 = arith.constant 256 : index
    %swap3A_469 = tpu.vector_load %arg14[%swap3A_468] {strides = array<i32>} : memref<392xf32, #tpu.memory_space<vmem>>, vector<16xf32>,
    %swap3A_470 = vector.shape_cast %swap3A_469 : vector<16xf32> to vector<16xf32>
    %swap3A_471 = vector.shape_cast %mul3A_467 : vector<16xf32> to vector<16xf32>
    tpu.vector_store %arg14[%swap3A_468], %swap3A_471 {strides = array<i32>} : memref<392xf32, #tpu.memory_space<vmem>>, vector<16xf32>,
    %get3A_472 = arith.constant 272 : index
    %get3A_473 = tpu.vector_load %arg12[%get3A_472] {strides = array<i32>} : memref<392xf32, #tpu.memory_space<vmem>>, vector<16xf32>,
    %get3A_474 = vector.shape_cast %get3A_473 : vector<16xf32> to vector<16xf32>
    %get3A_475 = arith.constant 272 : index
    %get3A_476 = tpu.vector_load %arg9[%get3A_475] {strides = array<i32>} : memref<392xf32, #tpu.memory_space<vmem>>, vector<16xf32>,
    %get3A_477 = vector.shape_cast %get3A_476 : vector<16xf32> to vector<16xf32>
    %get3A_478 = arith.constant 272 : index
    %get3A_479 = tpu.vector_load %arg10[%get3A_478] {strides = array<i32>} : memref<392xf32, #tpu.memory_space<vmem>>, vector<16xf32>,
    %get3A_480 = vector.shape_cast %get3A_479 : vector<16xf32> to vector<16xf32>
    %mul3A_481 = arith.constant 0.711111128 : f32
    %mul3A_482 = vector.broadcast %mul3A_481 : f32 to vector<16xf32>
    %mul3A_483 = arith.mulf %get3A_474, %mul3A_482 : vector<16xf32>
    %mul3A_484 = arith.mulf %get3A_477, %mul3A_483 : vector<16xf32>
    %swap3A_485 = arith.constant 272 : index
    %swap3A_486 = tpu.vector_load %arg13[%swap3A_485] {strides = array<i32>} : memref<392xf32, #tpu.memory_space<vmem>>, vector<16xf32>,
    %swap3A_487 = vector.shape_cast %swap3A_486 : vector<16xf32> to vector<16xf32>
    %swap3A_488 = vector.shape_cast %mul3A_484 : vector<16xf32> to vector<16xf32>
    tpu.vector_store %arg13[%swap3A_485], %swap3A_488 {strides = array<i32>} : memref<392xf32, #tpu.memory_space<vmem>>, vector<16xf32>,
    %mul3A_489 = arith.constant 0.533333361 : f32
    %mul3A_490 = vector.broadcast %mul3A_489 : f32 to vector<16xf32>
    %mul3A_491 = arith.mulf %get3A_474, %mul3A_490 : vector<16xf32>
    %mul3A_492 = arith.mulf %get3A_480, %mul3A_491 : vector<16xf32>
    %swap3A_493 = arith.constant 272 : index
    %swap3A_494 = tpu.vector_load %arg14[%swap3A_493] {strides = array<i32>} : memref<392xf32, #tpu.memory_space<vmem>>, vector<16xf32>,
    %swap3A_495 = vector.shape_cast %swap3A_494 : vector<16xf32> to vector<16xf32>
    %swap3A_496 = vector.shape_cast %mul3A_492 : vector<16xf32> to vector<16xf32>
    tpu.vector_store %arg14[%swap3A_493], %swap3A_496 {strides = array<i32>} : memref<392xf32, #tpu.memory_space<vmem>>, vector<16xf32>,
    %get3A_497 = arith.constant 288 : index
    %get3A_498 = tpu.vector_load %arg12[%get3A_497] {strides = array<i32>} : memref<392xf32, #tpu.memory_space<vmem>>, vector<16xf32>,
    %get3A_499 = vector.shape_cast %get3A_498 : vector<16xf32> to vector<16xf32>
    %get3A_500 = arith.constant 288 : index
    %get3A_501 = tpu.vector_load %arg9[%get3A_500] {strides = array<i32>} : memref<392xf32, #tpu.memory_space<vmem>>, vector<16xf32>,
    %get3A_502 = vector.shape_cast %get3A_501 : vector<16xf32> to vector<16xf32>
    %get3A_503 = arith.constant 288 : index
    %get3A_504 = tpu.vector_load %arg10[%get3A_503] {strides = array<i32>} : memref<392xf32, #tpu.memory_space<vmem>>, vector<16xf32>,
    %get3A_505 = vector.shape_cast %get3A_504 : vector<16xf32> to vector<16xf32>
    %mul3A_506 = arith.constant 0.711111128 : f32
    %mul3A_507 = vector.broadcast %mul3A_506 : f32 to vector<16xf32>
    %mul3A_508 = arith.mulf %get3A_499, %mul3A_507 : vector<16xf32>
    %mul3A_509 = arith.mulf %get3A_502, %mul3A_508 : vector<16xf32>
    %swap3A_510 = arith.constant 288 : index
    %swap3A_511 = tpu.vector_load %arg13[%swap3A_510] {strides = array<i32>} : memref<392xf32, #tpu.memory_space<vmem>>, vector<16xf32>,
    %swap3A_512 = vector.shape_cast %swap3A_511 : vector<16xf32> to vector<16xf32>
    %swap3A_513 = vector.shape_cast %mul3A_509 : vector<16xf32> to vector<16xf32>
    tpu.vector_store %arg13[%swap3A_510], %swap3A_513 {strides = array<i32>} : memref<392xf32, #tpu.memory_space<vmem>>, vector<16xf32>,
    %mul3A_514 = arith.constant 0.533333361 : f32
    %mul3A_515 = vector.broadcast %mul3A_514 : f32 to vector<16xf32>
    %mul3A_516 = arith.mulf %get3A_499, %mul3A_515 : vector<16xf32>
    %mul3A_517 = arith.mulf %get3A_505, %mul3A_516 : vector<16xf32>
    %swap3A_518 = arith.constant 288 : index
    %swap3A_519 = tpu.vector_load %arg14[%swap3A_518] {strides = array<i32>} : memref<392xf32, #tpu.memory_space<vmem>>, vector<16xf32>,
    %swap3A_520 = vector.shape_cast %swap3A_519 : vector<16xf32> to vector<16xf32>
    %swap3A_521 = vector.shape_cast %mul3A_517 : vector<16xf32> to vector<16xf32>
    tpu.vector_store %arg14[%swap3A_518], %swap3A_521 {strides = array<i32>} : memref<392xf32, #tpu.memory_space<vmem>>, vector<16xf32>,
    %get3A_522 = arith.constant 304 : index
    %get3A_523 = tpu.vector_load %arg12[%get3A_522] {strides = array<i32>} : memref<392xf32, #tpu.memory_space<vmem>>, vector<16xf32>,
    %get3A_524 = vector.shape_cast %get3A_523 : vector<16xf32> to vector<16xf32>
    %get3A_525 = arith.constant 304 : index
    %get3A_526 = tpu.vector_load %arg9[%get3A_525] {strides = array<i32>} : memref<392xf32, #tpu.memory_space<vmem>>, vector<16xf32>,
    %get3A_527 = vector.shape_cast %get3A_526 : vector<16xf32> to vector<16xf32>
    %get3A_528 = arith.constant 304 : index
    %get3A_529 = tpu.vector_load %arg10[%get3A_528] {strides = array<i32>} : memref<392xf32, #tpu.memory_space<vmem>>, vector<16xf32>,
    %get3A_530 = vector.shape_cast %get3A_529 : vector<16xf32> to vector<16xf32>
    %mul3A_531 = arith.constant 0.711111128 : f32
    %mul3A_532 = vector.broadcast %mul3A_531 : f32 to vector<16xf32>
    %mul3A_533 = arith.mulf %get3A_524, %mul3A_532 : vector<16xf32>
    %mul3A_534 = arith.mulf %get3A_527, %mul3A_533 : vector<16xf32>
    %swap3A_535 = arith.constant 304 : index
    %swap3A_536 = tpu.vector_load %arg13[%swap3A_535] {strides = array<i32>} : memref<392xf32, #tpu.memory_space<vmem>>, vector<16xf32>,
    %swap3A_537 = vector.shape_cast %swap3A_536 : vector<16xf32> to vector<16xf32>
    %swap3A_538 = vector.shape_cast %mul3A_534 : vector<16xf32> to vector<16xf32>
    tpu.vector_store %arg13[%swap3A_535], %swap3A_538 {strides = array<i32>} : memref<392xf32, #tpu.memory_space<vmem>>, vector<16xf32>,
    %mul3A_539 = arith.constant 0.533333361 : f32
    %mul3A_540 = vector.broadcast %mul3A_539 : f32 to vector<16xf32>
    %mul3A_541 = arith.mulf %get3A_524, %mul3A_540 : vector<16xf32>
    %mul3A_542 = arith.mulf %get3A_530, %mul3A_541 : vector<16xf32>
    %swap3A_543 = arith.constant 304 : index
    %swap3A_544 = tpu.vector_load %arg14[%swap3A_543] {strides = array<i32>} : memref<392xf32, #tpu.memory_space<vmem>>, vector<16xf32>,
    %swap3A_545 = vector.shape_cast %swap3A_544 : vector<16xf32> to vector<16xf32>
    %swap3A_546 = vector.shape_cast %mul3A_542 : vector<16xf32> to vector<16xf32>
    tpu.vector_store %arg14[%swap3A_543], %swap3A_546 {strides = array<i32>} : memref<392xf32, #tpu.memory_space<vmem>>, vector<16xf32>,
    %get3A_547 = arith.constant 320 : index
    %get3A_548 = tpu.vector_load %arg12[%get3A_547] {strides = array<i32>} : memref<392xf32, #tpu.memory_space<vmem>>, vector<16xf32>,
    %get3A_549 = vector.shape_cast %get3A_548 : vector<16xf32> to vector<16xf32>
    %get3A_550 = arith.constant 320 : index
    %get3A_551 = tpu.vector_load %arg9[%get3A_550] {strides = array<i32>} : memref<392xf32, #tpu.memory_space<vmem>>, vector<16xf32>,
    %get3A_552 = vector.shape_cast %get3A_551 : vector<16xf32> to vector<16xf32>
    %get3A_553 = arith.constant 320 : index
    %get3A_554 = tpu.vector_load %arg10[%get3A_553] {strides = array<i32>} : memref<392xf32, #tpu.memory_space<vmem>>, vector<16xf32>,
    %get3A_555 = vector.shape_cast %get3A_554 : vector<16xf32> to vector<16xf32>
    %mul3A_556 = arith.constant 0.711111128 : f32
    %mul3A_557 = vector.broadcast %mul3A_556 : f32 to vector<16xf32>
    %mul3A_558 = arith.mulf %get3A_549, %mul3A_557 : vector<16xf32>
    %mul3A_559 = arith.mulf %get3A_552, %mul3A_558 : vector<16xf32>
    %swap3A_560 = arith.constant 320 : index
    %swap3A_561 = tpu.vector_load %arg13[%swap3A_560] {strides = array<i32>} : memref<392xf32, #tpu.memory_space<vmem>>, vector<16xf32>,
    %swap3A_562 = vector.shape_cast %swap3A_561 : vector<16xf32> to vector<16xf32>
    %swap3A_563 = vector.shape_cast %mul3A_559 : vector<16xf32> to vector<16xf32>
    tpu.vector_store %arg13[%swap3A_560], %swap3A_563 {strides = array<i32>} : memref<392xf32, #tpu.memory_space<vmem>>, vector<16xf32>,
    %mul3A_564 = arith.constant 0.533333361 : f32
    %mul3A_565 = vector.broadcast %mul3A_564 : f32 to vector<16xf32>
    %mul3A_566 = arith.mulf %get3A_549, %mul3A_565 : vector<16xf32>
    %mul3A_567 = arith.mulf %get3A_555, %mul3A_566 : vector<16xf32>
    %swap3A_568 = arith.constant 320 : index
    %swap3A_569 = tpu.vector_load %arg14[%swap3A_568] {strides = array<i32>} : memref<392xf32, #tpu.memory_space<vmem>>, vector<16xf32>,
    %swap3A_570 = vector.shape_cast %swap3A_569 : vector<16xf32> to vector<16xf32>
    %swap3A_571 = vector.shape_cast %mul3A_567 : vector<16xf32> to vector<16xf32>
    tpu.vector_store %arg14[%swap3A_568], %swap3A_571 {strides = array<i32>} : memref<392xf32, #tpu.memory_space<vmem>>, vector<16xf32>,
    %get3A_572 = arith.constant 336 : index
    %get3A_573 = tpu.vector_load %arg12[%get3A_572] {strides = array<i32>} : memref<392xf32, #tpu.memory_space<vmem>>, vector<16xf32>,
    %get3A_574 = vector.shape_cast %get3A_573 : vector<16xf32> to vector<16xf32>
    %get3A_575 = arith.constant 336 : index
    %get3A_576 = tpu.vector_load %arg9[%get3A_575] {strides = array<i32>} : memref<392xf32, #tpu.memory_space<vmem>>, vector<16xf32>,
    %get3A_577 = vector.shape_cast %get3A_576 : vector<16xf32> to vector<16xf32>
    %get3A_578 = arith.constant 336 : index
    %get3A_579 = tpu.vector_load %arg10[%get3A_578] {strides = array<i32>} : memref<392xf32, #tpu.memory_space<vmem>>, vector<16xf32>,
    %get3A_580 = vector.shape_cast %get3A_579 : vector<16xf32> to vector<16xf32>
    %mul3A_581 = arith.constant 0.711111128 : f32
    %mul3A_582 = vector.broadcast %mul3A_581 : f32 to vector<16xf32>
    %mul3A_583 = arith.mulf %get3A_574, %mul3A_582 : vector<16xf32>
    %mul3A_584 = arith.mulf %get3A_577, %mul3A_583 : vector<16xf32>
    %swap3A_585 = arith.constant 336 : index
    %swap3A_586 = tpu.vector_load %arg13[%swap3A_585] {strides = array<i32>} : memref<392xf32, #tpu.memory_space<vmem>>, vector<16xf32>,
    %swap3A_587 = vector.shape_cast %swap3A_586 : vector<16xf32> to vector<16xf32>
    %swap3A_588 = vector.shape_cast %mul3A_584 : vector<16xf32> to vector<16xf32>
    tpu.vector_store %arg13[%swap3A_585], %swap3A_588 {strides = array<i32>} : memref<392xf32, #tpu.memory_space<vmem>>, vector<16xf32>,
    %mul3A_589 = arith.constant 0.533333361 : f32
    %mul3A_590 = vector.broadcast %mul3A_589 : f32 to vector<16xf32>
    %mul3A_591 = arith.mulf %get3A_574, %mul3A_590 : vector<16xf32>
    %mul3A_592 = arith.mulf %get3A_580, %mul3A_591 : vector<16xf32>
    %swap3A_593 = arith.constant 336 : index
    %swap3A_594 = tpu.vector_load %arg14[%swap3A_593] {strides = array<i32>} : memref<392xf32, #tpu.memory_space<vmem>>, vector<16xf32>,
    %swap3A_595 = vector.shape_cast %swap3A_594 : vector<16xf32> to vector<16xf32>
    %swap3A_596 = vector.shape_cast %mul3A_592 : vector<16xf32> to vector<16xf32>
    tpu.vector_store %arg14[%swap3A_593], %swap3A_596 {strides = array<i32>} : memref<392xf32, #tpu.memory_space<vmem>>, vector<16xf32>,
    %get3A_597 = arith.constant 352 : index
    %get3A_598 = tpu.vector_load %arg12[%get3A_597] {strides = array<i32>} : memref<392xf32, #tpu.memory_space<vmem>>, vector<16xf32>,
    %get3A_599 = vector.shape_cast %get3A_598 : vector<16xf32> to vector<16xf32>
    %get3A_600 = arith.constant 352 : index
    %get3A_601 = tpu.vector_load %arg9[%get3A_600] {strides = array<i32>} : memref<392xf32, #tpu.memory_space<vmem>>, vector<16xf32>,
    %get3A_602 = vector.shape_cast %get3A_601 : vector<16xf32> to vector<16xf32>
    %get3A_603 = arith.constant 352 : index
    %get3A_604 = tpu.vector_load %arg10[%get3A_603] {strides = array<i32>} : memref<392xf32, #tpu.memory_space<vmem>>, vector<16xf32>,
    %get3A_605 = vector.shape_cast %get3A_604 : vector<16xf32> to vector<16xf32>
    %mul3A_606 = arith.constant 0.711111128 : f32
    %mul3A_607 = vector.broadcast %mul3A_606 : f32 to vector<16xf32>
    %mul3A_608 = arith.mulf %get3A_599, %mul3A_607 : vector<16xf32>
    %mul3A_609 = arith.mulf %get3A_602, %mul3A_608 : vector<16xf32>
    %swap3A_610 = arith.constant 352 : index
    %swap3A_611 = tpu.vector_load %arg13[%swap3A_610] {strides = array<i32>} : memref<392xf32, #tpu.memory_space<vmem>>, vector<16xf32>,
    %swap3A_612 = vector.shape_cast %swap3A_611 : vector<16xf32> to vector<16xf32>
    %swap3A_613 = vector.shape_cast %mul3A_609 : vector<16xf32> to vector<16xf32>
    tpu.vector_store %arg13[%swap3A_610], %swap3A_613 {strides = array<i32>} : memref<392xf32, #tpu.memory_space<vmem>>, vector<16xf32>,
    %mul3A_614 = arith.constant 0.533333361 : f32
    %mul3A_615 = vector.broadcast %mul3A_614 : f32 to vector<16xf32>
    %mul3A_616 = arith.mulf %get3A_599, %mul3A_615 : vector<16xf32>
    %mul3A_617 = arith.mulf %get3A_605, %mul3A_616 : vector<16xf32>
    %swap3A_618 = arith.constant 352 : index
    %swap3A_619 = tpu.vector_load %arg14[%swap3A_618] {strides = array<i32>} : memref<392xf32, #tpu.memory_space<vmem>>, vector<16xf32>,
    %swap3A_620 = vector.shape_cast %swap3A_619 : vector<16xf32> to vector<16xf32>
    %swap3A_621 = vector.shape_cast %mul3A_617 : vector<16xf32> to vector<16xf32>
    tpu.vector_store %arg14[%swap3A_618], %swap3A_621 {strides = array<i32>} : memref<392xf32, #tpu.memory_space<vmem>>, vector<16xf32>,
    %get3A_622 = arith.constant 368 : index
    %get3A_623 = tpu.vector_load %arg12[%get3A_622] {strides = array<i32>} : memref<392xf32, #tpu.memory_space<vmem>>, vector<16xf32>,
    %get3A_624 = vector.shape_cast %get3A_623 : vector<16xf32> to vector<16xf32>
    %get3A_625 = arith.constant 368 : index
    %get3A_626 = tpu.vector_load %arg9[%get3A_625] {strides = array<i32>} : memref<392xf32, #tpu.memory_space<vmem>>, vector<16xf32>,
    %get3A_627 = vector.shape_cast %get3A_626 : vector<16xf32> to vector<16xf32>
    %get3A_628 = arith.constant 368 : index
    %get3A_629 = tpu.vector_load %arg10[%get3A_628] {strides = array<i32>} : memref<392xf32, #tpu.memory_space<vmem>>, vector<16xf32>,
    %get3A_630 = vector.shape_cast %get3A_629 : vector<16xf32> to vector<16xf32>
    %mul3A_631 = arith.constant 0.711111128 : f32
    %mul3A_632 = vector.broadcast %mul3A_631 : f32 to vector<16xf32>
    %mul3A_633 = arith.mulf %get3A_624, %mul3A_632 : vector<16xf32>
    %mul3A_634 = arith.mulf %get3A_627, %mul3A_633 : vector<16xf32>
    %swap3A_635 = arith.constant 368 : index
    %swap3A_636 = tpu.vector_load %arg13[%swap3A_635] {strides = array<i32>} : memref<392xf32, #tpu.memory_space<vmem>>, vector<16xf32>,
    %swap3A_637 = vector.shape_cast %swap3A_636 : vector<16xf32> to vector<16xf32>
    %swap3A_638 = vector.shape_cast %mul3A_634 : vector<16xf32> to vector<16xf32>
    tpu.vector_store %arg13[%swap3A_635], %swap3A_638 {strides = array<i32>} : memref<392xf32, #tpu.memory_space<vmem>>, vector<16xf32>,
    %mul3A_639 = arith.constant 0.533333361 : f32
    %mul3A_640 = vector.broadcast %mul3A_639 : f32 to vector<16xf32>
    %mul3A_641 = arith.mulf %get3A_624, %mul3A_640 : vector<16xf32>
    %mul3A_642 = arith.mulf %get3A_630, %mul3A_641 : vector<16xf32>
    %swap3A_643 = arith.constant 368 : index
    %swap3A_644 = tpu.vector_load %arg14[%swap3A_643] {strides = array<i32>} : memref<392xf32, #tpu.memory_space<vmem>>, vector<16xf32>,
    %swap3A_645 = vector.shape_cast %swap3A_644 : vector<16xf32> to vector<16xf32>
    %swap3A_646 = vector.shape_cast %mul3A_642 : vector<16xf32> to vector<16xf32>
    tpu.vector_store %arg14[%swap3A_643], %swap3A_646 {strides = array<i32>} : memref<392xf32, #tpu.memory_space<vmem>>, vector<16xf32>,
    %get3A_647 = arith.constant 376 : index
    %get3A_648 = tpu.vector_load %arg12[%get3A_647] {strides = array<i32>} : memref<392xf32, #tpu.memory_space<vmem>>, vector<16xf32>,
    %get3A_649 = vector.shape_cast %get3A_648 : vector<16xf32> to vector<16xf32>
    %get3A_650 = arith.constant 376 : index
    %get3A_651 = tpu.vector_load %arg9[%get3A_650] {strides = array<i32>} : memref<392xf32, #tpu.memory_space<vmem>>, vector<16xf32>,
    %get3A_652 = vector.shape_cast %get3A_651 : vector<16xf32> to vector<16xf32>
    %get3A_653 = arith.constant 376 : index
    %get3A_654 = tpu.vector_load %arg10[%get3A_653] {strides = array<i32>} : memref<392xf32, #tpu.memory_space<vmem>>, vector<16xf32>,
    %get3A_655 = vector.shape_cast %get3A_654 : vector<16xf32> to vector<16xf32>
    %mul3A_656 = arith.constant 0.711111128 : f32
    %mul3A_657 = vector.broadcast %mul3A_656 : f32 to vector<16xf32>
    %mul3A_658 = arith.mulf %get3A_649, %mul3A_657 : vector<16xf32>
    %mul3A_659 = arith.mulf %get3A_652, %mul3A_658 : vector<16xf32>
    %swap3A_660 = arith.constant 376 : index
    %swap3A_661 = tpu.vector_load %arg13[%swap3A_660] {strides = array<i32>} : memref<392xf32, #tpu.memory_space<vmem>>, vector<16xf32>,
    %swap3A_662 = vector.shape_cast %swap3A_661 : vector<16xf32> to vector<16xf32>
    %swap3A_663 = vector.shape_cast %mul3A_659 : vector<16xf32> to vector<16xf32>
    tpu.vector_store %arg13[%swap3A_660], %swap3A_663 {strides = array<i32>} : memref<392xf32, #tpu.memory_space<vmem>>, vector<16xf32>,
    %mul3A_664 = arith.constant 0.533333361 : f32
    %mul3A_665 = vector.broadcast %mul3A_664 : f32 to vector<16xf32>
    %mul3A_666 = arith.mulf %get3A_649, %mul3A_665 : vector<16xf32>
    %mul3A_667 = arith.mulf %get3A_655, %mul3A_666 : vector<16xf32>
    %swap3A_668 = arith.constant 376 : index
    %swap3A_669 = tpu.vector_load %arg14[%swap3A_668] {strides = array<i32>} : memref<392xf32, #tpu.memory_space<vmem>>, vector<16xf32>,
    %swap3A_670 = vector.shape_cast %swap3A_669 : vector<16xf32> to vector<16xf32>
    %swap3A_671 = vector.shape_cast %mul3A_667 : vector<16xf32> to vector<16xf32>
    tpu.vector_store %arg14[%swap3A_668], %swap3A_671 {strides = array<i32>} : memref<392xf32, #tpu.memory_space<vmem>>, vector<16xf32>,
    "tpu.region"() ({
      %run_scoped3A = tpu.sem_alloc : memref<!tpu.dma_semaphore, #tpu.memory_space<semaphore_mem>>
      %dma_start3A_672 = tpu.memref_slice %arg6[%mul3A_2] : memref<12544xf32, #tpu.memory_space<hbm>> -> memref<392xf32, #tpu.memory_space<hbm>>
      %dma_start3A_673 = tpu.memref_slice %arg6[%mul3A_2] : memref<12544xf32, #tpu.memory_space<hbm>> -> memref<392xf32, #tpu.memory_space<hbm>>
      tpu.enqueue_dma source(%arg13 : memref<392xf32, #tpu.memory_space<vmem>>) target(%dma_start3A_673 : memref<392xf32, #tpu.memory_space<hbm>>) target_semaphore(%run_scoped3A : memref<!tpu.dma_semaphore, #tpu.memory_space<semaphore_mem>>)
      %dma_wait3A_674 = tpu.memref_slice %arg6[%mul3A_2] : memref<12544xf32, #tpu.memory_space<hbm>> -> memref<392xf32, #tpu.memory_space<hbm>>
      %dma_wait3A_675 = tpu.memref_slice %arg6[%mul3A_2] : memref<12544xf32, #tpu.memory_space<hbm>> -> memref<392xf32, #tpu.memory_space<hbm>>
      tpu.wait_dma2 semaphore(%run_scoped3A : memref<!tpu.dma_semaphore, #tpu.memory_space<semaphore_mem>>) src(%arg13 : memref<392xf32, #tpu.memory_space<vmem>>) dst(%dma_wait3A_675 : memref<392xf32, #tpu.memory_space<hbm>>)
      tpu.yield
    }) : () -> ()
    "tpu.region"() ({
      %run_scoped3A = tpu.sem_alloc : memref<!tpu.dma_semaphore, #tpu.memory_space<semaphore_mem>>
      %dma_start3A_672 = tpu.memref_slice %arg7[%mul3A_2] : memref<12544xf32, #tpu.memory_space<hbm>> -> memref<392xf32, #tpu.memory_space<hbm>>
      %dma_start3A_673 = tpu.memref_slice %arg7[%mul3A_2] : memref<12544xf32, #tpu.memory_space<hbm>> -> memref<392xf32, #tpu.memory_space<hbm>>
      tpu.enqueue_dma source(%arg14 : memref<392xf32, #tpu.memory_space<vmem>>) target(%dma_start3A_673 : memref<392xf32, #tpu.memory_space<hbm>>) target_semaphore(%run_scoped3A : memref<!tpu.dma_semaphore, #tpu.memory_space<semaphore_mem>>)
      %dma_wait3A_674 = tpu.memref_slice %arg7[%mul3A_2] : memref<12544xf32, #tpu.memory_space<hbm>> -> memref<392xf32, #tpu.memory_space<hbm>>
      %dma_wait3A_675 = tpu.memref_slice %arg7[%mul3A_2] : memref<12544xf32, #tpu.memory_space<hbm>> -> memref<392xf32, #tpu.memory_space<hbm>>
      tpu.wait_dma2 semaphore(%run_scoped3A : memref<!tpu.dma_semaphore, #tpu.memory_space<semaphore_mem>>) src(%arg14 : memref<392xf32, #tpu.memory_space<vmem>>) dst(%dma_wait3A_675 : memref<392xf32, #tpu.memory_space<hbm>>)
      tpu.yield
    }) : () -> ()
    "tpu.region"() ({
      %run_scoped3A = tpu.sem_alloc : memref<!tpu.dma_semaphore, #tpu.memory_space<semaphore_mem>>
      %dma_start3A_672 = tpu.memref_slice %arg8[%mul3A_2] : memref<12544xf32, #tpu.memory_space<hbm>> -> memref<392xf32, #tpu.memory_space<hbm>>
      %dma_start3A_673 = tpu.memref_slice %arg8[%mul3A_2] : memref<12544xf32, #tpu.memory_space<hbm>> -> memref<392xf32, #tpu.memory_space<hbm>>
      tpu.enqueue_dma source(%arg12 : memref<392xf32, #tpu.memory_space<vmem>>) target(%dma_start3A_673 : memref<392xf32, #tpu.memory_space<hbm>>) target_semaphore(%run_scoped3A : memref<!tpu.dma_semaphore, #tpu.memory_space<semaphore_mem>>)
      %dma_wait3A_674 = tpu.memref_slice %arg8[%mul3A_2] : memref<12544xf32, #tpu.memory_space<hbm>> -> memref<392xf32, #tpu.memory_space<hbm>>
      %dma_wait3A_675 = tpu.memref_slice %arg8[%mul3A_2] : memref<12544xf32, #tpu.memory_space<hbm>> -> memref<392xf32, #tpu.memory_space<hbm>>
      tpu.wait_dma2 semaphore(%run_scoped3A : memref<!tpu.dma_semaphore, #tpu.memory_space<semaphore_mem>>) src(%arg12 : memref<392xf32, #tpu.memory_space<vmem>>) dst(%dma_wait3A_675 : memref<392xf32, #tpu.memory_space<hbm>>)
      tpu.yield
    }) : () -> ()
    return
  }
}

module attributes {stable_mosaic.version = 14 : i64} {
  func.func @body(%arg0: i32, %arg1: memref<1024x128xf32, #tpu.memory_space<vmem>>, %arg2: memref<1024x1xf32, #tpu.memory_space<vmem>>, %arg3: memref<1024x1xf32, #tpu.memory_space<vmem>>, %arg4: memref<1x1x128xf32, #tpu.memory_space<vmem>>, %arg5: memref<1x1x128xf32, #tpu.memory_space<vmem>>, %arg6: memref<1x1x128xi32, #tpu.memory_space<vmem>>, %arg7: memref<1024x128xf32, #tpu.memory_space<vmem>>) attributes {dimension_semantics = [#tpu.dimension_semantics<arbitrary>], iteration_bounds = array<i64: 98>, scalar_prefetch = 0 : i64, scratch_operands = 1 : i64, tpu.core_type = #tpu.core_type<tc>, window_params = [{transform_indices = @transform_0, window_bounds = array<i64: 1024, 128>}, {pipeline_mode = #tpu.pipeline_mode<synchronous>, transform_indices = @transform_1, window_bounds = array<i64: 1024, 1>}, {pipeline_mode = #tpu.pipeline_mode<synchronous>, transform_indices = @transform_2, window_bounds = array<i64: 1024, 1>}, {transform_indices = @transform_3, window_bounds = array<i64: 1, 1, 128>}, {transform_indices = @transform_4, window_bounds = array<i64: 1, 1, 128>}, {transform_indices = @transform_5, window_bounds = array<i64: 1, 1, 128>}]} {
    %get3A = arith.constant 0 : index
    %get3A_0 = arith.constant 0 : index
    %get3A_1 = vector.load %arg1[%get3A, %get3A_0] : memref<1024x128xf32, #tpu.memory_space<vmem>>, vector<8x128xf32>
    %get3A_2 = arith.constant 8 : index
    %get3A_3 = arith.constant 0 : index
    %get3A_4 = vector.load %arg1[%get3A_2, %get3A_3] : memref<1024x128xf32, #tpu.memory_space<vmem>>, vector<8x128xf32>
    %max3A = arith.maximumf %get3A_1, %get3A_4 : vector<8x128xf32>
    %get3A_5 = arith.constant 16 : index
    %get3A_6 = arith.constant 0 : index
    %get3A_7 = vector.load %arg1[%get3A_5, %get3A_6] : memref<1024x128xf32, #tpu.memory_space<vmem>>, vector<8x128xf32>
    %max3A_8 = arith.maximumf %max3A, %get3A_7 : vector<8x128xf32>
    %get3A_9 = arith.constant 24 : index
    %get3A_10 = arith.constant 0 : index
    %get3A_11 = vector.load %arg1[%get3A_9, %get3A_10] : memref<1024x128xf32, #tpu.memory_space<vmem>>, vector<8x128xf32>
    %max3A_12 = arith.maximumf %max3A_8, %get3A_11 : vector<8x128xf32>
    %get3A_13 = arith.constant 32 : index
    %get3A_14 = arith.constant 0 : index
    %get3A_15 = vector.load %arg1[%get3A_13, %get3A_14] : memref<1024x128xf32, #tpu.memory_space<vmem>>, vector<8x128xf32>
    %max3A_16 = arith.maximumf %max3A_12, %get3A_15 : vector<8x128xf32>
    %get3A_17 = arith.constant 40 : index
    %get3A_18 = arith.constant 0 : index
    %get3A_19 = vector.load %arg1[%get3A_17, %get3A_18] : memref<1024x128xf32, #tpu.memory_space<vmem>>, vector<8x128xf32>
    %max3A_20 = arith.maximumf %max3A_16, %get3A_19 : vector<8x128xf32>
    %get3A_21 = arith.constant 48 : index
    %get3A_22 = arith.constant 0 : index
    %get3A_23 = vector.load %arg1[%get3A_21, %get3A_22] : memref<1024x128xf32, #tpu.memory_space<vmem>>, vector<8x128xf32>
    %max3A_24 = arith.maximumf %max3A_20, %get3A_23 : vector<8x128xf32>
    %get3A_25 = arith.constant 56 : index
    %get3A_26 = arith.constant 0 : index
    %get3A_27 = vector.load %arg1[%get3A_25, %get3A_26] : memref<1024x128xf32, #tpu.memory_space<vmem>>, vector<8x128xf32>
    %max3A_28 = arith.maximumf %max3A_24, %get3A_27 : vector<8x128xf32>
    %get3A_29 = arith.constant 64 : index
    %get3A_30 = arith.constant 0 : index
    %get3A_31 = vector.load %arg1[%get3A_29, %get3A_30] : memref<1024x128xf32, #tpu.memory_space<vmem>>, vector<8x128xf32>
    %max3A_32 = arith.maximumf %max3A_28, %get3A_31 : vector<8x128xf32>
    %get3A_33 = arith.constant 72 : index
    %get3A_34 = arith.constant 0 : index
    %get3A_35 = vector.load %arg1[%get3A_33, %get3A_34] : memref<1024x128xf32, #tpu.memory_space<vmem>>, vector<8x128xf32>
    %max3A_36 = arith.maximumf %max3A_32, %get3A_35 : vector<8x128xf32>
    %get3A_37 = arith.constant 80 : index
    %get3A_38 = arith.constant 0 : index
    %get3A_39 = vector.load %arg1[%get3A_37, %get3A_38] : memref<1024x128xf32, #tpu.memory_space<vmem>>, vector<8x128xf32>
    %max3A_40 = arith.maximumf %max3A_36, %get3A_39 : vector<8x128xf32>
    %get3A_41 = arith.constant 88 : index
    %get3A_42 = arith.constant 0 : index
    %get3A_43 = vector.load %arg1[%get3A_41, %get3A_42] : memref<1024x128xf32, #tpu.memory_space<vmem>>, vector<8x128xf32>
    %max3A_44 = arith.maximumf %max3A_40, %get3A_43 : vector<8x128xf32>
    %get3A_45 = arith.constant 96 : index
    %get3A_46 = arith.constant 0 : index
    %get3A_47 = vector.load %arg1[%get3A_45, %get3A_46] : memref<1024x128xf32, #tpu.memory_space<vmem>>, vector<8x128xf32>
    %max3A_48 = arith.maximumf %max3A_44, %get3A_47 : vector<8x128xf32>
    %get3A_49 = arith.constant 104 : index
    %get3A_50 = arith.constant 0 : index
    %get3A_51 = vector.load %arg1[%get3A_49, %get3A_50] : memref<1024x128xf32, #tpu.memory_space<vmem>>, vector<8x128xf32>
    %max3A_52 = arith.maximumf %max3A_48, %get3A_51 : vector<8x128xf32>
    %get3A_53 = arith.constant 112 : index
    %get3A_54 = arith.constant 0 : index
    %get3A_55 = vector.load %arg1[%get3A_53, %get3A_54] : memref<1024x128xf32, #tpu.memory_space<vmem>>, vector<8x128xf32>
    %max3A_56 = arith.maximumf %max3A_52, %get3A_55 : vector<8x128xf32>
    %get3A_57 = arith.constant 120 : index
    %get3A_58 = arith.constant 0 : index
    %get3A_59 = vector.load %arg1[%get3A_57, %get3A_58] : memref<1024x128xf32, #tpu.memory_space<vmem>>, vector<8x128xf32>
    %max3A_60 = arith.maximumf %max3A_56, %get3A_59 : vector<8x128xf32>
    %get3A_61 = arith.constant 128 : index
    %get3A_62 = arith.constant 0 : index
    %get3A_63 = vector.load %arg1[%get3A_61, %get3A_62] : memref<1024x128xf32, #tpu.memory_space<vmem>>, vector<8x128xf32>
    %max3A_64 = arith.maximumf %max3A_60, %get3A_63 : vector<8x128xf32>
    %get3A_65 = arith.constant 136 : index
    %get3A_66 = arith.constant 0 : index
    %get3A_67 = vector.load %arg1[%get3A_65, %get3A_66] : memref<1024x128xf32, #tpu.memory_space<vmem>>, vector<8x128xf32>
    %max3A_68 = arith.maximumf %max3A_64, %get3A_67 : vector<8x128xf32>
    %get3A_69 = arith.constant 144 : index
    %get3A_70 = arith.constant 0 : index
    %get3A_71 = vector.load %arg1[%get3A_69, %get3A_70] : memref<1024x128xf32, #tpu.memory_space<vmem>>, vector<8x128xf32>
    %max3A_72 = arith.maximumf %max3A_68, %get3A_71 : vector<8x128xf32>
    %get3A_73 = arith.constant 152 : index
    %get3A_74 = arith.constant 0 : index
    %get3A_75 = vector.load %arg1[%get3A_73, %get3A_74] : memref<1024x128xf32, #tpu.memory_space<vmem>>, vector<8x128xf32>
    %max3A_76 = arith.maximumf %max3A_72, %get3A_75 : vector<8x128xf32>
    %get3A_77 = arith.constant 160 : index
    %get3A_78 = arith.constant 0 : index
    %get3A_79 = vector.load %arg1[%get3A_77, %get3A_78] : memref<1024x128xf32, #tpu.memory_space<vmem>>, vector<8x128xf32>
    %max3A_80 = arith.maximumf %max3A_76, %get3A_79 : vector<8x128xf32>
    %get3A_81 = arith.constant 168 : index
    %get3A_82 = arith.constant 0 : index
    %get3A_83 = vector.load %arg1[%get3A_81, %get3A_82] : memref<1024x128xf32, #tpu.memory_space<vmem>>, vector<8x128xf32>
    %max3A_84 = arith.maximumf %max3A_80, %get3A_83 : vector<8x128xf32>
    %get3A_85 = arith.constant 176 : index
    %get3A_86 = arith.constant 0 : index
    %get3A_87 = vector.load %arg1[%get3A_85, %get3A_86] : memref<1024x128xf32, #tpu.memory_space<vmem>>, vector<8x128xf32>
    %max3A_88 = arith.maximumf %max3A_84, %get3A_87 : vector<8x128xf32>
    %get3A_89 = arith.constant 184 : index
    %get3A_90 = arith.constant 0 : index
    %get3A_91 = vector.load %arg1[%get3A_89, %get3A_90] : memref<1024x128xf32, #tpu.memory_space<vmem>>, vector<8x128xf32>
    %max3A_92 = arith.maximumf %max3A_88, %get3A_91 : vector<8x128xf32>
    %get3A_93 = arith.constant 192 : index
    %get3A_94 = arith.constant 0 : index
    %get3A_95 = vector.load %arg1[%get3A_93, %get3A_94] : memref<1024x128xf32, #tpu.memory_space<vmem>>, vector<8x128xf32>
    %max3A_96 = arith.maximumf %max3A_92, %get3A_95 : vector<8x128xf32>
    %get3A_97 = arith.constant 200 : index
    %get3A_98 = arith.constant 0 : index
    %get3A_99 = vector.load %arg1[%get3A_97, %get3A_98] : memref<1024x128xf32, #tpu.memory_space<vmem>>, vector<8x128xf32>
    %max3A_100 = arith.maximumf %max3A_96, %get3A_99 : vector<8x128xf32>
    %get3A_101 = arith.constant 208 : index
    %get3A_102 = arith.constant 0 : index
    %get3A_103 = vector.load %arg1[%get3A_101, %get3A_102] : memref<1024x128xf32, #tpu.memory_space<vmem>>, vector<8x128xf32>
    %max3A_104 = arith.maximumf %max3A_100, %get3A_103 : vector<8x128xf32>
    %get3A_105 = arith.constant 216 : index
    %get3A_106 = arith.constant 0 : index
    %get3A_107 = vector.load %arg1[%get3A_105, %get3A_106] : memref<1024x128xf32, #tpu.memory_space<vmem>>, vector<8x128xf32>
    %max3A_108 = arith.maximumf %max3A_104, %get3A_107 : vector<8x128xf32>
    %get3A_109 = arith.constant 224 : index
    %get3A_110 = arith.constant 0 : index
    %get3A_111 = vector.load %arg1[%get3A_109, %get3A_110] : memref<1024x128xf32, #tpu.memory_space<vmem>>, vector<8x128xf32>
    %max3A_112 = arith.maximumf %max3A_108, %get3A_111 : vector<8x128xf32>
    %get3A_113 = arith.constant 232 : index
    %get3A_114 = arith.constant 0 : index
    %get3A_115 = vector.load %arg1[%get3A_113, %get3A_114] : memref<1024x128xf32, #tpu.memory_space<vmem>>, vector<8x128xf32>
    %max3A_116 = arith.maximumf %max3A_112, %get3A_115 : vector<8x128xf32>
    %get3A_117 = arith.constant 240 : index
    %get3A_118 = arith.constant 0 : index
    %get3A_119 = vector.load %arg1[%get3A_117, %get3A_118] : memref<1024x128xf32, #tpu.memory_space<vmem>>, vector<8x128xf32>
    %max3A_120 = arith.maximumf %max3A_116, %get3A_119 : vector<8x128xf32>
    %get3A_121 = arith.constant 248 : index
    %get3A_122 = arith.constant 0 : index
    %get3A_123 = vector.load %arg1[%get3A_121, %get3A_122] : memref<1024x128xf32, #tpu.memory_space<vmem>>, vector<8x128xf32>
    %max3A_124 = arith.maximumf %max3A_120, %get3A_123 : vector<8x128xf32>
    %get3A_125 = arith.constant 256 : index
    %get3A_126 = arith.constant 0 : index
    %get3A_127 = vector.load %arg1[%get3A_125, %get3A_126] : memref<1024x128xf32, #tpu.memory_space<vmem>>, vector<8x128xf32>
    %max3A_128 = arith.maximumf %max3A_124, %get3A_127 : vector<8x128xf32>
    %get3A_129 = arith.constant 264 : index
    %get3A_130 = arith.constant 0 : index
    %get3A_131 = vector.load %arg1[%get3A_129, %get3A_130] : memref<1024x128xf32, #tpu.memory_space<vmem>>, vector<8x128xf32>
    %max3A_132 = arith.maximumf %max3A_128, %get3A_131 : vector<8x128xf32>
    %get3A_133 = arith.constant 272 : index
    %get3A_134 = arith.constant 0 : index
    %get3A_135 = vector.load %arg1[%get3A_133, %get3A_134] : memref<1024x128xf32, #tpu.memory_space<vmem>>, vector<8x128xf32>
    %max3A_136 = arith.maximumf %max3A_132, %get3A_135 : vector<8x128xf32>
    %get3A_137 = arith.constant 280 : index
    %get3A_138 = arith.constant 0 : index
    %get3A_139 = vector.load %arg1[%get3A_137, %get3A_138] : memref<1024x128xf32, #tpu.memory_space<vmem>>, vector<8x128xf32>
    %max3A_140 = arith.maximumf %max3A_136, %get3A_139 : vector<8x128xf32>
    %get3A_141 = arith.constant 288 : index
    %get3A_142 = arith.constant 0 : index
    %get3A_143 = vector.load %arg1[%get3A_141, %get3A_142] : memref<1024x128xf32, #tpu.memory_space<vmem>>, vector<8x128xf32>
    %max3A_144 = arith.maximumf %max3A_140, %get3A_143 : vector<8x128xf32>
    %get3A_145 = arith.constant 296 : index
    %get3A_146 = arith.constant 0 : index
    %get3A_147 = vector.load %arg1[%get3A_145, %get3A_146] : memref<1024x128xf32, #tpu.memory_space<vmem>>, vector<8x128xf32>
    %max3A_148 = arith.maximumf %max3A_144, %get3A_147 : vector<8x128xf32>
    %get3A_149 = arith.constant 304 : index
    %get3A_150 = arith.constant 0 : index
    %get3A_151 = vector.load %arg1[%get3A_149, %get3A_150] : memref<1024x128xf32, #tpu.memory_space<vmem>>, vector<8x128xf32>
    %max3A_152 = arith.maximumf %max3A_148, %get3A_151 : vector<8x128xf32>
    %get3A_153 = arith.constant 312 : index
    %get3A_154 = arith.constant 0 : index
    %get3A_155 = vector.load %arg1[%get3A_153, %get3A_154] : memref<1024x128xf32, #tpu.memory_space<vmem>>, vector<8x128xf32>
    %max3A_156 = arith.maximumf %max3A_152, %get3A_155 : vector<8x128xf32>
    %get3A_157 = arith.constant 320 : index
    %get3A_158 = arith.constant 0 : index
    %get3A_159 = vector.load %arg1[%get3A_157, %get3A_158] : memref<1024x128xf32, #tpu.memory_space<vmem>>, vector<8x128xf32>
    %max3A_160 = arith.maximumf %max3A_156, %get3A_159 : vector<8x128xf32>
    %get3A_161 = arith.constant 328 : index
    %get3A_162 = arith.constant 0 : index
    %get3A_163 = vector.load %arg1[%get3A_161, %get3A_162] : memref<1024x128xf32, #tpu.memory_space<vmem>>, vector<8x128xf32>
    %max3A_164 = arith.maximumf %max3A_160, %get3A_163 : vector<8x128xf32>
    %get3A_165 = arith.constant 336 : index
    %get3A_166 = arith.constant 0 : index
    %get3A_167 = vector.load %arg1[%get3A_165, %get3A_166] : memref<1024x128xf32, #tpu.memory_space<vmem>>, vector<8x128xf32>
    %max3A_168 = arith.maximumf %max3A_164, %get3A_167 : vector<8x128xf32>
    %get3A_169 = arith.constant 344 : index
    %get3A_170 = arith.constant 0 : index
    %get3A_171 = vector.load %arg1[%get3A_169, %get3A_170] : memref<1024x128xf32, #tpu.memory_space<vmem>>, vector<8x128xf32>
    %max3A_172 = arith.maximumf %max3A_168, %get3A_171 : vector<8x128xf32>
    %get3A_173 = arith.constant 352 : index
    %get3A_174 = arith.constant 0 : index
    %get3A_175 = vector.load %arg1[%get3A_173, %get3A_174] : memref<1024x128xf32, #tpu.memory_space<vmem>>, vector<8x128xf32>
    %max3A_176 = arith.maximumf %max3A_172, %get3A_175 : vector<8x128xf32>
    %get3A_177 = arith.constant 360 : index
    %get3A_178 = arith.constant 0 : index
    %get3A_179 = vector.load %arg1[%get3A_177, %get3A_178] : memref<1024x128xf32, #tpu.memory_space<vmem>>, vector<8x128xf32>
    %max3A_180 = arith.maximumf %max3A_176, %get3A_179 : vector<8x128xf32>
    %get3A_181 = arith.constant 368 : index
    %get3A_182 = arith.constant 0 : index
    %get3A_183 = vector.load %arg1[%get3A_181, %get3A_182] : memref<1024x128xf32, #tpu.memory_space<vmem>>, vector<8x128xf32>
    %max3A_184 = arith.maximumf %max3A_180, %get3A_183 : vector<8x128xf32>
    %get3A_185 = arith.constant 376 : index
    %get3A_186 = arith.constant 0 : index
    %get3A_187 = vector.load %arg1[%get3A_185, %get3A_186] : memref<1024x128xf32, #tpu.memory_space<vmem>>, vector<8x128xf32>
    %max3A_188 = arith.maximumf %max3A_184, %get3A_187 : vector<8x128xf32>
    %get3A_189 = arith.constant 384 : index
    %get3A_190 = arith.constant 0 : index
    %get3A_191 = vector.load %arg1[%get3A_189, %get3A_190] : memref<1024x128xf32, #tpu.memory_space<vmem>>, vector<8x128xf32>
    %max3A_192 = arith.maximumf %max3A_188, %get3A_191 : vector<8x128xf32>
    %get3A_193 = arith.constant 392 : index
    %get3A_194 = arith.constant 0 : index
    %get3A_195 = vector.load %arg1[%get3A_193, %get3A_194] : memref<1024x128xf32, #tpu.memory_space<vmem>>, vector<8x128xf32>
    %max3A_196 = arith.maximumf %max3A_192, %get3A_195 : vector<8x128xf32>
    %get3A_197 = arith.constant 400 : index
    %get3A_198 = arith.constant 0 : index
    %get3A_199 = vector.load %arg1[%get3A_197, %get3A_198] : memref<1024x128xf32, #tpu.memory_space<vmem>>, vector<8x128xf32>
    %max3A_200 = arith.maximumf %max3A_196, %get3A_199 : vector<8x128xf32>
    %get3A_201 = arith.constant 408 : index
    %get3A_202 = arith.constant 0 : index
    %get3A_203 = vector.load %arg1[%get3A_201, %get3A_202] : memref<1024x128xf32, #tpu.memory_space<vmem>>, vector<8x128xf32>
    %max3A_204 = arith.maximumf %max3A_200, %get3A_203 : vector<8x128xf32>
    %get3A_205 = arith.constant 416 : index
    %get3A_206 = arith.constant 0 : index
    %get3A_207 = vector.load %arg1[%get3A_205, %get3A_206] : memref<1024x128xf32, #tpu.memory_space<vmem>>, vector<8x128xf32>
    %max3A_208 = arith.maximumf %max3A_204, %get3A_207 : vector<8x128xf32>
    %get3A_209 = arith.constant 424 : index
    %get3A_210 = arith.constant 0 : index
    %get3A_211 = vector.load %arg1[%get3A_209, %get3A_210] : memref<1024x128xf32, #tpu.memory_space<vmem>>, vector<8x128xf32>
    %max3A_212 = arith.maximumf %max3A_208, %get3A_211 : vector<8x128xf32>
    %get3A_213 = arith.constant 432 : index
    %get3A_214 = arith.constant 0 : index
    %get3A_215 = vector.load %arg1[%get3A_213, %get3A_214] : memref<1024x128xf32, #tpu.memory_space<vmem>>, vector<8x128xf32>
    %max3A_216 = arith.maximumf %max3A_212, %get3A_215 : vector<8x128xf32>
    %get3A_217 = arith.constant 440 : index
    %get3A_218 = arith.constant 0 : index
    %get3A_219 = vector.load %arg1[%get3A_217, %get3A_218] : memref<1024x128xf32, #tpu.memory_space<vmem>>, vector<8x128xf32>
    %max3A_220 = arith.maximumf %max3A_216, %get3A_219 : vector<8x128xf32>
    %get3A_221 = arith.constant 448 : index
    %get3A_222 = arith.constant 0 : index
    %get3A_223 = vector.load %arg1[%get3A_221, %get3A_222] : memref<1024x128xf32, #tpu.memory_space<vmem>>, vector<8x128xf32>
    %max3A_224 = arith.maximumf %max3A_220, %get3A_223 : vector<8x128xf32>
    %get3A_225 = arith.constant 456 : index
    %get3A_226 = arith.constant 0 : index
    %get3A_227 = vector.load %arg1[%get3A_225, %get3A_226] : memref<1024x128xf32, #tpu.memory_space<vmem>>, vector<8x128xf32>
    %max3A_228 = arith.maximumf %max3A_224, %get3A_227 : vector<8x128xf32>
    %get3A_229 = arith.constant 464 : index
    %get3A_230 = arith.constant 0 : index
    %get3A_231 = vector.load %arg1[%get3A_229, %get3A_230] : memref<1024x128xf32, #tpu.memory_space<vmem>>, vector<8x128xf32>
    %max3A_232 = arith.maximumf %max3A_228, %get3A_231 : vector<8x128xf32>
    %get3A_233 = arith.constant 472 : index
    %get3A_234 = arith.constant 0 : index
    %get3A_235 = vector.load %arg1[%get3A_233, %get3A_234] : memref<1024x128xf32, #tpu.memory_space<vmem>>, vector<8x128xf32>
    %max3A_236 = arith.maximumf %max3A_232, %get3A_235 : vector<8x128xf32>
    %get3A_237 = arith.constant 480 : index
    %get3A_238 = arith.constant 0 : index
    %get3A_239 = vector.load %arg1[%get3A_237, %get3A_238] : memref<1024x128xf32, #tpu.memory_space<vmem>>, vector<8x128xf32>
    %max3A_240 = arith.maximumf %max3A_236, %get3A_239 : vector<8x128xf32>
    %get3A_241 = arith.constant 488 : index
    %get3A_242 = arith.constant 0 : index
    %get3A_243 = vector.load %arg1[%get3A_241, %get3A_242] : memref<1024x128xf32, #tpu.memory_space<vmem>>, vector<8x128xf32>
    %max3A_244 = arith.maximumf %max3A_240, %get3A_243 : vector<8x128xf32>
    %get3A_245 = arith.constant 496 : index
    %get3A_246 = arith.constant 0 : index
    %get3A_247 = vector.load %arg1[%get3A_245, %get3A_246] : memref<1024x128xf32, #tpu.memory_space<vmem>>, vector<8x128xf32>
    %max3A_248 = arith.maximumf %max3A_244, %get3A_247 : vector<8x128xf32>
    %get3A_249 = arith.constant 504 : index
    %get3A_250 = arith.constant 0 : index
    %get3A_251 = vector.load %arg1[%get3A_249, %get3A_250] : memref<1024x128xf32, #tpu.memory_space<vmem>>, vector<8x128xf32>
    %max3A_252 = arith.maximumf %max3A_248, %get3A_251 : vector<8x128xf32>
    %get3A_253 = arith.constant 512 : index
    %get3A_254 = arith.constant 0 : index
    %get3A_255 = vector.load %arg1[%get3A_253, %get3A_254] : memref<1024x128xf32, #tpu.memory_space<vmem>>, vector<8x128xf32>
    %max3A_256 = arith.maximumf %max3A_252, %get3A_255 : vector<8x128xf32>
    %get3A_257 = arith.constant 520 : index
    %get3A_258 = arith.constant 0 : index
    %get3A_259 = vector.load %arg1[%get3A_257, %get3A_258] : memref<1024x128xf32, #tpu.memory_space<vmem>>, vector<8x128xf32>
    %max3A_260 = arith.maximumf %max3A_256, %get3A_259 : vector<8x128xf32>
    %get3A_261 = arith.constant 528 : index
    %get3A_262 = arith.constant 0 : index
    %get3A_263 = vector.load %arg1[%get3A_261, %get3A_262] : memref<1024x128xf32, #tpu.memory_space<vmem>>, vector<8x128xf32>
    %max3A_264 = arith.maximumf %max3A_260, %get3A_263 : vector<8x128xf32>
    %get3A_265 = arith.constant 536 : index
    %get3A_266 = arith.constant 0 : index
    %get3A_267 = vector.load %arg1[%get3A_265, %get3A_266] : memref<1024x128xf32, #tpu.memory_space<vmem>>, vector<8x128xf32>
    %max3A_268 = arith.maximumf %max3A_264, %get3A_267 : vector<8x128xf32>
    %get3A_269 = arith.constant 544 : index
    %get3A_270 = arith.constant 0 : index
    %get3A_271 = vector.load %arg1[%get3A_269, %get3A_270] : memref<1024x128xf32, #tpu.memory_space<vmem>>, vector<8x128xf32>
    %max3A_272 = arith.maximumf %max3A_268, %get3A_271 : vector<8x128xf32>
    %get3A_273 = arith.constant 552 : index
    %get3A_274 = arith.constant 0 : index
    %get3A_275 = vector.load %arg1[%get3A_273, %get3A_274] : memref<1024x128xf32, #tpu.memory_space<vmem>>, vector<8x128xf32>
    %max3A_276 = arith.maximumf %max3A_272, %get3A_275 : vector<8x128xf32>
    %get3A_277 = arith.constant 560 : index
    %get3A_278 = arith.constant 0 : index
    %get3A_279 = vector.load %arg1[%get3A_277, %get3A_278] : memref<1024x128xf32, #tpu.memory_space<vmem>>, vector<8x128xf32>
    %max3A_280 = arith.maximumf %max3A_276, %get3A_279 : vector<8x128xf32>
    %get3A_281 = arith.constant 568 : index
    %get3A_282 = arith.constant 0 : index
    %get3A_283 = vector.load %arg1[%get3A_281, %get3A_282] : memref<1024x128xf32, #tpu.memory_space<vmem>>, vector<8x128xf32>
    %max3A_284 = arith.maximumf %max3A_280, %get3A_283 : vector<8x128xf32>
    %get3A_285 = arith.constant 576 : index
    %get3A_286 = arith.constant 0 : index
    %get3A_287 = vector.load %arg1[%get3A_285, %get3A_286] : memref<1024x128xf32, #tpu.memory_space<vmem>>, vector<8x128xf32>
    %max3A_288 = arith.maximumf %max3A_284, %get3A_287 : vector<8x128xf32>
    %get3A_289 = arith.constant 584 : index
    %get3A_290 = arith.constant 0 : index
    %get3A_291 = vector.load %arg1[%get3A_289, %get3A_290] : memref<1024x128xf32, #tpu.memory_space<vmem>>, vector<8x128xf32>
    %max3A_292 = arith.maximumf %max3A_288, %get3A_291 : vector<8x128xf32>
    %get3A_293 = arith.constant 592 : index
    %get3A_294 = arith.constant 0 : index
    %get3A_295 = vector.load %arg1[%get3A_293, %get3A_294] : memref<1024x128xf32, #tpu.memory_space<vmem>>, vector<8x128xf32>
    %max3A_296 = arith.maximumf %max3A_292, %get3A_295 : vector<8x128xf32>
    %get3A_297 = arith.constant 600 : index
    %get3A_298 = arith.constant 0 : index
    %get3A_299 = vector.load %arg1[%get3A_297, %get3A_298] : memref<1024x128xf32, #tpu.memory_space<vmem>>, vector<8x128xf32>
    %max3A_300 = arith.maximumf %max3A_296, %get3A_299 : vector<8x128xf32>
    %get3A_301 = arith.constant 608 : index
    %get3A_302 = arith.constant 0 : index
    %get3A_303 = vector.load %arg1[%get3A_301, %get3A_302] : memref<1024x128xf32, #tpu.memory_space<vmem>>, vector<8x128xf32>
    %max3A_304 = arith.maximumf %max3A_300, %get3A_303 : vector<8x128xf32>
    %get3A_305 = arith.constant 616 : index
    %get3A_306 = arith.constant 0 : index
    %get3A_307 = vector.load %arg1[%get3A_305, %get3A_306] : memref<1024x128xf32, #tpu.memory_space<vmem>>, vector<8x128xf32>
    %max3A_308 = arith.maximumf %max3A_304, %get3A_307 : vector<8x128xf32>
    %get3A_309 = arith.constant 624 : index
    %get3A_310 = arith.constant 0 : index
    %get3A_311 = vector.load %arg1[%get3A_309, %get3A_310] : memref<1024x128xf32, #tpu.memory_space<vmem>>, vector<8x128xf32>
    %max3A_312 = arith.maximumf %max3A_308, %get3A_311 : vector<8x128xf32>
    %get3A_313 = arith.constant 632 : index
    %get3A_314 = arith.constant 0 : index
    %get3A_315 = vector.load %arg1[%get3A_313, %get3A_314] : memref<1024x128xf32, #tpu.memory_space<vmem>>, vector<8x128xf32>
    %max3A_316 = arith.maximumf %max3A_312, %get3A_315 : vector<8x128xf32>
    %get3A_317 = arith.constant 640 : index
    %get3A_318 = arith.constant 0 : index
    %get3A_319 = vector.load %arg1[%get3A_317, %get3A_318] : memref<1024x128xf32, #tpu.memory_space<vmem>>, vector<8x128xf32>
    %max3A_320 = arith.maximumf %max3A_316, %get3A_319 : vector<8x128xf32>
    %get3A_321 = arith.constant 648 : index
    %get3A_322 = arith.constant 0 : index
    %get3A_323 = vector.load %arg1[%get3A_321, %get3A_322] : memref<1024x128xf32, #tpu.memory_space<vmem>>, vector<8x128xf32>
    %max3A_324 = arith.maximumf %max3A_320, %get3A_323 : vector<8x128xf32>
    %get3A_325 = arith.constant 656 : index
    %get3A_326 = arith.constant 0 : index
    %get3A_327 = vector.load %arg1[%get3A_325, %get3A_326] : memref<1024x128xf32, #tpu.memory_space<vmem>>, vector<8x128xf32>
    %max3A_328 = arith.maximumf %max3A_324, %get3A_327 : vector<8x128xf32>
    %get3A_329 = arith.constant 664 : index
    %get3A_330 = arith.constant 0 : index
    %get3A_331 = vector.load %arg1[%get3A_329, %get3A_330] : memref<1024x128xf32, #tpu.memory_space<vmem>>, vector<8x128xf32>
    %max3A_332 = arith.maximumf %max3A_328, %get3A_331 : vector<8x128xf32>
    %get3A_333 = arith.constant 672 : index
    %get3A_334 = arith.constant 0 : index
    %get3A_335 = vector.load %arg1[%get3A_333, %get3A_334] : memref<1024x128xf32, #tpu.memory_space<vmem>>, vector<8x128xf32>
    %max3A_336 = arith.maximumf %max3A_332, %get3A_335 : vector<8x128xf32>
    %get3A_337 = arith.constant 680 : index
    %get3A_338 = arith.constant 0 : index
    %get3A_339 = vector.load %arg1[%get3A_337, %get3A_338] : memref<1024x128xf32, #tpu.memory_space<vmem>>, vector<8x128xf32>
    %max3A_340 = arith.maximumf %max3A_336, %get3A_339 : vector<8x128xf32>
    %get3A_341 = arith.constant 688 : index
    %get3A_342 = arith.constant 0 : index
    %get3A_343 = vector.load %arg1[%get3A_341, %get3A_342] : memref<1024x128xf32, #tpu.memory_space<vmem>>, vector<8x128xf32>
    %max3A_344 = arith.maximumf %max3A_340, %get3A_343 : vector<8x128xf32>
    %get3A_345 = arith.constant 696 : index
    %get3A_346 = arith.constant 0 : index
    %get3A_347 = vector.load %arg1[%get3A_345, %get3A_346] : memref<1024x128xf32, #tpu.memory_space<vmem>>, vector<8x128xf32>
    %max3A_348 = arith.maximumf %max3A_344, %get3A_347 : vector<8x128xf32>
    %get3A_349 = arith.constant 704 : index
    %get3A_350 = arith.constant 0 : index
    %get3A_351 = vector.load %arg1[%get3A_349, %get3A_350] : memref<1024x128xf32, #tpu.memory_space<vmem>>, vector<8x128xf32>
    %max3A_352 = arith.maximumf %max3A_348, %get3A_351 : vector<8x128xf32>
    %get3A_353 = arith.constant 712 : index
    %get3A_354 = arith.constant 0 : index
    %get3A_355 = vector.load %arg1[%get3A_353, %get3A_354] : memref<1024x128xf32, #tpu.memory_space<vmem>>, vector<8x128xf32>
    %max3A_356 = arith.maximumf %max3A_352, %get3A_355 : vector<8x128xf32>
    %get3A_357 = arith.constant 720 : index
    %get3A_358 = arith.constant 0 : index
    %get3A_359 = vector.load %arg1[%get3A_357, %get3A_358] : memref<1024x128xf32, #tpu.memory_space<vmem>>, vector<8x128xf32>
    %max3A_360 = arith.maximumf %max3A_356, %get3A_359 : vector<8x128xf32>
    %get3A_361 = arith.constant 728 : index
    %get3A_362 = arith.constant 0 : index
    %get3A_363 = vector.load %arg1[%get3A_361, %get3A_362] : memref<1024x128xf32, #tpu.memory_space<vmem>>, vector<8x128xf32>
    %max3A_364 = arith.maximumf %max3A_360, %get3A_363 : vector<8x128xf32>
    %get3A_365 = arith.constant 736 : index
    %get3A_366 = arith.constant 0 : index
    %get3A_367 = vector.load %arg1[%get3A_365, %get3A_366] : memref<1024x128xf32, #tpu.memory_space<vmem>>, vector<8x128xf32>
    %max3A_368 = arith.maximumf %max3A_364, %get3A_367 : vector<8x128xf32>
    %get3A_369 = arith.constant 744 : index
    %get3A_370 = arith.constant 0 : index
    %get3A_371 = vector.load %arg1[%get3A_369, %get3A_370] : memref<1024x128xf32, #tpu.memory_space<vmem>>, vector<8x128xf32>
    %max3A_372 = arith.maximumf %max3A_368, %get3A_371 : vector<8x128xf32>
    %get3A_373 = arith.constant 752 : index
    %get3A_374 = arith.constant 0 : index
    %get3A_375 = vector.load %arg1[%get3A_373, %get3A_374] : memref<1024x128xf32, #tpu.memory_space<vmem>>, vector<8x128xf32>
    %max3A_376 = arith.maximumf %max3A_372, %get3A_375 : vector<8x128xf32>
    %get3A_377 = arith.constant 760 : index
    %get3A_378 = arith.constant 0 : index
    %get3A_379 = vector.load %arg1[%get3A_377, %get3A_378] : memref<1024x128xf32, #tpu.memory_space<vmem>>, vector<8x128xf32>
    %max3A_380 = arith.maximumf %max3A_376, %get3A_379 : vector<8x128xf32>
    %get3A_381 = arith.constant 768 : index
    %get3A_382 = arith.constant 0 : index
    %get3A_383 = vector.load %arg1[%get3A_381, %get3A_382] : memref<1024x128xf32, #tpu.memory_space<vmem>>, vector<8x128xf32>
    %max3A_384 = arith.maximumf %max3A_380, %get3A_383 : vector<8x128xf32>
    %get3A_385 = arith.constant 776 : index
    %get3A_386 = arith.constant 0 : index
    %get3A_387 = vector.load %arg1[%get3A_385, %get3A_386] : memref<1024x128xf32, #tpu.memory_space<vmem>>, vector<8x128xf32>
    %max3A_388 = arith.maximumf %max3A_384, %get3A_387 : vector<8x128xf32>
    %get3A_389 = arith.constant 784 : index
    %get3A_390 = arith.constant 0 : index
    %get3A_391 = vector.load %arg1[%get3A_389, %get3A_390] : memref<1024x128xf32, #tpu.memory_space<vmem>>, vector<8x128xf32>
    %max3A_392 = arith.maximumf %max3A_388, %get3A_391 : vector<8x128xf32>
    %get3A_393 = arith.constant 792 : index
    %get3A_394 = arith.constant 0 : index
    %get3A_395 = vector.load %arg1[%get3A_393, %get3A_394] : memref<1024x128xf32, #tpu.memory_space<vmem>>, vector<8x128xf32>
    %max3A_396 = arith.maximumf %max3A_392, %get3A_395 : vector<8x128xf32>
    %get3A_397 = arith.constant 800 : index
    %get3A_398 = arith.constant 0 : index
    %get3A_399 = vector.load %arg1[%get3A_397, %get3A_398] : memref<1024x128xf32, #tpu.memory_space<vmem>>, vector<8x128xf32>
    %max3A_400 = arith.maximumf %max3A_396, %get3A_399 : vector<8x128xf32>
    %get3A_401 = arith.constant 808 : index
    %get3A_402 = arith.constant 0 : index
    %get3A_403 = vector.load %arg1[%get3A_401, %get3A_402] : memref<1024x128xf32, #tpu.memory_space<vmem>>, vector<8x128xf32>
    %max3A_404 = arith.maximumf %max3A_400, %get3A_403 : vector<8x128xf32>
    %get3A_405 = arith.constant 816 : index
    %get3A_406 = arith.constant 0 : index
    %get3A_407 = vector.load %arg1[%get3A_405, %get3A_406] : memref<1024x128xf32, #tpu.memory_space<vmem>>, vector<8x128xf32>
    %max3A_408 = arith.maximumf %max3A_404, %get3A_407 : vector<8x128xf32>
    %get3A_409 = arith.constant 824 : index
    %get3A_410 = arith.constant 0 : index
    %get3A_411 = vector.load %arg1[%get3A_409, %get3A_410] : memref<1024x128xf32, #tpu.memory_space<vmem>>, vector<8x128xf32>
    %max3A_412 = arith.maximumf %max3A_408, %get3A_411 : vector<8x128xf32>
    %get3A_413 = arith.constant 832 : index
    %get3A_414 = arith.constant 0 : index
    %get3A_415 = vector.load %arg1[%get3A_413, %get3A_414] : memref<1024x128xf32, #tpu.memory_space<vmem>>, vector<8x128xf32>
    %max3A_416 = arith.maximumf %max3A_412, %get3A_415 : vector<8x128xf32>
    %get3A_417 = arith.constant 840 : index
    %get3A_418 = arith.constant 0 : index
    %get3A_419 = vector.load %arg1[%get3A_417, %get3A_418] : memref<1024x128xf32, #tpu.memory_space<vmem>>, vector<8x128xf32>
    %max3A_420 = arith.maximumf %max3A_416, %get3A_419 : vector<8x128xf32>
    %get3A_421 = arith.constant 848 : index
    %get3A_422 = arith.constant 0 : index
    %get3A_423 = vector.load %arg1[%get3A_421, %get3A_422] : memref<1024x128xf32, #tpu.memory_space<vmem>>, vector<8x128xf32>
    %max3A_424 = arith.maximumf %max3A_420, %get3A_423 : vector<8x128xf32>
    %get3A_425 = arith.constant 856 : index
    %get3A_426 = arith.constant 0 : index
    %get3A_427 = vector.load %arg1[%get3A_425, %get3A_426] : memref<1024x128xf32, #tpu.memory_space<vmem>>, vector<8x128xf32>
    %max3A_428 = arith.maximumf %max3A_424, %get3A_427 : vector<8x128xf32>
    %get3A_429 = arith.constant 864 : index
    %get3A_430 = arith.constant 0 : index
    %get3A_431 = vector.load %arg1[%get3A_429, %get3A_430] : memref<1024x128xf32, #tpu.memory_space<vmem>>, vector<8x128xf32>
    %max3A_432 = arith.maximumf %max3A_428, %get3A_431 : vector<8x128xf32>
    %get3A_433 = arith.constant 872 : index
    %get3A_434 = arith.constant 0 : index
    %get3A_435 = vector.load %arg1[%get3A_433, %get3A_434] : memref<1024x128xf32, #tpu.memory_space<vmem>>, vector<8x128xf32>
    %max3A_436 = arith.maximumf %max3A_432, %get3A_435 : vector<8x128xf32>
    %get3A_437 = arith.constant 880 : index
    %get3A_438 = arith.constant 0 : index
    %get3A_439 = vector.load %arg1[%get3A_437, %get3A_438] : memref<1024x128xf32, #tpu.memory_space<vmem>>, vector<8x128xf32>
    %max3A_440 = arith.maximumf %max3A_436, %get3A_439 : vector<8x128xf32>
    %get3A_441 = arith.constant 888 : index
    %get3A_442 = arith.constant 0 : index
    %get3A_443 = vector.load %arg1[%get3A_441, %get3A_442] : memref<1024x128xf32, #tpu.memory_space<vmem>>, vector<8x128xf32>
    %max3A_444 = arith.maximumf %max3A_440, %get3A_443 : vector<8x128xf32>
    %get3A_445 = arith.constant 896 : index
    %get3A_446 = arith.constant 0 : index
    %get3A_447 = vector.load %arg1[%get3A_445, %get3A_446] : memref<1024x128xf32, #tpu.memory_space<vmem>>, vector<8x128xf32>
    %max3A_448 = arith.maximumf %max3A_444, %get3A_447 : vector<8x128xf32>
    %get3A_449 = arith.constant 904 : index
    %get3A_450 = arith.constant 0 : index
    %get3A_451 = vector.load %arg1[%get3A_449, %get3A_450] : memref<1024x128xf32, #tpu.memory_space<vmem>>, vector<8x128xf32>
    %max3A_452 = arith.maximumf %max3A_448, %get3A_451 : vector<8x128xf32>
    %get3A_453 = arith.constant 912 : index
    %get3A_454 = arith.constant 0 : index
    %get3A_455 = vector.load %arg1[%get3A_453, %get3A_454] : memref<1024x128xf32, #tpu.memory_space<vmem>>, vector<8x128xf32>
    %max3A_456 = arith.maximumf %max3A_452, %get3A_455 : vector<8x128xf32>
    %get3A_457 = arith.constant 920 : index
    %get3A_458 = arith.constant 0 : index
    %get3A_459 = vector.load %arg1[%get3A_457, %get3A_458] : memref<1024x128xf32, #tpu.memory_space<vmem>>, vector<8x128xf32>
    %max3A_460 = arith.maximumf %max3A_456, %get3A_459 : vector<8x128xf32>
    %get3A_461 = arith.constant 928 : index
    %get3A_462 = arith.constant 0 : index
    %get3A_463 = vector.load %arg1[%get3A_461, %get3A_462] : memref<1024x128xf32, #tpu.memory_space<vmem>>, vector<8x128xf32>
    %max3A_464 = arith.maximumf %max3A_460, %get3A_463 : vector<8x128xf32>
    %get3A_465 = arith.constant 936 : index
    %get3A_466 = arith.constant 0 : index
    %get3A_467 = vector.load %arg1[%get3A_465, %get3A_466] : memref<1024x128xf32, #tpu.memory_space<vmem>>, vector<8x128xf32>
    %max3A_468 = arith.maximumf %max3A_464, %get3A_467 : vector<8x128xf32>
    %get3A_469 = arith.constant 944 : index
    %get3A_470 = arith.constant 0 : index
    %get3A_471 = vector.load %arg1[%get3A_469, %get3A_470] : memref<1024x128xf32, #tpu.memory_space<vmem>>, vector<8x128xf32>
    %max3A_472 = arith.maximumf %max3A_468, %get3A_471 : vector<8x128xf32>
    %get3A_473 = arith.constant 952 : index
    %get3A_474 = arith.constant 0 : index
    %get3A_475 = vector.load %arg1[%get3A_473, %get3A_474] : memref<1024x128xf32, #tpu.memory_space<vmem>>, vector<8x128xf32>
    %max3A_476 = arith.maximumf %max3A_472, %get3A_475 : vector<8x128xf32>
    %get3A_477 = arith.constant 960 : index
    %get3A_478 = arith.constant 0 : index
    %get3A_479 = vector.load %arg1[%get3A_477, %get3A_478] : memref<1024x128xf32, #tpu.memory_space<vmem>>, vector<8x128xf32>
    %max3A_480 = arith.maximumf %max3A_476, %get3A_479 : vector<8x128xf32>
    %get3A_481 = arith.constant 968 : index
    %get3A_482 = arith.constant 0 : index
    %get3A_483 = vector.load %arg1[%get3A_481, %get3A_482] : memref<1024x128xf32, #tpu.memory_space<vmem>>, vector<8x128xf32>
    %max3A_484 = arith.maximumf %max3A_480, %get3A_483 : vector<8x128xf32>
    %get3A_485 = arith.constant 976 : index
    %get3A_486 = arith.constant 0 : index
    %get3A_487 = vector.load %arg1[%get3A_485, %get3A_486] : memref<1024x128xf32, #tpu.memory_space<vmem>>, vector<8x128xf32>
    %max3A_488 = arith.maximumf %max3A_484, %get3A_487 : vector<8x128xf32>
    %get3A_489 = arith.constant 984 : index
    %get3A_490 = arith.constant 0 : index
    %get3A_491 = vector.load %arg1[%get3A_489, %get3A_490] : memref<1024x128xf32, #tpu.memory_space<vmem>>, vector<8x128xf32>
    %max3A_492 = arith.maximumf %max3A_488, %get3A_491 : vector<8x128xf32>
    %get3A_493 = arith.constant 992 : index
    %get3A_494 = arith.constant 0 : index
    %get3A_495 = vector.load %arg1[%get3A_493, %get3A_494] : memref<1024x128xf32, #tpu.memory_space<vmem>>, vector<8x128xf32>
    %max3A_496 = arith.maximumf %max3A_492, %get3A_495 : vector<8x128xf32>
    %get3A_497 = arith.constant 1000 : index
    %get3A_498 = arith.constant 0 : index
    %get3A_499 = vector.load %arg1[%get3A_497, %get3A_498] : memref<1024x128xf32, #tpu.memory_space<vmem>>, vector<8x128xf32>
    %max3A_500 = arith.maximumf %max3A_496, %get3A_499 : vector<8x128xf32>
    %get3A_501 = arith.constant 1008 : index
    %get3A_502 = arith.constant 0 : index
    %get3A_503 = vector.load %arg1[%get3A_501, %get3A_502] : memref<1024x128xf32, #tpu.memory_space<vmem>>, vector<8x128xf32>
    %max3A_504 = arith.maximumf %max3A_500, %get3A_503 : vector<8x128xf32>
    %get3A_505 = arith.constant 1016 : index
    %get3A_506 = arith.constant 0 : index
    %get3A_507 = vector.load %arg1[%get3A_505, %get3A_506] : memref<1024x128xf32, #tpu.memory_space<vmem>>, vector<8x128xf32>
    %max3A_508 = arith.maximumf %max3A_504, %get3A_507 : vector<8x128xf32>
    %slice3A = vector.extract_strided_slice %max3A_508 {offsets = [0, 0], sizes = [4, 128], strides = [1, 1]} : vector<8x128xf32> to vector<4x128xf32>
    %slice3A_509 = vector.extract_strided_slice %max3A_508 {offsets = [4, 0], sizes = [4, 128], strides = [1, 1]} : vector<8x128xf32> to vector<4x128xf32>
    %max3A_510 = arith.maximumf %slice3A, %slice3A_509 : vector<4x128xf32>
    %slice3A_511 = vector.extract_strided_slice %max3A_510 {offsets = [0, 0], sizes = [2, 128], strides = [1, 1]} : vector<4x128xf32> to vector<2x128xf32>
    %slice3A_512 = vector.extract_strided_slice %max3A_510 {offsets = [2, 0], sizes = [2, 128], strides = [1, 1]} : vector<4x128xf32> to vector<2x128xf32>
    %max3A_513 = arith.maximumf %slice3A_511, %slice3A_512 : vector<2x128xf32>
    %slice3A_514 = vector.extract_strided_slice %max3A_513 {offsets = [0, 0], sizes = [1, 128], strides = [1, 1]} : vector<2x128xf32> to vector<1x128xf32>
    %slice3A_515 = vector.extract_strided_slice %max3A_513 {offsets = [1, 0], sizes = [1, 128], strides = [1, 1]} : vector<2x128xf32> to vector<1x128xf32>
    %max3A_516 = arith.maximumf %slice3A_514, %slice3A_515 : vector<1x128xf32>
    %get3A_517 = arith.constant 0 : index
    %get3A_518 = arith.constant 0 : index
    %get3A_519 = vector.load %arg1[%get3A_517, %get3A_518] : memref<1024x128xf32, #tpu.memory_space<vmem>>, vector<8x128xf32>
    %sub3A = vector.broadcast %max3A_516 : vector<1x128xf32> to vector<8x128xf32>
    %sub3A_520 = arith.subf %get3A_519, %sub3A : vector<8x128xf32>
    %exp3A = math.exp %sub3A_520 : vector<8x128xf32>
    %swap3A = arith.constant 0 : index
    %swap3A_521 = arith.constant 0 : index
    %swap3A_522 = vector.load %arg7[%swap3A, %swap3A_521] : memref<1024x128xf32, #tpu.memory_space<vmem>>, vector<8x128xf32>
    tpu.vector_store %arg7[%swap3A, %swap3A_521], %exp3A {strides = array<i32>} : memref<1024x128xf32, #tpu.memory_space<vmem>>, vector<8x128xf32>,
    %get3A_523 = arith.constant 32 : index
    %get3A_524 = arith.constant 0 : index
    %get3A_525 = vector.load %arg1[%get3A_523, %get3A_524] : memref<1024x128xf32, #tpu.memory_space<vmem>>, vector<8x128xf32>
    %sub3A_526 = vector.broadcast %max3A_516 : vector<1x128xf32> to vector<8x128xf32>
    %sub3A_527 = arith.subf %get3A_525, %sub3A_526 : vector<8x128xf32>
    %exp3A_528 = math.exp %sub3A_527 : vector<8x128xf32>
    %swap3A_529 = arith.constant 32 : index
    %swap3A_530 = arith.constant 0 : index
    %swap3A_531 = vector.load %arg7[%swap3A_529, %swap3A_530] : memref<1024x128xf32, #tpu.memory_space<vmem>>, vector<8x128xf32>
    tpu.vector_store %arg7[%swap3A_529, %swap3A_530], %exp3A_528 {strides = array<i32>} : memref<1024x128xf32, #tpu.memory_space<vmem>>, vector<8x128xf32>,
    %add3A = arith.addf %exp3A, %exp3A_528 : vector<8x128xf32>
    %get3A_532 = arith.constant 64 : index
    %get3A_533 = arith.constant 0 : index
    %get3A_534 = vector.load %arg1[%get3A_532, %get3A_533] : memref<1024x128xf32, #tpu.memory_space<vmem>>, vector<8x128xf32>
    %sub3A_535 = vector.broadcast %max3A_516 : vector<1x128xf32> to vector<8x128xf32>
    %sub3A_536 = arith.subf %get3A_534, %sub3A_535 : vector<8x128xf32>
    %exp3A_537 = math.exp %sub3A_536 : vector<8x128xf32>
    %swap3A_538 = arith.constant 64 : index
    %swap3A_539 = arith.constant 0 : index
    %swap3A_540 = vector.load %arg7[%swap3A_538, %swap3A_539] : memref<1024x128xf32, #tpu.memory_space<vmem>>, vector<8x128xf32>
    tpu.vector_store %arg7[%swap3A_538, %swap3A_539], %exp3A_537 {strides = array<i32>} : memref<1024x128xf32, #tpu.memory_space<vmem>>, vector<8x128xf32>,
    %add3A_541 = arith.addf %add3A, %exp3A_537 : vector<8x128xf32>
    %get3A_542 = arith.constant 96 : index
    %get3A_543 = arith.constant 0 : index
    %get3A_544 = vector.load %arg1[%get3A_542, %get3A_543] : memref<1024x128xf32, #tpu.memory_space<vmem>>, vector<8x128xf32>
    %sub3A_545 = vector.broadcast %max3A_516 : vector<1x128xf32> to vector<8x128xf32>
    %sub3A_546 = arith.subf %get3A_544, %sub3A_545 : vector<8x128xf32>
    %exp3A_547 = math.exp %sub3A_546 : vector<8x128xf32>
    %swap3A_548 = arith.constant 96 : index
    %swap3A_549 = arith.constant 0 : index
    %swap3A_550 = vector.load %arg7[%swap3A_548, %swap3A_549] : memref<1024x128xf32, #tpu.memory_space<vmem>>, vector<8x128xf32>
    tpu.vector_store %arg7[%swap3A_548, %swap3A_549], %exp3A_547 {strides = array<i32>} : memref<1024x128xf32, #tpu.memory_space<vmem>>, vector<8x128xf32>,
    %add3A_551 = arith.addf %add3A_541, %exp3A_547 : vector<8x128xf32>
    %get3A_552 = arith.constant 128 : index
    %get3A_553 = arith.constant 0 : index
    %get3A_554 = vector.load %arg1[%get3A_552, %get3A_553] : memref<1024x128xf32, #tpu.memory_space<vmem>>, vector<8x128xf32>
    %sub3A_555 = vector.broadcast %max3A_516 : vector<1x128xf32> to vector<8x128xf32>
    %sub3A_556 = arith.subf %get3A_554, %sub3A_555 : vector<8x128xf32>
    %exp3A_557 = math.exp %sub3A_556 : vector<8x128xf32>
    %swap3A_558 = arith.constant 128 : index
    %swap3A_559 = arith.constant 0 : index
    %swap3A_560 = vector.load %arg7[%swap3A_558, %swap3A_559] : memref<1024x128xf32, #tpu.memory_space<vmem>>, vector<8x128xf32>
    tpu.vector_store %arg7[%swap3A_558, %swap3A_559], %exp3A_557 {strides = array<i32>} : memref<1024x128xf32, #tpu.memory_space<vmem>>, vector<8x128xf32>,
    %add3A_561 = arith.addf %add3A_551, %exp3A_557 : vector<8x128xf32>
    %get3A_562 = arith.constant 160 : index
    %get3A_563 = arith.constant 0 : index
    %get3A_564 = vector.load %arg1[%get3A_562, %get3A_563] : memref<1024x128xf32, #tpu.memory_space<vmem>>, vector<8x128xf32>
    %sub3A_565 = vector.broadcast %max3A_516 : vector<1x128xf32> to vector<8x128xf32>
    %sub3A_566 = arith.subf %get3A_564, %sub3A_565 : vector<8x128xf32>
    %exp3A_567 = math.exp %sub3A_566 : vector<8x128xf32>
    %swap3A_568 = arith.constant 160 : index
    %swap3A_569 = arith.constant 0 : index
    %swap3A_570 = vector.load %arg7[%swap3A_568, %swap3A_569] : memref<1024x128xf32, #tpu.memory_space<vmem>>, vector<8x128xf32>
    tpu.vector_store %arg7[%swap3A_568, %swap3A_569], %exp3A_567 {strides = array<i32>} : memref<1024x128xf32, #tpu.memory_space<vmem>>, vector<8x128xf32>,
    %add3A_571 = arith.addf %add3A_561, %exp3A_567 : vector<8x128xf32>
    %get3A_572 = arith.constant 192 : index
    %get3A_573 = arith.constant 0 : index
    %get3A_574 = vector.load %arg1[%get3A_572, %get3A_573] : memref<1024x128xf32, #tpu.memory_space<vmem>>, vector<8x128xf32>
    %sub3A_575 = vector.broadcast %max3A_516 : vector<1x128xf32> to vector<8x128xf32>
    %sub3A_576 = arith.subf %get3A_574, %sub3A_575 : vector<8x128xf32>
    %exp3A_577 = math.exp %sub3A_576 : vector<8x128xf32>
    %swap3A_578 = arith.constant 192 : index
    %swap3A_579 = arith.constant 0 : index
    %swap3A_580 = vector.load %arg7[%swap3A_578, %swap3A_579] : memref<1024x128xf32, #tpu.memory_space<vmem>>, vector<8x128xf32>
    tpu.vector_store %arg7[%swap3A_578, %swap3A_579], %exp3A_577 {strides = array<i32>} : memref<1024x128xf32, #tpu.memory_space<vmem>>, vector<8x128xf32>,
    %add3A_581 = arith.addf %add3A_571, %exp3A_577 : vector<8x128xf32>
    %get3A_582 = arith.constant 224 : index
    %get3A_583 = arith.constant 0 : index
    %get3A_584 = vector.load %arg1[%get3A_582, %get3A_583] : memref<1024x128xf32, #tpu.memory_space<vmem>>, vector<8x128xf32>
    %sub3A_585 = vector.broadcast %max3A_516 : vector<1x128xf32> to vector<8x128xf32>
    %sub3A_586 = arith.subf %get3A_584, %sub3A_585 : vector<8x128xf32>
    %exp3A_587 = math.exp %sub3A_586 : vector<8x128xf32>
    %swap3A_588 = arith.constant 224 : index
    %swap3A_589 = arith.constant 0 : index
    %swap3A_590 = vector.load %arg7[%swap3A_588, %swap3A_589] : memref<1024x128xf32, #tpu.memory_space<vmem>>, vector<8x128xf32>
    tpu.vector_store %arg7[%swap3A_588, %swap3A_589], %exp3A_587 {strides = array<i32>} : memref<1024x128xf32, #tpu.memory_space<vmem>>, vector<8x128xf32>,
    %add3A_591 = arith.addf %add3A_581, %exp3A_587 : vector<8x128xf32>
    %get3A_592 = arith.constant 256 : index
    %get3A_593 = arith.constant 0 : index
    %get3A_594 = vector.load %arg1[%get3A_592, %get3A_593] : memref<1024x128xf32, #tpu.memory_space<vmem>>, vector<8x128xf32>
    %sub3A_595 = vector.broadcast %max3A_516 : vector<1x128xf32> to vector<8x128xf32>
    %sub3A_596 = arith.subf %get3A_594, %sub3A_595 : vector<8x128xf32>
    %exp3A_597 = math.exp %sub3A_596 : vector<8x128xf32>
    %swap3A_598 = arith.constant 256 : index
    %swap3A_599 = arith.constant 0 : index
    %swap3A_600 = vector.load %arg7[%swap3A_598, %swap3A_599] : memref<1024x128xf32, #tpu.memory_space<vmem>>, vector<8x128xf32>
    tpu.vector_store %arg7[%swap3A_598, %swap3A_599], %exp3A_597 {strides = array<i32>} : memref<1024x128xf32, #tpu.memory_space<vmem>>, vector<8x128xf32>,
    %add3A_601 = arith.addf %add3A_591, %exp3A_597 : vector<8x128xf32>
    %get3A_602 = arith.constant 288 : index
    %get3A_603 = arith.constant 0 : index
    %get3A_604 = vector.load %arg1[%get3A_602, %get3A_603] : memref<1024x128xf32, #tpu.memory_space<vmem>>, vector<8x128xf32>
    %sub3A_605 = vector.broadcast %max3A_516 : vector<1x128xf32> to vector<8x128xf32>
    %sub3A_606 = arith.subf %get3A_604, %sub3A_605 : vector<8x128xf32>
    %exp3A_607 = math.exp %sub3A_606 : vector<8x128xf32>
    %swap3A_608 = arith.constant 288 : index
    %swap3A_609 = arith.constant 0 : index
    %swap3A_610 = vector.load %arg7[%swap3A_608, %swap3A_609] : memref<1024x128xf32, #tpu.memory_space<vmem>>, vector<8x128xf32>
    tpu.vector_store %arg7[%swap3A_608, %swap3A_609], %exp3A_607 {strides = array<i32>} : memref<1024x128xf32, #tpu.memory_space<vmem>>, vector<8x128xf32>,
    %add3A_611 = arith.addf %add3A_601, %exp3A_607 : vector<8x128xf32>
    %get3A_612 = arith.constant 320 : index
    %get3A_613 = arith.constant 0 : index
    %get3A_614 = vector.load %arg1[%get3A_612, %get3A_613] : memref<1024x128xf32, #tpu.memory_space<vmem>>, vector<8x128xf32>
    %sub3A_615 = vector.broadcast %max3A_516 : vector<1x128xf32> to vector<8x128xf32>
    %sub3A_616 = arith.subf %get3A_614, %sub3A_615 : vector<8x128xf32>
    %exp3A_617 = math.exp %sub3A_616 : vector<8x128xf32>
    %swap3A_618 = arith.constant 320 : index
    %swap3A_619 = arith.constant 0 : index
    %swap3A_620 = vector.load %arg7[%swap3A_618, %swap3A_619] : memref<1024x128xf32, #tpu.memory_space<vmem>>, vector<8x128xf32>
    tpu.vector_store %arg7[%swap3A_618, %swap3A_619], %exp3A_617 {strides = array<i32>} : memref<1024x128xf32, #tpu.memory_space<vmem>>, vector<8x128xf32>,
    %add3A_621 = arith.addf %add3A_611, %exp3A_617 : vector<8x128xf32>
    %get3A_622 = arith.constant 352 : index
    %get3A_623 = arith.constant 0 : index
    %get3A_624 = vector.load %arg1[%get3A_622, %get3A_623] : memref<1024x128xf32, #tpu.memory_space<vmem>>, vector<8x128xf32>
    %sub3A_625 = vector.broadcast %max3A_516 : vector<1x128xf32> to vector<8x128xf32>
    %sub3A_626 = arith.subf %get3A_624, %sub3A_625 : vector<8x128xf32>
    %exp3A_627 = math.exp %sub3A_626 : vector<8x128xf32>
    %swap3A_628 = arith.constant 352 : index
    %swap3A_629 = arith.constant 0 : index
    %swap3A_630 = vector.load %arg7[%swap3A_628, %swap3A_629] : memref<1024x128xf32, #tpu.memory_space<vmem>>, vector<8x128xf32>
    tpu.vector_store %arg7[%swap3A_628, %swap3A_629], %exp3A_627 {strides = array<i32>} : memref<1024x128xf32, #tpu.memory_space<vmem>>, vector<8x128xf32>,
    %add3A_631 = arith.addf %add3A_621, %exp3A_627 : vector<8x128xf32>
    %get3A_632 = arith.constant 384 : index
    %get3A_633 = arith.constant 0 : index
    %get3A_634 = vector.load %arg1[%get3A_632, %get3A_633] : memref<1024x128xf32, #tpu.memory_space<vmem>>, vector<8x128xf32>
    %sub3A_635 = vector.broadcast %max3A_516 : vector<1x128xf32> to vector<8x128xf32>
    %sub3A_636 = arith.subf %get3A_634, %sub3A_635 : vector<8x128xf32>
    %exp3A_637 = math.exp %sub3A_636 : vector<8x128xf32>
    %swap3A_638 = arith.constant 384 : index
    %swap3A_639 = arith.constant 0 : index
    %swap3A_640 = vector.load %arg7[%swap3A_638, %swap3A_639] : memref<1024x128xf32, #tpu.memory_space<vmem>>, vector<8x128xf32>
    tpu.vector_store %arg7[%swap3A_638, %swap3A_639], %exp3A_637 {strides = array<i32>} : memref<1024x128xf32, #tpu.memory_space<vmem>>, vector<8x128xf32>,
    %add3A_641 = arith.addf %add3A_631, %exp3A_637 : vector<8x128xf32>
    %get3A_642 = arith.constant 416 : index
    %get3A_643 = arith.constant 0 : index
    %get3A_644 = vector.load %arg1[%get3A_642, %get3A_643] : memref<1024x128xf32, #tpu.memory_space<vmem>>, vector<8x128xf32>
    %sub3A_645 = vector.broadcast %max3A_516 : vector<1x128xf32> to vector<8x128xf32>
    %sub3A_646 = arith.subf %get3A_644, %sub3A_645 : vector<8x128xf32>
    %exp3A_647 = math.exp %sub3A_646 : vector<8x128xf32>
    %swap3A_648 = arith.constant 416 : index
    %swap3A_649 = arith.constant 0 : index
    %swap3A_650 = vector.load %arg7[%swap3A_648, %swap3A_649] : memref<1024x128xf32, #tpu.memory_space<vmem>>, vector<8x128xf32>
    tpu.vector_store %arg7[%swap3A_648, %swap3A_649], %exp3A_647 {strides = array<i32>} : memref<1024x128xf32, #tpu.memory_space<vmem>>, vector<8x128xf32>,
    %add3A_651 = arith.addf %add3A_641, %exp3A_647 : vector<8x128xf32>
    %get3A_652 = arith.constant 448 : index
    %get3A_653 = arith.constant 0 : index
    %get3A_654 = vector.load %arg1[%get3A_652, %get3A_653] : memref<1024x128xf32, #tpu.memory_space<vmem>>, vector<8x128xf32>
    %sub3A_655 = vector.broadcast %max3A_516 : vector<1x128xf32> to vector<8x128xf32>
    %sub3A_656 = arith.subf %get3A_654, %sub3A_655 : vector<8x128xf32>
    %exp3A_657 = math.exp %sub3A_656 : vector<8x128xf32>
    %swap3A_658 = arith.constant 448 : index
    %swap3A_659 = arith.constant 0 : index
    %swap3A_660 = vector.load %arg7[%swap3A_658, %swap3A_659] : memref<1024x128xf32, #tpu.memory_space<vmem>>, vector<8x128xf32>
    tpu.vector_store %arg7[%swap3A_658, %swap3A_659], %exp3A_657 {strides = array<i32>} : memref<1024x128xf32, #tpu.memory_space<vmem>>, vector<8x128xf32>,
    %add3A_661 = arith.addf %add3A_651, %exp3A_657 : vector<8x128xf32>
    %get3A_662 = arith.constant 480 : index
    %get3A_663 = arith.constant 0 : index
    %get3A_664 = vector.load %arg1[%get3A_662, %get3A_663] : memref<1024x128xf32, #tpu.memory_space<vmem>>, vector<8x128xf32>
    %sub3A_665 = vector.broadcast %max3A_516 : vector<1x128xf32> to vector<8x128xf32>
    %sub3A_666 = arith.subf %get3A_664, %sub3A_665 : vector<8x128xf32>
    %exp3A_667 = math.exp %sub3A_666 : vector<8x128xf32>
    %swap3A_668 = arith.constant 480 : index
    %swap3A_669 = arith.constant 0 : index
    %swap3A_670 = vector.load %arg7[%swap3A_668, %swap3A_669] : memref<1024x128xf32, #tpu.memory_space<vmem>>, vector<8x128xf32>
    tpu.vector_store %arg7[%swap3A_668, %swap3A_669], %exp3A_667 {strides = array<i32>} : memref<1024x128xf32, #tpu.memory_space<vmem>>, vector<8x128xf32>,
    %add3A_671 = arith.addf %add3A_661, %exp3A_667 : vector<8x128xf32>
    %get3A_672 = arith.constant 512 : index
    %get3A_673 = arith.constant 0 : index
    %get3A_674 = vector.load %arg1[%get3A_672, %get3A_673] : memref<1024x128xf32, #tpu.memory_space<vmem>>, vector<8x128xf32>
    %sub3A_675 = vector.broadcast %max3A_516 : vector<1x128xf32> to vector<8x128xf32>
    %sub3A_676 = arith.subf %get3A_674, %sub3A_675 : vector<8x128xf32>
    %exp3A_677 = math.exp %sub3A_676 : vector<8x128xf32>
    %swap3A_678 = arith.constant 512 : index
    %swap3A_679 = arith.constant 0 : index
    %swap3A_680 = vector.load %arg7[%swap3A_678, %swap3A_679] : memref<1024x128xf32, #tpu.memory_space<vmem>>, vector<8x128xf32>
    tpu.vector_store %arg7[%swap3A_678, %swap3A_679], %exp3A_677 {strides = array<i32>} : memref<1024x128xf32, #tpu.memory_space<vmem>>, vector<8x128xf32>,
    %add3A_681 = arith.addf %add3A_671, %exp3A_677 : vector<8x128xf32>
    %get3A_682 = arith.constant 544 : index
    %get3A_683 = arith.constant 0 : index
    %get3A_684 = vector.load %arg1[%get3A_682, %get3A_683] : memref<1024x128xf32, #tpu.memory_space<vmem>>, vector<8x128xf32>
    %sub3A_685 = vector.broadcast %max3A_516 : vector<1x128xf32> to vector<8x128xf32>
    %sub3A_686 = arith.subf %get3A_684, %sub3A_685 : vector<8x128xf32>
    %exp3A_687 = math.exp %sub3A_686 : vector<8x128xf32>
    %swap3A_688 = arith.constant 544 : index
    %swap3A_689 = arith.constant 0 : index
    %swap3A_690 = vector.load %arg7[%swap3A_688, %swap3A_689] : memref<1024x128xf32, #tpu.memory_space<vmem>>, vector<8x128xf32>
    tpu.vector_store %arg7[%swap3A_688, %swap3A_689], %exp3A_687 {strides = array<i32>} : memref<1024x128xf32, #tpu.memory_space<vmem>>, vector<8x128xf32>,
    %add3A_691 = arith.addf %add3A_681, %exp3A_687 : vector<8x128xf32>
    %get3A_692 = arith.constant 576 : index
    %get3A_693 = arith.constant 0 : index
    %get3A_694 = vector.load %arg1[%get3A_692, %get3A_693] : memref<1024x128xf32, #tpu.memory_space<vmem>>, vector<8x128xf32>
    %sub3A_695 = vector.broadcast %max3A_516 : vector<1x128xf32> to vector<8x128xf32>
    %sub3A_696 = arith.subf %get3A_694, %sub3A_695 : vector<8x128xf32>
    %exp3A_697 = math.exp %sub3A_696 : vector<8x128xf32>
    %swap3A_698 = arith.constant 576 : index
    %swap3A_699 = arith.constant 0 : index
    %swap3A_700 = vector.load %arg7[%swap3A_698, %swap3A_699] : memref<1024x128xf32, #tpu.memory_space<vmem>>, vector<8x128xf32>
    tpu.vector_store %arg7[%swap3A_698, %swap3A_699], %exp3A_697 {strides = array<i32>} : memref<1024x128xf32, #tpu.memory_space<vmem>>, vector<8x128xf32>,
    %add3A_701 = arith.addf %add3A_691, %exp3A_697 : vector<8x128xf32>
    %get3A_702 = arith.constant 608 : index
    %get3A_703 = arith.constant 0 : index
    %get3A_704 = vector.load %arg1[%get3A_702, %get3A_703] : memref<1024x128xf32, #tpu.memory_space<vmem>>, vector<8x128xf32>
    %sub3A_705 = vector.broadcast %max3A_516 : vector<1x128xf32> to vector<8x128xf32>
    %sub3A_706 = arith.subf %get3A_704, %sub3A_705 : vector<8x128xf32>
    %exp3A_707 = math.exp %sub3A_706 : vector<8x128xf32>
    %swap3A_708 = arith.constant 608 : index
    %swap3A_709 = arith.constant 0 : index
    %swap3A_710 = vector.load %arg7[%swap3A_708, %swap3A_709] : memref<1024x128xf32, #tpu.memory_space<vmem>>, vector<8x128xf32>
    tpu.vector_store %arg7[%swap3A_708, %swap3A_709], %exp3A_707 {strides = array<i32>} : memref<1024x128xf32, #tpu.memory_space<vmem>>, vector<8x128xf32>,
    %add3A_711 = arith.addf %add3A_701, %exp3A_707 : vector<8x128xf32>
    %get3A_712 = arith.constant 640 : index
    %get3A_713 = arith.constant 0 : index
    %get3A_714 = vector.load %arg1[%get3A_712, %get3A_713] : memref<1024x128xf32, #tpu.memory_space<vmem>>, vector<8x128xf32>
    %sub3A_715 = vector.broadcast %max3A_516 : vector<1x128xf32> to vector<8x128xf32>
    %sub3A_716 = arith.subf %get3A_714, %sub3A_715 : vector<8x128xf32>
    %exp3A_717 = math.exp %sub3A_716 : vector<8x128xf32>
    %swap3A_718 = arith.constant 640 : index
    %swap3A_719 = arith.constant 0 : index
    %swap3A_720 = vector.load %arg7[%swap3A_718, %swap3A_719] : memref<1024x128xf32, #tpu.memory_space<vmem>>, vector<8x128xf32>
    tpu.vector_store %arg7[%swap3A_718, %swap3A_719], %exp3A_717 {strides = array<i32>} : memref<1024x128xf32, #tpu.memory_space<vmem>>, vector<8x128xf32>,
    %add3A_721 = arith.addf %add3A_711, %exp3A_717 : vector<8x128xf32>
    %get3A_722 = arith.constant 672 : index
    %get3A_723 = arith.constant 0 : index
    %get3A_724 = vector.load %arg1[%get3A_722, %get3A_723] : memref<1024x128xf32, #tpu.memory_space<vmem>>, vector<8x128xf32>
    %sub3A_725 = vector.broadcast %max3A_516 : vector<1x128xf32> to vector<8x128xf32>
    %sub3A_726 = arith.subf %get3A_724, %sub3A_725 : vector<8x128xf32>
    %exp3A_727 = math.exp %sub3A_726 : vector<8x128xf32>
    %swap3A_728 = arith.constant 672 : index
    %swap3A_729 = arith.constant 0 : index
    %swap3A_730 = vector.load %arg7[%swap3A_728, %swap3A_729] : memref<1024x128xf32, #tpu.memory_space<vmem>>, vector<8x128xf32>
    tpu.vector_store %arg7[%swap3A_728, %swap3A_729], %exp3A_727 {strides = array<i32>} : memref<1024x128xf32, #tpu.memory_space<vmem>>, vector<8x128xf32>,
    %add3A_731 = arith.addf %add3A_721, %exp3A_727 : vector<8x128xf32>
    %get3A_732 = arith.constant 704 : index
    %get3A_733 = arith.constant 0 : index
    %get3A_734 = vector.load %arg1[%get3A_732, %get3A_733] : memref<1024x128xf32, #tpu.memory_space<vmem>>, vector<8x128xf32>
    %sub3A_735 = vector.broadcast %max3A_516 : vector<1x128xf32> to vector<8x128xf32>
    %sub3A_736 = arith.subf %get3A_734, %sub3A_735 : vector<8x128xf32>
    %exp3A_737 = math.exp %sub3A_736 : vector<8x128xf32>
    %swap3A_738 = arith.constant 704 : index
    %swap3A_739 = arith.constant 0 : index
    %swap3A_740 = vector.load %arg7[%swap3A_738, %swap3A_739] : memref<1024x128xf32, #tpu.memory_space<vmem>>, vector<8x128xf32>
    tpu.vector_store %arg7[%swap3A_738, %swap3A_739], %exp3A_737 {strides = array<i32>} : memref<1024x128xf32, #tpu.memory_space<vmem>>, vector<8x128xf32>,
    %add3A_741 = arith.addf %add3A_731, %exp3A_737 : vector<8x128xf32>
    %get3A_742 = arith.constant 736 : index
    %get3A_743 = arith.constant 0 : index
    %get3A_744 = vector.load %arg1[%get3A_742, %get3A_743] : memref<1024x128xf32, #tpu.memory_space<vmem>>, vector<8x128xf32>
    %sub3A_745 = vector.broadcast %max3A_516 : vector<1x128xf32> to vector<8x128xf32>
    %sub3A_746 = arith.subf %get3A_744, %sub3A_745 : vector<8x128xf32>
    %exp3A_747 = math.exp %sub3A_746 : vector<8x128xf32>
    %swap3A_748 = arith.constant 736 : index
    %swap3A_749 = arith.constant 0 : index
    %swap3A_750 = vector.load %arg7[%swap3A_748, %swap3A_749] : memref<1024x128xf32, #tpu.memory_space<vmem>>, vector<8x128xf32>
    tpu.vector_store %arg7[%swap3A_748, %swap3A_749], %exp3A_747 {strides = array<i32>} : memref<1024x128xf32, #tpu.memory_space<vmem>>, vector<8x128xf32>,
    %add3A_751 = arith.addf %add3A_741, %exp3A_747 : vector<8x128xf32>
    %get3A_752 = arith.constant 768 : index
    %get3A_753 = arith.constant 0 : index
    %get3A_754 = vector.load %arg1[%get3A_752, %get3A_753] : memref<1024x128xf32, #tpu.memory_space<vmem>>, vector<8x128xf32>
    %sub3A_755 = vector.broadcast %max3A_516 : vector<1x128xf32> to vector<8x128xf32>
    %sub3A_756 = arith.subf %get3A_754, %sub3A_755 : vector<8x128xf32>
    %exp3A_757 = math.exp %sub3A_756 : vector<8x128xf32>
    %swap3A_758 = arith.constant 768 : index
    %swap3A_759 = arith.constant 0 : index
    %swap3A_760 = vector.load %arg7[%swap3A_758, %swap3A_759] : memref<1024x128xf32, #tpu.memory_space<vmem>>, vector<8x128xf32>
    tpu.vector_store %arg7[%swap3A_758, %swap3A_759], %exp3A_757 {strides = array<i32>} : memref<1024x128xf32, #tpu.memory_space<vmem>>, vector<8x128xf32>,
    %add3A_761 = arith.addf %add3A_751, %exp3A_757 : vector<8x128xf32>
    %get3A_762 = arith.constant 800 : index
    %get3A_763 = arith.constant 0 : index
    %get3A_764 = vector.load %arg1[%get3A_762, %get3A_763] : memref<1024x128xf32, #tpu.memory_space<vmem>>, vector<8x128xf32>
    %sub3A_765 = vector.broadcast %max3A_516 : vector<1x128xf32> to vector<8x128xf32>
    %sub3A_766 = arith.subf %get3A_764, %sub3A_765 : vector<8x128xf32>
    %exp3A_767 = math.exp %sub3A_766 : vector<8x128xf32>
    %swap3A_768 = arith.constant 800 : index
    %swap3A_769 = arith.constant 0 : index
    %swap3A_770 = vector.load %arg7[%swap3A_768, %swap3A_769] : memref<1024x128xf32, #tpu.memory_space<vmem>>, vector<8x128xf32>
    tpu.vector_store %arg7[%swap3A_768, %swap3A_769], %exp3A_767 {strides = array<i32>} : memref<1024x128xf32, #tpu.memory_space<vmem>>, vector<8x128xf32>,
    %add3A_771 = arith.addf %add3A_761, %exp3A_767 : vector<8x128xf32>
    %get3A_772 = arith.constant 832 : index
    %get3A_773 = arith.constant 0 : index
    %get3A_774 = vector.load %arg1[%get3A_772, %get3A_773] : memref<1024x128xf32, #tpu.memory_space<vmem>>, vector<8x128xf32>
    %sub3A_775 = vector.broadcast %max3A_516 : vector<1x128xf32> to vector<8x128xf32>
    %sub3A_776 = arith.subf %get3A_774, %sub3A_775 : vector<8x128xf32>
    %exp3A_777 = math.exp %sub3A_776 : vector<8x128xf32>
    %swap3A_778 = arith.constant 832 : index
    %swap3A_779 = arith.constant 0 : index
    %swap3A_780 = vector.load %arg7[%swap3A_778, %swap3A_779] : memref<1024x128xf32, #tpu.memory_space<vmem>>, vector<8x128xf32>
    tpu.vector_store %arg7[%swap3A_778, %swap3A_779], %exp3A_777 {strides = array<i32>} : memref<1024x128xf32, #tpu.memory_space<vmem>>, vector<8x128xf32>,
    %add3A_781 = arith.addf %add3A_771, %exp3A_777 : vector<8x128xf32>
    %get3A_782 = arith.constant 864 : index
    %get3A_783 = arith.constant 0 : index
    %get3A_784 = vector.load %arg1[%get3A_782, %get3A_783] : memref<1024x128xf32, #tpu.memory_space<vmem>>, vector<8x128xf32>
    %sub3A_785 = vector.broadcast %max3A_516 : vector<1x128xf32> to vector<8x128xf32>
    %sub3A_786 = arith.subf %get3A_784, %sub3A_785 : vector<8x128xf32>
    %exp3A_787 = math.exp %sub3A_786 : vector<8x128xf32>
    %swap3A_788 = arith.constant 864 : index
    %swap3A_789 = arith.constant 0 : index
    %swap3A_790 = vector.load %arg7[%swap3A_788, %swap3A_789] : memref<1024x128xf32, #tpu.memory_space<vmem>>, vector<8x128xf32>
    tpu.vector_store %arg7[%swap3A_788, %swap3A_789], %exp3A_787 {strides = array<i32>} : memref<1024x128xf32, #tpu.memory_space<vmem>>, vector<8x128xf32>,
    %add3A_791 = arith.addf %add3A_781, %exp3A_787 : vector<8x128xf32>
    %get3A_792 = arith.constant 896 : index
    %get3A_793 = arith.constant 0 : index
    %get3A_794 = vector.load %arg1[%get3A_792, %get3A_793] : memref<1024x128xf32, #tpu.memory_space<vmem>>, vector<8x128xf32>
    %sub3A_795 = vector.broadcast %max3A_516 : vector<1x128xf32> to vector<8x128xf32>
    %sub3A_796 = arith.subf %get3A_794, %sub3A_795 : vector<8x128xf32>
    %exp3A_797 = math.exp %sub3A_796 : vector<8x128xf32>
    %swap3A_798 = arith.constant 896 : index
    %swap3A_799 = arith.constant 0 : index
    %swap3A_800 = vector.load %arg7[%swap3A_798, %swap3A_799] : memref<1024x128xf32, #tpu.memory_space<vmem>>, vector<8x128xf32>
    tpu.vector_store %arg7[%swap3A_798, %swap3A_799], %exp3A_797 {strides = array<i32>} : memref<1024x128xf32, #tpu.memory_space<vmem>>, vector<8x128xf32>,
    %add3A_801 = arith.addf %add3A_791, %exp3A_797 : vector<8x128xf32>
    %get3A_802 = arith.constant 928 : index
    %get3A_803 = arith.constant 0 : index
    %get3A_804 = vector.load %arg1[%get3A_802, %get3A_803] : memref<1024x128xf32, #tpu.memory_space<vmem>>, vector<8x128xf32>
    %sub3A_805 = vector.broadcast %max3A_516 : vector<1x128xf32> to vector<8x128xf32>
    %sub3A_806 = arith.subf %get3A_804, %sub3A_805 : vector<8x128xf32>
    %exp3A_807 = math.exp %sub3A_806 : vector<8x128xf32>
    %swap3A_808 = arith.constant 928 : index
    %swap3A_809 = arith.constant 0 : index
    %swap3A_810 = vector.load %arg7[%swap3A_808, %swap3A_809] : memref<1024x128xf32, #tpu.memory_space<vmem>>, vector<8x128xf32>
    tpu.vector_store %arg7[%swap3A_808, %swap3A_809], %exp3A_807 {strides = array<i32>} : memref<1024x128xf32, #tpu.memory_space<vmem>>, vector<8x128xf32>,
    %add3A_811 = arith.addf %add3A_801, %exp3A_807 : vector<8x128xf32>
    %get3A_812 = arith.constant 960 : index
    %get3A_813 = arith.constant 0 : index
    %get3A_814 = vector.load %arg1[%get3A_812, %get3A_813] : memref<1024x128xf32, #tpu.memory_space<vmem>>, vector<8x128xf32>
    %sub3A_815 = vector.broadcast %max3A_516 : vector<1x128xf32> to vector<8x128xf32>
    %sub3A_816 = arith.subf %get3A_814, %sub3A_815 : vector<8x128xf32>
    %exp3A_817 = math.exp %sub3A_816 : vector<8x128xf32>
    %swap3A_818 = arith.constant 960 : index
    %swap3A_819 = arith.constant 0 : index
    %swap3A_820 = vector.load %arg7[%swap3A_818, %swap3A_819] : memref<1024x128xf32, #tpu.memory_space<vmem>>, vector<8x128xf32>
    tpu.vector_store %arg7[%swap3A_818, %swap3A_819], %exp3A_817 {strides = array<i32>} : memref<1024x128xf32, #tpu.memory_space<vmem>>, vector<8x128xf32>,
    %add3A_821 = arith.addf %add3A_811, %exp3A_817 : vector<8x128xf32>
    %get3A_822 = arith.constant 992 : index
    %get3A_823 = arith.constant 0 : index
    %get3A_824 = vector.load %arg1[%get3A_822, %get3A_823] : memref<1024x128xf32, #tpu.memory_space<vmem>>, vector<8x128xf32>
    %sub3A_825 = vector.broadcast %max3A_516 : vector<1x128xf32> to vector<8x128xf32>
    %sub3A_826 = arith.subf %get3A_824, %sub3A_825 : vector<8x128xf32>
    %exp3A_827 = math.exp %sub3A_826 : vector<8x128xf32>
    %swap3A_828 = arith.constant 992 : index
    %swap3A_829 = arith.constant 0 : index
    %swap3A_830 = vector.load %arg7[%swap3A_828, %swap3A_829] : memref<1024x128xf32, #tpu.memory_space<vmem>>, vector<8x128xf32>
    tpu.vector_store %arg7[%swap3A_828, %swap3A_829], %exp3A_827 {strides = array<i32>} : memref<1024x128xf32, #tpu.memory_space<vmem>>, vector<8x128xf32>,
    %add3A_831 = arith.addf %add3A_821, %exp3A_827 : vector<8x128xf32>
    %get3A_832 = arith.constant 8 : index
    %get3A_833 = arith.constant 0 : index
    %get3A_834 = vector.load %arg1[%get3A_832, %get3A_833] : memref<1024x128xf32, #tpu.memory_space<vmem>>, vector<8x128xf32>
    %sub3A_835 = vector.broadcast %max3A_516 : vector<1x128xf32> to vector<8x128xf32>
    %sub3A_836 = arith.subf %get3A_834, %sub3A_835 : vector<8x128xf32>
    %exp3A_837 = math.exp %sub3A_836 : vector<8x128xf32>
    %swap3A_838 = arith.constant 8 : index
    %swap3A_839 = arith.constant 0 : index
    %swap3A_840 = vector.load %arg7[%swap3A_838, %swap3A_839] : memref<1024x128xf32, #tpu.memory_space<vmem>>, vector<8x128xf32>
    tpu.vector_store %arg7[%swap3A_838, %swap3A_839], %exp3A_837 {strides = array<i32>} : memref<1024x128xf32, #tpu.memory_space<vmem>>, vector<8x128xf32>,
    %add3A_841 = arith.addf %add3A_831, %exp3A_837 : vector<8x128xf32>
    %get3A_842 = arith.constant 40 : index
    %get3A_843 = arith.constant 0 : index
    %get3A_844 = vector.load %arg1[%get3A_842, %get3A_843] : memref<1024x128xf32, #tpu.memory_space<vmem>>, vector<8x128xf32>
    %sub3A_845 = vector.broadcast %max3A_516 : vector<1x128xf32> to vector<8x128xf32>
    %sub3A_846 = arith.subf %get3A_844, %sub3A_845 : vector<8x128xf32>
    %exp3A_847 = math.exp %sub3A_846 : vector<8x128xf32>
    %swap3A_848 = arith.constant 40 : index
    %swap3A_849 = arith.constant 0 : index
    %swap3A_850 = vector.load %arg7[%swap3A_848, %swap3A_849] : memref<1024x128xf32, #tpu.memory_space<vmem>>, vector<8x128xf32>
    tpu.vector_store %arg7[%swap3A_848, %swap3A_849], %exp3A_847 {strides = array<i32>} : memref<1024x128xf32, #tpu.memory_space<vmem>>, vector<8x128xf32>,
    %add3A_851 = arith.addf %add3A_841, %exp3A_847 : vector<8x128xf32>
    %get3A_852 = arith.constant 72 : index
    %get3A_853 = arith.constant 0 : index
    %get3A_854 = vector.load %arg1[%get3A_852, %get3A_853] : memref<1024x128xf32, #tpu.memory_space<vmem>>, vector<8x128xf32>
    %sub3A_855 = vector.broadcast %max3A_516 : vector<1x128xf32> to vector<8x128xf32>
    %sub3A_856 = arith.subf %get3A_854, %sub3A_855 : vector<8x128xf32>
    %exp3A_857 = math.exp %sub3A_856 : vector<8x128xf32>
    %swap3A_858 = arith.constant 72 : index
    %swap3A_859 = arith.constant 0 : index
    %swap3A_860 = vector.load %arg7[%swap3A_858, %swap3A_859] : memref<1024x128xf32, #tpu.memory_space<vmem>>, vector<8x128xf32>
    tpu.vector_store %arg7[%swap3A_858, %swap3A_859], %exp3A_857 {strides = array<i32>} : memref<1024x128xf32, #tpu.memory_space<vmem>>, vector<8x128xf32>,
    %add3A_861 = arith.addf %add3A_851, %exp3A_857 : vector<8x128xf32>
    %get3A_862 = arith.constant 104 : index
    %get3A_863 = arith.constant 0 : index
    %get3A_864 = vector.load %arg1[%get3A_862, %get3A_863] : memref<1024x128xf32, #tpu.memory_space<vmem>>, vector<8x128xf32>
    %sub3A_865 = vector.broadcast %max3A_516 : vector<1x128xf32> to vector<8x128xf32>
    %sub3A_866 = arith.subf %get3A_864, %sub3A_865 : vector<8x128xf32>
    %exp3A_867 = math.exp %sub3A_866 : vector<8x128xf32>
    %swap3A_868 = arith.constant 104 : index
    %swap3A_869 = arith.constant 0 : index
    %swap3A_870 = vector.load %arg7[%swap3A_868, %swap3A_869] : memref<1024x128xf32, #tpu.memory_space<vmem>>, vector<8x128xf32>
    tpu.vector_store %arg7[%swap3A_868, %swap3A_869], %exp3A_867 {strides = array<i32>} : memref<1024x128xf32, #tpu.memory_space<vmem>>, vector<8x128xf32>,
    %add3A_871 = arith.addf %add3A_861, %exp3A_867 : vector<8x128xf32>
    %get3A_872 = arith.constant 136 : index
    %get3A_873 = arith.constant 0 : index
    %get3A_874 = vector.load %arg1[%get3A_872, %get3A_873] : memref<1024x128xf32, #tpu.memory_space<vmem>>, vector<8x128xf32>
    %sub3A_875 = vector.broadcast %max3A_516 : vector<1x128xf32> to vector<8x128xf32>
    %sub3A_876 = arith.subf %get3A_874, %sub3A_875 : vector<8x128xf32>
    %exp3A_877 = math.exp %sub3A_876 : vector<8x128xf32>
    %swap3A_878 = arith.constant 136 : index
    %swap3A_879 = arith.constant 0 : index
    %swap3A_880 = vector.load %arg7[%swap3A_878, %swap3A_879] : memref<1024x128xf32, #tpu.memory_space<vmem>>, vector<8x128xf32>
    tpu.vector_store %arg7[%swap3A_878, %swap3A_879], %exp3A_877 {strides = array<i32>} : memref<1024x128xf32, #tpu.memory_space<vmem>>, vector<8x128xf32>,
    %add3A_881 = arith.addf %add3A_871, %exp3A_877 : vector<8x128xf32>
    %get3A_882 = arith.constant 168 : index
    %get3A_883 = arith.constant 0 : index
    %get3A_884 = vector.load %arg1[%get3A_882, %get3A_883] : memref<1024x128xf32, #tpu.memory_space<vmem>>, vector<8x128xf32>
    %sub3A_885 = vector.broadcast %max3A_516 : vector<1x128xf32> to vector<8x128xf32>
    %sub3A_886 = arith.subf %get3A_884, %sub3A_885 : vector<8x128xf32>
    %exp3A_887 = math.exp %sub3A_886 : vector<8x128xf32>
    %swap3A_888 = arith.constant 168 : index
    %swap3A_889 = arith.constant 0 : index
    %swap3A_890 = vector.load %arg7[%swap3A_888, %swap3A_889] : memref<1024x128xf32, #tpu.memory_space<vmem>>, vector<8x128xf32>
    tpu.vector_store %arg7[%swap3A_888, %swap3A_889], %exp3A_887 {strides = array<i32>} : memref<1024x128xf32, #tpu.memory_space<vmem>>, vector<8x128xf32>,
    %add3A_891 = arith.addf %add3A_881, %exp3A_887 : vector<8x128xf32>
    %get3A_892 = arith.constant 200 : index
    %get3A_893 = arith.constant 0 : index
    %get3A_894 = vector.load %arg1[%get3A_892, %get3A_893] : memref<1024x128xf32, #tpu.memory_space<vmem>>, vector<8x128xf32>
    %sub3A_895 = vector.broadcast %max3A_516 : vector<1x128xf32> to vector<8x128xf32>
    %sub3A_896 = arith.subf %get3A_894, %sub3A_895 : vector<8x128xf32>
    %exp3A_897 = math.exp %sub3A_896 : vector<8x128xf32>
    %swap3A_898 = arith.constant 200 : index
    %swap3A_899 = arith.constant 0 : index
    %swap3A_900 = vector.load %arg7[%swap3A_898, %swap3A_899] : memref<1024x128xf32, #tpu.memory_space<vmem>>, vector<8x128xf32>
    tpu.vector_store %arg7[%swap3A_898, %swap3A_899], %exp3A_897 {strides = array<i32>} : memref<1024x128xf32, #tpu.memory_space<vmem>>, vector<8x128xf32>,
    %add3A_901 = arith.addf %add3A_891, %exp3A_897 : vector<8x128xf32>
    %get3A_902 = arith.constant 232 : index
    %get3A_903 = arith.constant 0 : index
    %get3A_904 = vector.load %arg1[%get3A_902, %get3A_903] : memref<1024x128xf32, #tpu.memory_space<vmem>>, vector<8x128xf32>
    %sub3A_905 = vector.broadcast %max3A_516 : vector<1x128xf32> to vector<8x128xf32>
    %sub3A_906 = arith.subf %get3A_904, %sub3A_905 : vector<8x128xf32>
    %exp3A_907 = math.exp %sub3A_906 : vector<8x128xf32>
    %swap3A_908 = arith.constant 232 : index
    %swap3A_909 = arith.constant 0 : index
    %swap3A_910 = vector.load %arg7[%swap3A_908, %swap3A_909] : memref<1024x128xf32, #tpu.memory_space<vmem>>, vector<8x128xf32>
    tpu.vector_store %arg7[%swap3A_908, %swap3A_909], %exp3A_907 {strides = array<i32>} : memref<1024x128xf32, #tpu.memory_space<vmem>>, vector<8x128xf32>,
    %add3A_911 = arith.addf %add3A_901, %exp3A_907 : vector<8x128xf32>
    %get3A_912 = arith.constant 264 : index
    %get3A_913 = arith.constant 0 : index
    %get3A_914 = vector.load %arg1[%get3A_912, %get3A_913] : memref<1024x128xf32, #tpu.memory_space<vmem>>, vector<8x128xf32>
    %sub3A_915 = vector.broadcast %max3A_516 : vector<1x128xf32> to vector<8x128xf32>
    %sub3A_916 = arith.subf %get3A_914, %sub3A_915 : vector<8x128xf32>
    %exp3A_917 = math.exp %sub3A_916 : vector<8x128xf32>
    %swap3A_918 = arith.constant 264 : index
    %swap3A_919 = arith.constant 0 : index
    %swap3A_920 = vector.load %arg7[%swap3A_918, %swap3A_919] : memref<1024x128xf32, #tpu.memory_space<vmem>>, vector<8x128xf32>
    tpu.vector_store %arg7[%swap3A_918, %swap3A_919], %exp3A_917 {strides = array<i32>} : memref<1024x128xf32, #tpu.memory_space<vmem>>, vector<8x128xf32>,
    %add3A_921 = arith.addf %add3A_911, %exp3A_917 : vector<8x128xf32>
    %get3A_922 = arith.constant 296 : index
    %get3A_923 = arith.constant 0 : index
    %get3A_924 = vector.load %arg1[%get3A_922, %get3A_923] : memref<1024x128xf32, #tpu.memory_space<vmem>>, vector<8x128xf32>
    %sub3A_925 = vector.broadcast %max3A_516 : vector<1x128xf32> to vector<8x128xf32>
    %sub3A_926 = arith.subf %get3A_924, %sub3A_925 : vector<8x128xf32>
    %exp3A_927 = math.exp %sub3A_926 : vector<8x128xf32>
    %swap3A_928 = arith.constant 296 : index
    %swap3A_929 = arith.constant 0 : index
    %swap3A_930 = vector.load %arg7[%swap3A_928, %swap3A_929] : memref<1024x128xf32, #tpu.memory_space<vmem>>, vector<8x128xf32>
    tpu.vector_store %arg7[%swap3A_928, %swap3A_929], %exp3A_927 {strides = array<i32>} : memref<1024x128xf32, #tpu.memory_space<vmem>>, vector<8x128xf32>,
    %add3A_931 = arith.addf %add3A_921, %exp3A_927 : vector<8x128xf32>
    %get3A_932 = arith.constant 328 : index
    %get3A_933 = arith.constant 0 : index
    %get3A_934 = vector.load %arg1[%get3A_932, %get3A_933] : memref<1024x128xf32, #tpu.memory_space<vmem>>, vector<8x128xf32>
    %sub3A_935 = vector.broadcast %max3A_516 : vector<1x128xf32> to vector<8x128xf32>
    %sub3A_936 = arith.subf %get3A_934, %sub3A_935 : vector<8x128xf32>
    %exp3A_937 = math.exp %sub3A_936 : vector<8x128xf32>
    %swap3A_938 = arith.constant 328 : index
    %swap3A_939 = arith.constant 0 : index
    %swap3A_940 = vector.load %arg7[%swap3A_938, %swap3A_939] : memref<1024x128xf32, #tpu.memory_space<vmem>>, vector<8x128xf32>
    tpu.vector_store %arg7[%swap3A_938, %swap3A_939], %exp3A_937 {strides = array<i32>} : memref<1024x128xf32, #tpu.memory_space<vmem>>, vector<8x128xf32>,
    %add3A_941 = arith.addf %add3A_931, %exp3A_937 : vector<8x128xf32>
    %get3A_942 = arith.constant 360 : index
    %get3A_943 = arith.constant 0 : index
    %get3A_944 = vector.load %arg1[%get3A_942, %get3A_943] : memref<1024x128xf32, #tpu.memory_space<vmem>>, vector<8x128xf32>
    %sub3A_945 = vector.broadcast %max3A_516 : vector<1x128xf32> to vector<8x128xf32>
    %sub3A_946 = arith.subf %get3A_944, %sub3A_945 : vector<8x128xf32>
    %exp3A_947 = math.exp %sub3A_946 : vector<8x128xf32>
    %swap3A_948 = arith.constant 360 : index
    %swap3A_949 = arith.constant 0 : index
    %swap3A_950 = vector.load %arg7[%swap3A_948, %swap3A_949] : memref<1024x128xf32, #tpu.memory_space<vmem>>, vector<8x128xf32>
    tpu.vector_store %arg7[%swap3A_948, %swap3A_949], %exp3A_947 {strides = array<i32>} : memref<1024x128xf32, #tpu.memory_space<vmem>>, vector<8x128xf32>,
    %add3A_951 = arith.addf %add3A_941, %exp3A_947 : vector<8x128xf32>
    %get3A_952 = arith.constant 392 : index
    %get3A_953 = arith.constant 0 : index
    %get3A_954 = vector.load %arg1[%get3A_952, %get3A_953] : memref<1024x128xf32, #tpu.memory_space<vmem>>, vector<8x128xf32>
    %sub3A_955 = vector.broadcast %max3A_516 : vector<1x128xf32> to vector<8x128xf32>
    %sub3A_956 = arith.subf %get3A_954, %sub3A_955 : vector<8x128xf32>
    %exp3A_957 = math.exp %sub3A_956 : vector<8x128xf32>
    %swap3A_958 = arith.constant 392 : index
    %swap3A_959 = arith.constant 0 : index
    %swap3A_960 = vector.load %arg7[%swap3A_958, %swap3A_959] : memref<1024x128xf32, #tpu.memory_space<vmem>>, vector<8x128xf32>
    tpu.vector_store %arg7[%swap3A_958, %swap3A_959], %exp3A_957 {strides = array<i32>} : memref<1024x128xf32, #tpu.memory_space<vmem>>, vector<8x128xf32>,
    %add3A_961 = arith.addf %add3A_951, %exp3A_957 : vector<8x128xf32>
    %get3A_962 = arith.constant 424 : index
    %get3A_963 = arith.constant 0 : index
    %get3A_964 = vector.load %arg1[%get3A_962, %get3A_963] : memref<1024x128xf32, #tpu.memory_space<vmem>>, vector<8x128xf32>
    %sub3A_965 = vector.broadcast %max3A_516 : vector<1x128xf32> to vector<8x128xf32>
    %sub3A_966 = arith.subf %get3A_964, %sub3A_965 : vector<8x128xf32>
    %exp3A_967 = math.exp %sub3A_966 : vector<8x128xf32>
    %swap3A_968 = arith.constant 424 : index
    %swap3A_969 = arith.constant 0 : index
    %swap3A_970 = vector.load %arg7[%swap3A_968, %swap3A_969] : memref<1024x128xf32, #tpu.memory_space<vmem>>, vector<8x128xf32>
    tpu.vector_store %arg7[%swap3A_968, %swap3A_969], %exp3A_967 {strides = array<i32>} : memref<1024x128xf32, #tpu.memory_space<vmem>>, vector<8x128xf32>,
    %add3A_971 = arith.addf %add3A_961, %exp3A_967 : vector<8x128xf32>
    %get3A_972 = arith.constant 456 : index
    %get3A_973 = arith.constant 0 : index
    %get3A_974 = vector.load %arg1[%get3A_972, %get3A_973] : memref<1024x128xf32, #tpu.memory_space<vmem>>, vector<8x128xf32>
    %sub3A_975 = vector.broadcast %max3A_516 : vector<1x128xf32> to vector<8x128xf32>
    %sub3A_976 = arith.subf %get3A_974, %sub3A_975 : vector<8x128xf32>
    %exp3A_977 = math.exp %sub3A_976 : vector<8x128xf32>
    %swap3A_978 = arith.constant 456 : index
    %swap3A_979 = arith.constant 0 : index
    %swap3A_980 = vector.load %arg7[%swap3A_978, %swap3A_979] : memref<1024x128xf32, #tpu.memory_space<vmem>>, vector<8x128xf32>
    tpu.vector_store %arg7[%swap3A_978, %swap3A_979], %exp3A_977 {strides = array<i32>} : memref<1024x128xf32, #tpu.memory_space<vmem>>, vector<8x128xf32>,
    %add3A_981 = arith.addf %add3A_971, %exp3A_977 : vector<8x128xf32>
    %get3A_982 = arith.constant 488 : index
    %get3A_983 = arith.constant 0 : index
    %get3A_984 = vector.load %arg1[%get3A_982, %get3A_983] : memref<1024x128xf32, #tpu.memory_space<vmem>>, vector<8x128xf32>
    %sub3A_985 = vector.broadcast %max3A_516 : vector<1x128xf32> to vector<8x128xf32>
    %sub3A_986 = arith.subf %get3A_984, %sub3A_985 : vector<8x128xf32>
    %exp3A_987 = math.exp %sub3A_986 : vector<8x128xf32>
    %swap3A_988 = arith.constant 488 : index
    %swap3A_989 = arith.constant 0 : index
    %swap3A_990 = vector.load %arg7[%swap3A_988, %swap3A_989] : memref<1024x128xf32, #tpu.memory_space<vmem>>, vector<8x128xf32>
    tpu.vector_store %arg7[%swap3A_988, %swap3A_989], %exp3A_987 {strides = array<i32>} : memref<1024x128xf32, #tpu.memory_space<vmem>>, vector<8x128xf32>,
    %add3A_991 = arith.addf %add3A_981, %exp3A_987 : vector<8x128xf32>
    %get3A_992 = arith.constant 520 : index
    %get3A_993 = arith.constant 0 : index
    %get3A_994 = vector.load %arg1[%get3A_992, %get3A_993] : memref<1024x128xf32, #tpu.memory_space<vmem>>, vector<8x128xf32>
    %sub3A_995 = vector.broadcast %max3A_516 : vector<1x128xf32> to vector<8x128xf32>
    %sub3A_996 = arith.subf %get3A_994, %sub3A_995 : vector<8x128xf32>
    %exp3A_997 = math.exp %sub3A_996 : vector<8x128xf32>
    %swap3A_998 = arith.constant 520 : index
    %swap3A_999 = arith.constant 0 : index
    %swap3A_1000 = vector.load %arg7[%swap3A_998, %swap3A_999] : memref<1024x128xf32, #tpu.memory_space<vmem>>, vector<8x128xf32>
    tpu.vector_store %arg7[%swap3A_998, %swap3A_999], %exp3A_997 {strides = array<i32>} : memref<1024x128xf32, #tpu.memory_space<vmem>>, vector<8x128xf32>,
    %add3A_1001 = arith.addf %add3A_991, %exp3A_997 : vector<8x128xf32>
    %get3A_1002 = arith.constant 552 : index
    %get3A_1003 = arith.constant 0 : index
    %get3A_1004 = vector.load %arg1[%get3A_1002, %get3A_1003] : memref<1024x128xf32, #tpu.memory_space<vmem>>, vector<8x128xf32>
    %sub3A_1005 = vector.broadcast %max3A_516 : vector<1x128xf32> to vector<8x128xf32>
    %sub3A_1006 = arith.subf %get3A_1004, %sub3A_1005 : vector<8x128xf32>
    %exp3A_1007 = math.exp %sub3A_1006 : vector<8x128xf32>
    %swap3A_1008 = arith.constant 552 : index
    %swap3A_1009 = arith.constant 0 : index
    %swap3A_1010 = vector.load %arg7[%swap3A_1008, %swap3A_1009] : memref<1024x128xf32, #tpu.memory_space<vmem>>, vector<8x128xf32>
    tpu.vector_store %arg7[%swap3A_1008, %swap3A_1009], %exp3A_1007 {strides = array<i32>} : memref<1024x128xf32, #tpu.memory_space<vmem>>, vector<8x128xf32>,
    %add3A_1011 = arith.addf %add3A_1001, %exp3A_1007 : vector<8x128xf32>
    %get3A_1012 = arith.constant 584 : index
    %get3A_1013 = arith.constant 0 : index
    %get3A_1014 = vector.load %arg1[%get3A_1012, %get3A_1013] : memref<1024x128xf32, #tpu.memory_space<vmem>>, vector<8x128xf32>
    %sub3A_1015 = vector.broadcast %max3A_516 : vector<1x128xf32> to vector<8x128xf32>
    %sub3A_1016 = arith.subf %get3A_1014, %sub3A_1015 : vector<8x128xf32>
    %exp3A_1017 = math.exp %sub3A_1016 : vector<8x128xf32>
    %swap3A_1018 = arith.constant 584 : index
    %swap3A_1019 = arith.constant 0 : index
    %swap3A_1020 = vector.load %arg7[%swap3A_1018, %swap3A_1019] : memref<1024x128xf32, #tpu.memory_space<vmem>>, vector<8x128xf32>
    tpu.vector_store %arg7[%swap3A_1018, %swap3A_1019], %exp3A_1017 {strides = array<i32>} : memref<1024x128xf32, #tpu.memory_space<vmem>>, vector<8x128xf32>,
    %add3A_1021 = arith.addf %add3A_1011, %exp3A_1017 : vector<8x128xf32>
    %get3A_1022 = arith.constant 616 : index
    %get3A_1023 = arith.constant 0 : index
    %get3A_1024 = vector.load %arg1[%get3A_1022, %get3A_1023] : memref<1024x128xf32, #tpu.memory_space<vmem>>, vector<8x128xf32>
    %sub3A_1025 = vector.broadcast %max3A_516 : vector<1x128xf32> to vector<8x128xf32>
    %sub3A_1026 = arith.subf %get3A_1024, %sub3A_1025 : vector<8x128xf32>
    %exp3A_1027 = math.exp %sub3A_1026 : vector<8x128xf32>
    %swap3A_1028 = arith.constant 616 : index
    %swap3A_1029 = arith.constant 0 : index
    %swap3A_1030 = vector.load %arg7[%swap3A_1028, %swap3A_1029] : memref<1024x128xf32, #tpu.memory_space<vmem>>, vector<8x128xf32>
    tpu.vector_store %arg7[%swap3A_1028, %swap3A_1029], %exp3A_1027 {strides = array<i32>} : memref<1024x128xf32, #tpu.memory_space<vmem>>, vector<8x128xf32>,
    %add3A_1031 = arith.addf %add3A_1021, %exp3A_1027 : vector<8x128xf32>
    %get3A_1032 = arith.constant 648 : index
    %get3A_1033 = arith.constant 0 : index
    %get3A_1034 = vector.load %arg1[%get3A_1032, %get3A_1033] : memref<1024x128xf32, #tpu.memory_space<vmem>>, vector<8x128xf32>
    %sub3A_1035 = vector.broadcast %max3A_516 : vector<1x128xf32> to vector<8x128xf32>
    %sub3A_1036 = arith.subf %get3A_1034, %sub3A_1035 : vector<8x128xf32>
    %exp3A_1037 = math.exp %sub3A_1036 : vector<8x128xf32>
    %swap3A_1038 = arith.constant 648 : index
    %swap3A_1039 = arith.constant 0 : index
    %swap3A_1040 = vector.load %arg7[%swap3A_1038, %swap3A_1039] : memref<1024x128xf32, #tpu.memory_space<vmem>>, vector<8x128xf32>
    tpu.vector_store %arg7[%swap3A_1038, %swap3A_1039], %exp3A_1037 {strides = array<i32>} : memref<1024x128xf32, #tpu.memory_space<vmem>>, vector<8x128xf32>,
    %add3A_1041 = arith.addf %add3A_1031, %exp3A_1037 : vector<8x128xf32>
    %get3A_1042 = arith.constant 680 : index
    %get3A_1043 = arith.constant 0 : index
    %get3A_1044 = vector.load %arg1[%get3A_1042, %get3A_1043] : memref<1024x128xf32, #tpu.memory_space<vmem>>, vector<8x128xf32>
    %sub3A_1045 = vector.broadcast %max3A_516 : vector<1x128xf32> to vector<8x128xf32>
    %sub3A_1046 = arith.subf %get3A_1044, %sub3A_1045 : vector<8x128xf32>
    %exp3A_1047 = math.exp %sub3A_1046 : vector<8x128xf32>
    %swap3A_1048 = arith.constant 680 : index
    %swap3A_1049 = arith.constant 0 : index
    %swap3A_1050 = vector.load %arg7[%swap3A_1048, %swap3A_1049] : memref<1024x128xf32, #tpu.memory_space<vmem>>, vector<8x128xf32>
    tpu.vector_store %arg7[%swap3A_1048, %swap3A_1049], %exp3A_1047 {strides = array<i32>} : memref<1024x128xf32, #tpu.memory_space<vmem>>, vector<8x128xf32>,
    %add3A_1051 = arith.addf %add3A_1041, %exp3A_1047 : vector<8x128xf32>
    %get3A_1052 = arith.constant 712 : index
    %get3A_1053 = arith.constant 0 : index
    %get3A_1054 = vector.load %arg1[%get3A_1052, %get3A_1053] : memref<1024x128xf32, #tpu.memory_space<vmem>>, vector<8x128xf32>
    %sub3A_1055 = vector.broadcast %max3A_516 : vector<1x128xf32> to vector<8x128xf32>
    %sub3A_1056 = arith.subf %get3A_1054, %sub3A_1055 : vector<8x128xf32>
    %exp3A_1057 = math.exp %sub3A_1056 : vector<8x128xf32>
    %swap3A_1058 = arith.constant 712 : index
    %swap3A_1059 = arith.constant 0 : index
    %swap3A_1060 = vector.load %arg7[%swap3A_1058, %swap3A_1059] : memref<1024x128xf32, #tpu.memory_space<vmem>>, vector<8x128xf32>
    tpu.vector_store %arg7[%swap3A_1058, %swap3A_1059], %exp3A_1057 {strides = array<i32>} : memref<1024x128xf32, #tpu.memory_space<vmem>>, vector<8x128xf32>,
    %add3A_1061 = arith.addf %add3A_1051, %exp3A_1057 : vector<8x128xf32>
    %get3A_1062 = arith.constant 744 : index
    %get3A_1063 = arith.constant 0 : index
    %get3A_1064 = vector.load %arg1[%get3A_1062, %get3A_1063] : memref<1024x128xf32, #tpu.memory_space<vmem>>, vector<8x128xf32>
    %sub3A_1065 = vector.broadcast %max3A_516 : vector<1x128xf32> to vector<8x128xf32>
    %sub3A_1066 = arith.subf %get3A_1064, %sub3A_1065 : vector<8x128xf32>
    %exp3A_1067 = math.exp %sub3A_1066 : vector<8x128xf32>
    %swap3A_1068 = arith.constant 744 : index
    %swap3A_1069 = arith.constant 0 : index
    %swap3A_1070 = vector.load %arg7[%swap3A_1068, %swap3A_1069] : memref<1024x128xf32, #tpu.memory_space<vmem>>, vector<8x128xf32>
    tpu.vector_store %arg7[%swap3A_1068, %swap3A_1069], %exp3A_1067 {strides = array<i32>} : memref<1024x128xf32, #tpu.memory_space<vmem>>, vector<8x128xf32>,
    %add3A_1071 = arith.addf %add3A_1061, %exp3A_1067 : vector<8x128xf32>
    %get3A_1072 = arith.constant 776 : index
    %get3A_1073 = arith.constant 0 : index
    %get3A_1074 = vector.load %arg1[%get3A_1072, %get3A_1073] : memref<1024x128xf32, #tpu.memory_space<vmem>>, vector<8x128xf32>
    %sub3A_1075 = vector.broadcast %max3A_516 : vector<1x128xf32> to vector<8x128xf32>
    %sub3A_1076 = arith.subf %get3A_1074, %sub3A_1075 : vector<8x128xf32>
    %exp3A_1077 = math.exp %sub3A_1076 : vector<8x128xf32>
    %swap3A_1078 = arith.constant 776 : index
    %swap3A_1079 = arith.constant 0 : index
    %swap3A_1080 = vector.load %arg7[%swap3A_1078, %swap3A_1079] : memref<1024x128xf32, #tpu.memory_space<vmem>>, vector<8x128xf32>
    tpu.vector_store %arg7[%swap3A_1078, %swap3A_1079], %exp3A_1077 {strides = array<i32>} : memref<1024x128xf32, #tpu.memory_space<vmem>>, vector<8x128xf32>,
    %add3A_1081 = arith.addf %add3A_1071, %exp3A_1077 : vector<8x128xf32>
    %get3A_1082 = arith.constant 808 : index
    %get3A_1083 = arith.constant 0 : index
    %get3A_1084 = vector.load %arg1[%get3A_1082, %get3A_1083] : memref<1024x128xf32, #tpu.memory_space<vmem>>, vector<8x128xf32>
    %sub3A_1085 = vector.broadcast %max3A_516 : vector<1x128xf32> to vector<8x128xf32>
    %sub3A_1086 = arith.subf %get3A_1084, %sub3A_1085 : vector<8x128xf32>
    %exp3A_1087 = math.exp %sub3A_1086 : vector<8x128xf32>
    %swap3A_1088 = arith.constant 808 : index
    %swap3A_1089 = arith.constant 0 : index
    %swap3A_1090 = vector.load %arg7[%swap3A_1088, %swap3A_1089] : memref<1024x128xf32, #tpu.memory_space<vmem>>, vector<8x128xf32>
    tpu.vector_store %arg7[%swap3A_1088, %swap3A_1089], %exp3A_1087 {strides = array<i32>} : memref<1024x128xf32, #tpu.memory_space<vmem>>, vector<8x128xf32>,
    %add3A_1091 = arith.addf %add3A_1081, %exp3A_1087 : vector<8x128xf32>
    %get3A_1092 = arith.constant 840 : index
    %get3A_1093 = arith.constant 0 : index
    %get3A_1094 = vector.load %arg1[%get3A_1092, %get3A_1093] : memref<1024x128xf32, #tpu.memory_space<vmem>>, vector<8x128xf32>
    %sub3A_1095 = vector.broadcast %max3A_516 : vector<1x128xf32> to vector<8x128xf32>
    %sub3A_1096 = arith.subf %get3A_1094, %sub3A_1095 : vector<8x128xf32>
    %exp3A_1097 = math.exp %sub3A_1096 : vector<8x128xf32>
    %swap3A_1098 = arith.constant 840 : index
    %swap3A_1099 = arith.constant 0 : index
    %swap3A_1100 = vector.load %arg7[%swap3A_1098, %swap3A_1099] : memref<1024x128xf32, #tpu.memory_space<vmem>>, vector<8x128xf32>
    tpu.vector_store %arg7[%swap3A_1098, %swap3A_1099], %exp3A_1097 {strides = array<i32>} : memref<1024x128xf32, #tpu.memory_space<vmem>>, vector<8x128xf32>,
    %add3A_1101 = arith.addf %add3A_1091, %exp3A_1097 : vector<8x128xf32>
    %get3A_1102 = arith.constant 872 : index
    %get3A_1103 = arith.constant 0 : index
    %get3A_1104 = vector.load %arg1[%get3A_1102, %get3A_1103] : memref<1024x128xf32, #tpu.memory_space<vmem>>, vector<8x128xf32>
    %sub3A_1105 = vector.broadcast %max3A_516 : vector<1x128xf32> to vector<8x128xf32>
    %sub3A_1106 = arith.subf %get3A_1104, %sub3A_1105 : vector<8x128xf32>
    %exp3A_1107 = math.exp %sub3A_1106 : vector<8x128xf32>
    %swap3A_1108 = arith.constant 872 : index
    %swap3A_1109 = arith.constant 0 : index
    %swap3A_1110 = vector.load %arg7[%swap3A_1108, %swap3A_1109] : memref<1024x128xf32, #tpu.memory_space<vmem>>, vector<8x128xf32>
    tpu.vector_store %arg7[%swap3A_1108, %swap3A_1109], %exp3A_1107 {strides = array<i32>} : memref<1024x128xf32, #tpu.memory_space<vmem>>, vector<8x128xf32>,
    %add3A_1111 = arith.addf %add3A_1101, %exp3A_1107 : vector<8x128xf32>
    %get3A_1112 = arith.constant 904 : index
    %get3A_1113 = arith.constant 0 : index
    %get3A_1114 = vector.load %arg1[%get3A_1112, %get3A_1113] : memref<1024x128xf32, #tpu.memory_space<vmem>>, vector<8x128xf32>
    %sub3A_1115 = vector.broadcast %max3A_516 : vector<1x128xf32> to vector<8x128xf32>
    %sub3A_1116 = arith.subf %get3A_1114, %sub3A_1115 : vector<8x128xf32>
    %exp3A_1117 = math.exp %sub3A_1116 : vector<8x128xf32>
    %swap3A_1118 = arith.constant 904 : index
    %swap3A_1119 = arith.constant 0 : index
    %swap3A_1120 = vector.load %arg7[%swap3A_1118, %swap3A_1119] : memref<1024x128xf32, #tpu.memory_space<vmem>>, vector<8x128xf32>
    tpu.vector_store %arg7[%swap3A_1118, %swap3A_1119], %exp3A_1117 {strides = array<i32>} : memref<1024x128xf32, #tpu.memory_space<vmem>>, vector<8x128xf32>,
    %add3A_1121 = arith.addf %add3A_1111, %exp3A_1117 : vector<8x128xf32>
    %get3A_1122 = arith.constant 936 : index
    %get3A_1123 = arith.constant 0 : index
    %get3A_1124 = vector.load %arg1[%get3A_1122, %get3A_1123] : memref<1024x128xf32, #tpu.memory_space<vmem>>, vector<8x128xf32>
    %sub3A_1125 = vector.broadcast %max3A_516 : vector<1x128xf32> to vector<8x128xf32>
    %sub3A_1126 = arith.subf %get3A_1124, %sub3A_1125 : vector<8x128xf32>
    %exp3A_1127 = math.exp %sub3A_1126 : vector<8x128xf32>
    %swap3A_1128 = arith.constant 936 : index
    %swap3A_1129 = arith.constant 0 : index
    %swap3A_1130 = vector.load %arg7[%swap3A_1128, %swap3A_1129] : memref<1024x128xf32, #tpu.memory_space<vmem>>, vector<8x128xf32>
    tpu.vector_store %arg7[%swap3A_1128, %swap3A_1129], %exp3A_1127 {strides = array<i32>} : memref<1024x128xf32, #tpu.memory_space<vmem>>, vector<8x128xf32>,
    %add3A_1131 = arith.addf %add3A_1121, %exp3A_1127 : vector<8x128xf32>
    %get3A_1132 = arith.constant 968 : index
    %get3A_1133 = arith.constant 0 : index
    %get3A_1134 = vector.load %arg1[%get3A_1132, %get3A_1133] : memref<1024x128xf32, #tpu.memory_space<vmem>>, vector<8x128xf32>
    %sub3A_1135 = vector.broadcast %max3A_516 : vector<1x128xf32> to vector<8x128xf32>
    %sub3A_1136 = arith.subf %get3A_1134, %sub3A_1135 : vector<8x128xf32>
    %exp3A_1137 = math.exp %sub3A_1136 : vector<8x128xf32>
    %swap3A_1138 = arith.constant 968 : index
    %swap3A_1139 = arith.constant 0 : index
    %swap3A_1140 = vector.load %arg7[%swap3A_1138, %swap3A_1139] : memref<1024x128xf32, #tpu.memory_space<vmem>>, vector<8x128xf32>
    tpu.vector_store %arg7[%swap3A_1138, %swap3A_1139], %exp3A_1137 {strides = array<i32>} : memref<1024x128xf32, #tpu.memory_space<vmem>>, vector<8x128xf32>,
    %add3A_1141 = arith.addf %add3A_1131, %exp3A_1137 : vector<8x128xf32>
    %get3A_1142 = arith.constant 1000 : index
    %get3A_1143 = arith.constant 0 : index
    %get3A_1144 = vector.load %arg1[%get3A_1142, %get3A_1143] : memref<1024x128xf32, #tpu.memory_space<vmem>>, vector<8x128xf32>
    %sub3A_1145 = vector.broadcast %max3A_516 : vector<1x128xf32> to vector<8x128xf32>
    %sub3A_1146 = arith.subf %get3A_1144, %sub3A_1145 : vector<8x128xf32>
    %exp3A_1147 = math.exp %sub3A_1146 : vector<8x128xf32>
    %swap3A_1148 = arith.constant 1000 : index
    %swap3A_1149 = arith.constant 0 : index
    %swap3A_1150 = vector.load %arg7[%swap3A_1148, %swap3A_1149] : memref<1024x128xf32, #tpu.memory_space<vmem>>, vector<8x128xf32>
    tpu.vector_store %arg7[%swap3A_1148, %swap3A_1149], %exp3A_1147 {strides = array<i32>} : memref<1024x128xf32, #tpu.memory_space<vmem>>, vector<8x128xf32>,
    %add3A_1151 = arith.addf %add3A_1141, %exp3A_1147 : vector<8x128xf32>
    %get3A_1152 = arith.constant 16 : index
    %get3A_1153 = arith.constant 0 : index
    %get3A_1154 = vector.load %arg1[%get3A_1152, %get3A_1153] : memref<1024x128xf32, #tpu.memory_space<vmem>>, vector<8x128xf32>
    %sub3A_1155 = vector.broadcast %max3A_516 : vector<1x128xf32> to vector<8x128xf32>
    %sub3A_1156 = arith.subf %get3A_1154, %sub3A_1155 : vector<8x128xf32>
    %exp3A_1157 = math.exp %sub3A_1156 : vector<8x128xf32>
    %swap3A_1158 = arith.constant 16 : index
    %swap3A_1159 = arith.constant 0 : index
    %swap3A_1160 = vector.load %arg7[%swap3A_1158, %swap3A_1159] : memref<1024x128xf32, #tpu.memory_space<vmem>>, vector<8x128xf32>
    tpu.vector_store %arg7[%swap3A_1158, %swap3A_1159], %exp3A_1157 {strides = array<i32>} : memref<1024x128xf32, #tpu.memory_space<vmem>>, vector<8x128xf32>,
    %add3A_1161 = arith.addf %add3A_1151, %exp3A_1157 : vector<8x128xf32>
    %get3A_1162 = arith.constant 48 : index
    %get3A_1163 = arith.constant 0 : index
    %get3A_1164 = vector.load %arg1[%get3A_1162, %get3A_1163] : memref<1024x128xf32, #tpu.memory_space<vmem>>, vector<8x128xf32>
    %sub3A_1165 = vector.broadcast %max3A_516 : vector<1x128xf32> to vector<8x128xf32>
    %sub3A_1166 = arith.subf %get3A_1164, %sub3A_1165 : vector<8x128xf32>
    %exp3A_1167 = math.exp %sub3A_1166 : vector<8x128xf32>
    %swap3A_1168 = arith.constant 48 : index
    %swap3A_1169 = arith.constant 0 : index
    %swap3A_1170 = vector.load %arg7[%swap3A_1168, %swap3A_1169] : memref<1024x128xf32, #tpu.memory_space<vmem>>, vector<8x128xf32>
    tpu.vector_store %arg7[%swap3A_1168, %swap3A_1169], %exp3A_1167 {strides = array<i32>} : memref<1024x128xf32, #tpu.memory_space<vmem>>, vector<8x128xf32>,
    %add3A_1171 = arith.addf %add3A_1161, %exp3A_1167 : vector<8x128xf32>
    %get3A_1172 = arith.constant 80 : index
    %get3A_1173 = arith.constant 0 : index
    %get3A_1174 = vector.load %arg1[%get3A_1172, %get3A_1173] : memref<1024x128xf32, #tpu.memory_space<vmem>>, vector<8x128xf32>
    %sub3A_1175 = vector.broadcast %max3A_516 : vector<1x128xf32> to vector<8x128xf32>
    %sub3A_1176 = arith.subf %get3A_1174, %sub3A_1175 : vector<8x128xf32>
    %exp3A_1177 = math.exp %sub3A_1176 : vector<8x128xf32>
    %swap3A_1178 = arith.constant 80 : index
    %swap3A_1179 = arith.constant 0 : index
    %swap3A_1180 = vector.load %arg7[%swap3A_1178, %swap3A_1179] : memref<1024x128xf32, #tpu.memory_space<vmem>>, vector<8x128xf32>
    tpu.vector_store %arg7[%swap3A_1178, %swap3A_1179], %exp3A_1177 {strides = array<i32>} : memref<1024x128xf32, #tpu.memory_space<vmem>>, vector<8x128xf32>,
    %add3A_1181 = arith.addf %add3A_1171, %exp3A_1177 : vector<8x128xf32>
    %get3A_1182 = arith.constant 112 : index
    %get3A_1183 = arith.constant 0 : index
    %get3A_1184 = vector.load %arg1[%get3A_1182, %get3A_1183] : memref<1024x128xf32, #tpu.memory_space<vmem>>, vector<8x128xf32>
    %sub3A_1185 = vector.broadcast %max3A_516 : vector<1x128xf32> to vector<8x128xf32>
    %sub3A_1186 = arith.subf %get3A_1184, %sub3A_1185 : vector<8x128xf32>
    %exp3A_1187 = math.exp %sub3A_1186 : vector<8x128xf32>
    %swap3A_1188 = arith.constant 112 : index
    %swap3A_1189 = arith.constant 0 : index
    %swap3A_1190 = vector.load %arg7[%swap3A_1188, %swap3A_1189] : memref<1024x128xf32, #tpu.memory_space<vmem>>, vector<8x128xf32>
    tpu.vector_store %arg7[%swap3A_1188, %swap3A_1189], %exp3A_1187 {strides = array<i32>} : memref<1024x128xf32, #tpu.memory_space<vmem>>, vector<8x128xf32>,
    %add3A_1191 = arith.addf %add3A_1181, %exp3A_1187 : vector<8x128xf32>
    %get3A_1192 = arith.constant 144 : index
    %get3A_1193 = arith.constant 0 : index
    %get3A_1194 = vector.load %arg1[%get3A_1192, %get3A_1193] : memref<1024x128xf32, #tpu.memory_space<vmem>>, vector<8x128xf32>
    %sub3A_1195 = vector.broadcast %max3A_516 : vector<1x128xf32> to vector<8x128xf32>
    %sub3A_1196 = arith.subf %get3A_1194, %sub3A_1195 : vector<8x128xf32>
    %exp3A_1197 = math.exp %sub3A_1196 : vector<8x128xf32>
    %swap3A_1198 = arith.constant 144 : index
    %swap3A_1199 = arith.constant 0 : index
    %swap3A_1200 = vector.load %arg7[%swap3A_1198, %swap3A_1199] : memref<1024x128xf32, #tpu.memory_space<vmem>>, vector<8x128xf32>
    tpu.vector_store %arg7[%swap3A_1198, %swap3A_1199], %exp3A_1197 {strides = array<i32>} : memref<1024x128xf32, #tpu.memory_space<vmem>>, vector<8x128xf32>,
    %add3A_1201 = arith.addf %add3A_1191, %exp3A_1197 : vector<8x128xf32>
    %get3A_1202 = arith.constant 176 : index
    %get3A_1203 = arith.constant 0 : index
    %get3A_1204 = vector.load %arg1[%get3A_1202, %get3A_1203] : memref<1024x128xf32, #tpu.memory_space<vmem>>, vector<8x128xf32>
    %sub3A_1205 = vector.broadcast %max3A_516 : vector<1x128xf32> to vector<8x128xf32>
    %sub3A_1206 = arith.subf %get3A_1204, %sub3A_1205 : vector<8x128xf32>
    %exp3A_1207 = math.exp %sub3A_1206 : vector<8x128xf32>
    %swap3A_1208 = arith.constant 176 : index
    %swap3A_1209 = arith.constant 0 : index
    %swap3A_1210 = vector.load %arg7[%swap3A_1208, %swap3A_1209] : memref<1024x128xf32, #tpu.memory_space<vmem>>, vector<8x128xf32>
    tpu.vector_store %arg7[%swap3A_1208, %swap3A_1209], %exp3A_1207 {strides = array<i32>} : memref<1024x128xf32, #tpu.memory_space<vmem>>, vector<8x128xf32>,
    %add3A_1211 = arith.addf %add3A_1201, %exp3A_1207 : vector<8x128xf32>
    %get3A_1212 = arith.constant 208 : index
    %get3A_1213 = arith.constant 0 : index
    %get3A_1214 = vector.load %arg1[%get3A_1212, %get3A_1213] : memref<1024x128xf32, #tpu.memory_space<vmem>>, vector<8x128xf32>
    %sub3A_1215 = vector.broadcast %max3A_516 : vector<1x128xf32> to vector<8x128xf32>
    %sub3A_1216 = arith.subf %get3A_1214, %sub3A_1215 : vector<8x128xf32>
    %exp3A_1217 = math.exp %sub3A_1216 : vector<8x128xf32>
    %swap3A_1218 = arith.constant 208 : index
    %swap3A_1219 = arith.constant 0 : index
    %swap3A_1220 = vector.load %arg7[%swap3A_1218, %swap3A_1219] : memref<1024x128xf32, #tpu.memory_space<vmem>>, vector<8x128xf32>
    tpu.vector_store %arg7[%swap3A_1218, %swap3A_1219], %exp3A_1217 {strides = array<i32>} : memref<1024x128xf32, #tpu.memory_space<vmem>>, vector<8x128xf32>,
    %add3A_1221 = arith.addf %add3A_1211, %exp3A_1217 : vector<8x128xf32>
    %get3A_1222 = arith.constant 240 : index
    %get3A_1223 = arith.constant 0 : index
    %get3A_1224 = vector.load %arg1[%get3A_1222, %get3A_1223] : memref<1024x128xf32, #tpu.memory_space<vmem>>, vector<8x128xf32>
    %sub3A_1225 = vector.broadcast %max3A_516 : vector<1x128xf32> to vector<8x128xf32>
    %sub3A_1226 = arith.subf %get3A_1224, %sub3A_1225 : vector<8x128xf32>
    %exp3A_1227 = math.exp %sub3A_1226 : vector<8x128xf32>
    %swap3A_1228 = arith.constant 240 : index
    %swap3A_1229 = arith.constant 0 : index
    %swap3A_1230 = vector.load %arg7[%swap3A_1228, %swap3A_1229] : memref<1024x128xf32, #tpu.memory_space<vmem>>, vector<8x128xf32>
    tpu.vector_store %arg7[%swap3A_1228, %swap3A_1229], %exp3A_1227 {strides = array<i32>} : memref<1024x128xf32, #tpu.memory_space<vmem>>, vector<8x128xf32>,
    %add3A_1231 = arith.addf %add3A_1221, %exp3A_1227 : vector<8x128xf32>
    %get3A_1232 = arith.constant 272 : index
    %get3A_1233 = arith.constant 0 : index
    %get3A_1234 = vector.load %arg1[%get3A_1232, %get3A_1233] : memref<1024x128xf32, #tpu.memory_space<vmem>>, vector<8x128xf32>
    %sub3A_1235 = vector.broadcast %max3A_516 : vector<1x128xf32> to vector<8x128xf32>
    %sub3A_1236 = arith.subf %get3A_1234, %sub3A_1235 : vector<8x128xf32>
    %exp3A_1237 = math.exp %sub3A_1236 : vector<8x128xf32>
    %swap3A_1238 = arith.constant 272 : index
    %swap3A_1239 = arith.constant 0 : index
    %swap3A_1240 = vector.load %arg7[%swap3A_1238, %swap3A_1239] : memref<1024x128xf32, #tpu.memory_space<vmem>>, vector<8x128xf32>
    tpu.vector_store %arg7[%swap3A_1238, %swap3A_1239], %exp3A_1237 {strides = array<i32>} : memref<1024x128xf32, #tpu.memory_space<vmem>>, vector<8x128xf32>,
    %add3A_1241 = arith.addf %add3A_1231, %exp3A_1237 : vector<8x128xf32>
    %get3A_1242 = arith.constant 304 : index
    %get3A_1243 = arith.constant 0 : index
    %get3A_1244 = vector.load %arg1[%get3A_1242, %get3A_1243] : memref<1024x128xf32, #tpu.memory_space<vmem>>, vector<8x128xf32>
    %sub3A_1245 = vector.broadcast %max3A_516 : vector<1x128xf32> to vector<8x128xf32>
    %sub3A_1246 = arith.subf %get3A_1244, %sub3A_1245 : vector<8x128xf32>
    %exp3A_1247 = math.exp %sub3A_1246 : vector<8x128xf32>
    %swap3A_1248 = arith.constant 304 : index
    %swap3A_1249 = arith.constant 0 : index
    %swap3A_1250 = vector.load %arg7[%swap3A_1248, %swap3A_1249] : memref<1024x128xf32, #tpu.memory_space<vmem>>, vector<8x128xf32>
    tpu.vector_store %arg7[%swap3A_1248, %swap3A_1249], %exp3A_1247 {strides = array<i32>} : memref<1024x128xf32, #tpu.memory_space<vmem>>, vector<8x128xf32>,
    %add3A_1251 = arith.addf %add3A_1241, %exp3A_1247 : vector<8x128xf32>
    %get3A_1252 = arith.constant 336 : index
    %get3A_1253 = arith.constant 0 : index
    %get3A_1254 = vector.load %arg1[%get3A_1252, %get3A_1253] : memref<1024x128xf32, #tpu.memory_space<vmem>>, vector<8x128xf32>
    %sub3A_1255 = vector.broadcast %max3A_516 : vector<1x128xf32> to vector<8x128xf32>
    %sub3A_1256 = arith.subf %get3A_1254, %sub3A_1255 : vector<8x128xf32>
    %exp3A_1257 = math.exp %sub3A_1256 : vector<8x128xf32>
    %swap3A_1258 = arith.constant 336 : index
    %swap3A_1259 = arith.constant 0 : index
    %swap3A_1260 = vector.load %arg7[%swap3A_1258, %swap3A_1259] : memref<1024x128xf32, #tpu.memory_space<vmem>>, vector<8x128xf32>
    tpu.vector_store %arg7[%swap3A_1258, %swap3A_1259], %exp3A_1257 {strides = array<i32>} : memref<1024x128xf32, #tpu.memory_space<vmem>>, vector<8x128xf32>,
    %add3A_1261 = arith.addf %add3A_1251, %exp3A_1257 : vector<8x128xf32>
    %get3A_1262 = arith.constant 368 : index
    %get3A_1263 = arith.constant 0 : index
    %get3A_1264 = vector.load %arg1[%get3A_1262, %get3A_1263] : memref<1024x128xf32, #tpu.memory_space<vmem>>, vector<8x128xf32>
    %sub3A_1265 = vector.broadcast %max3A_516 : vector<1x128xf32> to vector<8x128xf32>
    %sub3A_1266 = arith.subf %get3A_1264, %sub3A_1265 : vector<8x128xf32>
    %exp3A_1267 = math.exp %sub3A_1266 : vector<8x128xf32>
    %swap3A_1268 = arith.constant 368 : index
    %swap3A_1269 = arith.constant 0 : index
    %swap3A_1270 = vector.load %arg7[%swap3A_1268, %swap3A_1269] : memref<1024x128xf32, #tpu.memory_space<vmem>>, vector<8x128xf32>
    tpu.vector_store %arg7[%swap3A_1268, %swap3A_1269], %exp3A_1267 {strides = array<i32>} : memref<1024x128xf32, #tpu.memory_space<vmem>>, vector<8x128xf32>,
    %add3A_1271 = arith.addf %add3A_1261, %exp3A_1267 : vector<8x128xf32>
    %get3A_1272 = arith.constant 400 : index
    %get3A_1273 = arith.constant 0 : index
    %get3A_1274 = vector.load %arg1[%get3A_1272, %get3A_1273] : memref<1024x128xf32, #tpu.memory_space<vmem>>, vector<8x128xf32>
    %sub3A_1275 = vector.broadcast %max3A_516 : vector<1x128xf32> to vector<8x128xf32>
    %sub3A_1276 = arith.subf %get3A_1274, %sub3A_1275 : vector<8x128xf32>
    %exp3A_1277 = math.exp %sub3A_1276 : vector<8x128xf32>
    %swap3A_1278 = arith.constant 400 : index
    %swap3A_1279 = arith.constant 0 : index
    %swap3A_1280 = vector.load %arg7[%swap3A_1278, %swap3A_1279] : memref<1024x128xf32, #tpu.memory_space<vmem>>, vector<8x128xf32>
    tpu.vector_store %arg7[%swap3A_1278, %swap3A_1279], %exp3A_1277 {strides = array<i32>} : memref<1024x128xf32, #tpu.memory_space<vmem>>, vector<8x128xf32>,
    %add3A_1281 = arith.addf %add3A_1271, %exp3A_1277 : vector<8x128xf32>
    %get3A_1282 = arith.constant 432 : index
    %get3A_1283 = arith.constant 0 : index
    %get3A_1284 = vector.load %arg1[%get3A_1282, %get3A_1283] : memref<1024x128xf32, #tpu.memory_space<vmem>>, vector<8x128xf32>
    %sub3A_1285 = vector.broadcast %max3A_516 : vector<1x128xf32> to vector<8x128xf32>
    %sub3A_1286 = arith.subf %get3A_1284, %sub3A_1285 : vector<8x128xf32>
    %exp3A_1287 = math.exp %sub3A_1286 : vector<8x128xf32>
    %swap3A_1288 = arith.constant 432 : index
    %swap3A_1289 = arith.constant 0 : index
    %swap3A_1290 = vector.load %arg7[%swap3A_1288, %swap3A_1289] : memref<1024x128xf32, #tpu.memory_space<vmem>>, vector<8x128xf32>
    tpu.vector_store %arg7[%swap3A_1288, %swap3A_1289], %exp3A_1287 {strides = array<i32>} : memref<1024x128xf32, #tpu.memory_space<vmem>>, vector<8x128xf32>,
    %add3A_1291 = arith.addf %add3A_1281, %exp3A_1287 : vector<8x128xf32>
    %get3A_1292 = arith.constant 464 : index
    %get3A_1293 = arith.constant 0 : index
    %get3A_1294 = vector.load %arg1[%get3A_1292, %get3A_1293] : memref<1024x128xf32, #tpu.memory_space<vmem>>, vector<8x128xf32>
    %sub3A_1295 = vector.broadcast %max3A_516 : vector<1x128xf32> to vector<8x128xf32>
    %sub3A_1296 = arith.subf %get3A_1294, %sub3A_1295 : vector<8x128xf32>
    %exp3A_1297 = math.exp %sub3A_1296 : vector<8x128xf32>
    %swap3A_1298 = arith.constant 464 : index
    %swap3A_1299 = arith.constant 0 : index
    %swap3A_1300 = vector.load %arg7[%swap3A_1298, %swap3A_1299] : memref<1024x128xf32, #tpu.memory_space<vmem>>, vector<8x128xf32>
    tpu.vector_store %arg7[%swap3A_1298, %swap3A_1299], %exp3A_1297 {strides = array<i32>} : memref<1024x128xf32, #tpu.memory_space<vmem>>, vector<8x128xf32>,
    %add3A_1301 = arith.addf %add3A_1291, %exp3A_1297 : vector<8x128xf32>
    %get3A_1302 = arith.constant 496 : index
    %get3A_1303 = arith.constant 0 : index
    %get3A_1304 = vector.load %arg1[%get3A_1302, %get3A_1303] : memref<1024x128xf32, #tpu.memory_space<vmem>>, vector<8x128xf32>
    %sub3A_1305 = vector.broadcast %max3A_516 : vector<1x128xf32> to vector<8x128xf32>
    %sub3A_1306 = arith.subf %get3A_1304, %sub3A_1305 : vector<8x128xf32>
    %exp3A_1307 = math.exp %sub3A_1306 : vector<8x128xf32>
    %swap3A_1308 = arith.constant 496 : index
    %swap3A_1309 = arith.constant 0 : index
    %swap3A_1310 = vector.load %arg7[%swap3A_1308, %swap3A_1309] : memref<1024x128xf32, #tpu.memory_space<vmem>>, vector<8x128xf32>
    tpu.vector_store %arg7[%swap3A_1308, %swap3A_1309], %exp3A_1307 {strides = array<i32>} : memref<1024x128xf32, #tpu.memory_space<vmem>>, vector<8x128xf32>,
    %add3A_1311 = arith.addf %add3A_1301, %exp3A_1307 : vector<8x128xf32>
    %get3A_1312 = arith.constant 528 : index
    %get3A_1313 = arith.constant 0 : index
    %get3A_1314 = vector.load %arg1[%get3A_1312, %get3A_1313] : memref<1024x128xf32, #tpu.memory_space<vmem>>, vector<8x128xf32>
    %sub3A_1315 = vector.broadcast %max3A_516 : vector<1x128xf32> to vector<8x128xf32>
    %sub3A_1316 = arith.subf %get3A_1314, %sub3A_1315 : vector<8x128xf32>
    %exp3A_1317 = math.exp %sub3A_1316 : vector<8x128xf32>
    %swap3A_1318 = arith.constant 528 : index
    %swap3A_1319 = arith.constant 0 : index
    %swap3A_1320 = vector.load %arg7[%swap3A_1318, %swap3A_1319] : memref<1024x128xf32, #tpu.memory_space<vmem>>, vector<8x128xf32>
    tpu.vector_store %arg7[%swap3A_1318, %swap3A_1319], %exp3A_1317 {strides = array<i32>} : memref<1024x128xf32, #tpu.memory_space<vmem>>, vector<8x128xf32>,
    %add3A_1321 = arith.addf %add3A_1311, %exp3A_1317 : vector<8x128xf32>
    %get3A_1322 = arith.constant 560 : index
    %get3A_1323 = arith.constant 0 : index
    %get3A_1324 = vector.load %arg1[%get3A_1322, %get3A_1323] : memref<1024x128xf32, #tpu.memory_space<vmem>>, vector<8x128xf32>
    %sub3A_1325 = vector.broadcast %max3A_516 : vector<1x128xf32> to vector<8x128xf32>
    %sub3A_1326 = arith.subf %get3A_1324, %sub3A_1325 : vector<8x128xf32>
    %exp3A_1327 = math.exp %sub3A_1326 : vector<8x128xf32>
    %swap3A_1328 = arith.constant 560 : index
    %swap3A_1329 = arith.constant 0 : index
    %swap3A_1330 = vector.load %arg7[%swap3A_1328, %swap3A_1329] : memref<1024x128xf32, #tpu.memory_space<vmem>>, vector<8x128xf32>
    tpu.vector_store %arg7[%swap3A_1328, %swap3A_1329], %exp3A_1327 {strides = array<i32>} : memref<1024x128xf32, #tpu.memory_space<vmem>>, vector<8x128xf32>,
    %add3A_1331 = arith.addf %add3A_1321, %exp3A_1327 : vector<8x128xf32>
    %get3A_1332 = arith.constant 592 : index
    %get3A_1333 = arith.constant 0 : index
    %get3A_1334 = vector.load %arg1[%get3A_1332, %get3A_1333] : memref<1024x128xf32, #tpu.memory_space<vmem>>, vector<8x128xf32>
    %sub3A_1335 = vector.broadcast %max3A_516 : vector<1x128xf32> to vector<8x128xf32>
    %sub3A_1336 = arith.subf %get3A_1334, %sub3A_1335 : vector<8x128xf32>
    %exp3A_1337 = math.exp %sub3A_1336 : vector<8x128xf32>
    %swap3A_1338 = arith.constant 592 : index
    %swap3A_1339 = arith.constant 0 : index
    %swap3A_1340 = vector.load %arg7[%swap3A_1338, %swap3A_1339] : memref<1024x128xf32, #tpu.memory_space<vmem>>, vector<8x128xf32>
    tpu.vector_store %arg7[%swap3A_1338, %swap3A_1339], %exp3A_1337 {strides = array<i32>} : memref<1024x128xf32, #tpu.memory_space<vmem>>, vector<8x128xf32>,
    %add3A_1341 = arith.addf %add3A_1331, %exp3A_1337 : vector<8x128xf32>
    %get3A_1342 = arith.constant 624 : index
    %get3A_1343 = arith.constant 0 : index
    %get3A_1344 = vector.load %arg1[%get3A_1342, %get3A_1343] : memref<1024x128xf32, #tpu.memory_space<vmem>>, vector<8x128xf32>
    %sub3A_1345 = vector.broadcast %max3A_516 : vector<1x128xf32> to vector<8x128xf32>
    %sub3A_1346 = arith.subf %get3A_1344, %sub3A_1345 : vector<8x128xf32>
    %exp3A_1347 = math.exp %sub3A_1346 : vector<8x128xf32>
    %swap3A_1348 = arith.constant 624 : index
    %swap3A_1349 = arith.constant 0 : index
    %swap3A_1350 = vector.load %arg7[%swap3A_1348, %swap3A_1349] : memref<1024x128xf32, #tpu.memory_space<vmem>>, vector<8x128xf32>
    tpu.vector_store %arg7[%swap3A_1348, %swap3A_1349], %exp3A_1347 {strides = array<i32>} : memref<1024x128xf32, #tpu.memory_space<vmem>>, vector<8x128xf32>,
    %add3A_1351 = arith.addf %add3A_1341, %exp3A_1347 : vector<8x128xf32>
    %get3A_1352 = arith.constant 656 : index
    %get3A_1353 = arith.constant 0 : index
    %get3A_1354 = vector.load %arg1[%get3A_1352, %get3A_1353] : memref<1024x128xf32, #tpu.memory_space<vmem>>, vector<8x128xf32>
    %sub3A_1355 = vector.broadcast %max3A_516 : vector<1x128xf32> to vector<8x128xf32>
    %sub3A_1356 = arith.subf %get3A_1354, %sub3A_1355 : vector<8x128xf32>
    %exp3A_1357 = math.exp %sub3A_1356 : vector<8x128xf32>
    %swap3A_1358 = arith.constant 656 : index
    %swap3A_1359 = arith.constant 0 : index
    %swap3A_1360 = vector.load %arg7[%swap3A_1358, %swap3A_1359] : memref<1024x128xf32, #tpu.memory_space<vmem>>, vector<8x128xf32>
    tpu.vector_store %arg7[%swap3A_1358, %swap3A_1359], %exp3A_1357 {strides = array<i32>} : memref<1024x128xf32, #tpu.memory_space<vmem>>, vector<8x128xf32>,
    %add3A_1361 = arith.addf %add3A_1351, %exp3A_1357 : vector<8x128xf32>
    %get3A_1362 = arith.constant 688 : index
    %get3A_1363 = arith.constant 0 : index
    %get3A_1364 = vector.load %arg1[%get3A_1362, %get3A_1363] : memref<1024x128xf32, #tpu.memory_space<vmem>>, vector<8x128xf32>
    %sub3A_1365 = vector.broadcast %max3A_516 : vector<1x128xf32> to vector<8x128xf32>
    %sub3A_1366 = arith.subf %get3A_1364, %sub3A_1365 : vector<8x128xf32>
    %exp3A_1367 = math.exp %sub3A_1366 : vector<8x128xf32>
    %swap3A_1368 = arith.constant 688 : index
    %swap3A_1369 = arith.constant 0 : index
    %swap3A_1370 = vector.load %arg7[%swap3A_1368, %swap3A_1369] : memref<1024x128xf32, #tpu.memory_space<vmem>>, vector<8x128xf32>
    tpu.vector_store %arg7[%swap3A_1368, %swap3A_1369], %exp3A_1367 {strides = array<i32>} : memref<1024x128xf32, #tpu.memory_space<vmem>>, vector<8x128xf32>,
    %add3A_1371 = arith.addf %add3A_1361, %exp3A_1367 : vector<8x128xf32>
    %get3A_1372 = arith.constant 720 : index
    %get3A_1373 = arith.constant 0 : index
    %get3A_1374 = vector.load %arg1[%get3A_1372, %get3A_1373] : memref<1024x128xf32, #tpu.memory_space<vmem>>, vector<8x128xf32>
    %sub3A_1375 = vector.broadcast %max3A_516 : vector<1x128xf32> to vector<8x128xf32>
    %sub3A_1376 = arith.subf %get3A_1374, %sub3A_1375 : vector<8x128xf32>
    %exp3A_1377 = math.exp %sub3A_1376 : vector<8x128xf32>
    %swap3A_1378 = arith.constant 720 : index
    %swap3A_1379 = arith.constant 0 : index
    %swap3A_1380 = vector.load %arg7[%swap3A_1378, %swap3A_1379] : memref<1024x128xf32, #tpu.memory_space<vmem>>, vector<8x128xf32>
    tpu.vector_store %arg7[%swap3A_1378, %swap3A_1379], %exp3A_1377 {strides = array<i32>} : memref<1024x128xf32, #tpu.memory_space<vmem>>, vector<8x128xf32>,
    %add3A_1381 = arith.addf %add3A_1371, %exp3A_1377 : vector<8x128xf32>
    %get3A_1382 = arith.constant 752 : index
    %get3A_1383 = arith.constant 0 : index
    %get3A_1384 = vector.load %arg1[%get3A_1382, %get3A_1383] : memref<1024x128xf32, #tpu.memory_space<vmem>>, vector<8x128xf32>
    %sub3A_1385 = vector.broadcast %max3A_516 : vector<1x128xf32> to vector<8x128xf32>
    %sub3A_1386 = arith.subf %get3A_1384, %sub3A_1385 : vector<8x128xf32>
    %exp3A_1387 = math.exp %sub3A_1386 : vector<8x128xf32>
    %swap3A_1388 = arith.constant 752 : index
    %swap3A_1389 = arith.constant 0 : index
    %swap3A_1390 = vector.load %arg7[%swap3A_1388, %swap3A_1389] : memref<1024x128xf32, #tpu.memory_space<vmem>>, vector<8x128xf32>
    tpu.vector_store %arg7[%swap3A_1388, %swap3A_1389], %exp3A_1387 {strides = array<i32>} : memref<1024x128xf32, #tpu.memory_space<vmem>>, vector<8x128xf32>,
    %add3A_1391 = arith.addf %add3A_1381, %exp3A_1387 : vector<8x128xf32>
    %get3A_1392 = arith.constant 784 : index
    %get3A_1393 = arith.constant 0 : index
    %get3A_1394 = vector.load %arg1[%get3A_1392, %get3A_1393] : memref<1024x128xf32, #tpu.memory_space<vmem>>, vector<8x128xf32>
    %sub3A_1395 = vector.broadcast %max3A_516 : vector<1x128xf32> to vector<8x128xf32>
    %sub3A_1396 = arith.subf %get3A_1394, %sub3A_1395 : vector<8x128xf32>
    %exp3A_1397 = math.exp %sub3A_1396 : vector<8x128xf32>
    %swap3A_1398 = arith.constant 784 : index
    %swap3A_1399 = arith.constant 0 : index
    %swap3A_1400 = vector.load %arg7[%swap3A_1398, %swap3A_1399] : memref<1024x128xf32, #tpu.memory_space<vmem>>, vector<8x128xf32>
    tpu.vector_store %arg7[%swap3A_1398, %swap3A_1399], %exp3A_1397 {strides = array<i32>} : memref<1024x128xf32, #tpu.memory_space<vmem>>, vector<8x128xf32>,
    %add3A_1401 = arith.addf %add3A_1391, %exp3A_1397 : vector<8x128xf32>
    %get3A_1402 = arith.constant 816 : index
    %get3A_1403 = arith.constant 0 : index
    %get3A_1404 = vector.load %arg1[%get3A_1402, %get3A_1403] : memref<1024x128xf32, #tpu.memory_space<vmem>>, vector<8x128xf32>
    %sub3A_1405 = vector.broadcast %max3A_516 : vector<1x128xf32> to vector<8x128xf32>
    %sub3A_1406 = arith.subf %get3A_1404, %sub3A_1405 : vector<8x128xf32>
    %exp3A_1407 = math.exp %sub3A_1406 : vector<8x128xf32>
    %swap3A_1408 = arith.constant 816 : index
    %swap3A_1409 = arith.constant 0 : index
    %swap3A_1410 = vector.load %arg7[%swap3A_1408, %swap3A_1409] : memref<1024x128xf32, #tpu.memory_space<vmem>>, vector<8x128xf32>
    tpu.vector_store %arg7[%swap3A_1408, %swap3A_1409], %exp3A_1407 {strides = array<i32>} : memref<1024x128xf32, #tpu.memory_space<vmem>>, vector<8x128xf32>,
    %add3A_1411 = arith.addf %add3A_1401, %exp3A_1407 : vector<8x128xf32>
    %get3A_1412 = arith.constant 848 : index
    %get3A_1413 = arith.constant 0 : index
    %get3A_1414 = vector.load %arg1[%get3A_1412, %get3A_1413] : memref<1024x128xf32, #tpu.memory_space<vmem>>, vector<8x128xf32>
    %sub3A_1415 = vector.broadcast %max3A_516 : vector<1x128xf32> to vector<8x128xf32>
    %sub3A_1416 = arith.subf %get3A_1414, %sub3A_1415 : vector<8x128xf32>
    %exp3A_1417 = math.exp %sub3A_1416 : vector<8x128xf32>
    %swap3A_1418 = arith.constant 848 : index
    %swap3A_1419 = arith.constant 0 : index
    %swap3A_1420 = vector.load %arg7[%swap3A_1418, %swap3A_1419] : memref<1024x128xf32, #tpu.memory_space<vmem>>, vector<8x128xf32>
    tpu.vector_store %arg7[%swap3A_1418, %swap3A_1419], %exp3A_1417 {strides = array<i32>} : memref<1024x128xf32, #tpu.memory_space<vmem>>, vector<8x128xf32>,
    %add3A_1421 = arith.addf %add3A_1411, %exp3A_1417 : vector<8x128xf32>
    %get3A_1422 = arith.constant 880 : index
    %get3A_1423 = arith.constant 0 : index
    %get3A_1424 = vector.load %arg1[%get3A_1422, %get3A_1423] : memref<1024x128xf32, #tpu.memory_space<vmem>>, vector<8x128xf32>
    %sub3A_1425 = vector.broadcast %max3A_516 : vector<1x128xf32> to vector<8x128xf32>
    %sub3A_1426 = arith.subf %get3A_1424, %sub3A_1425 : vector<8x128xf32>
    %exp3A_1427 = math.exp %sub3A_1426 : vector<8x128xf32>
    %swap3A_1428 = arith.constant 880 : index
    %swap3A_1429 = arith.constant 0 : index
    %swap3A_1430 = vector.load %arg7[%swap3A_1428, %swap3A_1429] : memref<1024x128xf32, #tpu.memory_space<vmem>>, vector<8x128xf32>
    tpu.vector_store %arg7[%swap3A_1428, %swap3A_1429], %exp3A_1427 {strides = array<i32>} : memref<1024x128xf32, #tpu.memory_space<vmem>>, vector<8x128xf32>,
    %add3A_1431 = arith.addf %add3A_1421, %exp3A_1427 : vector<8x128xf32>
    %get3A_1432 = arith.constant 912 : index
    %get3A_1433 = arith.constant 0 : index
    %get3A_1434 = vector.load %arg1[%get3A_1432, %get3A_1433] : memref<1024x128xf32, #tpu.memory_space<vmem>>, vector<8x128xf32>
    %sub3A_1435 = vector.broadcast %max3A_516 : vector<1x128xf32> to vector<8x128xf32>
    %sub3A_1436 = arith.subf %get3A_1434, %sub3A_1435 : vector<8x128xf32>
    %exp3A_1437 = math.exp %sub3A_1436 : vector<8x128xf32>
    %swap3A_1438 = arith.constant 912 : index
    %swap3A_1439 = arith.constant 0 : index
    %swap3A_1440 = vector.load %arg7[%swap3A_1438, %swap3A_1439] : memref<1024x128xf32, #tpu.memory_space<vmem>>, vector<8x128xf32>
    tpu.vector_store %arg7[%swap3A_1438, %swap3A_1439], %exp3A_1437 {strides = array<i32>} : memref<1024x128xf32, #tpu.memory_space<vmem>>, vector<8x128xf32>,
    %add3A_1441 = arith.addf %add3A_1431, %exp3A_1437 : vector<8x128xf32>
    %get3A_1442 = arith.constant 944 : index
    %get3A_1443 = arith.constant 0 : index
    %get3A_1444 = vector.load %arg1[%get3A_1442, %get3A_1443] : memref<1024x128xf32, #tpu.memory_space<vmem>>, vector<8x128xf32>
    %sub3A_1445 = vector.broadcast %max3A_516 : vector<1x128xf32> to vector<8x128xf32>
    %sub3A_1446 = arith.subf %get3A_1444, %sub3A_1445 : vector<8x128xf32>
    %exp3A_1447 = math.exp %sub3A_1446 : vector<8x128xf32>
    %swap3A_1448 = arith.constant 944 : index
    %swap3A_1449 = arith.constant 0 : index
    %swap3A_1450 = vector.load %arg7[%swap3A_1448, %swap3A_1449] : memref<1024x128xf32, #tpu.memory_space<vmem>>, vector<8x128xf32>
    tpu.vector_store %arg7[%swap3A_1448, %swap3A_1449], %exp3A_1447 {strides = array<i32>} : memref<1024x128xf32, #tpu.memory_space<vmem>>, vector<8x128xf32>,
    %add3A_1451 = arith.addf %add3A_1441, %exp3A_1447 : vector<8x128xf32>
    %get3A_1452 = arith.constant 976 : index
    %get3A_1453 = arith.constant 0 : index
    %get3A_1454 = vector.load %arg1[%get3A_1452, %get3A_1453] : memref<1024x128xf32, #tpu.memory_space<vmem>>, vector<8x128xf32>
    %sub3A_1455 = vector.broadcast %max3A_516 : vector<1x128xf32> to vector<8x128xf32>
    %sub3A_1456 = arith.subf %get3A_1454, %sub3A_1455 : vector<8x128xf32>
    %exp3A_1457 = math.exp %sub3A_1456 : vector<8x128xf32>
    %swap3A_1458 = arith.constant 976 : index
    %swap3A_1459 = arith.constant 0 : index
    %swap3A_1460 = vector.load %arg7[%swap3A_1458, %swap3A_1459] : memref<1024x128xf32, #tpu.memory_space<vmem>>, vector<8x128xf32>
    tpu.vector_store %arg7[%swap3A_1458, %swap3A_1459], %exp3A_1457 {strides = array<i32>} : memref<1024x128xf32, #tpu.memory_space<vmem>>, vector<8x128xf32>,
    %add3A_1461 = arith.addf %add3A_1451, %exp3A_1457 : vector<8x128xf32>
    %get3A_1462 = arith.constant 1008 : index
    %get3A_1463 = arith.constant 0 : index
    %get3A_1464 = vector.load %arg1[%get3A_1462, %get3A_1463] : memref<1024x128xf32, #tpu.memory_space<vmem>>, vector<8x128xf32>
    %sub3A_1465 = vector.broadcast %max3A_516 : vector<1x128xf32> to vector<8x128xf32>
    %sub3A_1466 = arith.subf %get3A_1464, %sub3A_1465 : vector<8x128xf32>
    %exp3A_1467 = math.exp %sub3A_1466 : vector<8x128xf32>
    %swap3A_1468 = arith.constant 1008 : index
    %swap3A_1469 = arith.constant 0 : index
    %swap3A_1470 = vector.load %arg7[%swap3A_1468, %swap3A_1469] : memref<1024x128xf32, #tpu.memory_space<vmem>>, vector<8x128xf32>
    tpu.vector_store %arg7[%swap3A_1468, %swap3A_1469], %exp3A_1467 {strides = array<i32>} : memref<1024x128xf32, #tpu.memory_space<vmem>>, vector<8x128xf32>,
    %add3A_1471 = arith.addf %add3A_1461, %exp3A_1467 : vector<8x128xf32>
    %get3A_1472 = arith.constant 24 : index
    %get3A_1473 = arith.constant 0 : index
    %get3A_1474 = vector.load %arg1[%get3A_1472, %get3A_1473] : memref<1024x128xf32, #tpu.memory_space<vmem>>, vector<8x128xf32>
    %sub3A_1475 = vector.broadcast %max3A_516 : vector<1x128xf32> to vector<8x128xf32>
    %sub3A_1476 = arith.subf %get3A_1474, %sub3A_1475 : vector<8x128xf32>
    %exp3A_1477 = math.exp %sub3A_1476 : vector<8x128xf32>
    %swap3A_1478 = arith.constant 24 : index
    %swap3A_1479 = arith.constant 0 : index
    %swap3A_1480 = vector.load %arg7[%swap3A_1478, %swap3A_1479] : memref<1024x128xf32, #tpu.memory_space<vmem>>, vector<8x128xf32>
    tpu.vector_store %arg7[%swap3A_1478, %swap3A_1479], %exp3A_1477 {strides = array<i32>} : memref<1024x128xf32, #tpu.memory_space<vmem>>, vector<8x128xf32>,
    %add3A_1481 = arith.addf %add3A_1471, %exp3A_1477 : vector<8x128xf32>
    %get3A_1482 = arith.constant 56 : index
    %get3A_1483 = arith.constant 0 : index
    %get3A_1484 = vector.load %arg1[%get3A_1482, %get3A_1483] : memref<1024x128xf32, #tpu.memory_space<vmem>>, vector<8x128xf32>
    %sub3A_1485 = vector.broadcast %max3A_516 : vector<1x128xf32> to vector<8x128xf32>
    %sub3A_1486 = arith.subf %get3A_1484, %sub3A_1485 : vector<8x128xf32>
    %exp3A_1487 = math.exp %sub3A_1486 : vector<8x128xf32>
    %swap3A_1488 = arith.constant 56 : index
    %swap3A_1489 = arith.constant 0 : index
    %swap3A_1490 = vector.load %arg7[%swap3A_1488, %swap3A_1489] : memref<1024x128xf32, #tpu.memory_space<vmem>>, vector<8x128xf32>
    tpu.vector_store %arg7[%swap3A_1488, %swap3A_1489], %exp3A_1487 {strides = array<i32>} : memref<1024x128xf32, #tpu.memory_space<vmem>>, vector<8x128xf32>,
    %add3A_1491 = arith.addf %add3A_1481, %exp3A_1487 : vector<8x128xf32>
    %get3A_1492 = arith.constant 88 : index
    %get3A_1493 = arith.constant 0 : index
    %get3A_1494 = vector.load %arg1[%get3A_1492, %get3A_1493] : memref<1024x128xf32, #tpu.memory_space<vmem>>, vector<8x128xf32>
    %sub3A_1495 = vector.broadcast %max3A_516 : vector<1x128xf32> to vector<8x128xf32>
    %sub3A_1496 = arith.subf %get3A_1494, %sub3A_1495 : vector<8x128xf32>
    %exp3A_1497 = math.exp %sub3A_1496 : vector<8x128xf32>
    %swap3A_1498 = arith.constant 88 : index
    %swap3A_1499 = arith.constant 0 : index
    %swap3A_1500 = vector.load %arg7[%swap3A_1498, %swap3A_1499] : memref<1024x128xf32, #tpu.memory_space<vmem>>, vector<8x128xf32>
    tpu.vector_store %arg7[%swap3A_1498, %swap3A_1499], %exp3A_1497 {strides = array<i32>} : memref<1024x128xf32, #tpu.memory_space<vmem>>, vector<8x128xf32>,
    %add3A_1501 = arith.addf %add3A_1491, %exp3A_1497 : vector<8x128xf32>
    %get3A_1502 = arith.constant 120 : index
    %get3A_1503 = arith.constant 0 : index
    %get3A_1504 = vector.load %arg1[%get3A_1502, %get3A_1503] : memref<1024x128xf32, #tpu.memory_space<vmem>>, vector<8x128xf32>
    %sub3A_1505 = vector.broadcast %max3A_516 : vector<1x128xf32> to vector<8x128xf32>
    %sub3A_1506 = arith.subf %get3A_1504, %sub3A_1505 : vector<8x128xf32>
    %exp3A_1507 = math.exp %sub3A_1506 : vector<8x128xf32>
    %swap3A_1508 = arith.constant 120 : index
    %swap3A_1509 = arith.constant 0 : index
    %swap3A_1510 = vector.load %arg7[%swap3A_1508, %swap3A_1509] : memref<1024x128xf32, #tpu.memory_space<vmem>>, vector<8x128xf32>
    tpu.vector_store %arg7[%swap3A_1508, %swap3A_1509], %exp3A_1507 {strides = array<i32>} : memref<1024x128xf32, #tpu.memory_space<vmem>>, vector<8x128xf32>,
    %add3A_1511 = arith.addf %add3A_1501, %exp3A_1507 : vector<8x128xf32>
    %get3A_1512 = arith.constant 152 : index
    %get3A_1513 = arith.constant 0 : index
    %get3A_1514 = vector.load %arg1[%get3A_1512, %get3A_1513] : memref<1024x128xf32, #tpu.memory_space<vmem>>, vector<8x128xf32>
    %sub3A_1515 = vector.broadcast %max3A_516 : vector<1x128xf32> to vector<8x128xf32>
    %sub3A_1516 = arith.subf %get3A_1514, %sub3A_1515 : vector<8x128xf32>
    %exp3A_1517 = math.exp %sub3A_1516 : vector<8x128xf32>
    %swap3A_1518 = arith.constant 152 : index
    %swap3A_1519 = arith.constant 0 : index
    %swap3A_1520 = vector.load %arg7[%swap3A_1518, %swap3A_1519] : memref<1024x128xf32, #tpu.memory_space<vmem>>, vector<8x128xf32>
    tpu.vector_store %arg7[%swap3A_1518, %swap3A_1519], %exp3A_1517 {strides = array<i32>} : memref<1024x128xf32, #tpu.memory_space<vmem>>, vector<8x128xf32>,
    %add3A_1521 = arith.addf %add3A_1511, %exp3A_1517 : vector<8x128xf32>
    %get3A_1522 = arith.constant 184 : index
    %get3A_1523 = arith.constant 0 : index
    %get3A_1524 = vector.load %arg1[%get3A_1522, %get3A_1523] : memref<1024x128xf32, #tpu.memory_space<vmem>>, vector<8x128xf32>
    %sub3A_1525 = vector.broadcast %max3A_516 : vector<1x128xf32> to vector<8x128xf32>
    %sub3A_1526 = arith.subf %get3A_1524, %sub3A_1525 : vector<8x128xf32>
    %exp3A_1527 = math.exp %sub3A_1526 : vector<8x128xf32>
    %swap3A_1528 = arith.constant 184 : index
    %swap3A_1529 = arith.constant 0 : index
    %swap3A_1530 = vector.load %arg7[%swap3A_1528, %swap3A_1529] : memref<1024x128xf32, #tpu.memory_space<vmem>>, vector<8x128xf32>
    tpu.vector_store %arg7[%swap3A_1528, %swap3A_1529], %exp3A_1527 {strides = array<i32>} : memref<1024x128xf32, #tpu.memory_space<vmem>>, vector<8x128xf32>,
    %add3A_1531 = arith.addf %add3A_1521, %exp3A_1527 : vector<8x128xf32>
    %get3A_1532 = arith.constant 216 : index
    %get3A_1533 = arith.constant 0 : index
    %get3A_1534 = vector.load %arg1[%get3A_1532, %get3A_1533] : memref<1024x128xf32, #tpu.memory_space<vmem>>, vector<8x128xf32>
    %sub3A_1535 = vector.broadcast %max3A_516 : vector<1x128xf32> to vector<8x128xf32>
    %sub3A_1536 = arith.subf %get3A_1534, %sub3A_1535 : vector<8x128xf32>
    %exp3A_1537 = math.exp %sub3A_1536 : vector<8x128xf32>
    %swap3A_1538 = arith.constant 216 : index
    %swap3A_1539 = arith.constant 0 : index
    %swap3A_1540 = vector.load %arg7[%swap3A_1538, %swap3A_1539] : memref<1024x128xf32, #tpu.memory_space<vmem>>, vector<8x128xf32>
    tpu.vector_store %arg7[%swap3A_1538, %swap3A_1539], %exp3A_1537 {strides = array<i32>} : memref<1024x128xf32, #tpu.memory_space<vmem>>, vector<8x128xf32>,
    %add3A_1541 = arith.addf %add3A_1531, %exp3A_1537 : vector<8x128xf32>
    %get3A_1542 = arith.constant 248 : index
    %get3A_1543 = arith.constant 0 : index
    %get3A_1544 = vector.load %arg1[%get3A_1542, %get3A_1543] : memref<1024x128xf32, #tpu.memory_space<vmem>>, vector<8x128xf32>
    %sub3A_1545 = vector.broadcast %max3A_516 : vector<1x128xf32> to vector<8x128xf32>
    %sub3A_1546 = arith.subf %get3A_1544, %sub3A_1545 : vector<8x128xf32>
    %exp3A_1547 = math.exp %sub3A_1546 : vector<8x128xf32>
    %swap3A_1548 = arith.constant 248 : index
    %swap3A_1549 = arith.constant 0 : index
    %swap3A_1550 = vector.load %arg7[%swap3A_1548, %swap3A_1549] : memref<1024x128xf32, #tpu.memory_space<vmem>>, vector<8x128xf32>
    tpu.vector_store %arg7[%swap3A_1548, %swap3A_1549], %exp3A_1547 {strides = array<i32>} : memref<1024x128xf32, #tpu.memory_space<vmem>>, vector<8x128xf32>,
    %add3A_1551 = arith.addf %add3A_1541, %exp3A_1547 : vector<8x128xf32>
    %get3A_1552 = arith.constant 280 : index
    %get3A_1553 = arith.constant 0 : index
    %get3A_1554 = vector.load %arg1[%get3A_1552, %get3A_1553] : memref<1024x128xf32, #tpu.memory_space<vmem>>, vector<8x128xf32>
    %sub3A_1555 = vector.broadcast %max3A_516 : vector<1x128xf32> to vector<8x128xf32>
    %sub3A_1556 = arith.subf %get3A_1554, %sub3A_1555 : vector<8x128xf32>
    %exp3A_1557 = math.exp %sub3A_1556 : vector<8x128xf32>
    %swap3A_1558 = arith.constant 280 : index
    %swap3A_1559 = arith.constant 0 : index
    %swap3A_1560 = vector.load %arg7[%swap3A_1558, %swap3A_1559] : memref<1024x128xf32, #tpu.memory_space<vmem>>, vector<8x128xf32>
    tpu.vector_store %arg7[%swap3A_1558, %swap3A_1559], %exp3A_1557 {strides = array<i32>} : memref<1024x128xf32, #tpu.memory_space<vmem>>, vector<8x128xf32>,
    %add3A_1561 = arith.addf %add3A_1551, %exp3A_1557 : vector<8x128xf32>
    %get3A_1562 = arith.constant 312 : index
    %get3A_1563 = arith.constant 0 : index
    %get3A_1564 = vector.load %arg1[%get3A_1562, %get3A_1563] : memref<1024x128xf32, #tpu.memory_space<vmem>>, vector<8x128xf32>
    %sub3A_1565 = vector.broadcast %max3A_516 : vector<1x128xf32> to vector<8x128xf32>
    %sub3A_1566 = arith.subf %get3A_1564, %sub3A_1565 : vector<8x128xf32>
    %exp3A_1567 = math.exp %sub3A_1566 : vector<8x128xf32>
    %swap3A_1568 = arith.constant 312 : index
    %swap3A_1569 = arith.constant 0 : index
    %swap3A_1570 = vector.load %arg7[%swap3A_1568, %swap3A_1569] : memref<1024x128xf32, #tpu.memory_space<vmem>>, vector<8x128xf32>
    tpu.vector_store %arg7[%swap3A_1568, %swap3A_1569], %exp3A_1567 {strides = array<i32>} : memref<1024x128xf32, #tpu.memory_space<vmem>>, vector<8x128xf32>,
    %add3A_1571 = arith.addf %add3A_1561, %exp3A_1567 : vector<8x128xf32>
    %get3A_1572 = arith.constant 344 : index
    %get3A_1573 = arith.constant 0 : index
    %get3A_1574 = vector.load %arg1[%get3A_1572, %get3A_1573] : memref<1024x128xf32, #tpu.memory_space<vmem>>, vector<8x128xf32>
    %sub3A_1575 = vector.broadcast %max3A_516 : vector<1x128xf32> to vector<8x128xf32>
    %sub3A_1576 = arith.subf %get3A_1574, %sub3A_1575 : vector<8x128xf32>
    %exp3A_1577 = math.exp %sub3A_1576 : vector<8x128xf32>
    %swap3A_1578 = arith.constant 344 : index
    %swap3A_1579 = arith.constant 0 : index
    %swap3A_1580 = vector.load %arg7[%swap3A_1578, %swap3A_1579] : memref<1024x128xf32, #tpu.memory_space<vmem>>, vector<8x128xf32>
    tpu.vector_store %arg7[%swap3A_1578, %swap3A_1579], %exp3A_1577 {strides = array<i32>} : memref<1024x128xf32, #tpu.memory_space<vmem>>, vector<8x128xf32>,
    %add3A_1581 = arith.addf %add3A_1571, %exp3A_1577 : vector<8x128xf32>
    %get3A_1582 = arith.constant 376 : index
    %get3A_1583 = arith.constant 0 : index
    %get3A_1584 = vector.load %arg1[%get3A_1582, %get3A_1583] : memref<1024x128xf32, #tpu.memory_space<vmem>>, vector<8x128xf32>
    %sub3A_1585 = vector.broadcast %max3A_516 : vector<1x128xf32> to vector<8x128xf32>
    %sub3A_1586 = arith.subf %get3A_1584, %sub3A_1585 : vector<8x128xf32>
    %exp3A_1587 = math.exp %sub3A_1586 : vector<8x128xf32>
    %swap3A_1588 = arith.constant 376 : index
    %swap3A_1589 = arith.constant 0 : index
    %swap3A_1590 = vector.load %arg7[%swap3A_1588, %swap3A_1589] : memref<1024x128xf32, #tpu.memory_space<vmem>>, vector<8x128xf32>
    tpu.vector_store %arg7[%swap3A_1588, %swap3A_1589], %exp3A_1587 {strides = array<i32>} : memref<1024x128xf32, #tpu.memory_space<vmem>>, vector<8x128xf32>,
    %add3A_1591 = arith.addf %add3A_1581, %exp3A_1587 : vector<8x128xf32>
    %get3A_1592 = arith.constant 408 : index
    %get3A_1593 = arith.constant 0 : index
    %get3A_1594 = vector.load %arg1[%get3A_1592, %get3A_1593] : memref<1024x128xf32, #tpu.memory_space<vmem>>, vector<8x128xf32>
    %sub3A_1595 = vector.broadcast %max3A_516 : vector<1x128xf32> to vector<8x128xf32>
    %sub3A_1596 = arith.subf %get3A_1594, %sub3A_1595 : vector<8x128xf32>
    %exp3A_1597 = math.exp %sub3A_1596 : vector<8x128xf32>
    %swap3A_1598 = arith.constant 408 : index
    %swap3A_1599 = arith.constant 0 : index
    %swap3A_1600 = vector.load %arg7[%swap3A_1598, %swap3A_1599] : memref<1024x128xf32, #tpu.memory_space<vmem>>, vector<8x128xf32>
    tpu.vector_store %arg7[%swap3A_1598, %swap3A_1599], %exp3A_1597 {strides = array<i32>} : memref<1024x128xf32, #tpu.memory_space<vmem>>, vector<8x128xf32>,
    %add3A_1601 = arith.addf %add3A_1591, %exp3A_1597 : vector<8x128xf32>
    %get3A_1602 = arith.constant 440 : index
    %get3A_1603 = arith.constant 0 : index
    %get3A_1604 = vector.load %arg1[%get3A_1602, %get3A_1603] : memref<1024x128xf32, #tpu.memory_space<vmem>>, vector<8x128xf32>
    %sub3A_1605 = vector.broadcast %max3A_516 : vector<1x128xf32> to vector<8x128xf32>
    %sub3A_1606 = arith.subf %get3A_1604, %sub3A_1605 : vector<8x128xf32>
    %exp3A_1607 = math.exp %sub3A_1606 : vector<8x128xf32>
    %swap3A_1608 = arith.constant 440 : index
    %swap3A_1609 = arith.constant 0 : index
    %swap3A_1610 = vector.load %arg7[%swap3A_1608, %swap3A_1609] : memref<1024x128xf32, #tpu.memory_space<vmem>>, vector<8x128xf32>
    tpu.vector_store %arg7[%swap3A_1608, %swap3A_1609], %exp3A_1607 {strides = array<i32>} : memref<1024x128xf32, #tpu.memory_space<vmem>>, vector<8x128xf32>,
    %add3A_1611 = arith.addf %add3A_1601, %exp3A_1607 : vector<8x128xf32>
    %get3A_1612 = arith.constant 472 : index
    %get3A_1613 = arith.constant 0 : index
    %get3A_1614 = vector.load %arg1[%get3A_1612, %get3A_1613] : memref<1024x128xf32, #tpu.memory_space<vmem>>, vector<8x128xf32>
    %sub3A_1615 = vector.broadcast %max3A_516 : vector<1x128xf32> to vector<8x128xf32>
    %sub3A_1616 = arith.subf %get3A_1614, %sub3A_1615 : vector<8x128xf32>
    %exp3A_1617 = math.exp %sub3A_1616 : vector<8x128xf32>
    %swap3A_1618 = arith.constant 472 : index
    %swap3A_1619 = arith.constant 0 : index
    %swap3A_1620 = vector.load %arg7[%swap3A_1618, %swap3A_1619] : memref<1024x128xf32, #tpu.memory_space<vmem>>, vector<8x128xf32>
    tpu.vector_store %arg7[%swap3A_1618, %swap3A_1619], %exp3A_1617 {strides = array<i32>} : memref<1024x128xf32, #tpu.memory_space<vmem>>, vector<8x128xf32>,
    %add3A_1621 = arith.addf %add3A_1611, %exp3A_1617 : vector<8x128xf32>
    %get3A_1622 = arith.constant 504 : index
    %get3A_1623 = arith.constant 0 : index
    %get3A_1624 = vector.load %arg1[%get3A_1622, %get3A_1623] : memref<1024x128xf32, #tpu.memory_space<vmem>>, vector<8x128xf32>
    %sub3A_1625 = vector.broadcast %max3A_516 : vector<1x128xf32> to vector<8x128xf32>
    %sub3A_1626 = arith.subf %get3A_1624, %sub3A_1625 : vector<8x128xf32>
    %exp3A_1627 = math.exp %sub3A_1626 : vector<8x128xf32>
    %swap3A_1628 = arith.constant 504 : index
    %swap3A_1629 = arith.constant 0 : index
    %swap3A_1630 = vector.load %arg7[%swap3A_1628, %swap3A_1629] : memref<1024x128xf32, #tpu.memory_space<vmem>>, vector<8x128xf32>
    tpu.vector_store %arg7[%swap3A_1628, %swap3A_1629], %exp3A_1627 {strides = array<i32>} : memref<1024x128xf32, #tpu.memory_space<vmem>>, vector<8x128xf32>,
    %add3A_1631 = arith.addf %add3A_1621, %exp3A_1627 : vector<8x128xf32>
    %get3A_1632 = arith.constant 536 : index
    %get3A_1633 = arith.constant 0 : index
    %get3A_1634 = vector.load %arg1[%get3A_1632, %get3A_1633] : memref<1024x128xf32, #tpu.memory_space<vmem>>, vector<8x128xf32>
    %sub3A_1635 = vector.broadcast %max3A_516 : vector<1x128xf32> to vector<8x128xf32>
    %sub3A_1636 = arith.subf %get3A_1634, %sub3A_1635 : vector<8x128xf32>
    %exp3A_1637 = math.exp %sub3A_1636 : vector<8x128xf32>
    %swap3A_1638 = arith.constant 536 : index
    %swap3A_1639 = arith.constant 0 : index
    %swap3A_1640 = vector.load %arg7[%swap3A_1638, %swap3A_1639] : memref<1024x128xf32, #tpu.memory_space<vmem>>, vector<8x128xf32>
    tpu.vector_store %arg7[%swap3A_1638, %swap3A_1639], %exp3A_1637 {strides = array<i32>} : memref<1024x128xf32, #tpu.memory_space<vmem>>, vector<8x128xf32>,
    %add3A_1641 = arith.addf %add3A_1631, %exp3A_1637 : vector<8x128xf32>
    %get3A_1642 = arith.constant 568 : index
    %get3A_1643 = arith.constant 0 : index
    %get3A_1644 = vector.load %arg1[%get3A_1642, %get3A_1643] : memref<1024x128xf32, #tpu.memory_space<vmem>>, vector<8x128xf32>
    %sub3A_1645 = vector.broadcast %max3A_516 : vector<1x128xf32> to vector<8x128xf32>
    %sub3A_1646 = arith.subf %get3A_1644, %sub3A_1645 : vector<8x128xf32>
    %exp3A_1647 = math.exp %sub3A_1646 : vector<8x128xf32>
    %swap3A_1648 = arith.constant 568 : index
    %swap3A_1649 = arith.constant 0 : index
    %swap3A_1650 = vector.load %arg7[%swap3A_1648, %swap3A_1649] : memref<1024x128xf32, #tpu.memory_space<vmem>>, vector<8x128xf32>
    tpu.vector_store %arg7[%swap3A_1648, %swap3A_1649], %exp3A_1647 {strides = array<i32>} : memref<1024x128xf32, #tpu.memory_space<vmem>>, vector<8x128xf32>,
    %add3A_1651 = arith.addf %add3A_1641, %exp3A_1647 : vector<8x128xf32>
    %get3A_1652 = arith.constant 600 : index
    %get3A_1653 = arith.constant 0 : index
    %get3A_1654 = vector.load %arg1[%get3A_1652, %get3A_1653] : memref<1024x128xf32, #tpu.memory_space<vmem>>, vector<8x128xf32>
    %sub3A_1655 = vector.broadcast %max3A_516 : vector<1x128xf32> to vector<8x128xf32>
    %sub3A_1656 = arith.subf %get3A_1654, %sub3A_1655 : vector<8x128xf32>
    %exp3A_1657 = math.exp %sub3A_1656 : vector<8x128xf32>
    %swap3A_1658 = arith.constant 600 : index
    %swap3A_1659 = arith.constant 0 : index
    %swap3A_1660 = vector.load %arg7[%swap3A_1658, %swap3A_1659] : memref<1024x128xf32, #tpu.memory_space<vmem>>, vector<8x128xf32>
    tpu.vector_store %arg7[%swap3A_1658, %swap3A_1659], %exp3A_1657 {strides = array<i32>} : memref<1024x128xf32, #tpu.memory_space<vmem>>, vector<8x128xf32>,
    %add3A_1661 = arith.addf %add3A_1651, %exp3A_1657 : vector<8x128xf32>
    %get3A_1662 = arith.constant 632 : index
    %get3A_1663 = arith.constant 0 : index
    %get3A_1664 = vector.load %arg1[%get3A_1662, %get3A_1663] : memref<1024x128xf32, #tpu.memory_space<vmem>>, vector<8x128xf32>
    %sub3A_1665 = vector.broadcast %max3A_516 : vector<1x128xf32> to vector<8x128xf32>
    %sub3A_1666 = arith.subf %get3A_1664, %sub3A_1665 : vector<8x128xf32>
    %exp3A_1667 = math.exp %sub3A_1666 : vector<8x128xf32>
    %swap3A_1668 = arith.constant 632 : index
    %swap3A_1669 = arith.constant 0 : index
    %swap3A_1670 = vector.load %arg7[%swap3A_1668, %swap3A_1669] : memref<1024x128xf32, #tpu.memory_space<vmem>>, vector<8x128xf32>
    tpu.vector_store %arg7[%swap3A_1668, %swap3A_1669], %exp3A_1667 {strides = array<i32>} : memref<1024x128xf32, #tpu.memory_space<vmem>>, vector<8x128xf32>,
    %add3A_1671 = arith.addf %add3A_1661, %exp3A_1667 : vector<8x128xf32>
    %get3A_1672 = arith.constant 664 : index
    %get3A_1673 = arith.constant 0 : index
    %get3A_1674 = vector.load %arg1[%get3A_1672, %get3A_1673] : memref<1024x128xf32, #tpu.memory_space<vmem>>, vector<8x128xf32>
    %sub3A_1675 = vector.broadcast %max3A_516 : vector<1x128xf32> to vector<8x128xf32>
    %sub3A_1676 = arith.subf %get3A_1674, %sub3A_1675 : vector<8x128xf32>
    %exp3A_1677 = math.exp %sub3A_1676 : vector<8x128xf32>
    %swap3A_1678 = arith.constant 664 : index
    %swap3A_1679 = arith.constant 0 : index
    %swap3A_1680 = vector.load %arg7[%swap3A_1678, %swap3A_1679] : memref<1024x128xf32, #tpu.memory_space<vmem>>, vector<8x128xf32>
    tpu.vector_store %arg7[%swap3A_1678, %swap3A_1679], %exp3A_1677 {strides = array<i32>} : memref<1024x128xf32, #tpu.memory_space<vmem>>, vector<8x128xf32>,
    %add3A_1681 = arith.addf %add3A_1671, %exp3A_1677 : vector<8x128xf32>
    %get3A_1682 = arith.constant 696 : index
    %get3A_1683 = arith.constant 0 : index
    %get3A_1684 = vector.load %arg1[%get3A_1682, %get3A_1683] : memref<1024x128xf32, #tpu.memory_space<vmem>>, vector<8x128xf32>
    %sub3A_1685 = vector.broadcast %max3A_516 : vector<1x128xf32> to vector<8x128xf32>
    %sub3A_1686 = arith.subf %get3A_1684, %sub3A_1685 : vector<8x128xf32>
    %exp3A_1687 = math.exp %sub3A_1686 : vector<8x128xf32>
    %swap3A_1688 = arith.constant 696 : index
    %swap3A_1689 = arith.constant 0 : index
    %swap3A_1690 = vector.load %arg7[%swap3A_1688, %swap3A_1689] : memref<1024x128xf32, #tpu.memory_space<vmem>>, vector<8x128xf32>
    tpu.vector_store %arg7[%swap3A_1688, %swap3A_1689], %exp3A_1687 {strides = array<i32>} : memref<1024x128xf32, #tpu.memory_space<vmem>>, vector<8x128xf32>,
    %add3A_1691 = arith.addf %add3A_1681, %exp3A_1687 : vector<8x128xf32>
    %get3A_1692 = arith.constant 728 : index
    %get3A_1693 = arith.constant 0 : index
    %get3A_1694 = vector.load %arg1[%get3A_1692, %get3A_1693] : memref<1024x128xf32, #tpu.memory_space<vmem>>, vector<8x128xf32>
    %sub3A_1695 = vector.broadcast %max3A_516 : vector<1x128xf32> to vector<8x128xf32>
    %sub3A_1696 = arith.subf %get3A_1694, %sub3A_1695 : vector<8x128xf32>
    %exp3A_1697 = math.exp %sub3A_1696 : vector<8x128xf32>
    %swap3A_1698 = arith.constant 728 : index
    %swap3A_1699 = arith.constant 0 : index
    %swap3A_1700 = vector.load %arg7[%swap3A_1698, %swap3A_1699] : memref<1024x128xf32, #tpu.memory_space<vmem>>, vector<8x128xf32>
    tpu.vector_store %arg7[%swap3A_1698, %swap3A_1699], %exp3A_1697 {strides = array<i32>} : memref<1024x128xf32, #tpu.memory_space<vmem>>, vector<8x128xf32>,
    %add3A_1701 = arith.addf %add3A_1691, %exp3A_1697 : vector<8x128xf32>
    %get3A_1702 = arith.constant 760 : index
    %get3A_1703 = arith.constant 0 : index
    %get3A_1704 = vector.load %arg1[%get3A_1702, %get3A_1703] : memref<1024x128xf32, #tpu.memory_space<vmem>>, vector<8x128xf32>
    %sub3A_1705 = vector.broadcast %max3A_516 : vector<1x128xf32> to vector<8x128xf32>
    %sub3A_1706 = arith.subf %get3A_1704, %sub3A_1705 : vector<8x128xf32>
    %exp3A_1707 = math.exp %sub3A_1706 : vector<8x128xf32>
    %swap3A_1708 = arith.constant 760 : index
    %swap3A_1709 = arith.constant 0 : index
    %swap3A_1710 = vector.load %arg7[%swap3A_1708, %swap3A_1709] : memref<1024x128xf32, #tpu.memory_space<vmem>>, vector<8x128xf32>
    tpu.vector_store %arg7[%swap3A_1708, %swap3A_1709], %exp3A_1707 {strides = array<i32>} : memref<1024x128xf32, #tpu.memory_space<vmem>>, vector<8x128xf32>,
    %add3A_1711 = arith.addf %add3A_1701, %exp3A_1707 : vector<8x128xf32>
    %get3A_1712 = arith.constant 792 : index
    %get3A_1713 = arith.constant 0 : index
    %get3A_1714 = vector.load %arg1[%get3A_1712, %get3A_1713] : memref<1024x128xf32, #tpu.memory_space<vmem>>, vector<8x128xf32>
    %sub3A_1715 = vector.broadcast %max3A_516 : vector<1x128xf32> to vector<8x128xf32>
    %sub3A_1716 = arith.subf %get3A_1714, %sub3A_1715 : vector<8x128xf32>
    %exp3A_1717 = math.exp %sub3A_1716 : vector<8x128xf32>
    %swap3A_1718 = arith.constant 792 : index
    %swap3A_1719 = arith.constant 0 : index
    %swap3A_1720 = vector.load %arg7[%swap3A_1718, %swap3A_1719] : memref<1024x128xf32, #tpu.memory_space<vmem>>, vector<8x128xf32>
    tpu.vector_store %arg7[%swap3A_1718, %swap3A_1719], %exp3A_1717 {strides = array<i32>} : memref<1024x128xf32, #tpu.memory_space<vmem>>, vector<8x128xf32>,
    %add3A_1721 = arith.addf %add3A_1711, %exp3A_1717 : vector<8x128xf32>
    %get3A_1722 = arith.constant 824 : index
    %get3A_1723 = arith.constant 0 : index
    %get3A_1724 = vector.load %arg1[%get3A_1722, %get3A_1723] : memref<1024x128xf32, #tpu.memory_space<vmem>>, vector<8x128xf32>
    %sub3A_1725 = vector.broadcast %max3A_516 : vector<1x128xf32> to vector<8x128xf32>
    %sub3A_1726 = arith.subf %get3A_1724, %sub3A_1725 : vector<8x128xf32>
    %exp3A_1727 = math.exp %sub3A_1726 : vector<8x128xf32>
    %swap3A_1728 = arith.constant 824 : index
    %swap3A_1729 = arith.constant 0 : index
    %swap3A_1730 = vector.load %arg7[%swap3A_1728, %swap3A_1729] : memref<1024x128xf32, #tpu.memory_space<vmem>>, vector<8x128xf32>
    tpu.vector_store %arg7[%swap3A_1728, %swap3A_1729], %exp3A_1727 {strides = array<i32>} : memref<1024x128xf32, #tpu.memory_space<vmem>>, vector<8x128xf32>,
    %add3A_1731 = arith.addf %add3A_1721, %exp3A_1727 : vector<8x128xf32>
    %get3A_1732 = arith.constant 856 : index
    %get3A_1733 = arith.constant 0 : index
    %get3A_1734 = vector.load %arg1[%get3A_1732, %get3A_1733] : memref<1024x128xf32, #tpu.memory_space<vmem>>, vector<8x128xf32>
    %sub3A_1735 = vector.broadcast %max3A_516 : vector<1x128xf32> to vector<8x128xf32>
    %sub3A_1736 = arith.subf %get3A_1734, %sub3A_1735 : vector<8x128xf32>
    %exp3A_1737 = math.exp %sub3A_1736 : vector<8x128xf32>
    %swap3A_1738 = arith.constant 856 : index
    %swap3A_1739 = arith.constant 0 : index
    %swap3A_1740 = vector.load %arg7[%swap3A_1738, %swap3A_1739] : memref<1024x128xf32, #tpu.memory_space<vmem>>, vector<8x128xf32>
    tpu.vector_store %arg7[%swap3A_1738, %swap3A_1739], %exp3A_1737 {strides = array<i32>} : memref<1024x128xf32, #tpu.memory_space<vmem>>, vector<8x128xf32>,
    %add3A_1741 = arith.addf %add3A_1731, %exp3A_1737 : vector<8x128xf32>
    %get3A_1742 = arith.constant 888 : index
    %get3A_1743 = arith.constant 0 : index
    %get3A_1744 = vector.load %arg1[%get3A_1742, %get3A_1743] : memref<1024x128xf32, #tpu.memory_space<vmem>>, vector<8x128xf32>
    %sub3A_1745 = vector.broadcast %max3A_516 : vector<1x128xf32> to vector<8x128xf32>
    %sub3A_1746 = arith.subf %get3A_1744, %sub3A_1745 : vector<8x128xf32>
    %exp3A_1747 = math.exp %sub3A_1746 : vector<8x128xf32>
    %swap3A_1748 = arith.constant 888 : index
    %swap3A_1749 = arith.constant 0 : index
    %swap3A_1750 = vector.load %arg7[%swap3A_1748, %swap3A_1749] : memref<1024x128xf32, #tpu.memory_space<vmem>>, vector<8x128xf32>
    tpu.vector_store %arg7[%swap3A_1748, %swap3A_1749], %exp3A_1747 {strides = array<i32>} : memref<1024x128xf32, #tpu.memory_space<vmem>>, vector<8x128xf32>,
    %add3A_1751 = arith.addf %add3A_1741, %exp3A_1747 : vector<8x128xf32>
    %get3A_1752 = arith.constant 920 : index
    %get3A_1753 = arith.constant 0 : index
    %get3A_1754 = vector.load %arg1[%get3A_1752, %get3A_1753] : memref<1024x128xf32, #tpu.memory_space<vmem>>, vector<8x128xf32>
    %sub3A_1755 = vector.broadcast %max3A_516 : vector<1x128xf32> to vector<8x128xf32>
    %sub3A_1756 = arith.subf %get3A_1754, %sub3A_1755 : vector<8x128xf32>
    %exp3A_1757 = math.exp %sub3A_1756 : vector<8x128xf32>
    %swap3A_1758 = arith.constant 920 : index
    %swap3A_1759 = arith.constant 0 : index
    %swap3A_1760 = vector.load %arg7[%swap3A_1758, %swap3A_1759] : memref<1024x128xf32, #tpu.memory_space<vmem>>, vector<8x128xf32>
    tpu.vector_store %arg7[%swap3A_1758, %swap3A_1759], %exp3A_1757 {strides = array<i32>} : memref<1024x128xf32, #tpu.memory_space<vmem>>, vector<8x128xf32>,
    %add3A_1761 = arith.addf %add3A_1751, %exp3A_1757 : vector<8x128xf32>
    %get3A_1762 = arith.constant 952 : index
    %get3A_1763 = arith.constant 0 : index
    %get3A_1764 = vector.load %arg1[%get3A_1762, %get3A_1763] : memref<1024x128xf32, #tpu.memory_space<vmem>>, vector<8x128xf32>
    %sub3A_1765 = vector.broadcast %max3A_516 : vector<1x128xf32> to vector<8x128xf32>
    %sub3A_1766 = arith.subf %get3A_1764, %sub3A_1765 : vector<8x128xf32>
    %exp3A_1767 = math.exp %sub3A_1766 : vector<8x128xf32>
    %swap3A_1768 = arith.constant 952 : index
    %swap3A_1769 = arith.constant 0 : index
    %swap3A_1770 = vector.load %arg7[%swap3A_1768, %swap3A_1769] : memref<1024x128xf32, #tpu.memory_space<vmem>>, vector<8x128xf32>
    tpu.vector_store %arg7[%swap3A_1768, %swap3A_1769], %exp3A_1767 {strides = array<i32>} : memref<1024x128xf32, #tpu.memory_space<vmem>>, vector<8x128xf32>,
    %add3A_1771 = arith.addf %add3A_1761, %exp3A_1767 : vector<8x128xf32>
    %get3A_1772 = arith.constant 984 : index
    %get3A_1773 = arith.constant 0 : index
    %get3A_1774 = vector.load %arg1[%get3A_1772, %get3A_1773] : memref<1024x128xf32, #tpu.memory_space<vmem>>, vector<8x128xf32>
    %sub3A_1775 = vector.broadcast %max3A_516 : vector<1x128xf32> to vector<8x128xf32>
    %sub3A_1776 = arith.subf %get3A_1774, %sub3A_1775 : vector<8x128xf32>
    %exp3A_1777 = math.exp %sub3A_1776 : vector<8x128xf32>
    %swap3A_1778 = arith.constant 984 : index
    %swap3A_1779 = arith.constant 0 : index
    %swap3A_1780 = vector.load %arg7[%swap3A_1778, %swap3A_1779] : memref<1024x128xf32, #tpu.memory_space<vmem>>, vector<8x128xf32>
    tpu.vector_store %arg7[%swap3A_1778, %swap3A_1779], %exp3A_1777 {strides = array<i32>} : memref<1024x128xf32, #tpu.memory_space<vmem>>, vector<8x128xf32>,
    %add3A_1781 = arith.addf %add3A_1771, %exp3A_1777 : vector<8x128xf32>
    %get3A_1782 = arith.constant 1016 : index
    %get3A_1783 = arith.constant 0 : index
    %get3A_1784 = vector.load %arg1[%get3A_1782, %get3A_1783] : memref<1024x128xf32, #tpu.memory_space<vmem>>, vector<8x128xf32>
    %sub3A_1785 = vector.broadcast %max3A_516 : vector<1x128xf32> to vector<8x128xf32>
    %sub3A_1786 = arith.subf %get3A_1784, %sub3A_1785 : vector<8x128xf32>
    %exp3A_1787 = math.exp %sub3A_1786 : vector<8x128xf32>
    %swap3A_1788 = arith.constant 1016 : index
    %swap3A_1789 = arith.constant 0 : index
    %swap3A_1790 = vector.load %arg7[%swap3A_1788, %swap3A_1789] : memref<1024x128xf32, #tpu.memory_space<vmem>>, vector<8x128xf32>
    tpu.vector_store %arg7[%swap3A_1788, %swap3A_1789], %exp3A_1787 {strides = array<i32>} : memref<1024x128xf32, #tpu.memory_space<vmem>>, vector<8x128xf32>,
    %add3A_1791 = arith.addf %add3A_1781, %exp3A_1787 : vector<8x128xf32>
    %slice3A_1792 = vector.extract_strided_slice %add3A_1791 {offsets = [0, 0], sizes = [4, 128], strides = [1, 1]} : vector<8x128xf32> to vector<4x128xf32>
    %slice3A_1793 = vector.extract_strided_slice %add3A_1791 {offsets = [4, 0], sizes = [4, 128], strides = [1, 1]} : vector<8x128xf32> to vector<4x128xf32>
    %add3A_1794 = arith.addf %slice3A_1792, %slice3A_1793 : vector<4x128xf32>
    %slice3A_1795 = vector.extract_strided_slice %add3A_1794 {offsets = [0, 0], sizes = [2, 128], strides = [1, 1]} : vector<4x128xf32> to vector<2x128xf32>
    %slice3A_1796 = vector.extract_strided_slice %add3A_1794 {offsets = [2, 0], sizes = [2, 128], strides = [1, 1]} : vector<4x128xf32> to vector<2x128xf32>
    %add3A_1797 = arith.addf %slice3A_1795, %slice3A_1796 : vector<2x128xf32>
    %slice3A_1798 = vector.extract_strided_slice %add3A_1797 {offsets = [0, 0], sizes = [1, 128], strides = [1, 1]} : vector<2x128xf32> to vector<1x128xf32>
    %slice3A_1799 = vector.extract_strided_slice %add3A_1797 {offsets = [1, 0], sizes = [1, 128], strides = [1, 1]} : vector<2x128xf32> to vector<1x128xf32>
    %add3A_1800 = arith.addf %slice3A_1798, %slice3A_1799 : vector<1x128xf32>
    %reciprocal3A = tpu.reciprocal %add3A_1800 {approx = true} : vector<1x128xf32> -> vector<1x128xf32>
    %get3A_1801 = arith.constant 0 : index
    %get3A_1802 = arith.constant 0 : index
    %get3A_1803 = vector.load %arg7[%get3A_1801, %get3A_1802] : memref<1024x128xf32, #tpu.memory_space<vmem>>, vector<8x128xf32>
    %mul3A = vector.broadcast %reciprocal3A : vector<1x128xf32> to vector<8x128xf32>
    %mul3A_1804 = arith.mulf %get3A_1803, %mul3A : vector<8x128xf32>
    %get3A_1805 = arith.constant 0 : index
    %get3A_1806 = arith.constant 0 : index
    %get3A_1807 = vector.load %arg2[%get3A_1805, %get3A_1806] : memref<1024x1xf32, #tpu.memory_space<vmem>>, vector<8x1xf32>
    %mul3A_1808 = vector.broadcast %get3A_1807 : vector<8x1xf32> to vector<8x128xf32>
    %mul3A_1809 = arith.mulf %mul3A_1808, %mul3A_1804 : vector<8x128xf32>
    %get3A_1810 = arith.constant 0 : index
    %get3A_1811 = arith.constant 0 : index
    %get3A_1812 = vector.load %arg3[%get3A_1810, %get3A_1811] : memref<1024x1xf32, #tpu.memory_space<vmem>>, vector<8x1xf32>
    %mul3A_1813 = vector.broadcast %get3A_1812 : vector<8x1xf32> to vector<8x128xf32>
    %mul3A_1814 = arith.mulf %mul3A_1813, %mul3A_1804 : vector<8x128xf32>
    %get3A_1815 = arith.constant 8 : index
    %get3A_1816 = arith.constant 0 : index
    %get3A_1817 = vector.load %arg7[%get3A_1815, %get3A_1816] : memref<1024x128xf32, #tpu.memory_space<vmem>>, vector<8x128xf32>
    %mul3A_1818 = vector.broadcast %reciprocal3A : vector<1x128xf32> to vector<8x128xf32>
    %mul3A_1819 = arith.mulf %get3A_1817, %mul3A_1818 : vector<8x128xf32>
    %get3A_1820 = arith.constant 8 : index
    %get3A_1821 = arith.constant 0 : index
    %get3A_1822 = vector.load %arg2[%get3A_1820, %get3A_1821] : memref<1024x1xf32, #tpu.memory_space<vmem>>, vector<8x1xf32>
    %mul3A_1823 = vector.broadcast %get3A_1822 : vector<8x1xf32> to vector<8x128xf32>
    %mul3A_1824 = arith.mulf %mul3A_1823, %mul3A_1819 : vector<8x128xf32>
    %get3A_1825 = arith.constant 8 : index
    %get3A_1826 = arith.constant 0 : index
    %get3A_1827 = vector.load %arg3[%get3A_1825, %get3A_1826] : memref<1024x1xf32, #tpu.memory_space<vmem>>, vector<8x1xf32>
    %mul3A_1828 = vector.broadcast %get3A_1827 : vector<8x1xf32> to vector<8x128xf32>
    %mul3A_1829 = arith.mulf %mul3A_1828, %mul3A_1819 : vector<8x128xf32>
    %add3A_1830 = arith.addf %mul3A_1809, %mul3A_1824 : vector<8x128xf32>
    %add3A_1831 = arith.addf %mul3A_1814, %mul3A_1829 : vector<8x128xf32>
    %get3A_1832 = arith.constant 16 : index
    %get3A_1833 = arith.constant 0 : index
    %get3A_1834 = vector.load %arg7[%get3A_1832, %get3A_1833] : memref<1024x128xf32, #tpu.memory_space<vmem>>, vector<8x128xf32>
    %mul3A_1835 = vector.broadcast %reciprocal3A : vector<1x128xf32> to vector<8x128xf32>
    %mul3A_1836 = arith.mulf %get3A_1834, %mul3A_1835 : vector<8x128xf32>
    %get3A_1837 = arith.constant 16 : index
    %get3A_1838 = arith.constant 0 : index
    %get3A_1839 = vector.load %arg2[%get3A_1837, %get3A_1838] : memref<1024x1xf32, #tpu.memory_space<vmem>>, vector<8x1xf32>
    %mul3A_1840 = vector.broadcast %get3A_1839 : vector<8x1xf32> to vector<8x128xf32>
    %mul3A_1841 = arith.mulf %mul3A_1840, %mul3A_1836 : vector<8x128xf32>
    %get3A_1842 = arith.constant 16 : index
    %get3A_1843 = arith.constant 0 : index
    %get3A_1844 = vector.load %arg3[%get3A_1842, %get3A_1843] : memref<1024x1xf32, #tpu.memory_space<vmem>>, vector<8x1xf32>
    %mul3A_1845 = vector.broadcast %get3A_1844 : vector<8x1xf32> to vector<8x128xf32>
    %mul3A_1846 = arith.mulf %mul3A_1845, %mul3A_1836 : vector<8x128xf32>
    %add3A_1847 = arith.addf %add3A_1830, %mul3A_1841 : vector<8x128xf32>
    %add3A_1848 = arith.addf %add3A_1831, %mul3A_1846 : vector<8x128xf32>
    %get3A_1849 = arith.constant 24 : index
    %get3A_1850 = arith.constant 0 : index
    %get3A_1851 = vector.load %arg7[%get3A_1849, %get3A_1850] : memref<1024x128xf32, #tpu.memory_space<vmem>>, vector<8x128xf32>
    %mul3A_1852 = vector.broadcast %reciprocal3A : vector<1x128xf32> to vector<8x128xf32>
    %mul3A_1853 = arith.mulf %get3A_1851, %mul3A_1852 : vector<8x128xf32>
    %get3A_1854 = arith.constant 24 : index
    %get3A_1855 = arith.constant 0 : index
    %get3A_1856 = vector.load %arg2[%get3A_1854, %get3A_1855] : memref<1024x1xf32, #tpu.memory_space<vmem>>, vector<8x1xf32>
    %mul3A_1857 = vector.broadcast %get3A_1856 : vector<8x1xf32> to vector<8x128xf32>
    %mul3A_1858 = arith.mulf %mul3A_1857, %mul3A_1853 : vector<8x128xf32>
    %get3A_1859 = arith.constant 24 : index
    %get3A_1860 = arith.constant 0 : index
    %get3A_1861 = vector.load %arg3[%get3A_1859, %get3A_1860] : memref<1024x1xf32, #tpu.memory_space<vmem>>, vector<8x1xf32>
    %mul3A_1862 = vector.broadcast %get3A_1861 : vector<8x1xf32> to vector<8x128xf32>
    %mul3A_1863 = arith.mulf %mul3A_1862, %mul3A_1853 : vector<8x128xf32>
    %add3A_1864 = arith.addf %add3A_1847, %mul3A_1858 : vector<8x128xf32>
    %add3A_1865 = arith.addf %add3A_1848, %mul3A_1863 : vector<8x128xf32>
    %get3A_1866 = arith.constant 32 : index
    %get3A_1867 = arith.constant 0 : index
    %get3A_1868 = vector.load %arg7[%get3A_1866, %get3A_1867] : memref<1024x128xf32, #tpu.memory_space<vmem>>, vector<8x128xf32>
    %mul3A_1869 = vector.broadcast %reciprocal3A : vector<1x128xf32> to vector<8x128xf32>
    %mul3A_1870 = arith.mulf %get3A_1868, %mul3A_1869 : vector<8x128xf32>
    %get3A_1871 = arith.constant 32 : index
    %get3A_1872 = arith.constant 0 : index
    %get3A_1873 = vector.load %arg2[%get3A_1871, %get3A_1872] : memref<1024x1xf32, #tpu.memory_space<vmem>>, vector<8x1xf32>
    %mul3A_1874 = vector.broadcast %get3A_1873 : vector<8x1xf32> to vector<8x128xf32>
    %mul3A_1875 = arith.mulf %mul3A_1874, %mul3A_1870 : vector<8x128xf32>
    %get3A_1876 = arith.constant 32 : index
    %get3A_1877 = arith.constant 0 : index
    %get3A_1878 = vector.load %arg3[%get3A_1876, %get3A_1877] : memref<1024x1xf32, #tpu.memory_space<vmem>>, vector<8x1xf32>
    %mul3A_1879 = vector.broadcast %get3A_1878 : vector<8x1xf32> to vector<8x128xf32>
    %mul3A_1880 = arith.mulf %mul3A_1879, %mul3A_1870 : vector<8x128xf32>
    %add3A_1881 = arith.addf %add3A_1864, %mul3A_1875 : vector<8x128xf32>
    %add3A_1882 = arith.addf %add3A_1865, %mul3A_1880 : vector<8x128xf32>
    %get3A_1883 = arith.constant 40 : index
    %get3A_1884 = arith.constant 0 : index
    %get3A_1885 = vector.load %arg7[%get3A_1883, %get3A_1884] : memref<1024x128xf32, #tpu.memory_space<vmem>>, vector<8x128xf32>
    %mul3A_1886 = vector.broadcast %reciprocal3A : vector<1x128xf32> to vector<8x128xf32>
    %mul3A_1887 = arith.mulf %get3A_1885, %mul3A_1886 : vector<8x128xf32>
    %get3A_1888 = arith.constant 40 : index
    %get3A_1889 = arith.constant 0 : index
    %get3A_1890 = vector.load %arg2[%get3A_1888, %get3A_1889] : memref<1024x1xf32, #tpu.memory_space<vmem>>, vector<8x1xf32>
    %mul3A_1891 = vector.broadcast %get3A_1890 : vector<8x1xf32> to vector<8x128xf32>
    %mul3A_1892 = arith.mulf %mul3A_1891, %mul3A_1887 : vector<8x128xf32>
    %get3A_1893 = arith.constant 40 : index
    %get3A_1894 = arith.constant 0 : index
    %get3A_1895 = vector.load %arg3[%get3A_1893, %get3A_1894] : memref<1024x1xf32, #tpu.memory_space<vmem>>, vector<8x1xf32>
    %mul3A_1896 = vector.broadcast %get3A_1895 : vector<8x1xf32> to vector<8x128xf32>
    %mul3A_1897 = arith.mulf %mul3A_1896, %mul3A_1887 : vector<8x128xf32>
    %add3A_1898 = arith.addf %add3A_1881, %mul3A_1892 : vector<8x128xf32>
    %add3A_1899 = arith.addf %add3A_1882, %mul3A_1897 : vector<8x128xf32>
    %get3A_1900 = arith.constant 48 : index
    %get3A_1901 = arith.constant 0 : index
    %get3A_1902 = vector.load %arg7[%get3A_1900, %get3A_1901] : memref<1024x128xf32, #tpu.memory_space<vmem>>, vector<8x128xf32>
    %mul3A_1903 = vector.broadcast %reciprocal3A : vector<1x128xf32> to vector<8x128xf32>
    %mul3A_1904 = arith.mulf %get3A_1902, %mul3A_1903 : vector<8x128xf32>
    %get3A_1905 = arith.constant 48 : index
    %get3A_1906 = arith.constant 0 : index
    %get3A_1907 = vector.load %arg2[%get3A_1905, %get3A_1906] : memref<1024x1xf32, #tpu.memory_space<vmem>>, vector<8x1xf32>
    %mul3A_1908 = vector.broadcast %get3A_1907 : vector<8x1xf32> to vector<8x128xf32>
    %mul3A_1909 = arith.mulf %mul3A_1908, %mul3A_1904 : vector<8x128xf32>
    %get3A_1910 = arith.constant 48 : index
    %get3A_1911 = arith.constant 0 : index
    %get3A_1912 = vector.load %arg3[%get3A_1910, %get3A_1911] : memref<1024x1xf32, #tpu.memory_space<vmem>>, vector<8x1xf32>
    %mul3A_1913 = vector.broadcast %get3A_1912 : vector<8x1xf32> to vector<8x128xf32>
    %mul3A_1914 = arith.mulf %mul3A_1913, %mul3A_1904 : vector<8x128xf32>
    %add3A_1915 = arith.addf %add3A_1898, %mul3A_1909 : vector<8x128xf32>
    %add3A_1916 = arith.addf %add3A_1899, %mul3A_1914 : vector<8x128xf32>
    %get3A_1917 = arith.constant 56 : index
    %get3A_1918 = arith.constant 0 : index
    %get3A_1919 = vector.load %arg7[%get3A_1917, %get3A_1918] : memref<1024x128xf32, #tpu.memory_space<vmem>>, vector<8x128xf32>
    %mul3A_1920 = vector.broadcast %reciprocal3A : vector<1x128xf32> to vector<8x128xf32>
    %mul3A_1921 = arith.mulf %get3A_1919, %mul3A_1920 : vector<8x128xf32>
    %get3A_1922 = arith.constant 56 : index
    %get3A_1923 = arith.constant 0 : index
    %get3A_1924 = vector.load %arg2[%get3A_1922, %get3A_1923] : memref<1024x1xf32, #tpu.memory_space<vmem>>, vector<8x1xf32>
    %mul3A_1925 = vector.broadcast %get3A_1924 : vector<8x1xf32> to vector<8x128xf32>
    %mul3A_1926 = arith.mulf %mul3A_1925, %mul3A_1921 : vector<8x128xf32>
    %get3A_1927 = arith.constant 56 : index
    %get3A_1928 = arith.constant 0 : index
    %get3A_1929 = vector.load %arg3[%get3A_1927, %get3A_1928] : memref<1024x1xf32, #tpu.memory_space<vmem>>, vector<8x1xf32>
    %mul3A_1930 = vector.broadcast %get3A_1929 : vector<8x1xf32> to vector<8x128xf32>
    %mul3A_1931 = arith.mulf %mul3A_1930, %mul3A_1921 : vector<8x128xf32>
    %add3A_1932 = arith.addf %add3A_1915, %mul3A_1926 : vector<8x128xf32>
    %add3A_1933 = arith.addf %add3A_1916, %mul3A_1931 : vector<8x128xf32>
    %get3A_1934 = arith.constant 64 : index
    %get3A_1935 = arith.constant 0 : index
    %get3A_1936 = vector.load %arg7[%get3A_1934, %get3A_1935] : memref<1024x128xf32, #tpu.memory_space<vmem>>, vector<8x128xf32>
    %mul3A_1937 = vector.broadcast %reciprocal3A : vector<1x128xf32> to vector<8x128xf32>
    %mul3A_1938 = arith.mulf %get3A_1936, %mul3A_1937 : vector<8x128xf32>
    %get3A_1939 = arith.constant 64 : index
    %get3A_1940 = arith.constant 0 : index
    %get3A_1941 = vector.load %arg2[%get3A_1939, %get3A_1940] : memref<1024x1xf32, #tpu.memory_space<vmem>>, vector<8x1xf32>
    %mul3A_1942 = vector.broadcast %get3A_1941 : vector<8x1xf32> to vector<8x128xf32>
    %mul3A_1943 = arith.mulf %mul3A_1942, %mul3A_1938 : vector<8x128xf32>
    %get3A_1944 = arith.constant 64 : index
    %get3A_1945 = arith.constant 0 : index
    %get3A_1946 = vector.load %arg3[%get3A_1944, %get3A_1945] : memref<1024x1xf32, #tpu.memory_space<vmem>>, vector<8x1xf32>
    %mul3A_1947 = vector.broadcast %get3A_1946 : vector<8x1xf32> to vector<8x128xf32>
    %mul3A_1948 = arith.mulf %mul3A_1947, %mul3A_1938 : vector<8x128xf32>
    %add3A_1949 = arith.addf %add3A_1932, %mul3A_1943 : vector<8x128xf32>
    %add3A_1950 = arith.addf %add3A_1933, %mul3A_1948 : vector<8x128xf32>
    %get3A_1951 = arith.constant 72 : index
    %get3A_1952 = arith.constant 0 : index
    %get3A_1953 = vector.load %arg7[%get3A_1951, %get3A_1952] : memref<1024x128xf32, #tpu.memory_space<vmem>>, vector<8x128xf32>
    %mul3A_1954 = vector.broadcast %reciprocal3A : vector<1x128xf32> to vector<8x128xf32>
    %mul3A_1955 = arith.mulf %get3A_1953, %mul3A_1954 : vector<8x128xf32>
    %get3A_1956 = arith.constant 72 : index
    %get3A_1957 = arith.constant 0 : index
    %get3A_1958 = vector.load %arg2[%get3A_1956, %get3A_1957] : memref<1024x1xf32, #tpu.memory_space<vmem>>, vector<8x1xf32>
    %mul3A_1959 = vector.broadcast %get3A_1958 : vector<8x1xf32> to vector<8x128xf32>
    %mul3A_1960 = arith.mulf %mul3A_1959, %mul3A_1955 : vector<8x128xf32>
    %get3A_1961 = arith.constant 72 : index
    %get3A_1962 = arith.constant 0 : index
    %get3A_1963 = vector.load %arg3[%get3A_1961, %get3A_1962] : memref<1024x1xf32, #tpu.memory_space<vmem>>, vector<8x1xf32>
    %mul3A_1964 = vector.broadcast %get3A_1963 : vector<8x1xf32> to vector<8x128xf32>
    %mul3A_1965 = arith.mulf %mul3A_1964, %mul3A_1955 : vector<8x128xf32>
    %add3A_1966 = arith.addf %add3A_1949, %mul3A_1960 : vector<8x128xf32>
    %add3A_1967 = arith.addf %add3A_1950, %mul3A_1965 : vector<8x128xf32>
    %get3A_1968 = arith.constant 80 : index
    %get3A_1969 = arith.constant 0 : index
    %get3A_1970 = vector.load %arg7[%get3A_1968, %get3A_1969] : memref<1024x128xf32, #tpu.memory_space<vmem>>, vector<8x128xf32>
    %mul3A_1971 = vector.broadcast %reciprocal3A : vector<1x128xf32> to vector<8x128xf32>
    %mul3A_1972 = arith.mulf %get3A_1970, %mul3A_1971 : vector<8x128xf32>
    %get3A_1973 = arith.constant 80 : index
    %get3A_1974 = arith.constant 0 : index
    %get3A_1975 = vector.load %arg2[%get3A_1973, %get3A_1974] : memref<1024x1xf32, #tpu.memory_space<vmem>>, vector<8x1xf32>
    %mul3A_1976 = vector.broadcast %get3A_1975 : vector<8x1xf32> to vector<8x128xf32>
    %mul3A_1977 = arith.mulf %mul3A_1976, %mul3A_1972 : vector<8x128xf32>
    %get3A_1978 = arith.constant 80 : index
    %get3A_1979 = arith.constant 0 : index
    %get3A_1980 = vector.load %arg3[%get3A_1978, %get3A_1979] : memref<1024x1xf32, #tpu.memory_space<vmem>>, vector<8x1xf32>
    %mul3A_1981 = vector.broadcast %get3A_1980 : vector<8x1xf32> to vector<8x128xf32>
    %mul3A_1982 = arith.mulf %mul3A_1981, %mul3A_1972 : vector<8x128xf32>
    %add3A_1983 = arith.addf %add3A_1966, %mul3A_1977 : vector<8x128xf32>
    %add3A_1984 = arith.addf %add3A_1967, %mul3A_1982 : vector<8x128xf32>
    %get3A_1985 = arith.constant 88 : index
    %get3A_1986 = arith.constant 0 : index
    %get3A_1987 = vector.load %arg7[%get3A_1985, %get3A_1986] : memref<1024x128xf32, #tpu.memory_space<vmem>>, vector<8x128xf32>
    %mul3A_1988 = vector.broadcast %reciprocal3A : vector<1x128xf32> to vector<8x128xf32>
    %mul3A_1989 = arith.mulf %get3A_1987, %mul3A_1988 : vector<8x128xf32>
    %get3A_1990 = arith.constant 88 : index
    %get3A_1991 = arith.constant 0 : index
    %get3A_1992 = vector.load %arg2[%get3A_1990, %get3A_1991] : memref<1024x1xf32, #tpu.memory_space<vmem>>, vector<8x1xf32>
    %mul3A_1993 = vector.broadcast %get3A_1992 : vector<8x1xf32> to vector<8x128xf32>
    %mul3A_1994 = arith.mulf %mul3A_1993, %mul3A_1989 : vector<8x128xf32>
    %get3A_1995 = arith.constant 88 : index
    %get3A_1996 = arith.constant 0 : index
    %get3A_1997 = vector.load %arg3[%get3A_1995, %get3A_1996] : memref<1024x1xf32, #tpu.memory_space<vmem>>, vector<8x1xf32>
    %mul3A_1998 = vector.broadcast %get3A_1997 : vector<8x1xf32> to vector<8x128xf32>
    %mul3A_1999 = arith.mulf %mul3A_1998, %mul3A_1989 : vector<8x128xf32>
    %add3A_2000 = arith.addf %add3A_1983, %mul3A_1994 : vector<8x128xf32>
    %add3A_2001 = arith.addf %add3A_1984, %mul3A_1999 : vector<8x128xf32>
    %get3A_2002 = arith.constant 96 : index
    %get3A_2003 = arith.constant 0 : index
    %get3A_2004 = vector.load %arg7[%get3A_2002, %get3A_2003] : memref<1024x128xf32, #tpu.memory_space<vmem>>, vector<8x128xf32>
    %mul3A_2005 = vector.broadcast %reciprocal3A : vector<1x128xf32> to vector<8x128xf32>
    %mul3A_2006 = arith.mulf %get3A_2004, %mul3A_2005 : vector<8x128xf32>
    %get3A_2007 = arith.constant 96 : index
    %get3A_2008 = arith.constant 0 : index
    %get3A_2009 = vector.load %arg2[%get3A_2007, %get3A_2008] : memref<1024x1xf32, #tpu.memory_space<vmem>>, vector<8x1xf32>
    %mul3A_2010 = vector.broadcast %get3A_2009 : vector<8x1xf32> to vector<8x128xf32>
    %mul3A_2011 = arith.mulf %mul3A_2010, %mul3A_2006 : vector<8x128xf32>
    %get3A_2012 = arith.constant 96 : index
    %get3A_2013 = arith.constant 0 : index
    %get3A_2014 = vector.load %arg3[%get3A_2012, %get3A_2013] : memref<1024x1xf32, #tpu.memory_space<vmem>>, vector<8x1xf32>
    %mul3A_2015 = vector.broadcast %get3A_2014 : vector<8x1xf32> to vector<8x128xf32>
    %mul3A_2016 = arith.mulf %mul3A_2015, %mul3A_2006 : vector<8x128xf32>
    %add3A_2017 = arith.addf %add3A_2000, %mul3A_2011 : vector<8x128xf32>
    %add3A_2018 = arith.addf %add3A_2001, %mul3A_2016 : vector<8x128xf32>
    %get3A_2019 = arith.constant 104 : index
    %get3A_2020 = arith.constant 0 : index
    %get3A_2021 = vector.load %arg7[%get3A_2019, %get3A_2020] : memref<1024x128xf32, #tpu.memory_space<vmem>>, vector<8x128xf32>
    %mul3A_2022 = vector.broadcast %reciprocal3A : vector<1x128xf32> to vector<8x128xf32>
    %mul3A_2023 = arith.mulf %get3A_2021, %mul3A_2022 : vector<8x128xf32>
    %get3A_2024 = arith.constant 104 : index
    %get3A_2025 = arith.constant 0 : index
    %get3A_2026 = vector.load %arg2[%get3A_2024, %get3A_2025] : memref<1024x1xf32, #tpu.memory_space<vmem>>, vector<8x1xf32>
    %mul3A_2027 = vector.broadcast %get3A_2026 : vector<8x1xf32> to vector<8x128xf32>
    %mul3A_2028 = arith.mulf %mul3A_2027, %mul3A_2023 : vector<8x128xf32>
    %get3A_2029 = arith.constant 104 : index
    %get3A_2030 = arith.constant 0 : index
    %get3A_2031 = vector.load %arg3[%get3A_2029, %get3A_2030] : memref<1024x1xf32, #tpu.memory_space<vmem>>, vector<8x1xf32>
    %mul3A_2032 = vector.broadcast %get3A_2031 : vector<8x1xf32> to vector<8x128xf32>
    %mul3A_2033 = arith.mulf %mul3A_2032, %mul3A_2023 : vector<8x128xf32>
    %add3A_2034 = arith.addf %add3A_2017, %mul3A_2028 : vector<8x128xf32>
    %add3A_2035 = arith.addf %add3A_2018, %mul3A_2033 : vector<8x128xf32>
    %get3A_2036 = arith.constant 112 : index
    %get3A_2037 = arith.constant 0 : index
    %get3A_2038 = vector.load %arg7[%get3A_2036, %get3A_2037] : memref<1024x128xf32, #tpu.memory_space<vmem>>, vector<8x128xf32>
    %mul3A_2039 = vector.broadcast %reciprocal3A : vector<1x128xf32> to vector<8x128xf32>
    %mul3A_2040 = arith.mulf %get3A_2038, %mul3A_2039 : vector<8x128xf32>
    %get3A_2041 = arith.constant 112 : index
    %get3A_2042 = arith.constant 0 : index
    %get3A_2043 = vector.load %arg2[%get3A_2041, %get3A_2042] : memref<1024x1xf32, #tpu.memory_space<vmem>>, vector<8x1xf32>
    %mul3A_2044 = vector.broadcast %get3A_2043 : vector<8x1xf32> to vector<8x128xf32>
    %mul3A_2045 = arith.mulf %mul3A_2044, %mul3A_2040 : vector<8x128xf32>
    %get3A_2046 = arith.constant 112 : index
    %get3A_2047 = arith.constant 0 : index
    %get3A_2048 = vector.load %arg3[%get3A_2046, %get3A_2047] : memref<1024x1xf32, #tpu.memory_space<vmem>>, vector<8x1xf32>
    %mul3A_2049 = vector.broadcast %get3A_2048 : vector<8x1xf32> to vector<8x128xf32>
    %mul3A_2050 = arith.mulf %mul3A_2049, %mul3A_2040 : vector<8x128xf32>
    %add3A_2051 = arith.addf %add3A_2034, %mul3A_2045 : vector<8x128xf32>
    %add3A_2052 = arith.addf %add3A_2035, %mul3A_2050 : vector<8x128xf32>
    %get3A_2053 = arith.constant 120 : index
    %get3A_2054 = arith.constant 0 : index
    %get3A_2055 = vector.load %arg7[%get3A_2053, %get3A_2054] : memref<1024x128xf32, #tpu.memory_space<vmem>>, vector<8x128xf32>
    %mul3A_2056 = vector.broadcast %reciprocal3A : vector<1x128xf32> to vector<8x128xf32>
    %mul3A_2057 = arith.mulf %get3A_2055, %mul3A_2056 : vector<8x128xf32>
    %get3A_2058 = arith.constant 120 : index
    %get3A_2059 = arith.constant 0 : index
    %get3A_2060 = vector.load %arg2[%get3A_2058, %get3A_2059] : memref<1024x1xf32, #tpu.memory_space<vmem>>, vector<8x1xf32>
    %mul3A_2061 = vector.broadcast %get3A_2060 : vector<8x1xf32> to vector<8x128xf32>
    %mul3A_2062 = arith.mulf %mul3A_2061, %mul3A_2057 : vector<8x128xf32>
    %get3A_2063 = arith.constant 120 : index
    %get3A_2064 = arith.constant 0 : index
    %get3A_2065 = vector.load %arg3[%get3A_2063, %get3A_2064] : memref<1024x1xf32, #tpu.memory_space<vmem>>, vector<8x1xf32>
    %mul3A_2066 = vector.broadcast %get3A_2065 : vector<8x1xf32> to vector<8x128xf32>
    %mul3A_2067 = arith.mulf %mul3A_2066, %mul3A_2057 : vector<8x128xf32>
    %add3A_2068 = arith.addf %add3A_2051, %mul3A_2062 : vector<8x128xf32>
    %add3A_2069 = arith.addf %add3A_2052, %mul3A_2067 : vector<8x128xf32>
    %get3A_2070 = arith.constant 128 : index
    %get3A_2071 = arith.constant 0 : index
    %get3A_2072 = vector.load %arg7[%get3A_2070, %get3A_2071] : memref<1024x128xf32, #tpu.memory_space<vmem>>, vector<8x128xf32>
    %mul3A_2073 = vector.broadcast %reciprocal3A : vector<1x128xf32> to vector<8x128xf32>
    %mul3A_2074 = arith.mulf %get3A_2072, %mul3A_2073 : vector<8x128xf32>
    %get3A_2075 = arith.constant 128 : index
    %get3A_2076 = arith.constant 0 : index
    %get3A_2077 = vector.load %arg2[%get3A_2075, %get3A_2076] : memref<1024x1xf32, #tpu.memory_space<vmem>>, vector<8x1xf32>
    %mul3A_2078 = vector.broadcast %get3A_2077 : vector<8x1xf32> to vector<8x128xf32>
    %mul3A_2079 = arith.mulf %mul3A_2078, %mul3A_2074 : vector<8x128xf32>
    %get3A_2080 = arith.constant 128 : index
    %get3A_2081 = arith.constant 0 : index
    %get3A_2082 = vector.load %arg3[%get3A_2080, %get3A_2081] : memref<1024x1xf32, #tpu.memory_space<vmem>>, vector<8x1xf32>
    %mul3A_2083 = vector.broadcast %get3A_2082 : vector<8x1xf32> to vector<8x128xf32>
    %mul3A_2084 = arith.mulf %mul3A_2083, %mul3A_2074 : vector<8x128xf32>
    %add3A_2085 = arith.addf %add3A_2068, %mul3A_2079 : vector<8x128xf32>
    %add3A_2086 = arith.addf %add3A_2069, %mul3A_2084 : vector<8x128xf32>
    %get3A_2087 = arith.constant 136 : index
    %get3A_2088 = arith.constant 0 : index
    %get3A_2089 = vector.load %arg7[%get3A_2087, %get3A_2088] : memref<1024x128xf32, #tpu.memory_space<vmem>>, vector<8x128xf32>
    %mul3A_2090 = vector.broadcast %reciprocal3A : vector<1x128xf32> to vector<8x128xf32>
    %mul3A_2091 = arith.mulf %get3A_2089, %mul3A_2090 : vector<8x128xf32>
    %get3A_2092 = arith.constant 136 : index
    %get3A_2093 = arith.constant 0 : index
    %get3A_2094 = vector.load %arg2[%get3A_2092, %get3A_2093] : memref<1024x1xf32, #tpu.memory_space<vmem>>, vector<8x1xf32>
    %mul3A_2095 = vector.broadcast %get3A_2094 : vector<8x1xf32> to vector<8x128xf32>
    %mul3A_2096 = arith.mulf %mul3A_2095, %mul3A_2091 : vector<8x128xf32>
    %get3A_2097 = arith.constant 136 : index
    %get3A_2098 = arith.constant 0 : index
    %get3A_2099 = vector.load %arg3[%get3A_2097, %get3A_2098] : memref<1024x1xf32, #tpu.memory_space<vmem>>, vector<8x1xf32>
    %mul3A_2100 = vector.broadcast %get3A_2099 : vector<8x1xf32> to vector<8x128xf32>
    %mul3A_2101 = arith.mulf %mul3A_2100, %mul3A_2091 : vector<8x128xf32>
    %add3A_2102 = arith.addf %add3A_2085, %mul3A_2096 : vector<8x128xf32>
    %add3A_2103 = arith.addf %add3A_2086, %mul3A_2101 : vector<8x128xf32>
    %get3A_2104 = arith.constant 144 : index
    %get3A_2105 = arith.constant 0 : index
    %get3A_2106 = vector.load %arg7[%get3A_2104, %get3A_2105] : memref<1024x128xf32, #tpu.memory_space<vmem>>, vector<8x128xf32>
    %mul3A_2107 = vector.broadcast %reciprocal3A : vector<1x128xf32> to vector<8x128xf32>
    %mul3A_2108 = arith.mulf %get3A_2106, %mul3A_2107 : vector<8x128xf32>
    %get3A_2109 = arith.constant 144 : index
    %get3A_2110 = arith.constant 0 : index
    %get3A_2111 = vector.load %arg2[%get3A_2109, %get3A_2110] : memref<1024x1xf32, #tpu.memory_space<vmem>>, vector<8x1xf32>
    %mul3A_2112 = vector.broadcast %get3A_2111 : vector<8x1xf32> to vector<8x128xf32>
    %mul3A_2113 = arith.mulf %mul3A_2112, %mul3A_2108 : vector<8x128xf32>
    %get3A_2114 = arith.constant 144 : index
    %get3A_2115 = arith.constant 0 : index
    %get3A_2116 = vector.load %arg3[%get3A_2114, %get3A_2115] : memref<1024x1xf32, #tpu.memory_space<vmem>>, vector<8x1xf32>
    %mul3A_2117 = vector.broadcast %get3A_2116 : vector<8x1xf32> to vector<8x128xf32>
    %mul3A_2118 = arith.mulf %mul3A_2117, %mul3A_2108 : vector<8x128xf32>
    %add3A_2119 = arith.addf %add3A_2102, %mul3A_2113 : vector<8x128xf32>
    %add3A_2120 = arith.addf %add3A_2103, %mul3A_2118 : vector<8x128xf32>
    %get3A_2121 = arith.constant 152 : index
    %get3A_2122 = arith.constant 0 : index
    %get3A_2123 = vector.load %arg7[%get3A_2121, %get3A_2122] : memref<1024x128xf32, #tpu.memory_space<vmem>>, vector<8x128xf32>
    %mul3A_2124 = vector.broadcast %reciprocal3A : vector<1x128xf32> to vector<8x128xf32>
    %mul3A_2125 = arith.mulf %get3A_2123, %mul3A_2124 : vector<8x128xf32>
    %get3A_2126 = arith.constant 152 : index
    %get3A_2127 = arith.constant 0 : index
    %get3A_2128 = vector.load %arg2[%get3A_2126, %get3A_2127] : memref<1024x1xf32, #tpu.memory_space<vmem>>, vector<8x1xf32>
    %mul3A_2129 = vector.broadcast %get3A_2128 : vector<8x1xf32> to vector<8x128xf32>
    %mul3A_2130 = arith.mulf %mul3A_2129, %mul3A_2125 : vector<8x128xf32>
    %get3A_2131 = arith.constant 152 : index
    %get3A_2132 = arith.constant 0 : index
    %get3A_2133 = vector.load %arg3[%get3A_2131, %get3A_2132] : memref<1024x1xf32, #tpu.memory_space<vmem>>, vector<8x1xf32>
    %mul3A_2134 = vector.broadcast %get3A_2133 : vector<8x1xf32> to vector<8x128xf32>
    %mul3A_2135 = arith.mulf %mul3A_2134, %mul3A_2125 : vector<8x128xf32>
    %add3A_2136 = arith.addf %add3A_2119, %mul3A_2130 : vector<8x128xf32>
    %add3A_2137 = arith.addf %add3A_2120, %mul3A_2135 : vector<8x128xf32>
    %get3A_2138 = arith.constant 160 : index
    %get3A_2139 = arith.constant 0 : index
    %get3A_2140 = vector.load %arg7[%get3A_2138, %get3A_2139] : memref<1024x128xf32, #tpu.memory_space<vmem>>, vector<8x128xf32>
    %mul3A_2141 = vector.broadcast %reciprocal3A : vector<1x128xf32> to vector<8x128xf32>
    %mul3A_2142 = arith.mulf %get3A_2140, %mul3A_2141 : vector<8x128xf32>
    %get3A_2143 = arith.constant 160 : index
    %get3A_2144 = arith.constant 0 : index
    %get3A_2145 = vector.load %arg2[%get3A_2143, %get3A_2144] : memref<1024x1xf32, #tpu.memory_space<vmem>>, vector<8x1xf32>
    %mul3A_2146 = vector.broadcast %get3A_2145 : vector<8x1xf32> to vector<8x128xf32>
    %mul3A_2147 = arith.mulf %mul3A_2146, %mul3A_2142 : vector<8x128xf32>
    %get3A_2148 = arith.constant 160 : index
    %get3A_2149 = arith.constant 0 : index
    %get3A_2150 = vector.load %arg3[%get3A_2148, %get3A_2149] : memref<1024x1xf32, #tpu.memory_space<vmem>>, vector<8x1xf32>
    %mul3A_2151 = vector.broadcast %get3A_2150 : vector<8x1xf32> to vector<8x128xf32>
    %mul3A_2152 = arith.mulf %mul3A_2151, %mul3A_2142 : vector<8x128xf32>
    %add3A_2153 = arith.addf %add3A_2136, %mul3A_2147 : vector<8x128xf32>
    %add3A_2154 = arith.addf %add3A_2137, %mul3A_2152 : vector<8x128xf32>
    %get3A_2155 = arith.constant 168 : index
    %get3A_2156 = arith.constant 0 : index
    %get3A_2157 = vector.load %arg7[%get3A_2155, %get3A_2156] : memref<1024x128xf32, #tpu.memory_space<vmem>>, vector<8x128xf32>
    %mul3A_2158 = vector.broadcast %reciprocal3A : vector<1x128xf32> to vector<8x128xf32>
    %mul3A_2159 = arith.mulf %get3A_2157, %mul3A_2158 : vector<8x128xf32>
    %get3A_2160 = arith.constant 168 : index
    %get3A_2161 = arith.constant 0 : index
    %get3A_2162 = vector.load %arg2[%get3A_2160, %get3A_2161] : memref<1024x1xf32, #tpu.memory_space<vmem>>, vector<8x1xf32>
    %mul3A_2163 = vector.broadcast %get3A_2162 : vector<8x1xf32> to vector<8x128xf32>
    %mul3A_2164 = arith.mulf %mul3A_2163, %mul3A_2159 : vector<8x128xf32>
    %get3A_2165 = arith.constant 168 : index
    %get3A_2166 = arith.constant 0 : index
    %get3A_2167 = vector.load %arg3[%get3A_2165, %get3A_2166] : memref<1024x1xf32, #tpu.memory_space<vmem>>, vector<8x1xf32>
    %mul3A_2168 = vector.broadcast %get3A_2167 : vector<8x1xf32> to vector<8x128xf32>
    %mul3A_2169 = arith.mulf %mul3A_2168, %mul3A_2159 : vector<8x128xf32>
    %add3A_2170 = arith.addf %add3A_2153, %mul3A_2164 : vector<8x128xf32>
    %add3A_2171 = arith.addf %add3A_2154, %mul3A_2169 : vector<8x128xf32>
    %get3A_2172 = arith.constant 176 : index
    %get3A_2173 = arith.constant 0 : index
    %get3A_2174 = vector.load %arg7[%get3A_2172, %get3A_2173] : memref<1024x128xf32, #tpu.memory_space<vmem>>, vector<8x128xf32>
    %mul3A_2175 = vector.broadcast %reciprocal3A : vector<1x128xf32> to vector<8x128xf32>
    %mul3A_2176 = arith.mulf %get3A_2174, %mul3A_2175 : vector<8x128xf32>
    %get3A_2177 = arith.constant 176 : index
    %get3A_2178 = arith.constant 0 : index
    %get3A_2179 = vector.load %arg2[%get3A_2177, %get3A_2178] : memref<1024x1xf32, #tpu.memory_space<vmem>>, vector<8x1xf32>
    %mul3A_2180 = vector.broadcast %get3A_2179 : vector<8x1xf32> to vector<8x128xf32>
    %mul3A_2181 = arith.mulf %mul3A_2180, %mul3A_2176 : vector<8x128xf32>
    %get3A_2182 = arith.constant 176 : index
    %get3A_2183 = arith.constant 0 : index
    %get3A_2184 = vector.load %arg3[%get3A_2182, %get3A_2183] : memref<1024x1xf32, #tpu.memory_space<vmem>>, vector<8x1xf32>
    %mul3A_2185 = vector.broadcast %get3A_2184 : vector<8x1xf32> to vector<8x128xf32>
    %mul3A_2186 = arith.mulf %mul3A_2185, %mul3A_2176 : vector<8x128xf32>
    %add3A_2187 = arith.addf %add3A_2170, %mul3A_2181 : vector<8x128xf32>
    %add3A_2188 = arith.addf %add3A_2171, %mul3A_2186 : vector<8x128xf32>
    %get3A_2189 = arith.constant 184 : index
    %get3A_2190 = arith.constant 0 : index
    %get3A_2191 = vector.load %arg7[%get3A_2189, %get3A_2190] : memref<1024x128xf32, #tpu.memory_space<vmem>>, vector<8x128xf32>
    %mul3A_2192 = vector.broadcast %reciprocal3A : vector<1x128xf32> to vector<8x128xf32>
    %mul3A_2193 = arith.mulf %get3A_2191, %mul3A_2192 : vector<8x128xf32>
    %get3A_2194 = arith.constant 184 : index
    %get3A_2195 = arith.constant 0 : index
    %get3A_2196 = vector.load %arg2[%get3A_2194, %get3A_2195] : memref<1024x1xf32, #tpu.memory_space<vmem>>, vector<8x1xf32>
    %mul3A_2197 = vector.broadcast %get3A_2196 : vector<8x1xf32> to vector<8x128xf32>
    %mul3A_2198 = arith.mulf %mul3A_2197, %mul3A_2193 : vector<8x128xf32>
    %get3A_2199 = arith.constant 184 : index
    %get3A_2200 = arith.constant 0 : index
    %get3A_2201 = vector.load %arg3[%get3A_2199, %get3A_2200] : memref<1024x1xf32, #tpu.memory_space<vmem>>, vector<8x1xf32>
    %mul3A_2202 = vector.broadcast %get3A_2201 : vector<8x1xf32> to vector<8x128xf32>
    %mul3A_2203 = arith.mulf %mul3A_2202, %mul3A_2193 : vector<8x128xf32>
    %add3A_2204 = arith.addf %add3A_2187, %mul3A_2198 : vector<8x128xf32>
    %add3A_2205 = arith.addf %add3A_2188, %mul3A_2203 : vector<8x128xf32>
    %get3A_2206 = arith.constant 192 : index
    %get3A_2207 = arith.constant 0 : index
    %get3A_2208 = vector.load %arg7[%get3A_2206, %get3A_2207] : memref<1024x128xf32, #tpu.memory_space<vmem>>, vector<8x128xf32>
    %mul3A_2209 = vector.broadcast %reciprocal3A : vector<1x128xf32> to vector<8x128xf32>
    %mul3A_2210 = arith.mulf %get3A_2208, %mul3A_2209 : vector<8x128xf32>
    %get3A_2211 = arith.constant 192 : index
    %get3A_2212 = arith.constant 0 : index
    %get3A_2213 = vector.load %arg2[%get3A_2211, %get3A_2212] : memref<1024x1xf32, #tpu.memory_space<vmem>>, vector<8x1xf32>
    %mul3A_2214 = vector.broadcast %get3A_2213 : vector<8x1xf32> to vector<8x128xf32>
    %mul3A_2215 = arith.mulf %mul3A_2214, %mul3A_2210 : vector<8x128xf32>
    %get3A_2216 = arith.constant 192 : index
    %get3A_2217 = arith.constant 0 : index
    %get3A_2218 = vector.load %arg3[%get3A_2216, %get3A_2217] : memref<1024x1xf32, #tpu.memory_space<vmem>>, vector<8x1xf32>
    %mul3A_2219 = vector.broadcast %get3A_2218 : vector<8x1xf32> to vector<8x128xf32>
    %mul3A_2220 = arith.mulf %mul3A_2219, %mul3A_2210 : vector<8x128xf32>
    %add3A_2221 = arith.addf %add3A_2204, %mul3A_2215 : vector<8x128xf32>
    %add3A_2222 = arith.addf %add3A_2205, %mul3A_2220 : vector<8x128xf32>
    %get3A_2223 = arith.constant 200 : index
    %get3A_2224 = arith.constant 0 : index
    %get3A_2225 = vector.load %arg7[%get3A_2223, %get3A_2224] : memref<1024x128xf32, #tpu.memory_space<vmem>>, vector<8x128xf32>
    %mul3A_2226 = vector.broadcast %reciprocal3A : vector<1x128xf32> to vector<8x128xf32>
    %mul3A_2227 = arith.mulf %get3A_2225, %mul3A_2226 : vector<8x128xf32>
    %get3A_2228 = arith.constant 200 : index
    %get3A_2229 = arith.constant 0 : index
    %get3A_2230 = vector.load %arg2[%get3A_2228, %get3A_2229] : memref<1024x1xf32, #tpu.memory_space<vmem>>, vector<8x1xf32>
    %mul3A_2231 = vector.broadcast %get3A_2230 : vector<8x1xf32> to vector<8x128xf32>
    %mul3A_2232 = arith.mulf %mul3A_2231, %mul3A_2227 : vector<8x128xf32>
    %get3A_2233 = arith.constant 200 : index
    %get3A_2234 = arith.constant 0 : index
    %get3A_2235 = vector.load %arg3[%get3A_2233, %get3A_2234] : memref<1024x1xf32, #tpu.memory_space<vmem>>, vector<8x1xf32>
    %mul3A_2236 = vector.broadcast %get3A_2235 : vector<8x1xf32> to vector<8x128xf32>
    %mul3A_2237 = arith.mulf %mul3A_2236, %mul3A_2227 : vector<8x128xf32>
    %add3A_2238 = arith.addf %add3A_2221, %mul3A_2232 : vector<8x128xf32>
    %add3A_2239 = arith.addf %add3A_2222, %mul3A_2237 : vector<8x128xf32>
    %get3A_2240 = arith.constant 208 : index
    %get3A_2241 = arith.constant 0 : index
    %get3A_2242 = vector.load %arg7[%get3A_2240, %get3A_2241] : memref<1024x128xf32, #tpu.memory_space<vmem>>, vector<8x128xf32>
    %mul3A_2243 = vector.broadcast %reciprocal3A : vector<1x128xf32> to vector<8x128xf32>
    %mul3A_2244 = arith.mulf %get3A_2242, %mul3A_2243 : vector<8x128xf32>
    %get3A_2245 = arith.constant 208 : index
    %get3A_2246 = arith.constant 0 : index
    %get3A_2247 = vector.load %arg2[%get3A_2245, %get3A_2246] : memref<1024x1xf32, #tpu.memory_space<vmem>>, vector<8x1xf32>
    %mul3A_2248 = vector.broadcast %get3A_2247 : vector<8x1xf32> to vector<8x128xf32>
    %mul3A_2249 = arith.mulf %mul3A_2248, %mul3A_2244 : vector<8x128xf32>
    %get3A_2250 = arith.constant 208 : index
    %get3A_2251 = arith.constant 0 : index
    %get3A_2252 = vector.load %arg3[%get3A_2250, %get3A_2251] : memref<1024x1xf32, #tpu.memory_space<vmem>>, vector<8x1xf32>
    %mul3A_2253 = vector.broadcast %get3A_2252 : vector<8x1xf32> to vector<8x128xf32>
    %mul3A_2254 = arith.mulf %mul3A_2253, %mul3A_2244 : vector<8x128xf32>
    %add3A_2255 = arith.addf %add3A_2238, %mul3A_2249 : vector<8x128xf32>
    %add3A_2256 = arith.addf %add3A_2239, %mul3A_2254 : vector<8x128xf32>
    %get3A_2257 = arith.constant 216 : index
    %get3A_2258 = arith.constant 0 : index
    %get3A_2259 = vector.load %arg7[%get3A_2257, %get3A_2258] : memref<1024x128xf32, #tpu.memory_space<vmem>>, vector<8x128xf32>
    %mul3A_2260 = vector.broadcast %reciprocal3A : vector<1x128xf32> to vector<8x128xf32>
    %mul3A_2261 = arith.mulf %get3A_2259, %mul3A_2260 : vector<8x128xf32>
    %get3A_2262 = arith.constant 216 : index
    %get3A_2263 = arith.constant 0 : index
    %get3A_2264 = vector.load %arg2[%get3A_2262, %get3A_2263] : memref<1024x1xf32, #tpu.memory_space<vmem>>, vector<8x1xf32>
    %mul3A_2265 = vector.broadcast %get3A_2264 : vector<8x1xf32> to vector<8x128xf32>
    %mul3A_2266 = arith.mulf %mul3A_2265, %mul3A_2261 : vector<8x128xf32>
    %get3A_2267 = arith.constant 216 : index
    %get3A_2268 = arith.constant 0 : index
    %get3A_2269 = vector.load %arg3[%get3A_2267, %get3A_2268] : memref<1024x1xf32, #tpu.memory_space<vmem>>, vector<8x1xf32>
    %mul3A_2270 = vector.broadcast %get3A_2269 : vector<8x1xf32> to vector<8x128xf32>
    %mul3A_2271 = arith.mulf %mul3A_2270, %mul3A_2261 : vector<8x128xf32>
    %add3A_2272 = arith.addf %add3A_2255, %mul3A_2266 : vector<8x128xf32>
    %add3A_2273 = arith.addf %add3A_2256, %mul3A_2271 : vector<8x128xf32>
    %get3A_2274 = arith.constant 224 : index
    %get3A_2275 = arith.constant 0 : index
    %get3A_2276 = vector.load %arg7[%get3A_2274, %get3A_2275] : memref<1024x128xf32, #tpu.memory_space<vmem>>, vector<8x128xf32>
    %mul3A_2277 = vector.broadcast %reciprocal3A : vector<1x128xf32> to vector<8x128xf32>
    %mul3A_2278 = arith.mulf %get3A_2276, %mul3A_2277 : vector<8x128xf32>
    %get3A_2279 = arith.constant 224 : index
    %get3A_2280 = arith.constant 0 : index
    %get3A_2281 = vector.load %arg2[%get3A_2279, %get3A_2280] : memref<1024x1xf32, #tpu.memory_space<vmem>>, vector<8x1xf32>
    %mul3A_2282 = vector.broadcast %get3A_2281 : vector<8x1xf32> to vector<8x128xf32>
    %mul3A_2283 = arith.mulf %mul3A_2282, %mul3A_2278 : vector<8x128xf32>
    %get3A_2284 = arith.constant 224 : index
    %get3A_2285 = arith.constant 0 : index
    %get3A_2286 = vector.load %arg3[%get3A_2284, %get3A_2285] : memref<1024x1xf32, #tpu.memory_space<vmem>>, vector<8x1xf32>
    %mul3A_2287 = vector.broadcast %get3A_2286 : vector<8x1xf32> to vector<8x128xf32>
    %mul3A_2288 = arith.mulf %mul3A_2287, %mul3A_2278 : vector<8x128xf32>
    %add3A_2289 = arith.addf %add3A_2272, %mul3A_2283 : vector<8x128xf32>
    %add3A_2290 = arith.addf %add3A_2273, %mul3A_2288 : vector<8x128xf32>
    %get3A_2291 = arith.constant 232 : index
    %get3A_2292 = arith.constant 0 : index
    %get3A_2293 = vector.load %arg7[%get3A_2291, %get3A_2292] : memref<1024x128xf32, #tpu.memory_space<vmem>>, vector<8x128xf32>
    %mul3A_2294 = vector.broadcast %reciprocal3A : vector<1x128xf32> to vector<8x128xf32>
    %mul3A_2295 = arith.mulf %get3A_2293, %mul3A_2294 : vector<8x128xf32>
    %get3A_2296 = arith.constant 232 : index
    %get3A_2297 = arith.constant 0 : index
    %get3A_2298 = vector.load %arg2[%get3A_2296, %get3A_2297] : memref<1024x1xf32, #tpu.memory_space<vmem>>, vector<8x1xf32>
    %mul3A_2299 = vector.broadcast %get3A_2298 : vector<8x1xf32> to vector<8x128xf32>
    %mul3A_2300 = arith.mulf %mul3A_2299, %mul3A_2295 : vector<8x128xf32>
    %get3A_2301 = arith.constant 232 : index
    %get3A_2302 = arith.constant 0 : index
    %get3A_2303 = vector.load %arg3[%get3A_2301, %get3A_2302] : memref<1024x1xf32, #tpu.memory_space<vmem>>, vector<8x1xf32>
    %mul3A_2304 = vector.broadcast %get3A_2303 : vector<8x1xf32> to vector<8x128xf32>
    %mul3A_2305 = arith.mulf %mul3A_2304, %mul3A_2295 : vector<8x128xf32>
    %add3A_2306 = arith.addf %add3A_2289, %mul3A_2300 : vector<8x128xf32>
    %add3A_2307 = arith.addf %add3A_2290, %mul3A_2305 : vector<8x128xf32>
    %get3A_2308 = arith.constant 240 : index
    %get3A_2309 = arith.constant 0 : index
    %get3A_2310 = vector.load %arg7[%get3A_2308, %get3A_2309] : memref<1024x128xf32, #tpu.memory_space<vmem>>, vector<8x128xf32>
    %mul3A_2311 = vector.broadcast %reciprocal3A : vector<1x128xf32> to vector<8x128xf32>
    %mul3A_2312 = arith.mulf %get3A_2310, %mul3A_2311 : vector<8x128xf32>
    %get3A_2313 = arith.constant 240 : index
    %get3A_2314 = arith.constant 0 : index
    %get3A_2315 = vector.load %arg2[%get3A_2313, %get3A_2314] : memref<1024x1xf32, #tpu.memory_space<vmem>>, vector<8x1xf32>
    %mul3A_2316 = vector.broadcast %get3A_2315 : vector<8x1xf32> to vector<8x128xf32>
    %mul3A_2317 = arith.mulf %mul3A_2316, %mul3A_2312 : vector<8x128xf32>
    %get3A_2318 = arith.constant 240 : index
    %get3A_2319 = arith.constant 0 : index
    %get3A_2320 = vector.load %arg3[%get3A_2318, %get3A_2319] : memref<1024x1xf32, #tpu.memory_space<vmem>>, vector<8x1xf32>
    %mul3A_2321 = vector.broadcast %get3A_2320 : vector<8x1xf32> to vector<8x128xf32>
    %mul3A_2322 = arith.mulf %mul3A_2321, %mul3A_2312 : vector<8x128xf32>
    %add3A_2323 = arith.addf %add3A_2306, %mul3A_2317 : vector<8x128xf32>
    %add3A_2324 = arith.addf %add3A_2307, %mul3A_2322 : vector<8x128xf32>
    %get3A_2325 = arith.constant 248 : index
    %get3A_2326 = arith.constant 0 : index
    %get3A_2327 = vector.load %arg7[%get3A_2325, %get3A_2326] : memref<1024x128xf32, #tpu.memory_space<vmem>>, vector<8x128xf32>
    %mul3A_2328 = vector.broadcast %reciprocal3A : vector<1x128xf32> to vector<8x128xf32>
    %mul3A_2329 = arith.mulf %get3A_2327, %mul3A_2328 : vector<8x128xf32>
    %get3A_2330 = arith.constant 248 : index
    %get3A_2331 = arith.constant 0 : index
    %get3A_2332 = vector.load %arg2[%get3A_2330, %get3A_2331] : memref<1024x1xf32, #tpu.memory_space<vmem>>, vector<8x1xf32>
    %mul3A_2333 = vector.broadcast %get3A_2332 : vector<8x1xf32> to vector<8x128xf32>
    %mul3A_2334 = arith.mulf %mul3A_2333, %mul3A_2329 : vector<8x128xf32>
    %get3A_2335 = arith.constant 248 : index
    %get3A_2336 = arith.constant 0 : index
    %get3A_2337 = vector.load %arg3[%get3A_2335, %get3A_2336] : memref<1024x1xf32, #tpu.memory_space<vmem>>, vector<8x1xf32>
    %mul3A_2338 = vector.broadcast %get3A_2337 : vector<8x1xf32> to vector<8x128xf32>
    %mul3A_2339 = arith.mulf %mul3A_2338, %mul3A_2329 : vector<8x128xf32>
    %add3A_2340 = arith.addf %add3A_2323, %mul3A_2334 : vector<8x128xf32>
    %add3A_2341 = arith.addf %add3A_2324, %mul3A_2339 : vector<8x128xf32>
    %slice3A_2342 = vector.extract_strided_slice %add3A_2340 {offsets = [0, 0], sizes = [4, 128], strides = [1, 1]} : vector<8x128xf32> to vector<4x128xf32>
    %slice3A_2343 = vector.extract_strided_slice %add3A_2340 {offsets = [4, 0], sizes = [4, 128], strides = [1, 1]} : vector<8x128xf32> to vector<4x128xf32>
    %add3A_2344 = arith.addf %slice3A_2342, %slice3A_2343 : vector<4x128xf32>
    %slice3A_2345 = vector.extract_strided_slice %add3A_2344 {offsets = [0, 0], sizes = [2, 128], strides = [1, 1]} : vector<4x128xf32> to vector<2x128xf32>
    %slice3A_2346 = vector.extract_strided_slice %add3A_2344 {offsets = [2, 0], sizes = [2, 128], strides = [1, 1]} : vector<4x128xf32> to vector<2x128xf32>
    %add3A_2347 = arith.addf %slice3A_2345, %slice3A_2346 : vector<2x128xf32>
    %slice3A_2348 = vector.extract_strided_slice %add3A_2347 {offsets = [0, 0], sizes = [1, 128], strides = [1, 1]} : vector<2x128xf32> to vector<1x128xf32>
    %slice3A_2349 = vector.extract_strided_slice %add3A_2347 {offsets = [1, 0], sizes = [1, 128], strides = [1, 1]} : vector<2x128xf32> to vector<1x128xf32>
    %add3A_2350 = arith.addf %slice3A_2348, %slice3A_2349 : vector<1x128xf32>
    %slice3A_2351 = vector.extract_strided_slice %add3A_2341 {offsets = [0, 0], sizes = [4, 128], strides = [1, 1]} : vector<8x128xf32> to vector<4x128xf32>
    %slice3A_2352 = vector.extract_strided_slice %add3A_2341 {offsets = [4, 0], sizes = [4, 128], strides = [1, 1]} : vector<8x128xf32> to vector<4x128xf32>
    %add3A_2353 = arith.addf %slice3A_2351, %slice3A_2352 : vector<4x128xf32>
    %slice3A_2354 = vector.extract_strided_slice %add3A_2353 {offsets = [0, 0], sizes = [2, 128], strides = [1, 1]} : vector<4x128xf32> to vector<2x128xf32>
    %slice3A_2355 = vector.extract_strided_slice %add3A_2353 {offsets = [2, 0], sizes = [2, 128], strides = [1, 1]} : vector<4x128xf32> to vector<2x128xf32>
    %add3A_2356 = arith.addf %slice3A_2354, %slice3A_2355 : vector<2x128xf32>
    %slice3A_2357 = vector.extract_strided_slice %add3A_2356 {offsets = [0, 0], sizes = [1, 128], strides = [1, 1]} : vector<2x128xf32> to vector<1x128xf32>
    %slice3A_2358 = vector.extract_strided_slice %add3A_2356 {offsets = [1, 0], sizes = [1, 128], strides = [1, 1]} : vector<2x128xf32> to vector<1x128xf32>
    %add3A_2359 = arith.addf %slice3A_2357, %slice3A_2358 : vector<1x128xf32>
    %get3A_2360 = arith.constant 256 : index
    %get3A_2361 = arith.constant 0 : index
    %get3A_2362 = vector.load %arg7[%get3A_2360, %get3A_2361] : memref<1024x128xf32, #tpu.memory_space<vmem>>, vector<8x128xf32>
    %mul3A_2363 = vector.broadcast %reciprocal3A : vector<1x128xf32> to vector<8x128xf32>
    %mul3A_2364 = arith.mulf %get3A_2362, %mul3A_2363 : vector<8x128xf32>
    %get3A_2365 = arith.constant 256 : index
    %get3A_2366 = arith.constant 0 : index
    %get3A_2367 = vector.load %arg2[%get3A_2365, %get3A_2366] : memref<1024x1xf32, #tpu.memory_space<vmem>>, vector<8x1xf32>
    %mul3A_2368 = vector.broadcast %get3A_2367 : vector<8x1xf32> to vector<8x128xf32>
    %mul3A_2369 = arith.mulf %mul3A_2368, %mul3A_2364 : vector<8x128xf32>
    %get3A_2370 = arith.constant 256 : index
    %get3A_2371 = arith.constant 0 : index
    %get3A_2372 = vector.load %arg3[%get3A_2370, %get3A_2371] : memref<1024x1xf32, #tpu.memory_space<vmem>>, vector<8x1xf32>
    %mul3A_2373 = vector.broadcast %get3A_2372 : vector<8x1xf32> to vector<8x128xf32>
    %mul3A_2374 = arith.mulf %mul3A_2373, %mul3A_2364 : vector<8x128xf32>
    %get3A_2375 = arith.constant 264 : index
    %get3A_2376 = arith.constant 0 : index
    %get3A_2377 = vector.load %arg7[%get3A_2375, %get3A_2376] : memref<1024x128xf32, #tpu.memory_space<vmem>>, vector<8x128xf32>
    %mul3A_2378 = vector.broadcast %reciprocal3A : vector<1x128xf32> to vector<8x128xf32>
    %mul3A_2379 = arith.mulf %get3A_2377, %mul3A_2378 : vector<8x128xf32>
    %get3A_2380 = arith.constant 264 : index
    %get3A_2381 = arith.constant 0 : index
    %get3A_2382 = vector.load %arg2[%get3A_2380, %get3A_2381] : memref<1024x1xf32, #tpu.memory_space<vmem>>, vector<8x1xf32>
    %mul3A_2383 = vector.broadcast %get3A_2382 : vector<8x1xf32> to vector<8x128xf32>
    %mul3A_2384 = arith.mulf %mul3A_2383, %mul3A_2379 : vector<8x128xf32>
    %get3A_2385 = arith.constant 264 : index
    %get3A_2386 = arith.constant 0 : index
    %get3A_2387 = vector.load %arg3[%get3A_2385, %get3A_2386] : memref<1024x1xf32, #tpu.memory_space<vmem>>, vector<8x1xf32>
    %mul3A_2388 = vector.broadcast %get3A_2387 : vector<8x1xf32> to vector<8x128xf32>
    %mul3A_2389 = arith.mulf %mul3A_2388, %mul3A_2379 : vector<8x128xf32>
    %add3A_2390 = arith.addf %mul3A_2369, %mul3A_2384 : vector<8x128xf32>
    %add3A_2391 = arith.addf %mul3A_2374, %mul3A_2389 : vector<8x128xf32>
    %get3A_2392 = arith.constant 272 : index
    %get3A_2393 = arith.constant 0 : index
    %get3A_2394 = vector.load %arg7[%get3A_2392, %get3A_2393] : memref<1024x128xf32, #tpu.memory_space<vmem>>, vector<8x128xf32>
    %mul3A_2395 = vector.broadcast %reciprocal3A : vector<1x128xf32> to vector<8x128xf32>
    %mul3A_2396 = arith.mulf %get3A_2394, %mul3A_2395 : vector<8x128xf32>
    %get3A_2397 = arith.constant 272 : index
    %get3A_2398 = arith.constant 0 : index
    %get3A_2399 = vector.load %arg2[%get3A_2397, %get3A_2398] : memref<1024x1xf32, #tpu.memory_space<vmem>>, vector<8x1xf32>
    %mul3A_2400 = vector.broadcast %get3A_2399 : vector<8x1xf32> to vector<8x128xf32>
    %mul3A_2401 = arith.mulf %mul3A_2400, %mul3A_2396 : vector<8x128xf32>
    %get3A_2402 = arith.constant 272 : index
    %get3A_2403 = arith.constant 0 : index
    %get3A_2404 = vector.load %arg3[%get3A_2402, %get3A_2403] : memref<1024x1xf32, #tpu.memory_space<vmem>>, vector<8x1xf32>
    %mul3A_2405 = vector.broadcast %get3A_2404 : vector<8x1xf32> to vector<8x128xf32>
    %mul3A_2406 = arith.mulf %mul3A_2405, %mul3A_2396 : vector<8x128xf32>
    %add3A_2407 = arith.addf %add3A_2390, %mul3A_2401 : vector<8x128xf32>
    %add3A_2408 = arith.addf %add3A_2391, %mul3A_2406 : vector<8x128xf32>
    %get3A_2409 = arith.constant 280 : index
    %get3A_2410 = arith.constant 0 : index
    %get3A_2411 = vector.load %arg7[%get3A_2409, %get3A_2410] : memref<1024x128xf32, #tpu.memory_space<vmem>>, vector<8x128xf32>
    %mul3A_2412 = vector.broadcast %reciprocal3A : vector<1x128xf32> to vector<8x128xf32>
    %mul3A_2413 = arith.mulf %get3A_2411, %mul3A_2412 : vector<8x128xf32>
    %get3A_2414 = arith.constant 280 : index
    %get3A_2415 = arith.constant 0 : index
    %get3A_2416 = vector.load %arg2[%get3A_2414, %get3A_2415] : memref<1024x1xf32, #tpu.memory_space<vmem>>, vector<8x1xf32>
    %mul3A_2417 = vector.broadcast %get3A_2416 : vector<8x1xf32> to vector<8x128xf32>
    %mul3A_2418 = arith.mulf %mul3A_2417, %mul3A_2413 : vector<8x128xf32>
    %get3A_2419 = arith.constant 280 : index
    %get3A_2420 = arith.constant 0 : index
    %get3A_2421 = vector.load %arg3[%get3A_2419, %get3A_2420] : memref<1024x1xf32, #tpu.memory_space<vmem>>, vector<8x1xf32>
    %mul3A_2422 = vector.broadcast %get3A_2421 : vector<8x1xf32> to vector<8x128xf32>
    %mul3A_2423 = arith.mulf %mul3A_2422, %mul3A_2413 : vector<8x128xf32>
    %add3A_2424 = arith.addf %add3A_2407, %mul3A_2418 : vector<8x128xf32>
    %add3A_2425 = arith.addf %add3A_2408, %mul3A_2423 : vector<8x128xf32>
    %get3A_2426 = arith.constant 288 : index
    %get3A_2427 = arith.constant 0 : index
    %get3A_2428 = vector.load %arg7[%get3A_2426, %get3A_2427] : memref<1024x128xf32, #tpu.memory_space<vmem>>, vector<8x128xf32>
    %mul3A_2429 = vector.broadcast %reciprocal3A : vector<1x128xf32> to vector<8x128xf32>
    %mul3A_2430 = arith.mulf %get3A_2428, %mul3A_2429 : vector<8x128xf32>
    %get3A_2431 = arith.constant 288 : index
    %get3A_2432 = arith.constant 0 : index
    %get3A_2433 = vector.load %arg2[%get3A_2431, %get3A_2432] : memref<1024x1xf32, #tpu.memory_space<vmem>>, vector<8x1xf32>
    %mul3A_2434 = vector.broadcast %get3A_2433 : vector<8x1xf32> to vector<8x128xf32>
    %mul3A_2435 = arith.mulf %mul3A_2434, %mul3A_2430 : vector<8x128xf32>
    %get3A_2436 = arith.constant 288 : index
    %get3A_2437 = arith.constant 0 : index
    %get3A_2438 = vector.load %arg3[%get3A_2436, %get3A_2437] : memref<1024x1xf32, #tpu.memory_space<vmem>>, vector<8x1xf32>
    %mul3A_2439 = vector.broadcast %get3A_2438 : vector<8x1xf32> to vector<8x128xf32>
    %mul3A_2440 = arith.mulf %mul3A_2439, %mul3A_2430 : vector<8x128xf32>
    %add3A_2441 = arith.addf %add3A_2424, %mul3A_2435 : vector<8x128xf32>
    %add3A_2442 = arith.addf %add3A_2425, %mul3A_2440 : vector<8x128xf32>
    %get3A_2443 = arith.constant 296 : index
    %get3A_2444 = arith.constant 0 : index
    %get3A_2445 = vector.load %arg7[%get3A_2443, %get3A_2444] : memref<1024x128xf32, #tpu.memory_space<vmem>>, vector<8x128xf32>
    %mul3A_2446 = vector.broadcast %reciprocal3A : vector<1x128xf32> to vector<8x128xf32>
    %mul3A_2447 = arith.mulf %get3A_2445, %mul3A_2446 : vector<8x128xf32>
    %get3A_2448 = arith.constant 296 : index
    %get3A_2449 = arith.constant 0 : index
    %get3A_2450 = vector.load %arg2[%get3A_2448, %get3A_2449] : memref<1024x1xf32, #tpu.memory_space<vmem>>, vector<8x1xf32>
    %mul3A_2451 = vector.broadcast %get3A_2450 : vector<8x1xf32> to vector<8x128xf32>
    %mul3A_2452 = arith.mulf %mul3A_2451, %mul3A_2447 : vector<8x128xf32>
    %get3A_2453 = arith.constant 296 : index
    %get3A_2454 = arith.constant 0 : index
    %get3A_2455 = vector.load %arg3[%get3A_2453, %get3A_2454] : memref<1024x1xf32, #tpu.memory_space<vmem>>, vector<8x1xf32>
    %mul3A_2456 = vector.broadcast %get3A_2455 : vector<8x1xf32> to vector<8x128xf32>
    %mul3A_2457 = arith.mulf %mul3A_2456, %mul3A_2447 : vector<8x128xf32>
    %add3A_2458 = arith.addf %add3A_2441, %mul3A_2452 : vector<8x128xf32>
    %add3A_2459 = arith.addf %add3A_2442, %mul3A_2457 : vector<8x128xf32>
    %get3A_2460 = arith.constant 304 : index
    %get3A_2461 = arith.constant 0 : index
    %get3A_2462 = vector.load %arg7[%get3A_2460, %get3A_2461] : memref<1024x128xf32, #tpu.memory_space<vmem>>, vector<8x128xf32>
    %mul3A_2463 = vector.broadcast %reciprocal3A : vector<1x128xf32> to vector<8x128xf32>
    %mul3A_2464 = arith.mulf %get3A_2462, %mul3A_2463 : vector<8x128xf32>
    %get3A_2465 = arith.constant 304 : index
    %get3A_2466 = arith.constant 0 : index
    %get3A_2467 = vector.load %arg2[%get3A_2465, %get3A_2466] : memref<1024x1xf32, #tpu.memory_space<vmem>>, vector<8x1xf32>
    %mul3A_2468 = vector.broadcast %get3A_2467 : vector<8x1xf32> to vector<8x128xf32>
    %mul3A_2469 = arith.mulf %mul3A_2468, %mul3A_2464 : vector<8x128xf32>
    %get3A_2470 = arith.constant 304 : index
    %get3A_2471 = arith.constant 0 : index
    %get3A_2472 = vector.load %arg3[%get3A_2470, %get3A_2471] : memref<1024x1xf32, #tpu.memory_space<vmem>>, vector<8x1xf32>
    %mul3A_2473 = vector.broadcast %get3A_2472 : vector<8x1xf32> to vector<8x128xf32>
    %mul3A_2474 = arith.mulf %mul3A_2473, %mul3A_2464 : vector<8x128xf32>
    %add3A_2475 = arith.addf %add3A_2458, %mul3A_2469 : vector<8x128xf32>
    %add3A_2476 = arith.addf %add3A_2459, %mul3A_2474 : vector<8x128xf32>
    %get3A_2477 = arith.constant 312 : index
    %get3A_2478 = arith.constant 0 : index
    %get3A_2479 = vector.load %arg7[%get3A_2477, %get3A_2478] : memref<1024x128xf32, #tpu.memory_space<vmem>>, vector<8x128xf32>
    %mul3A_2480 = vector.broadcast %reciprocal3A : vector<1x128xf32> to vector<8x128xf32>
    %mul3A_2481 = arith.mulf %get3A_2479, %mul3A_2480 : vector<8x128xf32>
    %get3A_2482 = arith.constant 312 : index
    %get3A_2483 = arith.constant 0 : index
    %get3A_2484 = vector.load %arg2[%get3A_2482, %get3A_2483] : memref<1024x1xf32, #tpu.memory_space<vmem>>, vector<8x1xf32>
    %mul3A_2485 = vector.broadcast %get3A_2484 : vector<8x1xf32> to vector<8x128xf32>
    %mul3A_2486 = arith.mulf %mul3A_2485, %mul3A_2481 : vector<8x128xf32>
    %get3A_2487 = arith.constant 312 : index
    %get3A_2488 = arith.constant 0 : index
    %get3A_2489 = vector.load %arg3[%get3A_2487, %get3A_2488] : memref<1024x1xf32, #tpu.memory_space<vmem>>, vector<8x1xf32>
    %mul3A_2490 = vector.broadcast %get3A_2489 : vector<8x1xf32> to vector<8x128xf32>
    %mul3A_2491 = arith.mulf %mul3A_2490, %mul3A_2481 : vector<8x128xf32>
    %add3A_2492 = arith.addf %add3A_2475, %mul3A_2486 : vector<8x128xf32>
    %add3A_2493 = arith.addf %add3A_2476, %mul3A_2491 : vector<8x128xf32>
    %get3A_2494 = arith.constant 320 : index
    %get3A_2495 = arith.constant 0 : index
    %get3A_2496 = vector.load %arg7[%get3A_2494, %get3A_2495] : memref<1024x128xf32, #tpu.memory_space<vmem>>, vector<8x128xf32>
    %mul3A_2497 = vector.broadcast %reciprocal3A : vector<1x128xf32> to vector<8x128xf32>
    %mul3A_2498 = arith.mulf %get3A_2496, %mul3A_2497 : vector<8x128xf32>
    %get3A_2499 = arith.constant 320 : index
    %get3A_2500 = arith.constant 0 : index
    %get3A_2501 = vector.load %arg2[%get3A_2499, %get3A_2500] : memref<1024x1xf32, #tpu.memory_space<vmem>>, vector<8x1xf32>
    %mul3A_2502 = vector.broadcast %get3A_2501 : vector<8x1xf32> to vector<8x128xf32>
    %mul3A_2503 = arith.mulf %mul3A_2502, %mul3A_2498 : vector<8x128xf32>
    %get3A_2504 = arith.constant 320 : index
    %get3A_2505 = arith.constant 0 : index
    %get3A_2506 = vector.load %arg3[%get3A_2504, %get3A_2505] : memref<1024x1xf32, #tpu.memory_space<vmem>>, vector<8x1xf32>
    %mul3A_2507 = vector.broadcast %get3A_2506 : vector<8x1xf32> to vector<8x128xf32>
    %mul3A_2508 = arith.mulf %mul3A_2507, %mul3A_2498 : vector<8x128xf32>
    %add3A_2509 = arith.addf %add3A_2492, %mul3A_2503 : vector<8x128xf32>
    %add3A_2510 = arith.addf %add3A_2493, %mul3A_2508 : vector<8x128xf32>
    %get3A_2511 = arith.constant 328 : index
    %get3A_2512 = arith.constant 0 : index
    %get3A_2513 = vector.load %arg7[%get3A_2511, %get3A_2512] : memref<1024x128xf32, #tpu.memory_space<vmem>>, vector<8x128xf32>
    %mul3A_2514 = vector.broadcast %reciprocal3A : vector<1x128xf32> to vector<8x128xf32>
    %mul3A_2515 = arith.mulf %get3A_2513, %mul3A_2514 : vector<8x128xf32>
    %get3A_2516 = arith.constant 328 : index
    %get3A_2517 = arith.constant 0 : index
    %get3A_2518 = vector.load %arg2[%get3A_2516, %get3A_2517] : memref<1024x1xf32, #tpu.memory_space<vmem>>, vector<8x1xf32>
    %mul3A_2519 = vector.broadcast %get3A_2518 : vector<8x1xf32> to vector<8x128xf32>
    %mul3A_2520 = arith.mulf %mul3A_2519, %mul3A_2515 : vector<8x128xf32>
    %get3A_2521 = arith.constant 328 : index
    %get3A_2522 = arith.constant 0 : index
    %get3A_2523 = vector.load %arg3[%get3A_2521, %get3A_2522] : memref<1024x1xf32, #tpu.memory_space<vmem>>, vector<8x1xf32>
    %mul3A_2524 = vector.broadcast %get3A_2523 : vector<8x1xf32> to vector<8x128xf32>
    %mul3A_2525 = arith.mulf %mul3A_2524, %mul3A_2515 : vector<8x128xf32>
    %add3A_2526 = arith.addf %add3A_2509, %mul3A_2520 : vector<8x128xf32>
    %add3A_2527 = arith.addf %add3A_2510, %mul3A_2525 : vector<8x128xf32>
    %get3A_2528 = arith.constant 336 : index
    %get3A_2529 = arith.constant 0 : index
    %get3A_2530 = vector.load %arg7[%get3A_2528, %get3A_2529] : memref<1024x128xf32, #tpu.memory_space<vmem>>, vector<8x128xf32>
    %mul3A_2531 = vector.broadcast %reciprocal3A : vector<1x128xf32> to vector<8x128xf32>
    %mul3A_2532 = arith.mulf %get3A_2530, %mul3A_2531 : vector<8x128xf32>
    %get3A_2533 = arith.constant 336 : index
    %get3A_2534 = arith.constant 0 : index
    %get3A_2535 = vector.load %arg2[%get3A_2533, %get3A_2534] : memref<1024x1xf32, #tpu.memory_space<vmem>>, vector<8x1xf32>
    %mul3A_2536 = vector.broadcast %get3A_2535 : vector<8x1xf32> to vector<8x128xf32>
    %mul3A_2537 = arith.mulf %mul3A_2536, %mul3A_2532 : vector<8x128xf32>
    %get3A_2538 = arith.constant 336 : index
    %get3A_2539 = arith.constant 0 : index
    %get3A_2540 = vector.load %arg3[%get3A_2538, %get3A_2539] : memref<1024x1xf32, #tpu.memory_space<vmem>>, vector<8x1xf32>
    %mul3A_2541 = vector.broadcast %get3A_2540 : vector<8x1xf32> to vector<8x128xf32>
    %mul3A_2542 = arith.mulf %mul3A_2541, %mul3A_2532 : vector<8x128xf32>
    %add3A_2543 = arith.addf %add3A_2526, %mul3A_2537 : vector<8x128xf32>
    %add3A_2544 = arith.addf %add3A_2527, %mul3A_2542 : vector<8x128xf32>
    %get3A_2545 = arith.constant 344 : index
    %get3A_2546 = arith.constant 0 : index
    %get3A_2547 = vector.load %arg7[%get3A_2545, %get3A_2546] : memref<1024x128xf32, #tpu.memory_space<vmem>>, vector<8x128xf32>
    %mul3A_2548 = vector.broadcast %reciprocal3A : vector<1x128xf32> to vector<8x128xf32>
    %mul3A_2549 = arith.mulf %get3A_2547, %mul3A_2548 : vector<8x128xf32>
    %get3A_2550 = arith.constant 344 : index
    %get3A_2551 = arith.constant 0 : index
    %get3A_2552 = vector.load %arg2[%get3A_2550, %get3A_2551] : memref<1024x1xf32, #tpu.memory_space<vmem>>, vector<8x1xf32>
    %mul3A_2553 = vector.broadcast %get3A_2552 : vector<8x1xf32> to vector<8x128xf32>
    %mul3A_2554 = arith.mulf %mul3A_2553, %mul3A_2549 : vector<8x128xf32>
    %get3A_2555 = arith.constant 344 : index
    %get3A_2556 = arith.constant 0 : index
    %get3A_2557 = vector.load %arg3[%get3A_2555, %get3A_2556] : memref<1024x1xf32, #tpu.memory_space<vmem>>, vector<8x1xf32>
    %mul3A_2558 = vector.broadcast %get3A_2557 : vector<8x1xf32> to vector<8x128xf32>
    %mul3A_2559 = arith.mulf %mul3A_2558, %mul3A_2549 : vector<8x128xf32>
    %add3A_2560 = arith.addf %add3A_2543, %mul3A_2554 : vector<8x128xf32>
    %add3A_2561 = arith.addf %add3A_2544, %mul3A_2559 : vector<8x128xf32>
    %get3A_2562 = arith.constant 352 : index
    %get3A_2563 = arith.constant 0 : index
    %get3A_2564 = vector.load %arg7[%get3A_2562, %get3A_2563] : memref<1024x128xf32, #tpu.memory_space<vmem>>, vector<8x128xf32>
    %mul3A_2565 = vector.broadcast %reciprocal3A : vector<1x128xf32> to vector<8x128xf32>
    %mul3A_2566 = arith.mulf %get3A_2564, %mul3A_2565 : vector<8x128xf32>
    %get3A_2567 = arith.constant 352 : index
    %get3A_2568 = arith.constant 0 : index
    %get3A_2569 = vector.load %arg2[%get3A_2567, %get3A_2568] : memref<1024x1xf32, #tpu.memory_space<vmem>>, vector<8x1xf32>
    %mul3A_2570 = vector.broadcast %get3A_2569 : vector<8x1xf32> to vector<8x128xf32>
    %mul3A_2571 = arith.mulf %mul3A_2570, %mul3A_2566 : vector<8x128xf32>
    %get3A_2572 = arith.constant 352 : index
    %get3A_2573 = arith.constant 0 : index
    %get3A_2574 = vector.load %arg3[%get3A_2572, %get3A_2573] : memref<1024x1xf32, #tpu.memory_space<vmem>>, vector<8x1xf32>
    %mul3A_2575 = vector.broadcast %get3A_2574 : vector<8x1xf32> to vector<8x128xf32>
    %mul3A_2576 = arith.mulf %mul3A_2575, %mul3A_2566 : vector<8x128xf32>
    %add3A_2577 = arith.addf %add3A_2560, %mul3A_2571 : vector<8x128xf32>
    %add3A_2578 = arith.addf %add3A_2561, %mul3A_2576 : vector<8x128xf32>
    %get3A_2579 = arith.constant 360 : index
    %get3A_2580 = arith.constant 0 : index
    %get3A_2581 = vector.load %arg7[%get3A_2579, %get3A_2580] : memref<1024x128xf32, #tpu.memory_space<vmem>>, vector<8x128xf32>
    %mul3A_2582 = vector.broadcast %reciprocal3A : vector<1x128xf32> to vector<8x128xf32>
    %mul3A_2583 = arith.mulf %get3A_2581, %mul3A_2582 : vector<8x128xf32>
    %get3A_2584 = arith.constant 360 : index
    %get3A_2585 = arith.constant 0 : index
    %get3A_2586 = vector.load %arg2[%get3A_2584, %get3A_2585] : memref<1024x1xf32, #tpu.memory_space<vmem>>, vector<8x1xf32>
    %mul3A_2587 = vector.broadcast %get3A_2586 : vector<8x1xf32> to vector<8x128xf32>
    %mul3A_2588 = arith.mulf %mul3A_2587, %mul3A_2583 : vector<8x128xf32>
    %get3A_2589 = arith.constant 360 : index
    %get3A_2590 = arith.constant 0 : index
    %get3A_2591 = vector.load %arg3[%get3A_2589, %get3A_2590] : memref<1024x1xf32, #tpu.memory_space<vmem>>, vector<8x1xf32>
    %mul3A_2592 = vector.broadcast %get3A_2591 : vector<8x1xf32> to vector<8x128xf32>
    %mul3A_2593 = arith.mulf %mul3A_2592, %mul3A_2583 : vector<8x128xf32>
    %add3A_2594 = arith.addf %add3A_2577, %mul3A_2588 : vector<8x128xf32>
    %add3A_2595 = arith.addf %add3A_2578, %mul3A_2593 : vector<8x128xf32>
    %get3A_2596 = arith.constant 368 : index
    %get3A_2597 = arith.constant 0 : index
    %get3A_2598 = vector.load %arg7[%get3A_2596, %get3A_2597] : memref<1024x128xf32, #tpu.memory_space<vmem>>, vector<8x128xf32>
    %mul3A_2599 = vector.broadcast %reciprocal3A : vector<1x128xf32> to vector<8x128xf32>
    %mul3A_2600 = arith.mulf %get3A_2598, %mul3A_2599 : vector<8x128xf32>
    %get3A_2601 = arith.constant 368 : index
    %get3A_2602 = arith.constant 0 : index
    %get3A_2603 = vector.load %arg2[%get3A_2601, %get3A_2602] : memref<1024x1xf32, #tpu.memory_space<vmem>>, vector<8x1xf32>
    %mul3A_2604 = vector.broadcast %get3A_2603 : vector<8x1xf32> to vector<8x128xf32>
    %mul3A_2605 = arith.mulf %mul3A_2604, %mul3A_2600 : vector<8x128xf32>
    %get3A_2606 = arith.constant 368 : index
    %get3A_2607 = arith.constant 0 : index
    %get3A_2608 = vector.load %arg3[%get3A_2606, %get3A_2607] : memref<1024x1xf32, #tpu.memory_space<vmem>>, vector<8x1xf32>
    %mul3A_2609 = vector.broadcast %get3A_2608 : vector<8x1xf32> to vector<8x128xf32>
    %mul3A_2610 = arith.mulf %mul3A_2609, %mul3A_2600 : vector<8x128xf32>
    %add3A_2611 = arith.addf %add3A_2594, %mul3A_2605 : vector<8x128xf32>
    %add3A_2612 = arith.addf %add3A_2595, %mul3A_2610 : vector<8x128xf32>
    %get3A_2613 = arith.constant 376 : index
    %get3A_2614 = arith.constant 0 : index
    %get3A_2615 = vector.load %arg7[%get3A_2613, %get3A_2614] : memref<1024x128xf32, #tpu.memory_space<vmem>>, vector<8x128xf32>
    %mul3A_2616 = vector.broadcast %reciprocal3A : vector<1x128xf32> to vector<8x128xf32>
    %mul3A_2617 = arith.mulf %get3A_2615, %mul3A_2616 : vector<8x128xf32>
    %get3A_2618 = arith.constant 376 : index
    %get3A_2619 = arith.constant 0 : index
    %get3A_2620 = vector.load %arg2[%get3A_2618, %get3A_2619] : memref<1024x1xf32, #tpu.memory_space<vmem>>, vector<8x1xf32>
    %mul3A_2621 = vector.broadcast %get3A_2620 : vector<8x1xf32> to vector<8x128xf32>
    %mul3A_2622 = arith.mulf %mul3A_2621, %mul3A_2617 : vector<8x128xf32>
    %get3A_2623 = arith.constant 376 : index
    %get3A_2624 = arith.constant 0 : index
    %get3A_2625 = vector.load %arg3[%get3A_2623, %get3A_2624] : memref<1024x1xf32, #tpu.memory_space<vmem>>, vector<8x1xf32>
    %mul3A_2626 = vector.broadcast %get3A_2625 : vector<8x1xf32> to vector<8x128xf32>
    %mul3A_2627 = arith.mulf %mul3A_2626, %mul3A_2617 : vector<8x128xf32>
    %add3A_2628 = arith.addf %add3A_2611, %mul3A_2622 : vector<8x128xf32>
    %add3A_2629 = arith.addf %add3A_2612, %mul3A_2627 : vector<8x128xf32>
    %get3A_2630 = arith.constant 384 : index
    %get3A_2631 = arith.constant 0 : index
    %get3A_2632 = vector.load %arg7[%get3A_2630, %get3A_2631] : memref<1024x128xf32, #tpu.memory_space<vmem>>, vector<8x128xf32>
    %mul3A_2633 = vector.broadcast %reciprocal3A : vector<1x128xf32> to vector<8x128xf32>
    %mul3A_2634 = arith.mulf %get3A_2632, %mul3A_2633 : vector<8x128xf32>
    %get3A_2635 = arith.constant 384 : index
    %get3A_2636 = arith.constant 0 : index
    %get3A_2637 = vector.load %arg2[%get3A_2635, %get3A_2636] : memref<1024x1xf32, #tpu.memory_space<vmem>>, vector<8x1xf32>
    %mul3A_2638 = vector.broadcast %get3A_2637 : vector<8x1xf32> to vector<8x128xf32>
    %mul3A_2639 = arith.mulf %mul3A_2638, %mul3A_2634 : vector<8x128xf32>
    %get3A_2640 = arith.constant 384 : index
    %get3A_2641 = arith.constant 0 : index
    %get3A_2642 = vector.load %arg3[%get3A_2640, %get3A_2641] : memref<1024x1xf32, #tpu.memory_space<vmem>>, vector<8x1xf32>
    %mul3A_2643 = vector.broadcast %get3A_2642 : vector<8x1xf32> to vector<8x128xf32>
    %mul3A_2644 = arith.mulf %mul3A_2643, %mul3A_2634 : vector<8x128xf32>
    %add3A_2645 = arith.addf %add3A_2628, %mul3A_2639 : vector<8x128xf32>
    %add3A_2646 = arith.addf %add3A_2629, %mul3A_2644 : vector<8x128xf32>
    %get3A_2647 = arith.constant 392 : index
    %get3A_2648 = arith.constant 0 : index
    %get3A_2649 = vector.load %arg7[%get3A_2647, %get3A_2648] : memref<1024x128xf32, #tpu.memory_space<vmem>>, vector<8x128xf32>
    %mul3A_2650 = vector.broadcast %reciprocal3A : vector<1x128xf32> to vector<8x128xf32>
    %mul3A_2651 = arith.mulf %get3A_2649, %mul3A_2650 : vector<8x128xf32>
    %get3A_2652 = arith.constant 392 : index
    %get3A_2653 = arith.constant 0 : index
    %get3A_2654 = vector.load %arg2[%get3A_2652, %get3A_2653] : memref<1024x1xf32, #tpu.memory_space<vmem>>, vector<8x1xf32>
    %mul3A_2655 = vector.broadcast %get3A_2654 : vector<8x1xf32> to vector<8x128xf32>
    %mul3A_2656 = arith.mulf %mul3A_2655, %mul3A_2651 : vector<8x128xf32>
    %get3A_2657 = arith.constant 392 : index
    %get3A_2658 = arith.constant 0 : index
    %get3A_2659 = vector.load %arg3[%get3A_2657, %get3A_2658] : memref<1024x1xf32, #tpu.memory_space<vmem>>, vector<8x1xf32>
    %mul3A_2660 = vector.broadcast %get3A_2659 : vector<8x1xf32> to vector<8x128xf32>
    %mul3A_2661 = arith.mulf %mul3A_2660, %mul3A_2651 : vector<8x128xf32>
    %add3A_2662 = arith.addf %add3A_2645, %mul3A_2656 : vector<8x128xf32>
    %add3A_2663 = arith.addf %add3A_2646, %mul3A_2661 : vector<8x128xf32>
    %get3A_2664 = arith.constant 400 : index
    %get3A_2665 = arith.constant 0 : index
    %get3A_2666 = vector.load %arg7[%get3A_2664, %get3A_2665] : memref<1024x128xf32, #tpu.memory_space<vmem>>, vector<8x128xf32>
    %mul3A_2667 = vector.broadcast %reciprocal3A : vector<1x128xf32> to vector<8x128xf32>
    %mul3A_2668 = arith.mulf %get3A_2666, %mul3A_2667 : vector<8x128xf32>
    %get3A_2669 = arith.constant 400 : index
    %get3A_2670 = arith.constant 0 : index
    %get3A_2671 = vector.load %arg2[%get3A_2669, %get3A_2670] : memref<1024x1xf32, #tpu.memory_space<vmem>>, vector<8x1xf32>
    %mul3A_2672 = vector.broadcast %get3A_2671 : vector<8x1xf32> to vector<8x128xf32>
    %mul3A_2673 = arith.mulf %mul3A_2672, %mul3A_2668 : vector<8x128xf32>
    %get3A_2674 = arith.constant 400 : index
    %get3A_2675 = arith.constant 0 : index
    %get3A_2676 = vector.load %arg3[%get3A_2674, %get3A_2675] : memref<1024x1xf32, #tpu.memory_space<vmem>>, vector<8x1xf32>
    %mul3A_2677 = vector.broadcast %get3A_2676 : vector<8x1xf32> to vector<8x128xf32>
    %mul3A_2678 = arith.mulf %mul3A_2677, %mul3A_2668 : vector<8x128xf32>
    %add3A_2679 = arith.addf %add3A_2662, %mul3A_2673 : vector<8x128xf32>
    %add3A_2680 = arith.addf %add3A_2663, %mul3A_2678 : vector<8x128xf32>
    %get3A_2681 = arith.constant 408 : index
    %get3A_2682 = arith.constant 0 : index
    %get3A_2683 = vector.load %arg7[%get3A_2681, %get3A_2682] : memref<1024x128xf32, #tpu.memory_space<vmem>>, vector<8x128xf32>
    %mul3A_2684 = vector.broadcast %reciprocal3A : vector<1x128xf32> to vector<8x128xf32>
    %mul3A_2685 = arith.mulf %get3A_2683, %mul3A_2684 : vector<8x128xf32>
    %get3A_2686 = arith.constant 408 : index
    %get3A_2687 = arith.constant 0 : index
    %get3A_2688 = vector.load %arg2[%get3A_2686, %get3A_2687] : memref<1024x1xf32, #tpu.memory_space<vmem>>, vector<8x1xf32>
    %mul3A_2689 = vector.broadcast %get3A_2688 : vector<8x1xf32> to vector<8x128xf32>
    %mul3A_2690 = arith.mulf %mul3A_2689, %mul3A_2685 : vector<8x128xf32>
    %get3A_2691 = arith.constant 408 : index
    %get3A_2692 = arith.constant 0 : index
    %get3A_2693 = vector.load %arg3[%get3A_2691, %get3A_2692] : memref<1024x1xf32, #tpu.memory_space<vmem>>, vector<8x1xf32>
    %mul3A_2694 = vector.broadcast %get3A_2693 : vector<8x1xf32> to vector<8x128xf32>
    %mul3A_2695 = arith.mulf %mul3A_2694, %mul3A_2685 : vector<8x128xf32>
    %add3A_2696 = arith.addf %add3A_2679, %mul3A_2690 : vector<8x128xf32>
    %add3A_2697 = arith.addf %add3A_2680, %mul3A_2695 : vector<8x128xf32>
    %get3A_2698 = arith.constant 416 : index
    %get3A_2699 = arith.constant 0 : index
    %get3A_2700 = vector.load %arg7[%get3A_2698, %get3A_2699] : memref<1024x128xf32, #tpu.memory_space<vmem>>, vector<8x128xf32>
    %mul3A_2701 = vector.broadcast %reciprocal3A : vector<1x128xf32> to vector<8x128xf32>
    %mul3A_2702 = arith.mulf %get3A_2700, %mul3A_2701 : vector<8x128xf32>
    %get3A_2703 = arith.constant 416 : index
    %get3A_2704 = arith.constant 0 : index
    %get3A_2705 = vector.load %arg2[%get3A_2703, %get3A_2704] : memref<1024x1xf32, #tpu.memory_space<vmem>>, vector<8x1xf32>
    %mul3A_2706 = vector.broadcast %get3A_2705 : vector<8x1xf32> to vector<8x128xf32>
    %mul3A_2707 = arith.mulf %mul3A_2706, %mul3A_2702 : vector<8x128xf32>
    %get3A_2708 = arith.constant 416 : index
    %get3A_2709 = arith.constant 0 : index
    %get3A_2710 = vector.load %arg3[%get3A_2708, %get3A_2709] : memref<1024x1xf32, #tpu.memory_space<vmem>>, vector<8x1xf32>
    %mul3A_2711 = vector.broadcast %get3A_2710 : vector<8x1xf32> to vector<8x128xf32>
    %mul3A_2712 = arith.mulf %mul3A_2711, %mul3A_2702 : vector<8x128xf32>
    %add3A_2713 = arith.addf %add3A_2696, %mul3A_2707 : vector<8x128xf32>
    %add3A_2714 = arith.addf %add3A_2697, %mul3A_2712 : vector<8x128xf32>
    %get3A_2715 = arith.constant 424 : index
    %get3A_2716 = arith.constant 0 : index
    %get3A_2717 = vector.load %arg7[%get3A_2715, %get3A_2716] : memref<1024x128xf32, #tpu.memory_space<vmem>>, vector<8x128xf32>
    %mul3A_2718 = vector.broadcast %reciprocal3A : vector<1x128xf32> to vector<8x128xf32>
    %mul3A_2719 = arith.mulf %get3A_2717, %mul3A_2718 : vector<8x128xf32>
    %get3A_2720 = arith.constant 424 : index
    %get3A_2721 = arith.constant 0 : index
    %get3A_2722 = vector.load %arg2[%get3A_2720, %get3A_2721] : memref<1024x1xf32, #tpu.memory_space<vmem>>, vector<8x1xf32>
    %mul3A_2723 = vector.broadcast %get3A_2722 : vector<8x1xf32> to vector<8x128xf32>
    %mul3A_2724 = arith.mulf %mul3A_2723, %mul3A_2719 : vector<8x128xf32>
    %get3A_2725 = arith.constant 424 : index
    %get3A_2726 = arith.constant 0 : index
    %get3A_2727 = vector.load %arg3[%get3A_2725, %get3A_2726] : memref<1024x1xf32, #tpu.memory_space<vmem>>, vector<8x1xf32>
    %mul3A_2728 = vector.broadcast %get3A_2727 : vector<8x1xf32> to vector<8x128xf32>
    %mul3A_2729 = arith.mulf %mul3A_2728, %mul3A_2719 : vector<8x128xf32>
    %add3A_2730 = arith.addf %add3A_2713, %mul3A_2724 : vector<8x128xf32>
    %add3A_2731 = arith.addf %add3A_2714, %mul3A_2729 : vector<8x128xf32>
    %get3A_2732 = arith.constant 432 : index
    %get3A_2733 = arith.constant 0 : index
    %get3A_2734 = vector.load %arg7[%get3A_2732, %get3A_2733] : memref<1024x128xf32, #tpu.memory_space<vmem>>, vector<8x128xf32>
    %mul3A_2735 = vector.broadcast %reciprocal3A : vector<1x128xf32> to vector<8x128xf32>
    %mul3A_2736 = arith.mulf %get3A_2734, %mul3A_2735 : vector<8x128xf32>
    %get3A_2737 = arith.constant 432 : index
    %get3A_2738 = arith.constant 0 : index
    %get3A_2739 = vector.load %arg2[%get3A_2737, %get3A_2738] : memref<1024x1xf32, #tpu.memory_space<vmem>>, vector<8x1xf32>
    %mul3A_2740 = vector.broadcast %get3A_2739 : vector<8x1xf32> to vector<8x128xf32>
    %mul3A_2741 = arith.mulf %mul3A_2740, %mul3A_2736 : vector<8x128xf32>
    %get3A_2742 = arith.constant 432 : index
    %get3A_2743 = arith.constant 0 : index
    %get3A_2744 = vector.load %arg3[%get3A_2742, %get3A_2743] : memref<1024x1xf32, #tpu.memory_space<vmem>>, vector<8x1xf32>
    %mul3A_2745 = vector.broadcast %get3A_2744 : vector<8x1xf32> to vector<8x128xf32>
    %mul3A_2746 = arith.mulf %mul3A_2745, %mul3A_2736 : vector<8x128xf32>
    %add3A_2747 = arith.addf %add3A_2730, %mul3A_2741 : vector<8x128xf32>
    %add3A_2748 = arith.addf %add3A_2731, %mul3A_2746 : vector<8x128xf32>
    %get3A_2749 = arith.constant 440 : index
    %get3A_2750 = arith.constant 0 : index
    %get3A_2751 = vector.load %arg7[%get3A_2749, %get3A_2750] : memref<1024x128xf32, #tpu.memory_space<vmem>>, vector<8x128xf32>
    %mul3A_2752 = vector.broadcast %reciprocal3A : vector<1x128xf32> to vector<8x128xf32>
    %mul3A_2753 = arith.mulf %get3A_2751, %mul3A_2752 : vector<8x128xf32>
    %get3A_2754 = arith.constant 440 : index
    %get3A_2755 = arith.constant 0 : index
    %get3A_2756 = vector.load %arg2[%get3A_2754, %get3A_2755] : memref<1024x1xf32, #tpu.memory_space<vmem>>, vector<8x1xf32>
    %mul3A_2757 = vector.broadcast %get3A_2756 : vector<8x1xf32> to vector<8x128xf32>
    %mul3A_2758 = arith.mulf %mul3A_2757, %mul3A_2753 : vector<8x128xf32>
    %get3A_2759 = arith.constant 440 : index
    %get3A_2760 = arith.constant 0 : index
    %get3A_2761 = vector.load %arg3[%get3A_2759, %get3A_2760] : memref<1024x1xf32, #tpu.memory_space<vmem>>, vector<8x1xf32>
    %mul3A_2762 = vector.broadcast %get3A_2761 : vector<8x1xf32> to vector<8x128xf32>
    %mul3A_2763 = arith.mulf %mul3A_2762, %mul3A_2753 : vector<8x128xf32>
    %add3A_2764 = arith.addf %add3A_2747, %mul3A_2758 : vector<8x128xf32>
    %add3A_2765 = arith.addf %add3A_2748, %mul3A_2763 : vector<8x128xf32>
    %get3A_2766 = arith.constant 448 : index
    %get3A_2767 = arith.constant 0 : index
    %get3A_2768 = vector.load %arg7[%get3A_2766, %get3A_2767] : memref<1024x128xf32, #tpu.memory_space<vmem>>, vector<8x128xf32>
    %mul3A_2769 = vector.broadcast %reciprocal3A : vector<1x128xf32> to vector<8x128xf32>
    %mul3A_2770 = arith.mulf %get3A_2768, %mul3A_2769 : vector<8x128xf32>
    %get3A_2771 = arith.constant 448 : index
    %get3A_2772 = arith.constant 0 : index
    %get3A_2773 = vector.load %arg2[%get3A_2771, %get3A_2772] : memref<1024x1xf32, #tpu.memory_space<vmem>>, vector<8x1xf32>
    %mul3A_2774 = vector.broadcast %get3A_2773 : vector<8x1xf32> to vector<8x128xf32>
    %mul3A_2775 = arith.mulf %mul3A_2774, %mul3A_2770 : vector<8x128xf32>
    %get3A_2776 = arith.constant 448 : index
    %get3A_2777 = arith.constant 0 : index
    %get3A_2778 = vector.load %arg3[%get3A_2776, %get3A_2777] : memref<1024x1xf32, #tpu.memory_space<vmem>>, vector<8x1xf32>
    %mul3A_2779 = vector.broadcast %get3A_2778 : vector<8x1xf32> to vector<8x128xf32>
    %mul3A_2780 = arith.mulf %mul3A_2779, %mul3A_2770 : vector<8x128xf32>
    %add3A_2781 = arith.addf %add3A_2764, %mul3A_2775 : vector<8x128xf32>
    %add3A_2782 = arith.addf %add3A_2765, %mul3A_2780 : vector<8x128xf32>
    %get3A_2783 = arith.constant 456 : index
    %get3A_2784 = arith.constant 0 : index
    %get3A_2785 = vector.load %arg7[%get3A_2783, %get3A_2784] : memref<1024x128xf32, #tpu.memory_space<vmem>>, vector<8x128xf32>
    %mul3A_2786 = vector.broadcast %reciprocal3A : vector<1x128xf32> to vector<8x128xf32>
    %mul3A_2787 = arith.mulf %get3A_2785, %mul3A_2786 : vector<8x128xf32>
    %get3A_2788 = arith.constant 456 : index
    %get3A_2789 = arith.constant 0 : index
    %get3A_2790 = vector.load %arg2[%get3A_2788, %get3A_2789] : memref<1024x1xf32, #tpu.memory_space<vmem>>, vector<8x1xf32>
    %mul3A_2791 = vector.broadcast %get3A_2790 : vector<8x1xf32> to vector<8x128xf32>
    %mul3A_2792 = arith.mulf %mul3A_2791, %mul3A_2787 : vector<8x128xf32>
    %get3A_2793 = arith.constant 456 : index
    %get3A_2794 = arith.constant 0 : index
    %get3A_2795 = vector.load %arg3[%get3A_2793, %get3A_2794] : memref<1024x1xf32, #tpu.memory_space<vmem>>, vector<8x1xf32>
    %mul3A_2796 = vector.broadcast %get3A_2795 : vector<8x1xf32> to vector<8x128xf32>
    %mul3A_2797 = arith.mulf %mul3A_2796, %mul3A_2787 : vector<8x128xf32>
    %add3A_2798 = arith.addf %add3A_2781, %mul3A_2792 : vector<8x128xf32>
    %add3A_2799 = arith.addf %add3A_2782, %mul3A_2797 : vector<8x128xf32>
    %get3A_2800 = arith.constant 464 : index
    %get3A_2801 = arith.constant 0 : index
    %get3A_2802 = vector.load %arg7[%get3A_2800, %get3A_2801] : memref<1024x128xf32, #tpu.memory_space<vmem>>, vector<8x128xf32>
    %mul3A_2803 = vector.broadcast %reciprocal3A : vector<1x128xf32> to vector<8x128xf32>
    %mul3A_2804 = arith.mulf %get3A_2802, %mul3A_2803 : vector<8x128xf32>
    %get3A_2805 = arith.constant 464 : index
    %get3A_2806 = arith.constant 0 : index
    %get3A_2807 = vector.load %arg2[%get3A_2805, %get3A_2806] : memref<1024x1xf32, #tpu.memory_space<vmem>>, vector<8x1xf32>
    %mul3A_2808 = vector.broadcast %get3A_2807 : vector<8x1xf32> to vector<8x128xf32>
    %mul3A_2809 = arith.mulf %mul3A_2808, %mul3A_2804 : vector<8x128xf32>
    %get3A_2810 = arith.constant 464 : index
    %get3A_2811 = arith.constant 0 : index
    %get3A_2812 = vector.load %arg3[%get3A_2810, %get3A_2811] : memref<1024x1xf32, #tpu.memory_space<vmem>>, vector<8x1xf32>
    %mul3A_2813 = vector.broadcast %get3A_2812 : vector<8x1xf32> to vector<8x128xf32>
    %mul3A_2814 = arith.mulf %mul3A_2813, %mul3A_2804 : vector<8x128xf32>
    %add3A_2815 = arith.addf %add3A_2798, %mul3A_2809 : vector<8x128xf32>
    %add3A_2816 = arith.addf %add3A_2799, %mul3A_2814 : vector<8x128xf32>
    %get3A_2817 = arith.constant 472 : index
    %get3A_2818 = arith.constant 0 : index
    %get3A_2819 = vector.load %arg7[%get3A_2817, %get3A_2818] : memref<1024x128xf32, #tpu.memory_space<vmem>>, vector<8x128xf32>
    %mul3A_2820 = vector.broadcast %reciprocal3A : vector<1x128xf32> to vector<8x128xf32>
    %mul3A_2821 = arith.mulf %get3A_2819, %mul3A_2820 : vector<8x128xf32>
    %get3A_2822 = arith.constant 472 : index
    %get3A_2823 = arith.constant 0 : index
    %get3A_2824 = vector.load %arg2[%get3A_2822, %get3A_2823] : memref<1024x1xf32, #tpu.memory_space<vmem>>, vector<8x1xf32>
    %mul3A_2825 = vector.broadcast %get3A_2824 : vector<8x1xf32> to vector<8x128xf32>
    %mul3A_2826 = arith.mulf %mul3A_2825, %mul3A_2821 : vector<8x128xf32>
    %get3A_2827 = arith.constant 472 : index
    %get3A_2828 = arith.constant 0 : index
    %get3A_2829 = vector.load %arg3[%get3A_2827, %get3A_2828] : memref<1024x1xf32, #tpu.memory_space<vmem>>, vector<8x1xf32>
    %mul3A_2830 = vector.broadcast %get3A_2829 : vector<8x1xf32> to vector<8x128xf32>
    %mul3A_2831 = arith.mulf %mul3A_2830, %mul3A_2821 : vector<8x128xf32>
    %add3A_2832 = arith.addf %add3A_2815, %mul3A_2826 : vector<8x128xf32>
    %add3A_2833 = arith.addf %add3A_2816, %mul3A_2831 : vector<8x128xf32>
    %get3A_2834 = arith.constant 480 : index
    %get3A_2835 = arith.constant 0 : index
    %get3A_2836 = vector.load %arg7[%get3A_2834, %get3A_2835] : memref<1024x128xf32, #tpu.memory_space<vmem>>, vector<8x128xf32>
    %mul3A_2837 = vector.broadcast %reciprocal3A : vector<1x128xf32> to vector<8x128xf32>
    %mul3A_2838 = arith.mulf %get3A_2836, %mul3A_2837 : vector<8x128xf32>
    %get3A_2839 = arith.constant 480 : index
    %get3A_2840 = arith.constant 0 : index
    %get3A_2841 = vector.load %arg2[%get3A_2839, %get3A_2840] : memref<1024x1xf32, #tpu.memory_space<vmem>>, vector<8x1xf32>
    %mul3A_2842 = vector.broadcast %get3A_2841 : vector<8x1xf32> to vector<8x128xf32>
    %mul3A_2843 = arith.mulf %mul3A_2842, %mul3A_2838 : vector<8x128xf32>
    %get3A_2844 = arith.constant 480 : index
    %get3A_2845 = arith.constant 0 : index
    %get3A_2846 = vector.load %arg3[%get3A_2844, %get3A_2845] : memref<1024x1xf32, #tpu.memory_space<vmem>>, vector<8x1xf32>
    %mul3A_2847 = vector.broadcast %get3A_2846 : vector<8x1xf32> to vector<8x128xf32>
    %mul3A_2848 = arith.mulf %mul3A_2847, %mul3A_2838 : vector<8x128xf32>
    %add3A_2849 = arith.addf %add3A_2832, %mul3A_2843 : vector<8x128xf32>
    %add3A_2850 = arith.addf %add3A_2833, %mul3A_2848 : vector<8x128xf32>
    %get3A_2851 = arith.constant 488 : index
    %get3A_2852 = arith.constant 0 : index
    %get3A_2853 = vector.load %arg7[%get3A_2851, %get3A_2852] : memref<1024x128xf32, #tpu.memory_space<vmem>>, vector<8x128xf32>
    %mul3A_2854 = vector.broadcast %reciprocal3A : vector<1x128xf32> to vector<8x128xf32>
    %mul3A_2855 = arith.mulf %get3A_2853, %mul3A_2854 : vector<8x128xf32>
    %get3A_2856 = arith.constant 488 : index
    %get3A_2857 = arith.constant 0 : index
    %get3A_2858 = vector.load %arg2[%get3A_2856, %get3A_2857] : memref<1024x1xf32, #tpu.memory_space<vmem>>, vector<8x1xf32>
    %mul3A_2859 = vector.broadcast %get3A_2858 : vector<8x1xf32> to vector<8x128xf32>
    %mul3A_2860 = arith.mulf %mul3A_2859, %mul3A_2855 : vector<8x128xf32>
    %get3A_2861 = arith.constant 488 : index
    %get3A_2862 = arith.constant 0 : index
    %get3A_2863 = vector.load %arg3[%get3A_2861, %get3A_2862] : memref<1024x1xf32, #tpu.memory_space<vmem>>, vector<8x1xf32>
    %mul3A_2864 = vector.broadcast %get3A_2863 : vector<8x1xf32> to vector<8x128xf32>
    %mul3A_2865 = arith.mulf %mul3A_2864, %mul3A_2855 : vector<8x128xf32>
    %add3A_2866 = arith.addf %add3A_2849, %mul3A_2860 : vector<8x128xf32>
    %add3A_2867 = arith.addf %add3A_2850, %mul3A_2865 : vector<8x128xf32>
    %get3A_2868 = arith.constant 496 : index
    %get3A_2869 = arith.constant 0 : index
    %get3A_2870 = vector.load %arg7[%get3A_2868, %get3A_2869] : memref<1024x128xf32, #tpu.memory_space<vmem>>, vector<8x128xf32>
    %mul3A_2871 = vector.broadcast %reciprocal3A : vector<1x128xf32> to vector<8x128xf32>
    %mul3A_2872 = arith.mulf %get3A_2870, %mul3A_2871 : vector<8x128xf32>
    %get3A_2873 = arith.constant 496 : index
    %get3A_2874 = arith.constant 0 : index
    %get3A_2875 = vector.load %arg2[%get3A_2873, %get3A_2874] : memref<1024x1xf32, #tpu.memory_space<vmem>>, vector<8x1xf32>
    %mul3A_2876 = vector.broadcast %get3A_2875 : vector<8x1xf32> to vector<8x128xf32>
    %mul3A_2877 = arith.mulf %mul3A_2876, %mul3A_2872 : vector<8x128xf32>
    %get3A_2878 = arith.constant 496 : index
    %get3A_2879 = arith.constant 0 : index
    %get3A_2880 = vector.load %arg3[%get3A_2878, %get3A_2879] : memref<1024x1xf32, #tpu.memory_space<vmem>>, vector<8x1xf32>
    %mul3A_2881 = vector.broadcast %get3A_2880 : vector<8x1xf32> to vector<8x128xf32>
    %mul3A_2882 = arith.mulf %mul3A_2881, %mul3A_2872 : vector<8x128xf32>
    %add3A_2883 = arith.addf %add3A_2866, %mul3A_2877 : vector<8x128xf32>
    %add3A_2884 = arith.addf %add3A_2867, %mul3A_2882 : vector<8x128xf32>
    %get3A_2885 = arith.constant 504 : index
    %get3A_2886 = arith.constant 0 : index
    %get3A_2887 = vector.load %arg7[%get3A_2885, %get3A_2886] : memref<1024x128xf32, #tpu.memory_space<vmem>>, vector<8x128xf32>
    %mul3A_2888 = vector.broadcast %reciprocal3A : vector<1x128xf32> to vector<8x128xf32>
    %mul3A_2889 = arith.mulf %get3A_2887, %mul3A_2888 : vector<8x128xf32>
    %get3A_2890 = arith.constant 504 : index
    %get3A_2891 = arith.constant 0 : index
    %get3A_2892 = vector.load %arg2[%get3A_2890, %get3A_2891] : memref<1024x1xf32, #tpu.memory_space<vmem>>, vector<8x1xf32>
    %mul3A_2893 = vector.broadcast %get3A_2892 : vector<8x1xf32> to vector<8x128xf32>
    %mul3A_2894 = arith.mulf %mul3A_2893, %mul3A_2889 : vector<8x128xf32>
    %get3A_2895 = arith.constant 504 : index
    %get3A_2896 = arith.constant 0 : index
    %get3A_2897 = vector.load %arg3[%get3A_2895, %get3A_2896] : memref<1024x1xf32, #tpu.memory_space<vmem>>, vector<8x1xf32>
    %mul3A_2898 = vector.broadcast %get3A_2897 : vector<8x1xf32> to vector<8x128xf32>
    %mul3A_2899 = arith.mulf %mul3A_2898, %mul3A_2889 : vector<8x128xf32>
    %add3A_2900 = arith.addf %add3A_2883, %mul3A_2894 : vector<8x128xf32>
    %add3A_2901 = arith.addf %add3A_2884, %mul3A_2899 : vector<8x128xf32>
    %slice3A_2902 = vector.extract_strided_slice %add3A_2900 {offsets = [0, 0], sizes = [4, 128], strides = [1, 1]} : vector<8x128xf32> to vector<4x128xf32>
    %slice3A_2903 = vector.extract_strided_slice %add3A_2900 {offsets = [4, 0], sizes = [4, 128], strides = [1, 1]} : vector<8x128xf32> to vector<4x128xf32>
    %add3A_2904 = arith.addf %slice3A_2902, %slice3A_2903 : vector<4x128xf32>
    %slice3A_2905 = vector.extract_strided_slice %add3A_2904 {offsets = [0, 0], sizes = [2, 128], strides = [1, 1]} : vector<4x128xf32> to vector<2x128xf32>
    %slice3A_2906 = vector.extract_strided_slice %add3A_2904 {offsets = [2, 0], sizes = [2, 128], strides = [1, 1]} : vector<4x128xf32> to vector<2x128xf32>
    %add3A_2907 = arith.addf %slice3A_2905, %slice3A_2906 : vector<2x128xf32>
    %slice3A_2908 = vector.extract_strided_slice %add3A_2907 {offsets = [0, 0], sizes = [1, 128], strides = [1, 1]} : vector<2x128xf32> to vector<1x128xf32>
    %slice3A_2909 = vector.extract_strided_slice %add3A_2907 {offsets = [1, 0], sizes = [1, 128], strides = [1, 1]} : vector<2x128xf32> to vector<1x128xf32>
    %add3A_2910 = arith.addf %slice3A_2908, %slice3A_2909 : vector<1x128xf32>
    %slice3A_2911 = vector.extract_strided_slice %add3A_2901 {offsets = [0, 0], sizes = [4, 128], strides = [1, 1]} : vector<8x128xf32> to vector<4x128xf32>
    %slice3A_2912 = vector.extract_strided_slice %add3A_2901 {offsets = [4, 0], sizes = [4, 128], strides = [1, 1]} : vector<8x128xf32> to vector<4x128xf32>
    %add3A_2913 = arith.addf %slice3A_2911, %slice3A_2912 : vector<4x128xf32>
    %slice3A_2914 = vector.extract_strided_slice %add3A_2913 {offsets = [0, 0], sizes = [2, 128], strides = [1, 1]} : vector<4x128xf32> to vector<2x128xf32>
    %slice3A_2915 = vector.extract_strided_slice %add3A_2913 {offsets = [2, 0], sizes = [2, 128], strides = [1, 1]} : vector<4x128xf32> to vector<2x128xf32>
    %add3A_2916 = arith.addf %slice3A_2914, %slice3A_2915 : vector<2x128xf32>
    %slice3A_2917 = vector.extract_strided_slice %add3A_2916 {offsets = [0, 0], sizes = [1, 128], strides = [1, 1]} : vector<2x128xf32> to vector<1x128xf32>
    %slice3A_2918 = vector.extract_strided_slice %add3A_2916 {offsets = [1, 0], sizes = [1, 128], strides = [1, 1]} : vector<2x128xf32> to vector<1x128xf32>
    %add3A_2919 = arith.addf %slice3A_2917, %slice3A_2918 : vector<1x128xf32>
    %add3A_2920 = arith.addf %add3A_2350, %add3A_2910 : vector<1x128xf32>
    %add3A_2921 = arith.addf %add3A_2359, %add3A_2919 : vector<1x128xf32>
    %get3A_2922 = arith.constant 512 : index
    %get3A_2923 = arith.constant 0 : index
    %get3A_2924 = vector.load %arg7[%get3A_2922, %get3A_2923] : memref<1024x128xf32, #tpu.memory_space<vmem>>, vector<8x128xf32>
    %mul3A_2925 = vector.broadcast %reciprocal3A : vector<1x128xf32> to vector<8x128xf32>
    %mul3A_2926 = arith.mulf %get3A_2924, %mul3A_2925 : vector<8x128xf32>
    %get3A_2927 = arith.constant 512 : index
    %get3A_2928 = arith.constant 0 : index
    %get3A_2929 = vector.load %arg2[%get3A_2927, %get3A_2928] : memref<1024x1xf32, #tpu.memory_space<vmem>>, vector<8x1xf32>
    %mul3A_2930 = vector.broadcast %get3A_2929 : vector<8x1xf32> to vector<8x128xf32>
    %mul3A_2931 = arith.mulf %mul3A_2930, %mul3A_2926 : vector<8x128xf32>
    %get3A_2932 = arith.constant 512 : index
    %get3A_2933 = arith.constant 0 : index
    %get3A_2934 = vector.load %arg3[%get3A_2932, %get3A_2933] : memref<1024x1xf32, #tpu.memory_space<vmem>>, vector<8x1xf32>
    %mul3A_2935 = vector.broadcast %get3A_2934 : vector<8x1xf32> to vector<8x128xf32>
    %mul3A_2936 = arith.mulf %mul3A_2935, %mul3A_2926 : vector<8x128xf32>
    %get3A_2937 = arith.constant 520 : index
    %get3A_2938 = arith.constant 0 : index
    %get3A_2939 = vector.load %arg7[%get3A_2937, %get3A_2938] : memref<1024x128xf32, #tpu.memory_space<vmem>>, vector<8x128xf32>
    %mul3A_2940 = vector.broadcast %reciprocal3A : vector<1x128xf32> to vector<8x128xf32>
    %mul3A_2941 = arith.mulf %get3A_2939, %mul3A_2940 : vector<8x128xf32>
    %get3A_2942 = arith.constant 520 : index
    %get3A_2943 = arith.constant 0 : index
    %get3A_2944 = vector.load %arg2[%get3A_2942, %get3A_2943] : memref<1024x1xf32, #tpu.memory_space<vmem>>, vector<8x1xf32>
    %mul3A_2945 = vector.broadcast %get3A_2944 : vector<8x1xf32> to vector<8x128xf32>
    %mul3A_2946 = arith.mulf %mul3A_2945, %mul3A_2941 : vector<8x128xf32>
    %get3A_2947 = arith.constant 520 : index
    %get3A_2948 = arith.constant 0 : index
    %get3A_2949 = vector.load %arg3[%get3A_2947, %get3A_2948] : memref<1024x1xf32, #tpu.memory_space<vmem>>, vector<8x1xf32>
    %mul3A_2950 = vector.broadcast %get3A_2949 : vector<8x1xf32> to vector<8x128xf32>
    %mul3A_2951 = arith.mulf %mul3A_2950, %mul3A_2941 : vector<8x128xf32>
    %add3A_2952 = arith.addf %mul3A_2931, %mul3A_2946 : vector<8x128xf32>
    %add3A_2953 = arith.addf %mul3A_2936, %mul3A_2951 : vector<8x128xf32>
    %get3A_2954 = arith.constant 528 : index
    %get3A_2955 = arith.constant 0 : index
    %get3A_2956 = vector.load %arg7[%get3A_2954, %get3A_2955] : memref<1024x128xf32, #tpu.memory_space<vmem>>, vector<8x128xf32>
    %mul3A_2957 = vector.broadcast %reciprocal3A : vector<1x128xf32> to vector<8x128xf32>
    %mul3A_2958 = arith.mulf %get3A_2956, %mul3A_2957 : vector<8x128xf32>
    %get3A_2959 = arith.constant 528 : index
    %get3A_2960 = arith.constant 0 : index
    %get3A_2961 = vector.load %arg2[%get3A_2959, %get3A_2960] : memref<1024x1xf32, #tpu.memory_space<vmem>>, vector<8x1xf32>
    %mul3A_2962 = vector.broadcast %get3A_2961 : vector<8x1xf32> to vector<8x128xf32>
    %mul3A_2963 = arith.mulf %mul3A_2962, %mul3A_2958 : vector<8x128xf32>
    %get3A_2964 = arith.constant 528 : index
    %get3A_2965 = arith.constant 0 : index
    %get3A_2966 = vector.load %arg3[%get3A_2964, %get3A_2965] : memref<1024x1xf32, #tpu.memory_space<vmem>>, vector<8x1xf32>
    %mul3A_2967 = vector.broadcast %get3A_2966 : vector<8x1xf32> to vector<8x128xf32>
    %mul3A_2968 = arith.mulf %mul3A_2967, %mul3A_2958 : vector<8x128xf32>
    %add3A_2969 = arith.addf %add3A_2952, %mul3A_2963 : vector<8x128xf32>
    %add3A_2970 = arith.addf %add3A_2953, %mul3A_2968 : vector<8x128xf32>
    %get3A_2971 = arith.constant 536 : index
    %get3A_2972 = arith.constant 0 : index
    %get3A_2973 = vector.load %arg7[%get3A_2971, %get3A_2972] : memref<1024x128xf32, #tpu.memory_space<vmem>>, vector<8x128xf32>
    %mul3A_2974 = vector.broadcast %reciprocal3A : vector<1x128xf32> to vector<8x128xf32>
    %mul3A_2975 = arith.mulf %get3A_2973, %mul3A_2974 : vector<8x128xf32>
    %get3A_2976 = arith.constant 536 : index
    %get3A_2977 = arith.constant 0 : index
    %get3A_2978 = vector.load %arg2[%get3A_2976, %get3A_2977] : memref<1024x1xf32, #tpu.memory_space<vmem>>, vector<8x1xf32>
    %mul3A_2979 = vector.broadcast %get3A_2978 : vector<8x1xf32> to vector<8x128xf32>
    %mul3A_2980 = arith.mulf %mul3A_2979, %mul3A_2975 : vector<8x128xf32>
    %get3A_2981 = arith.constant 536 : index
    %get3A_2982 = arith.constant 0 : index
    %get3A_2983 = vector.load %arg3[%get3A_2981, %get3A_2982] : memref<1024x1xf32, #tpu.memory_space<vmem>>, vector<8x1xf32>
    %mul3A_2984 = vector.broadcast %get3A_2983 : vector<8x1xf32> to vector<8x128xf32>
    %mul3A_2985 = arith.mulf %mul3A_2984, %mul3A_2975 : vector<8x128xf32>
    %add3A_2986 = arith.addf %add3A_2969, %mul3A_2980 : vector<8x128xf32>
    %add3A_2987 = arith.addf %add3A_2970, %mul3A_2985 : vector<8x128xf32>
    %get3A_2988 = arith.constant 544 : index
    %get3A_2989 = arith.constant 0 : index
    %get3A_2990 = vector.load %arg7[%get3A_2988, %get3A_2989] : memref<1024x128xf32, #tpu.memory_space<vmem>>, vector<8x128xf32>
    %mul3A_2991 = vector.broadcast %reciprocal3A : vector<1x128xf32> to vector<8x128xf32>
    %mul3A_2992 = arith.mulf %get3A_2990, %mul3A_2991 : vector<8x128xf32>
    %get3A_2993 = arith.constant 544 : index
    %get3A_2994 = arith.constant 0 : index
    %get3A_2995 = vector.load %arg2[%get3A_2993, %get3A_2994] : memref<1024x1xf32, #tpu.memory_space<vmem>>, vector<8x1xf32>
    %mul3A_2996 = vector.broadcast %get3A_2995 : vector<8x1xf32> to vector<8x128xf32>
    %mul3A_2997 = arith.mulf %mul3A_2996, %mul3A_2992 : vector<8x128xf32>
    %get3A_2998 = arith.constant 544 : index
    %get3A_2999 = arith.constant 0 : index
    %get3A_3000 = vector.load %arg3[%get3A_2998, %get3A_2999] : memref<1024x1xf32, #tpu.memory_space<vmem>>, vector<8x1xf32>
    %mul3A_3001 = vector.broadcast %get3A_3000 : vector<8x1xf32> to vector<8x128xf32>
    %mul3A_3002 = arith.mulf %mul3A_3001, %mul3A_2992 : vector<8x128xf32>
    %add3A_3003 = arith.addf %add3A_2986, %mul3A_2997 : vector<8x128xf32>
    %add3A_3004 = arith.addf %add3A_2987, %mul3A_3002 : vector<8x128xf32>
    %get3A_3005 = arith.constant 552 : index
    %get3A_3006 = arith.constant 0 : index
    %get3A_3007 = vector.load %arg7[%get3A_3005, %get3A_3006] : memref<1024x128xf32, #tpu.memory_space<vmem>>, vector<8x128xf32>
    %mul3A_3008 = vector.broadcast %reciprocal3A : vector<1x128xf32> to vector<8x128xf32>
    %mul3A_3009 = arith.mulf %get3A_3007, %mul3A_3008 : vector<8x128xf32>
    %get3A_3010 = arith.constant 552 : index
    %get3A_3011 = arith.constant 0 : index
    %get3A_3012 = vector.load %arg2[%get3A_3010, %get3A_3011] : memref<1024x1xf32, #tpu.memory_space<vmem>>, vector<8x1xf32>
    %mul3A_3013 = vector.broadcast %get3A_3012 : vector<8x1xf32> to vector<8x128xf32>
    %mul3A_3014 = arith.mulf %mul3A_3013, %mul3A_3009 : vector<8x128xf32>
    %get3A_3015 = arith.constant 552 : index
    %get3A_3016 = arith.constant 0 : index
    %get3A_3017 = vector.load %arg3[%get3A_3015, %get3A_3016] : memref<1024x1xf32, #tpu.memory_space<vmem>>, vector<8x1xf32>
    %mul3A_3018 = vector.broadcast %get3A_3017 : vector<8x1xf32> to vector<8x128xf32>
    %mul3A_3019 = arith.mulf %mul3A_3018, %mul3A_3009 : vector<8x128xf32>
    %add3A_3020 = arith.addf %add3A_3003, %mul3A_3014 : vector<8x128xf32>
    %add3A_3021 = arith.addf %add3A_3004, %mul3A_3019 : vector<8x128xf32>
    %get3A_3022 = arith.constant 560 : index
    %get3A_3023 = arith.constant 0 : index
    %get3A_3024 = vector.load %arg7[%get3A_3022, %get3A_3023] : memref<1024x128xf32, #tpu.memory_space<vmem>>, vector<8x128xf32>
    %mul3A_3025 = vector.broadcast %reciprocal3A : vector<1x128xf32> to vector<8x128xf32>
    %mul3A_3026 = arith.mulf %get3A_3024, %mul3A_3025 : vector<8x128xf32>
    %get3A_3027 = arith.constant 560 : index
    %get3A_3028 = arith.constant 0 : index
    %get3A_3029 = vector.load %arg2[%get3A_3027, %get3A_3028] : memref<1024x1xf32, #tpu.memory_space<vmem>>, vector<8x1xf32>
    %mul3A_3030 = vector.broadcast %get3A_3029 : vector<8x1xf32> to vector<8x128xf32>
    %mul3A_3031 = arith.mulf %mul3A_3030, %mul3A_3026 : vector<8x128xf32>
    %get3A_3032 = arith.constant 560 : index
    %get3A_3033 = arith.constant 0 : index
    %get3A_3034 = vector.load %arg3[%get3A_3032, %get3A_3033] : memref<1024x1xf32, #tpu.memory_space<vmem>>, vector<8x1xf32>
    %mul3A_3035 = vector.broadcast %get3A_3034 : vector<8x1xf32> to vector<8x128xf32>
    %mul3A_3036 = arith.mulf %mul3A_3035, %mul3A_3026 : vector<8x128xf32>
    %add3A_3037 = arith.addf %add3A_3020, %mul3A_3031 : vector<8x128xf32>
    %add3A_3038 = arith.addf %add3A_3021, %mul3A_3036 : vector<8x128xf32>
    %get3A_3039 = arith.constant 568 : index
    %get3A_3040 = arith.constant 0 : index
    %get3A_3041 = vector.load %arg7[%get3A_3039, %get3A_3040] : memref<1024x128xf32, #tpu.memory_space<vmem>>, vector<8x128xf32>
    %mul3A_3042 = vector.broadcast %reciprocal3A : vector<1x128xf32> to vector<8x128xf32>
    %mul3A_3043 = arith.mulf %get3A_3041, %mul3A_3042 : vector<8x128xf32>
    %get3A_3044 = arith.constant 568 : index
    %get3A_3045 = arith.constant 0 : index
    %get3A_3046 = vector.load %arg2[%get3A_3044, %get3A_3045] : memref<1024x1xf32, #tpu.memory_space<vmem>>, vector<8x1xf32>
    %mul3A_3047 = vector.broadcast %get3A_3046 : vector<8x1xf32> to vector<8x128xf32>
    %mul3A_3048 = arith.mulf %mul3A_3047, %mul3A_3043 : vector<8x128xf32>
    %get3A_3049 = arith.constant 568 : index
    %get3A_3050 = arith.constant 0 : index
    %get3A_3051 = vector.load %arg3[%get3A_3049, %get3A_3050] : memref<1024x1xf32, #tpu.memory_space<vmem>>, vector<8x1xf32>
    %mul3A_3052 = vector.broadcast %get3A_3051 : vector<8x1xf32> to vector<8x128xf32>
    %mul3A_3053 = arith.mulf %mul3A_3052, %mul3A_3043 : vector<8x128xf32>
    %add3A_3054 = arith.addf %add3A_3037, %mul3A_3048 : vector<8x128xf32>
    %add3A_3055 = arith.addf %add3A_3038, %mul3A_3053 : vector<8x128xf32>
    %get3A_3056 = arith.constant 576 : index
    %get3A_3057 = arith.constant 0 : index
    %get3A_3058 = vector.load %arg7[%get3A_3056, %get3A_3057] : memref<1024x128xf32, #tpu.memory_space<vmem>>, vector<8x128xf32>
    %mul3A_3059 = vector.broadcast %reciprocal3A : vector<1x128xf32> to vector<8x128xf32>
    %mul3A_3060 = arith.mulf %get3A_3058, %mul3A_3059 : vector<8x128xf32>
    %get3A_3061 = arith.constant 576 : index
    %get3A_3062 = arith.constant 0 : index
    %get3A_3063 = vector.load %arg2[%get3A_3061, %get3A_3062] : memref<1024x1xf32, #tpu.memory_space<vmem>>, vector<8x1xf32>
    %mul3A_3064 = vector.broadcast %get3A_3063 : vector<8x1xf32> to vector<8x128xf32>
    %mul3A_3065 = arith.mulf %mul3A_3064, %mul3A_3060 : vector<8x128xf32>
    %get3A_3066 = arith.constant 576 : index
    %get3A_3067 = arith.constant 0 : index
    %get3A_3068 = vector.load %arg3[%get3A_3066, %get3A_3067] : memref<1024x1xf32, #tpu.memory_space<vmem>>, vector<8x1xf32>
    %mul3A_3069 = vector.broadcast %get3A_3068 : vector<8x1xf32> to vector<8x128xf32>
    %mul3A_3070 = arith.mulf %mul3A_3069, %mul3A_3060 : vector<8x128xf32>
    %add3A_3071 = arith.addf %add3A_3054, %mul3A_3065 : vector<8x128xf32>
    %add3A_3072 = arith.addf %add3A_3055, %mul3A_3070 : vector<8x128xf32>
    %get3A_3073 = arith.constant 584 : index
    %get3A_3074 = arith.constant 0 : index
    %get3A_3075 = vector.load %arg7[%get3A_3073, %get3A_3074] : memref<1024x128xf32, #tpu.memory_space<vmem>>, vector<8x128xf32>
    %mul3A_3076 = vector.broadcast %reciprocal3A : vector<1x128xf32> to vector<8x128xf32>
    %mul3A_3077 = arith.mulf %get3A_3075, %mul3A_3076 : vector<8x128xf32>
    %get3A_3078 = arith.constant 584 : index
    %get3A_3079 = arith.constant 0 : index
    %get3A_3080 = vector.load %arg2[%get3A_3078, %get3A_3079] : memref<1024x1xf32, #tpu.memory_space<vmem>>, vector<8x1xf32>
    %mul3A_3081 = vector.broadcast %get3A_3080 : vector<8x1xf32> to vector<8x128xf32>
    %mul3A_3082 = arith.mulf %mul3A_3081, %mul3A_3077 : vector<8x128xf32>
    %get3A_3083 = arith.constant 584 : index
    %get3A_3084 = arith.constant 0 : index
    %get3A_3085 = vector.load %arg3[%get3A_3083, %get3A_3084] : memref<1024x1xf32, #tpu.memory_space<vmem>>, vector<8x1xf32>
    %mul3A_3086 = vector.broadcast %get3A_3085 : vector<8x1xf32> to vector<8x128xf32>
    %mul3A_3087 = arith.mulf %mul3A_3086, %mul3A_3077 : vector<8x128xf32>
    %add3A_3088 = arith.addf %add3A_3071, %mul3A_3082 : vector<8x128xf32>
    %add3A_3089 = arith.addf %add3A_3072, %mul3A_3087 : vector<8x128xf32>
    %get3A_3090 = arith.constant 592 : index
    %get3A_3091 = arith.constant 0 : index
    %get3A_3092 = vector.load %arg7[%get3A_3090, %get3A_3091] : memref<1024x128xf32, #tpu.memory_space<vmem>>, vector<8x128xf32>
    %mul3A_3093 = vector.broadcast %reciprocal3A : vector<1x128xf32> to vector<8x128xf32>
    %mul3A_3094 = arith.mulf %get3A_3092, %mul3A_3093 : vector<8x128xf32>
    %get3A_3095 = arith.constant 592 : index
    %get3A_3096 = arith.constant 0 : index
    %get3A_3097 = vector.load %arg2[%get3A_3095, %get3A_3096] : memref<1024x1xf32, #tpu.memory_space<vmem>>, vector<8x1xf32>
    %mul3A_3098 = vector.broadcast %get3A_3097 : vector<8x1xf32> to vector<8x128xf32>
    %mul3A_3099 = arith.mulf %mul3A_3098, %mul3A_3094 : vector<8x128xf32>
    %get3A_3100 = arith.constant 592 : index
    %get3A_3101 = arith.constant 0 : index
    %get3A_3102 = vector.load %arg3[%get3A_3100, %get3A_3101] : memref<1024x1xf32, #tpu.memory_space<vmem>>, vector<8x1xf32>
    %mul3A_3103 = vector.broadcast %get3A_3102 : vector<8x1xf32> to vector<8x128xf32>
    %mul3A_3104 = arith.mulf %mul3A_3103, %mul3A_3094 : vector<8x128xf32>
    %add3A_3105 = arith.addf %add3A_3088, %mul3A_3099 : vector<8x128xf32>
    %add3A_3106 = arith.addf %add3A_3089, %mul3A_3104 : vector<8x128xf32>
    %get3A_3107 = arith.constant 600 : index
    %get3A_3108 = arith.constant 0 : index
    %get3A_3109 = vector.load %arg7[%get3A_3107, %get3A_3108] : memref<1024x128xf32, #tpu.memory_space<vmem>>, vector<8x128xf32>
    %mul3A_3110 = vector.broadcast %reciprocal3A : vector<1x128xf32> to vector<8x128xf32>
    %mul3A_3111 = arith.mulf %get3A_3109, %mul3A_3110 : vector<8x128xf32>
    %get3A_3112 = arith.constant 600 : index
    %get3A_3113 = arith.constant 0 : index
    %get3A_3114 = vector.load %arg2[%get3A_3112, %get3A_3113] : memref<1024x1xf32, #tpu.memory_space<vmem>>, vector<8x1xf32>
    %mul3A_3115 = vector.broadcast %get3A_3114 : vector<8x1xf32> to vector<8x128xf32>
    %mul3A_3116 = arith.mulf %mul3A_3115, %mul3A_3111 : vector<8x128xf32>
    %get3A_3117 = arith.constant 600 : index
    %get3A_3118 = arith.constant 0 : index
    %get3A_3119 = vector.load %arg3[%get3A_3117, %get3A_3118] : memref<1024x1xf32, #tpu.memory_space<vmem>>, vector<8x1xf32>
    %mul3A_3120 = vector.broadcast %get3A_3119 : vector<8x1xf32> to vector<8x128xf32>
    %mul3A_3121 = arith.mulf %mul3A_3120, %mul3A_3111 : vector<8x128xf32>
    %add3A_3122 = arith.addf %add3A_3105, %mul3A_3116 : vector<8x128xf32>
    %add3A_3123 = arith.addf %add3A_3106, %mul3A_3121 : vector<8x128xf32>
    %get3A_3124 = arith.constant 608 : index
    %get3A_3125 = arith.constant 0 : index
    %get3A_3126 = vector.load %arg7[%get3A_3124, %get3A_3125] : memref<1024x128xf32, #tpu.memory_space<vmem>>, vector<8x128xf32>
    %mul3A_3127 = vector.broadcast %reciprocal3A : vector<1x128xf32> to vector<8x128xf32>
    %mul3A_3128 = arith.mulf %get3A_3126, %mul3A_3127 : vector<8x128xf32>
    %get3A_3129 = arith.constant 608 : index
    %get3A_3130 = arith.constant 0 : index
    %get3A_3131 = vector.load %arg2[%get3A_3129, %get3A_3130] : memref<1024x1xf32, #tpu.memory_space<vmem>>, vector<8x1xf32>
    %mul3A_3132 = vector.broadcast %get3A_3131 : vector<8x1xf32> to vector<8x128xf32>
    %mul3A_3133 = arith.mulf %mul3A_3132, %mul3A_3128 : vector<8x128xf32>
    %get3A_3134 = arith.constant 608 : index
    %get3A_3135 = arith.constant 0 : index
    %get3A_3136 = vector.load %arg3[%get3A_3134, %get3A_3135] : memref<1024x1xf32, #tpu.memory_space<vmem>>, vector<8x1xf32>
    %mul3A_3137 = vector.broadcast %get3A_3136 : vector<8x1xf32> to vector<8x128xf32>
    %mul3A_3138 = arith.mulf %mul3A_3137, %mul3A_3128 : vector<8x128xf32>
    %add3A_3139 = arith.addf %add3A_3122, %mul3A_3133 : vector<8x128xf32>
    %add3A_3140 = arith.addf %add3A_3123, %mul3A_3138 : vector<8x128xf32>
    %get3A_3141 = arith.constant 616 : index
    %get3A_3142 = arith.constant 0 : index
    %get3A_3143 = vector.load %arg7[%get3A_3141, %get3A_3142] : memref<1024x128xf32, #tpu.memory_space<vmem>>, vector<8x128xf32>
    %mul3A_3144 = vector.broadcast %reciprocal3A : vector<1x128xf32> to vector<8x128xf32>
    %mul3A_3145 = arith.mulf %get3A_3143, %mul3A_3144 : vector<8x128xf32>
    %get3A_3146 = arith.constant 616 : index
    %get3A_3147 = arith.constant 0 : index
    %get3A_3148 = vector.load %arg2[%get3A_3146, %get3A_3147] : memref<1024x1xf32, #tpu.memory_space<vmem>>, vector<8x1xf32>
    %mul3A_3149 = vector.broadcast %get3A_3148 : vector<8x1xf32> to vector<8x128xf32>
    %mul3A_3150 = arith.mulf %mul3A_3149, %mul3A_3145 : vector<8x128xf32>
    %get3A_3151 = arith.constant 616 : index
    %get3A_3152 = arith.constant 0 : index
    %get3A_3153 = vector.load %arg3[%get3A_3151, %get3A_3152] : memref<1024x1xf32, #tpu.memory_space<vmem>>, vector<8x1xf32>
    %mul3A_3154 = vector.broadcast %get3A_3153 : vector<8x1xf32> to vector<8x128xf32>
    %mul3A_3155 = arith.mulf %mul3A_3154, %mul3A_3145 : vector<8x128xf32>
    %add3A_3156 = arith.addf %add3A_3139, %mul3A_3150 : vector<8x128xf32>
    %add3A_3157 = arith.addf %add3A_3140, %mul3A_3155 : vector<8x128xf32>
    %get3A_3158 = arith.constant 624 : index
    %get3A_3159 = arith.constant 0 : index
    %get3A_3160 = vector.load %arg7[%get3A_3158, %get3A_3159] : memref<1024x128xf32, #tpu.memory_space<vmem>>, vector<8x128xf32>
    %mul3A_3161 = vector.broadcast %reciprocal3A : vector<1x128xf32> to vector<8x128xf32>
    %mul3A_3162 = arith.mulf %get3A_3160, %mul3A_3161 : vector<8x128xf32>
    %get3A_3163 = arith.constant 624 : index
    %get3A_3164 = arith.constant 0 : index
    %get3A_3165 = vector.load %arg2[%get3A_3163, %get3A_3164] : memref<1024x1xf32, #tpu.memory_space<vmem>>, vector<8x1xf32>
    %mul3A_3166 = vector.broadcast %get3A_3165 : vector<8x1xf32> to vector<8x128xf32>
    %mul3A_3167 = arith.mulf %mul3A_3166, %mul3A_3162 : vector<8x128xf32>
    %get3A_3168 = arith.constant 624 : index
    %get3A_3169 = arith.constant 0 : index
    %get3A_3170 = vector.load %arg3[%get3A_3168, %get3A_3169] : memref<1024x1xf32, #tpu.memory_space<vmem>>, vector<8x1xf32>
    %mul3A_3171 = vector.broadcast %get3A_3170 : vector<8x1xf32> to vector<8x128xf32>
    %mul3A_3172 = arith.mulf %mul3A_3171, %mul3A_3162 : vector<8x128xf32>
    %add3A_3173 = arith.addf %add3A_3156, %mul3A_3167 : vector<8x128xf32>
    %add3A_3174 = arith.addf %add3A_3157, %mul3A_3172 : vector<8x128xf32>
    %get3A_3175 = arith.constant 632 : index
    %get3A_3176 = arith.constant 0 : index
    %get3A_3177 = vector.load %arg7[%get3A_3175, %get3A_3176] : memref<1024x128xf32, #tpu.memory_space<vmem>>, vector<8x128xf32>
    %mul3A_3178 = vector.broadcast %reciprocal3A : vector<1x128xf32> to vector<8x128xf32>
    %mul3A_3179 = arith.mulf %get3A_3177, %mul3A_3178 : vector<8x128xf32>
    %get3A_3180 = arith.constant 632 : index
    %get3A_3181 = arith.constant 0 : index
    %get3A_3182 = vector.load %arg2[%get3A_3180, %get3A_3181] : memref<1024x1xf32, #tpu.memory_space<vmem>>, vector<8x1xf32>
    %mul3A_3183 = vector.broadcast %get3A_3182 : vector<8x1xf32> to vector<8x128xf32>
    %mul3A_3184 = arith.mulf %mul3A_3183, %mul3A_3179 : vector<8x128xf32>
    %get3A_3185 = arith.constant 632 : index
    %get3A_3186 = arith.constant 0 : index
    %get3A_3187 = vector.load %arg3[%get3A_3185, %get3A_3186] : memref<1024x1xf32, #tpu.memory_space<vmem>>, vector<8x1xf32>
    %mul3A_3188 = vector.broadcast %get3A_3187 : vector<8x1xf32> to vector<8x128xf32>
    %mul3A_3189 = arith.mulf %mul3A_3188, %mul3A_3179 : vector<8x128xf32>
    %add3A_3190 = arith.addf %add3A_3173, %mul3A_3184 : vector<8x128xf32>
    %add3A_3191 = arith.addf %add3A_3174, %mul3A_3189 : vector<8x128xf32>
    %get3A_3192 = arith.constant 640 : index
    %get3A_3193 = arith.constant 0 : index
    %get3A_3194 = vector.load %arg7[%get3A_3192, %get3A_3193] : memref<1024x128xf32, #tpu.memory_space<vmem>>, vector<8x128xf32>
    %mul3A_3195 = vector.broadcast %reciprocal3A : vector<1x128xf32> to vector<8x128xf32>
    %mul3A_3196 = arith.mulf %get3A_3194, %mul3A_3195 : vector<8x128xf32>
    %get3A_3197 = arith.constant 640 : index
    %get3A_3198 = arith.constant 0 : index
    %get3A_3199 = vector.load %arg2[%get3A_3197, %get3A_3198] : memref<1024x1xf32, #tpu.memory_space<vmem>>, vector<8x1xf32>
    %mul3A_3200 = vector.broadcast %get3A_3199 : vector<8x1xf32> to vector<8x128xf32>
    %mul3A_3201 = arith.mulf %mul3A_3200, %mul3A_3196 : vector<8x128xf32>
    %get3A_3202 = arith.constant 640 : index
    %get3A_3203 = arith.constant 0 : index
    %get3A_3204 = vector.load %arg3[%get3A_3202, %get3A_3203] : memref<1024x1xf32, #tpu.memory_space<vmem>>, vector<8x1xf32>
    %mul3A_3205 = vector.broadcast %get3A_3204 : vector<8x1xf32> to vector<8x128xf32>
    %mul3A_3206 = arith.mulf %mul3A_3205, %mul3A_3196 : vector<8x128xf32>
    %add3A_3207 = arith.addf %add3A_3190, %mul3A_3201 : vector<8x128xf32>
    %add3A_3208 = arith.addf %add3A_3191, %mul3A_3206 : vector<8x128xf32>
    %get3A_3209 = arith.constant 648 : index
    %get3A_3210 = arith.constant 0 : index
    %get3A_3211 = vector.load %arg7[%get3A_3209, %get3A_3210] : memref<1024x128xf32, #tpu.memory_space<vmem>>, vector<8x128xf32>
    %mul3A_3212 = vector.broadcast %reciprocal3A : vector<1x128xf32> to vector<8x128xf32>
    %mul3A_3213 = arith.mulf %get3A_3211, %mul3A_3212 : vector<8x128xf32>
    %get3A_3214 = arith.constant 648 : index
    %get3A_3215 = arith.constant 0 : index
    %get3A_3216 = vector.load %arg2[%get3A_3214, %get3A_3215] : memref<1024x1xf32, #tpu.memory_space<vmem>>, vector<8x1xf32>
    %mul3A_3217 = vector.broadcast %get3A_3216 : vector<8x1xf32> to vector<8x128xf32>
    %mul3A_3218 = arith.mulf %mul3A_3217, %mul3A_3213 : vector<8x128xf32>
    %get3A_3219 = arith.constant 648 : index
    %get3A_3220 = arith.constant 0 : index
    %get3A_3221 = vector.load %arg3[%get3A_3219, %get3A_3220] : memref<1024x1xf32, #tpu.memory_space<vmem>>, vector<8x1xf32>
    %mul3A_3222 = vector.broadcast %get3A_3221 : vector<8x1xf32> to vector<8x128xf32>
    %mul3A_3223 = arith.mulf %mul3A_3222, %mul3A_3213 : vector<8x128xf32>
    %add3A_3224 = arith.addf %add3A_3207, %mul3A_3218 : vector<8x128xf32>
    %add3A_3225 = arith.addf %add3A_3208, %mul3A_3223 : vector<8x128xf32>
    %get3A_3226 = arith.constant 656 : index
    %get3A_3227 = arith.constant 0 : index
    %get3A_3228 = vector.load %arg7[%get3A_3226, %get3A_3227] : memref<1024x128xf32, #tpu.memory_space<vmem>>, vector<8x128xf32>
    %mul3A_3229 = vector.broadcast %reciprocal3A : vector<1x128xf32> to vector<8x128xf32>
    %mul3A_3230 = arith.mulf %get3A_3228, %mul3A_3229 : vector<8x128xf32>
    %get3A_3231 = arith.constant 656 : index
    %get3A_3232 = arith.constant 0 : index
    %get3A_3233 = vector.load %arg2[%get3A_3231, %get3A_3232] : memref<1024x1xf32, #tpu.memory_space<vmem>>, vector<8x1xf32>
    %mul3A_3234 = vector.broadcast %get3A_3233 : vector<8x1xf32> to vector<8x128xf32>
    %mul3A_3235 = arith.mulf %mul3A_3234, %mul3A_3230 : vector<8x128xf32>
    %get3A_3236 = arith.constant 656 : index
    %get3A_3237 = arith.constant 0 : index
    %get3A_3238 = vector.load %arg3[%get3A_3236, %get3A_3237] : memref<1024x1xf32, #tpu.memory_space<vmem>>, vector<8x1xf32>
    %mul3A_3239 = vector.broadcast %get3A_3238 : vector<8x1xf32> to vector<8x128xf32>
    %mul3A_3240 = arith.mulf %mul3A_3239, %mul3A_3230 : vector<8x128xf32>
    %add3A_3241 = arith.addf %add3A_3224, %mul3A_3235 : vector<8x128xf32>
    %add3A_3242 = arith.addf %add3A_3225, %mul3A_3240 : vector<8x128xf32>
    %get3A_3243 = arith.constant 664 : index
    %get3A_3244 = arith.constant 0 : index
    %get3A_3245 = vector.load %arg7[%get3A_3243, %get3A_3244] : memref<1024x128xf32, #tpu.memory_space<vmem>>, vector<8x128xf32>
    %mul3A_3246 = vector.broadcast %reciprocal3A : vector<1x128xf32> to vector<8x128xf32>
    %mul3A_3247 = arith.mulf %get3A_3245, %mul3A_3246 : vector<8x128xf32>
    %get3A_3248 = arith.constant 664 : index
    %get3A_3249 = arith.constant 0 : index
    %get3A_3250 = vector.load %arg2[%get3A_3248, %get3A_3249] : memref<1024x1xf32, #tpu.memory_space<vmem>>, vector<8x1xf32>
    %mul3A_3251 = vector.broadcast %get3A_3250 : vector<8x1xf32> to vector<8x128xf32>
    %mul3A_3252 = arith.mulf %mul3A_3251, %mul3A_3247 : vector<8x128xf32>
    %get3A_3253 = arith.constant 664 : index
    %get3A_3254 = arith.constant 0 : index
    %get3A_3255 = vector.load %arg3[%get3A_3253, %get3A_3254] : memref<1024x1xf32, #tpu.memory_space<vmem>>, vector<8x1xf32>
    %mul3A_3256 = vector.broadcast %get3A_3255 : vector<8x1xf32> to vector<8x128xf32>
    %mul3A_3257 = arith.mulf %mul3A_3256, %mul3A_3247 : vector<8x128xf32>
    %add3A_3258 = arith.addf %add3A_3241, %mul3A_3252 : vector<8x128xf32>
    %add3A_3259 = arith.addf %add3A_3242, %mul3A_3257 : vector<8x128xf32>
    %get3A_3260 = arith.constant 672 : index
    %get3A_3261 = arith.constant 0 : index
    %get3A_3262 = vector.load %arg7[%get3A_3260, %get3A_3261] : memref<1024x128xf32, #tpu.memory_space<vmem>>, vector<8x128xf32>
    %mul3A_3263 = vector.broadcast %reciprocal3A : vector<1x128xf32> to vector<8x128xf32>
    %mul3A_3264 = arith.mulf %get3A_3262, %mul3A_3263 : vector<8x128xf32>
    %get3A_3265 = arith.constant 672 : index
    %get3A_3266 = arith.constant 0 : index
    %get3A_3267 = vector.load %arg2[%get3A_3265, %get3A_3266] : memref<1024x1xf32, #tpu.memory_space<vmem>>, vector<8x1xf32>
    %mul3A_3268 = vector.broadcast %get3A_3267 : vector<8x1xf32> to vector<8x128xf32>
    %mul3A_3269 = arith.mulf %mul3A_3268, %mul3A_3264 : vector<8x128xf32>
    %get3A_3270 = arith.constant 672 : index
    %get3A_3271 = arith.constant 0 : index
    %get3A_3272 = vector.load %arg3[%get3A_3270, %get3A_3271] : memref<1024x1xf32, #tpu.memory_space<vmem>>, vector<8x1xf32>
    %mul3A_3273 = vector.broadcast %get3A_3272 : vector<8x1xf32> to vector<8x128xf32>
    %mul3A_3274 = arith.mulf %mul3A_3273, %mul3A_3264 : vector<8x128xf32>
    %add3A_3275 = arith.addf %add3A_3258, %mul3A_3269 : vector<8x128xf32>
    %add3A_3276 = arith.addf %add3A_3259, %mul3A_3274 : vector<8x128xf32>
    %get3A_3277 = arith.constant 680 : index
    %get3A_3278 = arith.constant 0 : index
    %get3A_3279 = vector.load %arg7[%get3A_3277, %get3A_3278] : memref<1024x128xf32, #tpu.memory_space<vmem>>, vector<8x128xf32>
    %mul3A_3280 = vector.broadcast %reciprocal3A : vector<1x128xf32> to vector<8x128xf32>
    %mul3A_3281 = arith.mulf %get3A_3279, %mul3A_3280 : vector<8x128xf32>
    %get3A_3282 = arith.constant 680 : index
    %get3A_3283 = arith.constant 0 : index
    %get3A_3284 = vector.load %arg2[%get3A_3282, %get3A_3283] : memref<1024x1xf32, #tpu.memory_space<vmem>>, vector<8x1xf32>
    %mul3A_3285 = vector.broadcast %get3A_3284 : vector<8x1xf32> to vector<8x128xf32>
    %mul3A_3286 = arith.mulf %mul3A_3285, %mul3A_3281 : vector<8x128xf32>
    %get3A_3287 = arith.constant 680 : index
    %get3A_3288 = arith.constant 0 : index
    %get3A_3289 = vector.load %arg3[%get3A_3287, %get3A_3288] : memref<1024x1xf32, #tpu.memory_space<vmem>>, vector<8x1xf32>
    %mul3A_3290 = vector.broadcast %get3A_3289 : vector<8x1xf32> to vector<8x128xf32>
    %mul3A_3291 = arith.mulf %mul3A_3290, %mul3A_3281 : vector<8x128xf32>
    %add3A_3292 = arith.addf %add3A_3275, %mul3A_3286 : vector<8x128xf32>
    %add3A_3293 = arith.addf %add3A_3276, %mul3A_3291 : vector<8x128xf32>
    %get3A_3294 = arith.constant 688 : index
    %get3A_3295 = arith.constant 0 : index
    %get3A_3296 = vector.load %arg7[%get3A_3294, %get3A_3295] : memref<1024x128xf32, #tpu.memory_space<vmem>>, vector<8x128xf32>
    %mul3A_3297 = vector.broadcast %reciprocal3A : vector<1x128xf32> to vector<8x128xf32>
    %mul3A_3298 = arith.mulf %get3A_3296, %mul3A_3297 : vector<8x128xf32>
    %get3A_3299 = arith.constant 688 : index
    %get3A_3300 = arith.constant 0 : index
    %get3A_3301 = vector.load %arg2[%get3A_3299, %get3A_3300] : memref<1024x1xf32, #tpu.memory_space<vmem>>, vector<8x1xf32>
    %mul3A_3302 = vector.broadcast %get3A_3301 : vector<8x1xf32> to vector<8x128xf32>
    %mul3A_3303 = arith.mulf %mul3A_3302, %mul3A_3298 : vector<8x128xf32>
    %get3A_3304 = arith.constant 688 : index
    %get3A_3305 = arith.constant 0 : index
    %get3A_3306 = vector.load %arg3[%get3A_3304, %get3A_3305] : memref<1024x1xf32, #tpu.memory_space<vmem>>, vector<8x1xf32>
    %mul3A_3307 = vector.broadcast %get3A_3306 : vector<8x1xf32> to vector<8x128xf32>
    %mul3A_3308 = arith.mulf %mul3A_3307, %mul3A_3298 : vector<8x128xf32>
    %add3A_3309 = arith.addf %add3A_3292, %mul3A_3303 : vector<8x128xf32>
    %add3A_3310 = arith.addf %add3A_3293, %mul3A_3308 : vector<8x128xf32>
    %get3A_3311 = arith.constant 696 : index
    %get3A_3312 = arith.constant 0 : index
    %get3A_3313 = vector.load %arg7[%get3A_3311, %get3A_3312] : memref<1024x128xf32, #tpu.memory_space<vmem>>, vector<8x128xf32>
    %mul3A_3314 = vector.broadcast %reciprocal3A : vector<1x128xf32> to vector<8x128xf32>
    %mul3A_3315 = arith.mulf %get3A_3313, %mul3A_3314 : vector<8x128xf32>
    %get3A_3316 = arith.constant 696 : index
    %get3A_3317 = arith.constant 0 : index
    %get3A_3318 = vector.load %arg2[%get3A_3316, %get3A_3317] : memref<1024x1xf32, #tpu.memory_space<vmem>>, vector<8x1xf32>
    %mul3A_3319 = vector.broadcast %get3A_3318 : vector<8x1xf32> to vector<8x128xf32>
    %mul3A_3320 = arith.mulf %mul3A_3319, %mul3A_3315 : vector<8x128xf32>
    %get3A_3321 = arith.constant 696 : index
    %get3A_3322 = arith.constant 0 : index
    %get3A_3323 = vector.load %arg3[%get3A_3321, %get3A_3322] : memref<1024x1xf32, #tpu.memory_space<vmem>>, vector<8x1xf32>
    %mul3A_3324 = vector.broadcast %get3A_3323 : vector<8x1xf32> to vector<8x128xf32>
    %mul3A_3325 = arith.mulf %mul3A_3324, %mul3A_3315 : vector<8x128xf32>
    %add3A_3326 = arith.addf %add3A_3309, %mul3A_3320 : vector<8x128xf32>
    %add3A_3327 = arith.addf %add3A_3310, %mul3A_3325 : vector<8x128xf32>
    %get3A_3328 = arith.constant 704 : index
    %get3A_3329 = arith.constant 0 : index
    %get3A_3330 = vector.load %arg7[%get3A_3328, %get3A_3329] : memref<1024x128xf32, #tpu.memory_space<vmem>>, vector<8x128xf32>
    %mul3A_3331 = vector.broadcast %reciprocal3A : vector<1x128xf32> to vector<8x128xf32>
    %mul3A_3332 = arith.mulf %get3A_3330, %mul3A_3331 : vector<8x128xf32>
    %get3A_3333 = arith.constant 704 : index
    %get3A_3334 = arith.constant 0 : index
    %get3A_3335 = vector.load %arg2[%get3A_3333, %get3A_3334] : memref<1024x1xf32, #tpu.memory_space<vmem>>, vector<8x1xf32>
    %mul3A_3336 = vector.broadcast %get3A_3335 : vector<8x1xf32> to vector<8x128xf32>
    %mul3A_3337 = arith.mulf %mul3A_3336, %mul3A_3332 : vector<8x128xf32>
    %get3A_3338 = arith.constant 704 : index
    %get3A_3339 = arith.constant 0 : index
    %get3A_3340 = vector.load %arg3[%get3A_3338, %get3A_3339] : memref<1024x1xf32, #tpu.memory_space<vmem>>, vector<8x1xf32>
    %mul3A_3341 = vector.broadcast %get3A_3340 : vector<8x1xf32> to vector<8x128xf32>
    %mul3A_3342 = arith.mulf %mul3A_3341, %mul3A_3332 : vector<8x128xf32>
    %add3A_3343 = arith.addf %add3A_3326, %mul3A_3337 : vector<8x128xf32>
    %add3A_3344 = arith.addf %add3A_3327, %mul3A_3342 : vector<8x128xf32>
    %get3A_3345 = arith.constant 712 : index
    %get3A_3346 = arith.constant 0 : index
    %get3A_3347 = vector.load %arg7[%get3A_3345, %get3A_3346] : memref<1024x128xf32, #tpu.memory_space<vmem>>, vector<8x128xf32>
    %mul3A_3348 = vector.broadcast %reciprocal3A : vector<1x128xf32> to vector<8x128xf32>
    %mul3A_3349 = arith.mulf %get3A_3347, %mul3A_3348 : vector<8x128xf32>
    %get3A_3350 = arith.constant 712 : index
    %get3A_3351 = arith.constant 0 : index
    %get3A_3352 = vector.load %arg2[%get3A_3350, %get3A_3351] : memref<1024x1xf32, #tpu.memory_space<vmem>>, vector<8x1xf32>
    %mul3A_3353 = vector.broadcast %get3A_3352 : vector<8x1xf32> to vector<8x128xf32>
    %mul3A_3354 = arith.mulf %mul3A_3353, %mul3A_3349 : vector<8x128xf32>
    %get3A_3355 = arith.constant 712 : index
    %get3A_3356 = arith.constant 0 : index
    %get3A_3357 = vector.load %arg3[%get3A_3355, %get3A_3356] : memref<1024x1xf32, #tpu.memory_space<vmem>>, vector<8x1xf32>
    %mul3A_3358 = vector.broadcast %get3A_3357 : vector<8x1xf32> to vector<8x128xf32>
    %mul3A_3359 = arith.mulf %mul3A_3358, %mul3A_3349 : vector<8x128xf32>
    %add3A_3360 = arith.addf %add3A_3343, %mul3A_3354 : vector<8x128xf32>
    %add3A_3361 = arith.addf %add3A_3344, %mul3A_3359 : vector<8x128xf32>
    %get3A_3362 = arith.constant 720 : index
    %get3A_3363 = arith.constant 0 : index
    %get3A_3364 = vector.load %arg7[%get3A_3362, %get3A_3363] : memref<1024x128xf32, #tpu.memory_space<vmem>>, vector<8x128xf32>
    %mul3A_3365 = vector.broadcast %reciprocal3A : vector<1x128xf32> to vector<8x128xf32>
    %mul3A_3366 = arith.mulf %get3A_3364, %mul3A_3365 : vector<8x128xf32>
    %get3A_3367 = arith.constant 720 : index
    %get3A_3368 = arith.constant 0 : index
    %get3A_3369 = vector.load %arg2[%get3A_3367, %get3A_3368] : memref<1024x1xf32, #tpu.memory_space<vmem>>, vector<8x1xf32>
    %mul3A_3370 = vector.broadcast %get3A_3369 : vector<8x1xf32> to vector<8x128xf32>
    %mul3A_3371 = arith.mulf %mul3A_3370, %mul3A_3366 : vector<8x128xf32>
    %get3A_3372 = arith.constant 720 : index
    %get3A_3373 = arith.constant 0 : index
    %get3A_3374 = vector.load %arg3[%get3A_3372, %get3A_3373] : memref<1024x1xf32, #tpu.memory_space<vmem>>, vector<8x1xf32>
    %mul3A_3375 = vector.broadcast %get3A_3374 : vector<8x1xf32> to vector<8x128xf32>
    %mul3A_3376 = arith.mulf %mul3A_3375, %mul3A_3366 : vector<8x128xf32>
    %add3A_3377 = arith.addf %add3A_3360, %mul3A_3371 : vector<8x128xf32>
    %add3A_3378 = arith.addf %add3A_3361, %mul3A_3376 : vector<8x128xf32>
    %get3A_3379 = arith.constant 728 : index
    %get3A_3380 = arith.constant 0 : index
    %get3A_3381 = vector.load %arg7[%get3A_3379, %get3A_3380] : memref<1024x128xf32, #tpu.memory_space<vmem>>, vector<8x128xf32>
    %mul3A_3382 = vector.broadcast %reciprocal3A : vector<1x128xf32> to vector<8x128xf32>
    %mul3A_3383 = arith.mulf %get3A_3381, %mul3A_3382 : vector<8x128xf32>
    %get3A_3384 = arith.constant 728 : index
    %get3A_3385 = arith.constant 0 : index
    %get3A_3386 = vector.load %arg2[%get3A_3384, %get3A_3385] : memref<1024x1xf32, #tpu.memory_space<vmem>>, vector<8x1xf32>
    %mul3A_3387 = vector.broadcast %get3A_3386 : vector<8x1xf32> to vector<8x128xf32>
    %mul3A_3388 = arith.mulf %mul3A_3387, %mul3A_3383 : vector<8x128xf32>
    %get3A_3389 = arith.constant 728 : index
    %get3A_3390 = arith.constant 0 : index
    %get3A_3391 = vector.load %arg3[%get3A_3389, %get3A_3390] : memref<1024x1xf32, #tpu.memory_space<vmem>>, vector<8x1xf32>
    %mul3A_3392 = vector.broadcast %get3A_3391 : vector<8x1xf32> to vector<8x128xf32>
    %mul3A_3393 = arith.mulf %mul3A_3392, %mul3A_3383 : vector<8x128xf32>
    %add3A_3394 = arith.addf %add3A_3377, %mul3A_3388 : vector<8x128xf32>
    %add3A_3395 = arith.addf %add3A_3378, %mul3A_3393 : vector<8x128xf32>
    %get3A_3396 = arith.constant 736 : index
    %get3A_3397 = arith.constant 0 : index
    %get3A_3398 = vector.load %arg7[%get3A_3396, %get3A_3397] : memref<1024x128xf32, #tpu.memory_space<vmem>>, vector<8x128xf32>
    %mul3A_3399 = vector.broadcast %reciprocal3A : vector<1x128xf32> to vector<8x128xf32>
    %mul3A_3400 = arith.mulf %get3A_3398, %mul3A_3399 : vector<8x128xf32>
    %get3A_3401 = arith.constant 736 : index
    %get3A_3402 = arith.constant 0 : index
    %get3A_3403 = vector.load %arg2[%get3A_3401, %get3A_3402] : memref<1024x1xf32, #tpu.memory_space<vmem>>, vector<8x1xf32>
    %mul3A_3404 = vector.broadcast %get3A_3403 : vector<8x1xf32> to vector<8x128xf32>
    %mul3A_3405 = arith.mulf %mul3A_3404, %mul3A_3400 : vector<8x128xf32>
    %get3A_3406 = arith.constant 736 : index
    %get3A_3407 = arith.constant 0 : index
    %get3A_3408 = vector.load %arg3[%get3A_3406, %get3A_3407] : memref<1024x1xf32, #tpu.memory_space<vmem>>, vector<8x1xf32>
    %mul3A_3409 = vector.broadcast %get3A_3408 : vector<8x1xf32> to vector<8x128xf32>
    %mul3A_3410 = arith.mulf %mul3A_3409, %mul3A_3400 : vector<8x128xf32>
    %add3A_3411 = arith.addf %add3A_3394, %mul3A_3405 : vector<8x128xf32>
    %add3A_3412 = arith.addf %add3A_3395, %mul3A_3410 : vector<8x128xf32>
    %get3A_3413 = arith.constant 744 : index
    %get3A_3414 = arith.constant 0 : index
    %get3A_3415 = vector.load %arg7[%get3A_3413, %get3A_3414] : memref<1024x128xf32, #tpu.memory_space<vmem>>, vector<8x128xf32>
    %mul3A_3416 = vector.broadcast %reciprocal3A : vector<1x128xf32> to vector<8x128xf32>
    %mul3A_3417 = arith.mulf %get3A_3415, %mul3A_3416 : vector<8x128xf32>
    %get3A_3418 = arith.constant 744 : index
    %get3A_3419 = arith.constant 0 : index
    %get3A_3420 = vector.load %arg2[%get3A_3418, %get3A_3419] : memref<1024x1xf32, #tpu.memory_space<vmem>>, vector<8x1xf32>
    %mul3A_3421 = vector.broadcast %get3A_3420 : vector<8x1xf32> to vector<8x128xf32>
    %mul3A_3422 = arith.mulf %mul3A_3421, %mul3A_3417 : vector<8x128xf32>
    %get3A_3423 = arith.constant 744 : index
    %get3A_3424 = arith.constant 0 : index
    %get3A_3425 = vector.load %arg3[%get3A_3423, %get3A_3424] : memref<1024x1xf32, #tpu.memory_space<vmem>>, vector<8x1xf32>
    %mul3A_3426 = vector.broadcast %get3A_3425 : vector<8x1xf32> to vector<8x128xf32>
    %mul3A_3427 = arith.mulf %mul3A_3426, %mul3A_3417 : vector<8x128xf32>
    %add3A_3428 = arith.addf %add3A_3411, %mul3A_3422 : vector<8x128xf32>
    %add3A_3429 = arith.addf %add3A_3412, %mul3A_3427 : vector<8x128xf32>
    %get3A_3430 = arith.constant 752 : index
    %get3A_3431 = arith.constant 0 : index
    %get3A_3432 = vector.load %arg7[%get3A_3430, %get3A_3431] : memref<1024x128xf32, #tpu.memory_space<vmem>>, vector<8x128xf32>
    %mul3A_3433 = vector.broadcast %reciprocal3A : vector<1x128xf32> to vector<8x128xf32>
    %mul3A_3434 = arith.mulf %get3A_3432, %mul3A_3433 : vector<8x128xf32>
    %get3A_3435 = arith.constant 752 : index
    %get3A_3436 = arith.constant 0 : index
    %get3A_3437 = vector.load %arg2[%get3A_3435, %get3A_3436] : memref<1024x1xf32, #tpu.memory_space<vmem>>, vector<8x1xf32>
    %mul3A_3438 = vector.broadcast %get3A_3437 : vector<8x1xf32> to vector<8x128xf32>
    %mul3A_3439 = arith.mulf %mul3A_3438, %mul3A_3434 : vector<8x128xf32>
    %get3A_3440 = arith.constant 752 : index
    %get3A_3441 = arith.constant 0 : index
    %get3A_3442 = vector.load %arg3[%get3A_3440, %get3A_3441] : memref<1024x1xf32, #tpu.memory_space<vmem>>, vector<8x1xf32>
    %mul3A_3443 = vector.broadcast %get3A_3442 : vector<8x1xf32> to vector<8x128xf32>
    %mul3A_3444 = arith.mulf %mul3A_3443, %mul3A_3434 : vector<8x128xf32>
    %add3A_3445 = arith.addf %add3A_3428, %mul3A_3439 : vector<8x128xf32>
    %add3A_3446 = arith.addf %add3A_3429, %mul3A_3444 : vector<8x128xf32>
    %get3A_3447 = arith.constant 760 : index
    %get3A_3448 = arith.constant 0 : index
    %get3A_3449 = vector.load %arg7[%get3A_3447, %get3A_3448] : memref<1024x128xf32, #tpu.memory_space<vmem>>, vector<8x128xf32>
    %mul3A_3450 = vector.broadcast %reciprocal3A : vector<1x128xf32> to vector<8x128xf32>
    %mul3A_3451 = arith.mulf %get3A_3449, %mul3A_3450 : vector<8x128xf32>
    %get3A_3452 = arith.constant 760 : index
    %get3A_3453 = arith.constant 0 : index
    %get3A_3454 = vector.load %arg2[%get3A_3452, %get3A_3453] : memref<1024x1xf32, #tpu.memory_space<vmem>>, vector<8x1xf32>
    %mul3A_3455 = vector.broadcast %get3A_3454 : vector<8x1xf32> to vector<8x128xf32>
    %mul3A_3456 = arith.mulf %mul3A_3455, %mul3A_3451 : vector<8x128xf32>
    %get3A_3457 = arith.constant 760 : index
    %get3A_3458 = arith.constant 0 : index
    %get3A_3459 = vector.load %arg3[%get3A_3457, %get3A_3458] : memref<1024x1xf32, #tpu.memory_space<vmem>>, vector<8x1xf32>
    %mul3A_3460 = vector.broadcast %get3A_3459 : vector<8x1xf32> to vector<8x128xf32>
    %mul3A_3461 = arith.mulf %mul3A_3460, %mul3A_3451 : vector<8x128xf32>
    %add3A_3462 = arith.addf %add3A_3445, %mul3A_3456 : vector<8x128xf32>
    %add3A_3463 = arith.addf %add3A_3446, %mul3A_3461 : vector<8x128xf32>
    %slice3A_3464 = vector.extract_strided_slice %add3A_3462 {offsets = [0, 0], sizes = [4, 128], strides = [1, 1]} : vector<8x128xf32> to vector<4x128xf32>
    %slice3A_3465 = vector.extract_strided_slice %add3A_3462 {offsets = [4, 0], sizes = [4, 128], strides = [1, 1]} : vector<8x128xf32> to vector<4x128xf32>
    %add3A_3466 = arith.addf %slice3A_3464, %slice3A_3465 : vector<4x128xf32>
    %slice3A_3467 = vector.extract_strided_slice %add3A_3466 {offsets = [0, 0], sizes = [2, 128], strides = [1, 1]} : vector<4x128xf32> to vector<2x128xf32>
    %slice3A_3468 = vector.extract_strided_slice %add3A_3466 {offsets = [2, 0], sizes = [2, 128], strides = [1, 1]} : vector<4x128xf32> to vector<2x128xf32>
    %add3A_3469 = arith.addf %slice3A_3467, %slice3A_3468 : vector<2x128xf32>
    %slice3A_3470 = vector.extract_strided_slice %add3A_3469 {offsets = [0, 0], sizes = [1, 128], strides = [1, 1]} : vector<2x128xf32> to vector<1x128xf32>
    %slice3A_3471 = vector.extract_strided_slice %add3A_3469 {offsets = [1, 0], sizes = [1, 128], strides = [1, 1]} : vector<2x128xf32> to vector<1x128xf32>
    %add3A_3472 = arith.addf %slice3A_3470, %slice3A_3471 : vector<1x128xf32>
    %slice3A_3473 = vector.extract_strided_slice %add3A_3463 {offsets = [0, 0], sizes = [4, 128], strides = [1, 1]} : vector<8x128xf32> to vector<4x128xf32>
    %slice3A_3474 = vector.extract_strided_slice %add3A_3463 {offsets = [4, 0], sizes = [4, 128], strides = [1, 1]} : vector<8x128xf32> to vector<4x128xf32>
    %add3A_3475 = arith.addf %slice3A_3473, %slice3A_3474 : vector<4x128xf32>
    %slice3A_3476 = vector.extract_strided_slice %add3A_3475 {offsets = [0, 0], sizes = [2, 128], strides = [1, 1]} : vector<4x128xf32> to vector<2x128xf32>
    %slice3A_3477 = vector.extract_strided_slice %add3A_3475 {offsets = [2, 0], sizes = [2, 128], strides = [1, 1]} : vector<4x128xf32> to vector<2x128xf32>
    %add3A_3478 = arith.addf %slice3A_3476, %slice3A_3477 : vector<2x128xf32>
    %slice3A_3479 = vector.extract_strided_slice %add3A_3478 {offsets = [0, 0], sizes = [1, 128], strides = [1, 1]} : vector<2x128xf32> to vector<1x128xf32>
    %slice3A_3480 = vector.extract_strided_slice %add3A_3478 {offsets = [1, 0], sizes = [1, 128], strides = [1, 1]} : vector<2x128xf32> to vector<1x128xf32>
    %add3A_3481 = arith.addf %slice3A_3479, %slice3A_3480 : vector<1x128xf32>
    %add3A_3482 = arith.addf %add3A_2920, %add3A_3472 : vector<1x128xf32>
    %add3A_3483 = arith.addf %add3A_2921, %add3A_3481 : vector<1x128xf32>
    %get3A_3484 = arith.constant 768 : index
    %get3A_3485 = arith.constant 0 : index
    %get3A_3486 = vector.load %arg7[%get3A_3484, %get3A_3485] : memref<1024x128xf32, #tpu.memory_space<vmem>>, vector<8x128xf32>
    %mul3A_3487 = vector.broadcast %reciprocal3A : vector<1x128xf32> to vector<8x128xf32>
    %mul3A_3488 = arith.mulf %get3A_3486, %mul3A_3487 : vector<8x128xf32>
    %get3A_3489 = arith.constant 768 : index
    %get3A_3490 = arith.constant 0 : index
    %get3A_3491 = vector.load %arg2[%get3A_3489, %get3A_3490] : memref<1024x1xf32, #tpu.memory_space<vmem>>, vector<8x1xf32>
    %mul3A_3492 = vector.broadcast %get3A_3491 : vector<8x1xf32> to vector<8x128xf32>
    %mul3A_3493 = arith.mulf %mul3A_3492, %mul3A_3488 : vector<8x128xf32>
    %get3A_3494 = arith.constant 768 : index
    %get3A_3495 = arith.constant 0 : index
    %get3A_3496 = vector.load %arg3[%get3A_3494, %get3A_3495] : memref<1024x1xf32, #tpu.memory_space<vmem>>, vector<8x1xf32>
    %mul3A_3497 = vector.broadcast %get3A_3496 : vector<8x1xf32> to vector<8x128xf32>
    %mul3A_3498 = arith.mulf %mul3A_3497, %mul3A_3488 : vector<8x128xf32>
    %get3A_3499 = arith.constant 776 : index
    %get3A_3500 = arith.constant 0 : index
    %get3A_3501 = vector.load %arg7[%get3A_3499, %get3A_3500] : memref<1024x128xf32, #tpu.memory_space<vmem>>, vector<8x128xf32>
    %mul3A_3502 = vector.broadcast %reciprocal3A : vector<1x128xf32> to vector<8x128xf32>
    %mul3A_3503 = arith.mulf %get3A_3501, %mul3A_3502 : vector<8x128xf32>
    %get3A_3504 = arith.constant 776 : index
    %get3A_3505 = arith.constant 0 : index
    %get3A_3506 = vector.load %arg2[%get3A_3504, %get3A_3505] : memref<1024x1xf32, #tpu.memory_space<vmem>>, vector<8x1xf32>
    %mul3A_3507 = vector.broadcast %get3A_3506 : vector<8x1xf32> to vector<8x128xf32>
    %mul3A_3508 = arith.mulf %mul3A_3507, %mul3A_3503 : vector<8x128xf32>
    %get3A_3509 = arith.constant 776 : index
    %get3A_3510 = arith.constant 0 : index
    %get3A_3511 = vector.load %arg3[%get3A_3509, %get3A_3510] : memref<1024x1xf32, #tpu.memory_space<vmem>>, vector<8x1xf32>
    %mul3A_3512 = vector.broadcast %get3A_3511 : vector<8x1xf32> to vector<8x128xf32>
    %mul3A_3513 = arith.mulf %mul3A_3512, %mul3A_3503 : vector<8x128xf32>
    %add3A_3514 = arith.addf %mul3A_3493, %mul3A_3508 : vector<8x128xf32>
    %add3A_3515 = arith.addf %mul3A_3498, %mul3A_3513 : vector<8x128xf32>
    %get3A_3516 = arith.constant 784 : index
    %get3A_3517 = arith.constant 0 : index
    %get3A_3518 = vector.load %arg7[%get3A_3516, %get3A_3517] : memref<1024x128xf32, #tpu.memory_space<vmem>>, vector<8x128xf32>
    %mul3A_3519 = vector.broadcast %reciprocal3A : vector<1x128xf32> to vector<8x128xf32>
    %mul3A_3520 = arith.mulf %get3A_3518, %mul3A_3519 : vector<8x128xf32>
    %get3A_3521 = arith.constant 784 : index
    %get3A_3522 = arith.constant 0 : index
    %get3A_3523 = vector.load %arg2[%get3A_3521, %get3A_3522] : memref<1024x1xf32, #tpu.memory_space<vmem>>, vector<8x1xf32>
    %mul3A_3524 = vector.broadcast %get3A_3523 : vector<8x1xf32> to vector<8x128xf32>
    %mul3A_3525 = arith.mulf %mul3A_3524, %mul3A_3520 : vector<8x128xf32>
    %get3A_3526 = arith.constant 784 : index
    %get3A_3527 = arith.constant 0 : index
    %get3A_3528 = vector.load %arg3[%get3A_3526, %get3A_3527] : memref<1024x1xf32, #tpu.memory_space<vmem>>, vector<8x1xf32>
    %mul3A_3529 = vector.broadcast %get3A_3528 : vector<8x1xf32> to vector<8x128xf32>
    %mul3A_3530 = arith.mulf %mul3A_3529, %mul3A_3520 : vector<8x128xf32>
    %add3A_3531 = arith.addf %add3A_3514, %mul3A_3525 : vector<8x128xf32>
    %add3A_3532 = arith.addf %add3A_3515, %mul3A_3530 : vector<8x128xf32>
    %get3A_3533 = arith.constant 792 : index
    %get3A_3534 = arith.constant 0 : index
    %get3A_3535 = vector.load %arg7[%get3A_3533, %get3A_3534] : memref<1024x128xf32, #tpu.memory_space<vmem>>, vector<8x128xf32>
    %mul3A_3536 = vector.broadcast %reciprocal3A : vector<1x128xf32> to vector<8x128xf32>
    %mul3A_3537 = arith.mulf %get3A_3535, %mul3A_3536 : vector<8x128xf32>
    %get3A_3538 = arith.constant 792 : index
    %get3A_3539 = arith.constant 0 : index
    %get3A_3540 = vector.load %arg2[%get3A_3538, %get3A_3539] : memref<1024x1xf32, #tpu.memory_space<vmem>>, vector<8x1xf32>
    %mul3A_3541 = vector.broadcast %get3A_3540 : vector<8x1xf32> to vector<8x128xf32>
    %mul3A_3542 = arith.mulf %mul3A_3541, %mul3A_3537 : vector<8x128xf32>
    %get3A_3543 = arith.constant 792 : index
    %get3A_3544 = arith.constant 0 : index
    %get3A_3545 = vector.load %arg3[%get3A_3543, %get3A_3544] : memref<1024x1xf32, #tpu.memory_space<vmem>>, vector<8x1xf32>
    %mul3A_3546 = vector.broadcast %get3A_3545 : vector<8x1xf32> to vector<8x128xf32>
    %mul3A_3547 = arith.mulf %mul3A_3546, %mul3A_3537 : vector<8x128xf32>
    %add3A_3548 = arith.addf %add3A_3531, %mul3A_3542 : vector<8x128xf32>
    %add3A_3549 = arith.addf %add3A_3532, %mul3A_3547 : vector<8x128xf32>
    %get3A_3550 = arith.constant 800 : index
    %get3A_3551 = arith.constant 0 : index
    %get3A_3552 = vector.load %arg7[%get3A_3550, %get3A_3551] : memref<1024x128xf32, #tpu.memory_space<vmem>>, vector<8x128xf32>
    %mul3A_3553 = vector.broadcast %reciprocal3A : vector<1x128xf32> to vector<8x128xf32>
    %mul3A_3554 = arith.mulf %get3A_3552, %mul3A_3553 : vector<8x128xf32>
    %get3A_3555 = arith.constant 800 : index
    %get3A_3556 = arith.constant 0 : index
    %get3A_3557 = vector.load %arg2[%get3A_3555, %get3A_3556] : memref<1024x1xf32, #tpu.memory_space<vmem>>, vector<8x1xf32>
    %mul3A_3558 = vector.broadcast %get3A_3557 : vector<8x1xf32> to vector<8x128xf32>
    %mul3A_3559 = arith.mulf %mul3A_3558, %mul3A_3554 : vector<8x128xf32>
    %get3A_3560 = arith.constant 800 : index
    %get3A_3561 = arith.constant 0 : index
    %get3A_3562 = vector.load %arg3[%get3A_3560, %get3A_3561] : memref<1024x1xf32, #tpu.memory_space<vmem>>, vector<8x1xf32>
    %mul3A_3563 = vector.broadcast %get3A_3562 : vector<8x1xf32> to vector<8x128xf32>
    %mul3A_3564 = arith.mulf %mul3A_3563, %mul3A_3554 : vector<8x128xf32>
    %add3A_3565 = arith.addf %add3A_3548, %mul3A_3559 : vector<8x128xf32>
    %add3A_3566 = arith.addf %add3A_3549, %mul3A_3564 : vector<8x128xf32>
    %get3A_3567 = arith.constant 808 : index
    %get3A_3568 = arith.constant 0 : index
    %get3A_3569 = vector.load %arg7[%get3A_3567, %get3A_3568] : memref<1024x128xf32, #tpu.memory_space<vmem>>, vector<8x128xf32>
    %mul3A_3570 = vector.broadcast %reciprocal3A : vector<1x128xf32> to vector<8x128xf32>
    %mul3A_3571 = arith.mulf %get3A_3569, %mul3A_3570 : vector<8x128xf32>
    %get3A_3572 = arith.constant 808 : index
    %get3A_3573 = arith.constant 0 : index
    %get3A_3574 = vector.load %arg2[%get3A_3572, %get3A_3573] : memref<1024x1xf32, #tpu.memory_space<vmem>>, vector<8x1xf32>
    %mul3A_3575 = vector.broadcast %get3A_3574 : vector<8x1xf32> to vector<8x128xf32>
    %mul3A_3576 = arith.mulf %mul3A_3575, %mul3A_3571 : vector<8x128xf32>
    %get3A_3577 = arith.constant 808 : index
    %get3A_3578 = arith.constant 0 : index
    %get3A_3579 = vector.load %arg3[%get3A_3577, %get3A_3578] : memref<1024x1xf32, #tpu.memory_space<vmem>>, vector<8x1xf32>
    %mul3A_3580 = vector.broadcast %get3A_3579 : vector<8x1xf32> to vector<8x128xf32>
    %mul3A_3581 = arith.mulf %mul3A_3580, %mul3A_3571 : vector<8x128xf32>
    %add3A_3582 = arith.addf %add3A_3565, %mul3A_3576 : vector<8x128xf32>
    %add3A_3583 = arith.addf %add3A_3566, %mul3A_3581 : vector<8x128xf32>
    %get3A_3584 = arith.constant 816 : index
    %get3A_3585 = arith.constant 0 : index
    %get3A_3586 = vector.load %arg7[%get3A_3584, %get3A_3585] : memref<1024x128xf32, #tpu.memory_space<vmem>>, vector<8x128xf32>
    %mul3A_3587 = vector.broadcast %reciprocal3A : vector<1x128xf32> to vector<8x128xf32>
    %mul3A_3588 = arith.mulf %get3A_3586, %mul3A_3587 : vector<8x128xf32>
    %get3A_3589 = arith.constant 816 : index
    %get3A_3590 = arith.constant 0 : index
    %get3A_3591 = vector.load %arg2[%get3A_3589, %get3A_3590] : memref<1024x1xf32, #tpu.memory_space<vmem>>, vector<8x1xf32>
    %mul3A_3592 = vector.broadcast %get3A_3591 : vector<8x1xf32> to vector<8x128xf32>
    %mul3A_3593 = arith.mulf %mul3A_3592, %mul3A_3588 : vector<8x128xf32>
    %get3A_3594 = arith.constant 816 : index
    %get3A_3595 = arith.constant 0 : index
    %get3A_3596 = vector.load %arg3[%get3A_3594, %get3A_3595] : memref<1024x1xf32, #tpu.memory_space<vmem>>, vector<8x1xf32>
    %mul3A_3597 = vector.broadcast %get3A_3596 : vector<8x1xf32> to vector<8x128xf32>
    %mul3A_3598 = arith.mulf %mul3A_3597, %mul3A_3588 : vector<8x128xf32>
    %add3A_3599 = arith.addf %add3A_3582, %mul3A_3593 : vector<8x128xf32>
    %add3A_3600 = arith.addf %add3A_3583, %mul3A_3598 : vector<8x128xf32>
    %get3A_3601 = arith.constant 824 : index
    %get3A_3602 = arith.constant 0 : index
    %get3A_3603 = vector.load %arg7[%get3A_3601, %get3A_3602] : memref<1024x128xf32, #tpu.memory_space<vmem>>, vector<8x128xf32>
    %mul3A_3604 = vector.broadcast %reciprocal3A : vector<1x128xf32> to vector<8x128xf32>
    %mul3A_3605 = arith.mulf %get3A_3603, %mul3A_3604 : vector<8x128xf32>
    %get3A_3606 = arith.constant 824 : index
    %get3A_3607 = arith.constant 0 : index
    %get3A_3608 = vector.load %arg2[%get3A_3606, %get3A_3607] : memref<1024x1xf32, #tpu.memory_space<vmem>>, vector<8x1xf32>
    %mul3A_3609 = vector.broadcast %get3A_3608 : vector<8x1xf32> to vector<8x128xf32>
    %mul3A_3610 = arith.mulf %mul3A_3609, %mul3A_3605 : vector<8x128xf32>
    %get3A_3611 = arith.constant 824 : index
    %get3A_3612 = arith.constant 0 : index
    %get3A_3613 = vector.load %arg3[%get3A_3611, %get3A_3612] : memref<1024x1xf32, #tpu.memory_space<vmem>>, vector<8x1xf32>
    %mul3A_3614 = vector.broadcast %get3A_3613 : vector<8x1xf32> to vector<8x128xf32>
    %mul3A_3615 = arith.mulf %mul3A_3614, %mul3A_3605 : vector<8x128xf32>
    %add3A_3616 = arith.addf %add3A_3599, %mul3A_3610 : vector<8x128xf32>
    %add3A_3617 = arith.addf %add3A_3600, %mul3A_3615 : vector<8x128xf32>
    %get3A_3618 = arith.constant 832 : index
    %get3A_3619 = arith.constant 0 : index
    %get3A_3620 = vector.load %arg7[%get3A_3618, %get3A_3619] : memref<1024x128xf32, #tpu.memory_space<vmem>>, vector<8x128xf32>
    %mul3A_3621 = vector.broadcast %reciprocal3A : vector<1x128xf32> to vector<8x128xf32>
    %mul3A_3622 = arith.mulf %get3A_3620, %mul3A_3621 : vector<8x128xf32>
    %get3A_3623 = arith.constant 832 : index
    %get3A_3624 = arith.constant 0 : index
    %get3A_3625 = vector.load %arg2[%get3A_3623, %get3A_3624] : memref<1024x1xf32, #tpu.memory_space<vmem>>, vector<8x1xf32>
    %mul3A_3626 = vector.broadcast %get3A_3625 : vector<8x1xf32> to vector<8x128xf32>
    %mul3A_3627 = arith.mulf %mul3A_3626, %mul3A_3622 : vector<8x128xf32>
    %get3A_3628 = arith.constant 832 : index
    %get3A_3629 = arith.constant 0 : index
    %get3A_3630 = vector.load %arg3[%get3A_3628, %get3A_3629] : memref<1024x1xf32, #tpu.memory_space<vmem>>, vector<8x1xf32>
    %mul3A_3631 = vector.broadcast %get3A_3630 : vector<8x1xf32> to vector<8x128xf32>
    %mul3A_3632 = arith.mulf %mul3A_3631, %mul3A_3622 : vector<8x128xf32>
    %add3A_3633 = arith.addf %add3A_3616, %mul3A_3627 : vector<8x128xf32>
    %add3A_3634 = arith.addf %add3A_3617, %mul3A_3632 : vector<8x128xf32>
    %get3A_3635 = arith.constant 840 : index
    %get3A_3636 = arith.constant 0 : index
    %get3A_3637 = vector.load %arg7[%get3A_3635, %get3A_3636] : memref<1024x128xf32, #tpu.memory_space<vmem>>, vector<8x128xf32>
    %mul3A_3638 = vector.broadcast %reciprocal3A : vector<1x128xf32> to vector<8x128xf32>
    %mul3A_3639 = arith.mulf %get3A_3637, %mul3A_3638 : vector<8x128xf32>
    %get3A_3640 = arith.constant 840 : index
    %get3A_3641 = arith.constant 0 : index
    %get3A_3642 = vector.load %arg2[%get3A_3640, %get3A_3641] : memref<1024x1xf32, #tpu.memory_space<vmem>>, vector<8x1xf32>
    %mul3A_3643 = vector.broadcast %get3A_3642 : vector<8x1xf32> to vector<8x128xf32>
    %mul3A_3644 = arith.mulf %mul3A_3643, %mul3A_3639 : vector<8x128xf32>
    %get3A_3645 = arith.constant 840 : index
    %get3A_3646 = arith.constant 0 : index
    %get3A_3647 = vector.load %arg3[%get3A_3645, %get3A_3646] : memref<1024x1xf32, #tpu.memory_space<vmem>>, vector<8x1xf32>
    %mul3A_3648 = vector.broadcast %get3A_3647 : vector<8x1xf32> to vector<8x128xf32>
    %mul3A_3649 = arith.mulf %mul3A_3648, %mul3A_3639 : vector<8x128xf32>
    %add3A_3650 = arith.addf %add3A_3633, %mul3A_3644 : vector<8x128xf32>
    %add3A_3651 = arith.addf %add3A_3634, %mul3A_3649 : vector<8x128xf32>
    %get3A_3652 = arith.constant 848 : index
    %get3A_3653 = arith.constant 0 : index
    %get3A_3654 = vector.load %arg7[%get3A_3652, %get3A_3653] : memref<1024x128xf32, #tpu.memory_space<vmem>>, vector<8x128xf32>
    %mul3A_3655 = vector.broadcast %reciprocal3A : vector<1x128xf32> to vector<8x128xf32>
    %mul3A_3656 = arith.mulf %get3A_3654, %mul3A_3655 : vector<8x128xf32>
    %get3A_3657 = arith.constant 848 : index
    %get3A_3658 = arith.constant 0 : index
    %get3A_3659 = vector.load %arg2[%get3A_3657, %get3A_3658] : memref<1024x1xf32, #tpu.memory_space<vmem>>, vector<8x1xf32>
    %mul3A_3660 = vector.broadcast %get3A_3659 : vector<8x1xf32> to vector<8x128xf32>
    %mul3A_3661 = arith.mulf %mul3A_3660, %mul3A_3656 : vector<8x128xf32>
    %get3A_3662 = arith.constant 848 : index
    %get3A_3663 = arith.constant 0 : index
    %get3A_3664 = vector.load %arg3[%get3A_3662, %get3A_3663] : memref<1024x1xf32, #tpu.memory_space<vmem>>, vector<8x1xf32>
    %mul3A_3665 = vector.broadcast %get3A_3664 : vector<8x1xf32> to vector<8x128xf32>
    %mul3A_3666 = arith.mulf %mul3A_3665, %mul3A_3656 : vector<8x128xf32>
    %add3A_3667 = arith.addf %add3A_3650, %mul3A_3661 : vector<8x128xf32>
    %add3A_3668 = arith.addf %add3A_3651, %mul3A_3666 : vector<8x128xf32>
    %get3A_3669 = arith.constant 856 : index
    %get3A_3670 = arith.constant 0 : index
    %get3A_3671 = vector.load %arg7[%get3A_3669, %get3A_3670] : memref<1024x128xf32, #tpu.memory_space<vmem>>, vector<8x128xf32>
    %mul3A_3672 = vector.broadcast %reciprocal3A : vector<1x128xf32> to vector<8x128xf32>
    %mul3A_3673 = arith.mulf %get3A_3671, %mul3A_3672 : vector<8x128xf32>
    %get3A_3674 = arith.constant 856 : index
    %get3A_3675 = arith.constant 0 : index
    %get3A_3676 = vector.load %arg2[%get3A_3674, %get3A_3675] : memref<1024x1xf32, #tpu.memory_space<vmem>>, vector<8x1xf32>
    %mul3A_3677 = vector.broadcast %get3A_3676 : vector<8x1xf32> to vector<8x128xf32>
    %mul3A_3678 = arith.mulf %mul3A_3677, %mul3A_3673 : vector<8x128xf32>
    %get3A_3679 = arith.constant 856 : index
    %get3A_3680 = arith.constant 0 : index
    %get3A_3681 = vector.load %arg3[%get3A_3679, %get3A_3680] : memref<1024x1xf32, #tpu.memory_space<vmem>>, vector<8x1xf32>
    %mul3A_3682 = vector.broadcast %get3A_3681 : vector<8x1xf32> to vector<8x128xf32>
    %mul3A_3683 = arith.mulf %mul3A_3682, %mul3A_3673 : vector<8x128xf32>
    %add3A_3684 = arith.addf %add3A_3667, %mul3A_3678 : vector<8x128xf32>
    %add3A_3685 = arith.addf %add3A_3668, %mul3A_3683 : vector<8x128xf32>
    %get3A_3686 = arith.constant 864 : index
    %get3A_3687 = arith.constant 0 : index
    %get3A_3688 = vector.load %arg7[%get3A_3686, %get3A_3687] : memref<1024x128xf32, #tpu.memory_space<vmem>>, vector<8x128xf32>
    %mul3A_3689 = vector.broadcast %reciprocal3A : vector<1x128xf32> to vector<8x128xf32>
    %mul3A_3690 = arith.mulf %get3A_3688, %mul3A_3689 : vector<8x128xf32>
    %get3A_3691 = arith.constant 864 : index
    %get3A_3692 = arith.constant 0 : index
    %get3A_3693 = vector.load %arg2[%get3A_3691, %get3A_3692] : memref<1024x1xf32, #tpu.memory_space<vmem>>, vector<8x1xf32>
    %mul3A_3694 = vector.broadcast %get3A_3693 : vector<8x1xf32> to vector<8x128xf32>
    %mul3A_3695 = arith.mulf %mul3A_3694, %mul3A_3690 : vector<8x128xf32>
    %get3A_3696 = arith.constant 864 : index
    %get3A_3697 = arith.constant 0 : index
    %get3A_3698 = vector.load %arg3[%get3A_3696, %get3A_3697] : memref<1024x1xf32, #tpu.memory_space<vmem>>, vector<8x1xf32>
    %mul3A_3699 = vector.broadcast %get3A_3698 : vector<8x1xf32> to vector<8x128xf32>
    %mul3A_3700 = arith.mulf %mul3A_3699, %mul3A_3690 : vector<8x128xf32>
    %add3A_3701 = arith.addf %add3A_3684, %mul3A_3695 : vector<8x128xf32>
    %add3A_3702 = arith.addf %add3A_3685, %mul3A_3700 : vector<8x128xf32>
    %get3A_3703 = arith.constant 872 : index
    %get3A_3704 = arith.constant 0 : index
    %get3A_3705 = vector.load %arg7[%get3A_3703, %get3A_3704] : memref<1024x128xf32, #tpu.memory_space<vmem>>, vector<8x128xf32>
    %mul3A_3706 = vector.broadcast %reciprocal3A : vector<1x128xf32> to vector<8x128xf32>
    %mul3A_3707 = arith.mulf %get3A_3705, %mul3A_3706 : vector<8x128xf32>
    %get3A_3708 = arith.constant 872 : index
    %get3A_3709 = arith.constant 0 : index
    %get3A_3710 = vector.load %arg2[%get3A_3708, %get3A_3709] : memref<1024x1xf32, #tpu.memory_space<vmem>>, vector<8x1xf32>
    %mul3A_3711 = vector.broadcast %get3A_3710 : vector<8x1xf32> to vector<8x128xf32>
    %mul3A_3712 = arith.mulf %mul3A_3711, %mul3A_3707 : vector<8x128xf32>
    %get3A_3713 = arith.constant 872 : index
    %get3A_3714 = arith.constant 0 : index
    %get3A_3715 = vector.load %arg3[%get3A_3713, %get3A_3714] : memref<1024x1xf32, #tpu.memory_space<vmem>>, vector<8x1xf32>
    %mul3A_3716 = vector.broadcast %get3A_3715 : vector<8x1xf32> to vector<8x128xf32>
    %mul3A_3717 = arith.mulf %mul3A_3716, %mul3A_3707 : vector<8x128xf32>
    %add3A_3718 = arith.addf %add3A_3701, %mul3A_3712 : vector<8x128xf32>
    %add3A_3719 = arith.addf %add3A_3702, %mul3A_3717 : vector<8x128xf32>
    %get3A_3720 = arith.constant 880 : index
    %get3A_3721 = arith.constant 0 : index
    %get3A_3722 = vector.load %arg7[%get3A_3720, %get3A_3721] : memref<1024x128xf32, #tpu.memory_space<vmem>>, vector<8x128xf32>
    %mul3A_3723 = vector.broadcast %reciprocal3A : vector<1x128xf32> to vector<8x128xf32>
    %mul3A_3724 = arith.mulf %get3A_3722, %mul3A_3723 : vector<8x128xf32>
    %get3A_3725 = arith.constant 880 : index
    %get3A_3726 = arith.constant 0 : index
    %get3A_3727 = vector.load %arg2[%get3A_3725, %get3A_3726] : memref<1024x1xf32, #tpu.memory_space<vmem>>, vector<8x1xf32>
    %mul3A_3728 = vector.broadcast %get3A_3727 : vector<8x1xf32> to vector<8x128xf32>
    %mul3A_3729 = arith.mulf %mul3A_3728, %mul3A_3724 : vector<8x128xf32>
    %get3A_3730 = arith.constant 880 : index
    %get3A_3731 = arith.constant 0 : index
    %get3A_3732 = vector.load %arg3[%get3A_3730, %get3A_3731] : memref<1024x1xf32, #tpu.memory_space<vmem>>, vector<8x1xf32>
    %mul3A_3733 = vector.broadcast %get3A_3732 : vector<8x1xf32> to vector<8x128xf32>
    %mul3A_3734 = arith.mulf %mul3A_3733, %mul3A_3724 : vector<8x128xf32>
    %add3A_3735 = arith.addf %add3A_3718, %mul3A_3729 : vector<8x128xf32>
    %add3A_3736 = arith.addf %add3A_3719, %mul3A_3734 : vector<8x128xf32>
    %get3A_3737 = arith.constant 888 : index
    %get3A_3738 = arith.constant 0 : index
    %get3A_3739 = vector.load %arg7[%get3A_3737, %get3A_3738] : memref<1024x128xf32, #tpu.memory_space<vmem>>, vector<8x128xf32>
    %mul3A_3740 = vector.broadcast %reciprocal3A : vector<1x128xf32> to vector<8x128xf32>
    %mul3A_3741 = arith.mulf %get3A_3739, %mul3A_3740 : vector<8x128xf32>
    %get3A_3742 = arith.constant 888 : index
    %get3A_3743 = arith.constant 0 : index
    %get3A_3744 = vector.load %arg2[%get3A_3742, %get3A_3743] : memref<1024x1xf32, #tpu.memory_space<vmem>>, vector<8x1xf32>
    %mul3A_3745 = vector.broadcast %get3A_3744 : vector<8x1xf32> to vector<8x128xf32>
    %mul3A_3746 = arith.mulf %mul3A_3745, %mul3A_3741 : vector<8x128xf32>
    %get3A_3747 = arith.constant 888 : index
    %get3A_3748 = arith.constant 0 : index
    %get3A_3749 = vector.load %arg3[%get3A_3747, %get3A_3748] : memref<1024x1xf32, #tpu.memory_space<vmem>>, vector<8x1xf32>
    %mul3A_3750 = vector.broadcast %get3A_3749 : vector<8x1xf32> to vector<8x128xf32>
    %mul3A_3751 = arith.mulf %mul3A_3750, %mul3A_3741 : vector<8x128xf32>
    %add3A_3752 = arith.addf %add3A_3735, %mul3A_3746 : vector<8x128xf32>
    %add3A_3753 = arith.addf %add3A_3736, %mul3A_3751 : vector<8x128xf32>
    %get3A_3754 = arith.constant 896 : index
    %get3A_3755 = arith.constant 0 : index
    %get3A_3756 = vector.load %arg7[%get3A_3754, %get3A_3755] : memref<1024x128xf32, #tpu.memory_space<vmem>>, vector<8x128xf32>
    %mul3A_3757 = vector.broadcast %reciprocal3A : vector<1x128xf32> to vector<8x128xf32>
    %mul3A_3758 = arith.mulf %get3A_3756, %mul3A_3757 : vector<8x128xf32>
    %get3A_3759 = arith.constant 896 : index
    %get3A_3760 = arith.constant 0 : index
    %get3A_3761 = vector.load %arg2[%get3A_3759, %get3A_3760] : memref<1024x1xf32, #tpu.memory_space<vmem>>, vector<8x1xf32>
    %mul3A_3762 = vector.broadcast %get3A_3761 : vector<8x1xf32> to vector<8x128xf32>
    %mul3A_3763 = arith.mulf %mul3A_3762, %mul3A_3758 : vector<8x128xf32>
    %get3A_3764 = arith.constant 896 : index
    %get3A_3765 = arith.constant 0 : index
    %get3A_3766 = vector.load %arg3[%get3A_3764, %get3A_3765] : memref<1024x1xf32, #tpu.memory_space<vmem>>, vector<8x1xf32>
    %mul3A_3767 = vector.broadcast %get3A_3766 : vector<8x1xf32> to vector<8x128xf32>
    %mul3A_3768 = arith.mulf %mul3A_3767, %mul3A_3758 : vector<8x128xf32>
    %add3A_3769 = arith.addf %add3A_3752, %mul3A_3763 : vector<8x128xf32>
    %add3A_3770 = arith.addf %add3A_3753, %mul3A_3768 : vector<8x128xf32>
    %get3A_3771 = arith.constant 904 : index
    %get3A_3772 = arith.constant 0 : index
    %get3A_3773 = vector.load %arg7[%get3A_3771, %get3A_3772] : memref<1024x128xf32, #tpu.memory_space<vmem>>, vector<8x128xf32>
    %mul3A_3774 = vector.broadcast %reciprocal3A : vector<1x128xf32> to vector<8x128xf32>
    %mul3A_3775 = arith.mulf %get3A_3773, %mul3A_3774 : vector<8x128xf32>
    %get3A_3776 = arith.constant 904 : index
    %get3A_3777 = arith.constant 0 : index
    %get3A_3778 = vector.load %arg2[%get3A_3776, %get3A_3777] : memref<1024x1xf32, #tpu.memory_space<vmem>>, vector<8x1xf32>
    %mul3A_3779 = vector.broadcast %get3A_3778 : vector<8x1xf32> to vector<8x128xf32>
    %mul3A_3780 = arith.mulf %mul3A_3779, %mul3A_3775 : vector<8x128xf32>
    %get3A_3781 = arith.constant 904 : index
    %get3A_3782 = arith.constant 0 : index
    %get3A_3783 = vector.load %arg3[%get3A_3781, %get3A_3782] : memref<1024x1xf32, #tpu.memory_space<vmem>>, vector<8x1xf32>
    %mul3A_3784 = vector.broadcast %get3A_3783 : vector<8x1xf32> to vector<8x128xf32>
    %mul3A_3785 = arith.mulf %mul3A_3784, %mul3A_3775 : vector<8x128xf32>
    %add3A_3786 = arith.addf %add3A_3769, %mul3A_3780 : vector<8x128xf32>
    %add3A_3787 = arith.addf %add3A_3770, %mul3A_3785 : vector<8x128xf32>
    %get3A_3788 = arith.constant 912 : index
    %get3A_3789 = arith.constant 0 : index
    %get3A_3790 = vector.load %arg7[%get3A_3788, %get3A_3789] : memref<1024x128xf32, #tpu.memory_space<vmem>>, vector<8x128xf32>
    %mul3A_3791 = vector.broadcast %reciprocal3A : vector<1x128xf32> to vector<8x128xf32>
    %mul3A_3792 = arith.mulf %get3A_3790, %mul3A_3791 : vector<8x128xf32>
    %get3A_3793 = arith.constant 912 : index
    %get3A_3794 = arith.constant 0 : index
    %get3A_3795 = vector.load %arg2[%get3A_3793, %get3A_3794] : memref<1024x1xf32, #tpu.memory_space<vmem>>, vector<8x1xf32>
    %mul3A_3796 = vector.broadcast %get3A_3795 : vector<8x1xf32> to vector<8x128xf32>
    %mul3A_3797 = arith.mulf %mul3A_3796, %mul3A_3792 : vector<8x128xf32>
    %get3A_3798 = arith.constant 912 : index
    %get3A_3799 = arith.constant 0 : index
    %get3A_3800 = vector.load %arg3[%get3A_3798, %get3A_3799] : memref<1024x1xf32, #tpu.memory_space<vmem>>, vector<8x1xf32>
    %mul3A_3801 = vector.broadcast %get3A_3800 : vector<8x1xf32> to vector<8x128xf32>
    %mul3A_3802 = arith.mulf %mul3A_3801, %mul3A_3792 : vector<8x128xf32>
    %add3A_3803 = arith.addf %add3A_3786, %mul3A_3797 : vector<8x128xf32>
    %add3A_3804 = arith.addf %add3A_3787, %mul3A_3802 : vector<8x128xf32>
    %get3A_3805 = arith.constant 920 : index
    %get3A_3806 = arith.constant 0 : index
    %get3A_3807 = vector.load %arg7[%get3A_3805, %get3A_3806] : memref<1024x128xf32, #tpu.memory_space<vmem>>, vector<8x128xf32>
    %mul3A_3808 = vector.broadcast %reciprocal3A : vector<1x128xf32> to vector<8x128xf32>
    %mul3A_3809 = arith.mulf %get3A_3807, %mul3A_3808 : vector<8x128xf32>
    %get3A_3810 = arith.constant 920 : index
    %get3A_3811 = arith.constant 0 : index
    %get3A_3812 = vector.load %arg2[%get3A_3810, %get3A_3811] : memref<1024x1xf32, #tpu.memory_space<vmem>>, vector<8x1xf32>
    %mul3A_3813 = vector.broadcast %get3A_3812 : vector<8x1xf32> to vector<8x128xf32>
    %mul3A_3814 = arith.mulf %mul3A_3813, %mul3A_3809 : vector<8x128xf32>
    %get3A_3815 = arith.constant 920 : index
    %get3A_3816 = arith.constant 0 : index
    %get3A_3817 = vector.load %arg3[%get3A_3815, %get3A_3816] : memref<1024x1xf32, #tpu.memory_space<vmem>>, vector<8x1xf32>
    %mul3A_3818 = vector.broadcast %get3A_3817 : vector<8x1xf32> to vector<8x128xf32>
    %mul3A_3819 = arith.mulf %mul3A_3818, %mul3A_3809 : vector<8x128xf32>
    %add3A_3820 = arith.addf %add3A_3803, %mul3A_3814 : vector<8x128xf32>
    %add3A_3821 = arith.addf %add3A_3804, %mul3A_3819 : vector<8x128xf32>
    %get3A_3822 = arith.constant 928 : index
    %get3A_3823 = arith.constant 0 : index
    %get3A_3824 = vector.load %arg7[%get3A_3822, %get3A_3823] : memref<1024x128xf32, #tpu.memory_space<vmem>>, vector<8x128xf32>
    %mul3A_3825 = vector.broadcast %reciprocal3A : vector<1x128xf32> to vector<8x128xf32>
    %mul3A_3826 = arith.mulf %get3A_3824, %mul3A_3825 : vector<8x128xf32>
    %get3A_3827 = arith.constant 928 : index
    %get3A_3828 = arith.constant 0 : index
    %get3A_3829 = vector.load %arg2[%get3A_3827, %get3A_3828] : memref<1024x1xf32, #tpu.memory_space<vmem>>, vector<8x1xf32>
    %mul3A_3830 = vector.broadcast %get3A_3829 : vector<8x1xf32> to vector<8x128xf32>
    %mul3A_3831 = arith.mulf %mul3A_3830, %mul3A_3826 : vector<8x128xf32>
    %get3A_3832 = arith.constant 928 : index
    %get3A_3833 = arith.constant 0 : index
    %get3A_3834 = vector.load %arg3[%get3A_3832, %get3A_3833] : memref<1024x1xf32, #tpu.memory_space<vmem>>, vector<8x1xf32>
    %mul3A_3835 = vector.broadcast %get3A_3834 : vector<8x1xf32> to vector<8x128xf32>
    %mul3A_3836 = arith.mulf %mul3A_3835, %mul3A_3826 : vector<8x128xf32>
    %add3A_3837 = arith.addf %add3A_3820, %mul3A_3831 : vector<8x128xf32>
    %add3A_3838 = arith.addf %add3A_3821, %mul3A_3836 : vector<8x128xf32>
    %get3A_3839 = arith.constant 936 : index
    %get3A_3840 = arith.constant 0 : index
    %get3A_3841 = vector.load %arg7[%get3A_3839, %get3A_3840] : memref<1024x128xf32, #tpu.memory_space<vmem>>, vector<8x128xf32>
    %mul3A_3842 = vector.broadcast %reciprocal3A : vector<1x128xf32> to vector<8x128xf32>
    %mul3A_3843 = arith.mulf %get3A_3841, %mul3A_3842 : vector<8x128xf32>
    %get3A_3844 = arith.constant 936 : index
    %get3A_3845 = arith.constant 0 : index
    %get3A_3846 = vector.load %arg2[%get3A_3844, %get3A_3845] : memref<1024x1xf32, #tpu.memory_space<vmem>>, vector<8x1xf32>
    %mul3A_3847 = vector.broadcast %get3A_3846 : vector<8x1xf32> to vector<8x128xf32>
    %mul3A_3848 = arith.mulf %mul3A_3847, %mul3A_3843 : vector<8x128xf32>
    %get3A_3849 = arith.constant 936 : index
    %get3A_3850 = arith.constant 0 : index
    %get3A_3851 = vector.load %arg3[%get3A_3849, %get3A_3850] : memref<1024x1xf32, #tpu.memory_space<vmem>>, vector<8x1xf32>
    %mul3A_3852 = vector.broadcast %get3A_3851 : vector<8x1xf32> to vector<8x128xf32>
    %mul3A_3853 = arith.mulf %mul3A_3852, %mul3A_3843 : vector<8x128xf32>
    %add3A_3854 = arith.addf %add3A_3837, %mul3A_3848 : vector<8x128xf32>
    %add3A_3855 = arith.addf %add3A_3838, %mul3A_3853 : vector<8x128xf32>
    %get3A_3856 = arith.constant 944 : index
    %get3A_3857 = arith.constant 0 : index
    %get3A_3858 = vector.load %arg7[%get3A_3856, %get3A_3857] : memref<1024x128xf32, #tpu.memory_space<vmem>>, vector<8x128xf32>
    %mul3A_3859 = vector.broadcast %reciprocal3A : vector<1x128xf32> to vector<8x128xf32>
    %mul3A_3860 = arith.mulf %get3A_3858, %mul3A_3859 : vector<8x128xf32>
    %get3A_3861 = arith.constant 944 : index
    %get3A_3862 = arith.constant 0 : index
    %get3A_3863 = vector.load %arg2[%get3A_3861, %get3A_3862] : memref<1024x1xf32, #tpu.memory_space<vmem>>, vector<8x1xf32>
    %mul3A_3864 = vector.broadcast %get3A_3863 : vector<8x1xf32> to vector<8x128xf32>
    %mul3A_3865 = arith.mulf %mul3A_3864, %mul3A_3860 : vector<8x128xf32>
    %get3A_3866 = arith.constant 944 : index
    %get3A_3867 = arith.constant 0 : index
    %get3A_3868 = vector.load %arg3[%get3A_3866, %get3A_3867] : memref<1024x1xf32, #tpu.memory_space<vmem>>, vector<8x1xf32>
    %mul3A_3869 = vector.broadcast %get3A_3868 : vector<8x1xf32> to vector<8x128xf32>
    %mul3A_3870 = arith.mulf %mul3A_3869, %mul3A_3860 : vector<8x128xf32>
    %add3A_3871 = arith.addf %add3A_3854, %mul3A_3865 : vector<8x128xf32>
    %add3A_3872 = arith.addf %add3A_3855, %mul3A_3870 : vector<8x128xf32>
    %get3A_3873 = arith.constant 952 : index
    %get3A_3874 = arith.constant 0 : index
    %get3A_3875 = vector.load %arg7[%get3A_3873, %get3A_3874] : memref<1024x128xf32, #tpu.memory_space<vmem>>, vector<8x128xf32>
    %mul3A_3876 = vector.broadcast %reciprocal3A : vector<1x128xf32> to vector<8x128xf32>
    %mul3A_3877 = arith.mulf %get3A_3875, %mul3A_3876 : vector<8x128xf32>
    %get3A_3878 = arith.constant 952 : index
    %get3A_3879 = arith.constant 0 : index
    %get3A_3880 = vector.load %arg2[%get3A_3878, %get3A_3879] : memref<1024x1xf32, #tpu.memory_space<vmem>>, vector<8x1xf32>
    %mul3A_3881 = vector.broadcast %get3A_3880 : vector<8x1xf32> to vector<8x128xf32>
    %mul3A_3882 = arith.mulf %mul3A_3881, %mul3A_3877 : vector<8x128xf32>
    %get3A_3883 = arith.constant 952 : index
    %get3A_3884 = arith.constant 0 : index
    %get3A_3885 = vector.load %arg3[%get3A_3883, %get3A_3884] : memref<1024x1xf32, #tpu.memory_space<vmem>>, vector<8x1xf32>
    %mul3A_3886 = vector.broadcast %get3A_3885 : vector<8x1xf32> to vector<8x128xf32>
    %mul3A_3887 = arith.mulf %mul3A_3886, %mul3A_3877 : vector<8x128xf32>
    %add3A_3888 = arith.addf %add3A_3871, %mul3A_3882 : vector<8x128xf32>
    %add3A_3889 = arith.addf %add3A_3872, %mul3A_3887 : vector<8x128xf32>
    %get3A_3890 = arith.constant 960 : index
    %get3A_3891 = arith.constant 0 : index
    %get3A_3892 = vector.load %arg7[%get3A_3890, %get3A_3891] : memref<1024x128xf32, #tpu.memory_space<vmem>>, vector<8x128xf32>
    %mul3A_3893 = vector.broadcast %reciprocal3A : vector<1x128xf32> to vector<8x128xf32>
    %mul3A_3894 = arith.mulf %get3A_3892, %mul3A_3893 : vector<8x128xf32>
    %get3A_3895 = arith.constant 960 : index
    %get3A_3896 = arith.constant 0 : index
    %get3A_3897 = vector.load %arg2[%get3A_3895, %get3A_3896] : memref<1024x1xf32, #tpu.memory_space<vmem>>, vector<8x1xf32>
    %mul3A_3898 = vector.broadcast %get3A_3897 : vector<8x1xf32> to vector<8x128xf32>
    %mul3A_3899 = arith.mulf %mul3A_3898, %mul3A_3894 : vector<8x128xf32>
    %get3A_3900 = arith.constant 960 : index
    %get3A_3901 = arith.constant 0 : index
    %get3A_3902 = vector.load %arg3[%get3A_3900, %get3A_3901] : memref<1024x1xf32, #tpu.memory_space<vmem>>, vector<8x1xf32>
    %mul3A_3903 = vector.broadcast %get3A_3902 : vector<8x1xf32> to vector<8x128xf32>
    %mul3A_3904 = arith.mulf %mul3A_3903, %mul3A_3894 : vector<8x128xf32>
    %add3A_3905 = arith.addf %add3A_3888, %mul3A_3899 : vector<8x128xf32>
    %add3A_3906 = arith.addf %add3A_3889, %mul3A_3904 : vector<8x128xf32>
    %get3A_3907 = arith.constant 968 : index
    %get3A_3908 = arith.constant 0 : index
    %get3A_3909 = vector.load %arg7[%get3A_3907, %get3A_3908] : memref<1024x128xf32, #tpu.memory_space<vmem>>, vector<8x128xf32>
    %mul3A_3910 = vector.broadcast %reciprocal3A : vector<1x128xf32> to vector<8x128xf32>
    %mul3A_3911 = arith.mulf %get3A_3909, %mul3A_3910 : vector<8x128xf32>
    %get3A_3912 = arith.constant 968 : index
    %get3A_3913 = arith.constant 0 : index
    %get3A_3914 = vector.load %arg2[%get3A_3912, %get3A_3913] : memref<1024x1xf32, #tpu.memory_space<vmem>>, vector<8x1xf32>
    %mul3A_3915 = vector.broadcast %get3A_3914 : vector<8x1xf32> to vector<8x128xf32>
    %mul3A_3916 = arith.mulf %mul3A_3915, %mul3A_3911 : vector<8x128xf32>
    %get3A_3917 = arith.constant 968 : index
    %get3A_3918 = arith.constant 0 : index
    %get3A_3919 = vector.load %arg3[%get3A_3917, %get3A_3918] : memref<1024x1xf32, #tpu.memory_space<vmem>>, vector<8x1xf32>
    %mul3A_3920 = vector.broadcast %get3A_3919 : vector<8x1xf32> to vector<8x128xf32>
    %mul3A_3921 = arith.mulf %mul3A_3920, %mul3A_3911 : vector<8x128xf32>
    %add3A_3922 = arith.addf %add3A_3905, %mul3A_3916 : vector<8x128xf32>
    %add3A_3923 = arith.addf %add3A_3906, %mul3A_3921 : vector<8x128xf32>
    %get3A_3924 = arith.constant 976 : index
    %get3A_3925 = arith.constant 0 : index
    %get3A_3926 = vector.load %arg7[%get3A_3924, %get3A_3925] : memref<1024x128xf32, #tpu.memory_space<vmem>>, vector<8x128xf32>
    %mul3A_3927 = vector.broadcast %reciprocal3A : vector<1x128xf32> to vector<8x128xf32>
    %mul3A_3928 = arith.mulf %get3A_3926, %mul3A_3927 : vector<8x128xf32>
    %get3A_3929 = arith.constant 976 : index
    %get3A_3930 = arith.constant 0 : index
    %get3A_3931 = vector.load %arg2[%get3A_3929, %get3A_3930] : memref<1024x1xf32, #tpu.memory_space<vmem>>, vector<8x1xf32>
    %mul3A_3932 = vector.broadcast %get3A_3931 : vector<8x1xf32> to vector<8x128xf32>
    %mul3A_3933 = arith.mulf %mul3A_3932, %mul3A_3928 : vector<8x128xf32>
    %get3A_3934 = arith.constant 976 : index
    %get3A_3935 = arith.constant 0 : index
    %get3A_3936 = vector.load %arg3[%get3A_3934, %get3A_3935] : memref<1024x1xf32, #tpu.memory_space<vmem>>, vector<8x1xf32>
    %mul3A_3937 = vector.broadcast %get3A_3936 : vector<8x1xf32> to vector<8x128xf32>
    %mul3A_3938 = arith.mulf %mul3A_3937, %mul3A_3928 : vector<8x128xf32>
    %add3A_3939 = arith.addf %add3A_3922, %mul3A_3933 : vector<8x128xf32>
    %add3A_3940 = arith.addf %add3A_3923, %mul3A_3938 : vector<8x128xf32>
    %get3A_3941 = arith.constant 984 : index
    %get3A_3942 = arith.constant 0 : index
    %get3A_3943 = vector.load %arg7[%get3A_3941, %get3A_3942] : memref<1024x128xf32, #tpu.memory_space<vmem>>, vector<8x128xf32>
    %mul3A_3944 = vector.broadcast %reciprocal3A : vector<1x128xf32> to vector<8x128xf32>
    %mul3A_3945 = arith.mulf %get3A_3943, %mul3A_3944 : vector<8x128xf32>
    %get3A_3946 = arith.constant 984 : index
    %get3A_3947 = arith.constant 0 : index
    %get3A_3948 = vector.load %arg2[%get3A_3946, %get3A_3947] : memref<1024x1xf32, #tpu.memory_space<vmem>>, vector<8x1xf32>
    %mul3A_3949 = vector.broadcast %get3A_3948 : vector<8x1xf32> to vector<8x128xf32>
    %mul3A_3950 = arith.mulf %mul3A_3949, %mul3A_3945 : vector<8x128xf32>
    %get3A_3951 = arith.constant 984 : index
    %get3A_3952 = arith.constant 0 : index
    %get3A_3953 = vector.load %arg3[%get3A_3951, %get3A_3952] : memref<1024x1xf32, #tpu.memory_space<vmem>>, vector<8x1xf32>
    %mul3A_3954 = vector.broadcast %get3A_3953 : vector<8x1xf32> to vector<8x128xf32>
    %mul3A_3955 = arith.mulf %mul3A_3954, %mul3A_3945 : vector<8x128xf32>
    %add3A_3956 = arith.addf %add3A_3939, %mul3A_3950 : vector<8x128xf32>
    %add3A_3957 = arith.addf %add3A_3940, %mul3A_3955 : vector<8x128xf32>
    %get3A_3958 = arith.constant 992 : index
    %get3A_3959 = arith.constant 0 : index
    %get3A_3960 = vector.load %arg7[%get3A_3958, %get3A_3959] : memref<1024x128xf32, #tpu.memory_space<vmem>>, vector<8x128xf32>
    %mul3A_3961 = vector.broadcast %reciprocal3A : vector<1x128xf32> to vector<8x128xf32>
    %mul3A_3962 = arith.mulf %get3A_3960, %mul3A_3961 : vector<8x128xf32>
    %get3A_3963 = arith.constant 992 : index
    %get3A_3964 = arith.constant 0 : index
    %get3A_3965 = vector.load %arg2[%get3A_3963, %get3A_3964] : memref<1024x1xf32, #tpu.memory_space<vmem>>, vector<8x1xf32>
    %mul3A_3966 = vector.broadcast %get3A_3965 : vector<8x1xf32> to vector<8x128xf32>
    %mul3A_3967 = arith.mulf %mul3A_3966, %mul3A_3962 : vector<8x128xf32>
    %get3A_3968 = arith.constant 992 : index
    %get3A_3969 = arith.constant 0 : index
    %get3A_3970 = vector.load %arg3[%get3A_3968, %get3A_3969] : memref<1024x1xf32, #tpu.memory_space<vmem>>, vector<8x1xf32>
    %mul3A_3971 = vector.broadcast %get3A_3970 : vector<8x1xf32> to vector<8x128xf32>
    %mul3A_3972 = arith.mulf %mul3A_3971, %mul3A_3962 : vector<8x128xf32>
    %add3A_3973 = arith.addf %add3A_3956, %mul3A_3967 : vector<8x128xf32>
    %add3A_3974 = arith.addf %add3A_3957, %mul3A_3972 : vector<8x128xf32>
    %get3A_3975 = arith.constant 1000 : index
    %get3A_3976 = arith.constant 0 : index
    %get3A_3977 = vector.load %arg7[%get3A_3975, %get3A_3976] : memref<1024x128xf32, #tpu.memory_space<vmem>>, vector<8x128xf32>
    %mul3A_3978 = vector.broadcast %reciprocal3A : vector<1x128xf32> to vector<8x128xf32>
    %mul3A_3979 = arith.mulf %get3A_3977, %mul3A_3978 : vector<8x128xf32>
    %get3A_3980 = arith.constant 1000 : index
    %get3A_3981 = arith.constant 0 : index
    %get3A_3982 = vector.load %arg2[%get3A_3980, %get3A_3981] : memref<1024x1xf32, #tpu.memory_space<vmem>>, vector<8x1xf32>
    %mul3A_3983 = vector.broadcast %get3A_3982 : vector<8x1xf32> to vector<8x128xf32>
    %mul3A_3984 = arith.mulf %mul3A_3983, %mul3A_3979 : vector<8x128xf32>
    %get3A_3985 = arith.constant 1000 : index
    %get3A_3986 = arith.constant 0 : index
    %get3A_3987 = vector.load %arg3[%get3A_3985, %get3A_3986] : memref<1024x1xf32, #tpu.memory_space<vmem>>, vector<8x1xf32>
    %mul3A_3988 = vector.broadcast %get3A_3987 : vector<8x1xf32> to vector<8x128xf32>
    %mul3A_3989 = arith.mulf %mul3A_3988, %mul3A_3979 : vector<8x128xf32>
    %add3A_3990 = arith.addf %add3A_3973, %mul3A_3984 : vector<8x128xf32>
    %add3A_3991 = arith.addf %add3A_3974, %mul3A_3989 : vector<8x128xf32>
    %get3A_3992 = arith.constant 1008 : index
    %get3A_3993 = arith.constant 0 : index
    %get3A_3994 = vector.load %arg7[%get3A_3992, %get3A_3993] : memref<1024x128xf32, #tpu.memory_space<vmem>>, vector<8x128xf32>
    %mul3A_3995 = vector.broadcast %reciprocal3A : vector<1x128xf32> to vector<8x128xf32>
    %mul3A_3996 = arith.mulf %get3A_3994, %mul3A_3995 : vector<8x128xf32>
    %get3A_3997 = arith.constant 1008 : index
    %get3A_3998 = arith.constant 0 : index
    %get3A_3999 = vector.load %arg2[%get3A_3997, %get3A_3998] : memref<1024x1xf32, #tpu.memory_space<vmem>>, vector<8x1xf32>
    %mul3A_4000 = vector.broadcast %get3A_3999 : vector<8x1xf32> to vector<8x128xf32>
    %mul3A_4001 = arith.mulf %mul3A_4000, %mul3A_3996 : vector<8x128xf32>
    %get3A_4002 = arith.constant 1008 : index
    %get3A_4003 = arith.constant 0 : index
    %get3A_4004 = vector.load %arg3[%get3A_4002, %get3A_4003] : memref<1024x1xf32, #tpu.memory_space<vmem>>, vector<8x1xf32>
    %mul3A_4005 = vector.broadcast %get3A_4004 : vector<8x1xf32> to vector<8x128xf32>
    %mul3A_4006 = arith.mulf %mul3A_4005, %mul3A_3996 : vector<8x128xf32>
    %add3A_4007 = arith.addf %add3A_3990, %mul3A_4001 : vector<8x128xf32>
    %add3A_4008 = arith.addf %add3A_3991, %mul3A_4006 : vector<8x128xf32>
    %get3A_4009 = arith.constant 1016 : index
    %get3A_4010 = arith.constant 0 : index
    %get3A_4011 = vector.load %arg7[%get3A_4009, %get3A_4010] : memref<1024x128xf32, #tpu.memory_space<vmem>>, vector<8x128xf32>
    %mul3A_4012 = vector.broadcast %reciprocal3A : vector<1x128xf32> to vector<8x128xf32>
    %mul3A_4013 = arith.mulf %get3A_4011, %mul3A_4012 : vector<8x128xf32>
    %get3A_4014 = arith.constant 1016 : index
    %get3A_4015 = arith.constant 0 : index
    %get3A_4016 = vector.load %arg2[%get3A_4014, %get3A_4015] : memref<1024x1xf32, #tpu.memory_space<vmem>>, vector<8x1xf32>
    %mul3A_4017 = vector.broadcast %get3A_4016 : vector<8x1xf32> to vector<8x128xf32>
    %mul3A_4018 = arith.mulf %mul3A_4017, %mul3A_4013 : vector<8x128xf32>
    %get3A_4019 = arith.constant 1016 : index
    %get3A_4020 = arith.constant 0 : index
    %get3A_4021 = vector.load %arg3[%get3A_4019, %get3A_4020] : memref<1024x1xf32, #tpu.memory_space<vmem>>, vector<8x1xf32>
    %mul3A_4022 = vector.broadcast %get3A_4021 : vector<8x1xf32> to vector<8x128xf32>
    %mul3A_4023 = arith.mulf %mul3A_4022, %mul3A_4013 : vector<8x128xf32>
    %add3A_4024 = arith.addf %add3A_4007, %mul3A_4018 : vector<8x128xf32>
    %add3A_4025 = arith.addf %add3A_4008, %mul3A_4023 : vector<8x128xf32>
    %slice3A_4026 = vector.extract_strided_slice %add3A_4024 {offsets = [0, 0], sizes = [4, 128], strides = [1, 1]} : vector<8x128xf32> to vector<4x128xf32>
    %slice3A_4027 = vector.extract_strided_slice %add3A_4024 {offsets = [4, 0], sizes = [4, 128], strides = [1, 1]} : vector<8x128xf32> to vector<4x128xf32>
    %add3A_4028 = arith.addf %slice3A_4026, %slice3A_4027 : vector<4x128xf32>
    %slice3A_4029 = vector.extract_strided_slice %add3A_4028 {offsets = [0, 0], sizes = [2, 128], strides = [1, 1]} : vector<4x128xf32> to vector<2x128xf32>
    %slice3A_4030 = vector.extract_strided_slice %add3A_4028 {offsets = [2, 0], sizes = [2, 128], strides = [1, 1]} : vector<4x128xf32> to vector<2x128xf32>
    %add3A_4031 = arith.addf %slice3A_4029, %slice3A_4030 : vector<2x128xf32>
    %slice3A_4032 = vector.extract_strided_slice %add3A_4031 {offsets = [0, 0], sizes = [1, 128], strides = [1, 1]} : vector<2x128xf32> to vector<1x128xf32>
    %slice3A_4033 = vector.extract_strided_slice %add3A_4031 {offsets = [1, 0], sizes = [1, 128], strides = [1, 1]} : vector<2x128xf32> to vector<1x128xf32>
    %add3A_4034 = arith.addf %slice3A_4032, %slice3A_4033 : vector<1x128xf32>
    %slice3A_4035 = vector.extract_strided_slice %add3A_4025 {offsets = [0, 0], sizes = [4, 128], strides = [1, 1]} : vector<8x128xf32> to vector<4x128xf32>
    %slice3A_4036 = vector.extract_strided_slice %add3A_4025 {offsets = [4, 0], sizes = [4, 128], strides = [1, 1]} : vector<8x128xf32> to vector<4x128xf32>
    %add3A_4037 = arith.addf %slice3A_4035, %slice3A_4036 : vector<4x128xf32>
    %slice3A_4038 = vector.extract_strided_slice %add3A_4037 {offsets = [0, 0], sizes = [2, 128], strides = [1, 1]} : vector<4x128xf32> to vector<2x128xf32>
    %slice3A_4039 = vector.extract_strided_slice %add3A_4037 {offsets = [2, 0], sizes = [2, 128], strides = [1, 1]} : vector<4x128xf32> to vector<2x128xf32>
    %add3A_4040 = arith.addf %slice3A_4038, %slice3A_4039 : vector<2x128xf32>
    %slice3A_4041 = vector.extract_strided_slice %add3A_4040 {offsets = [0, 0], sizes = [1, 128], strides = [1, 1]} : vector<2x128xf32> to vector<1x128xf32>
    %slice3A_4042 = vector.extract_strided_slice %add3A_4040 {offsets = [1, 0], sizes = [1, 128], strides = [1, 1]} : vector<2x128xf32> to vector<1x128xf32>
    %add3A_4043 = arith.addf %slice3A_4041, %slice3A_4042 : vector<1x128xf32>
    %add3A_4044 = arith.addf %add3A_3482, %add3A_4034 : vector<1x128xf32>
    %add3A_4045 = arith.addf %add3A_3483, %add3A_4043 : vector<1x128xf32>
    %mul3A_4046 = arith.constant 128 : i32
    %mul3A_4047 = arith.muli %arg0, %mul3A_4046 : i32
    %iota3A = tpu.iota {dimensions = array<i32: 1>} : vector<1x128xi32>
    %add3A_4048 = vector.broadcast %mul3A_4047 : i32 to vector<1x128xi32>
    %add3A_4049 = arith.addi %add3A_4048, %iota3A : vector<1x128xi32>
    %convert_element_type3A = arith.sitofp %add3A_4049 : vector<1x128xi32> to vector<1x128xf32>
    %add3A_4050 = arith.constant 5.000000e-01 : f32
    %add3A_4051 = vector.broadcast %add3A_4050 : f32 to vector<1x128xf32>
    %add3A_4052 = arith.addf %convert_element_type3A, %add3A_4051 : vector<1x128xf32>
    %mul3A_4053 = arith.constant 0.00510204071 : f32
    %mul3A_4054 = vector.broadcast %mul3A_4053 : f32 to vector<1x128xf32>
    %mul3A_4055 = arith.mulf %add3A_4052, %mul3A_4054 : vector<1x128xf32>
    %floor3A = math.floor %mul3A_4055 : vector<1x128xf32>
    %mul3A_4056 = arith.constant 3.200000e+02 : f32
    %mul3A_4057 = vector.broadcast %mul3A_4056 : f32 to vector<1x128xf32>
    %mul3A_4058 = arith.mulf %add3A_4044, %mul3A_4057 : vector<1x128xf32>
    %add3A_4059 = arith.constant 3.190000e+02 : f32
    %add3A_4060 = vector.broadcast %add3A_4059 : f32 to vector<1x128xf32>
    %add3A_4061 = arith.addf %mul3A_4058, %add3A_4060 : vector<1x128xf32>
    %mul3A_4062 = arith.constant 2.400000e+02 : f32
    %mul3A_4063 = vector.broadcast %mul3A_4062 : f32 to vector<1x128xf32>
    %mul3A_4064 = arith.mulf %add3A_4045, %mul3A_4063 : vector<1x128xf32>
    %add3A_4065 = arith.constant 2.390000e+02 : f32
    %add3A_4066 = vector.broadcast %add3A_4065 : f32 to vector<1x128xf32>
    %add3A_4067 = arith.addf %mul3A_4064, %add3A_4066 : vector<1x128xf32>
    %mul3A_4068 = arith.constant 6.400000e+02 : f32
    %mul3A_4069 = vector.broadcast %mul3A_4068 : f32 to vector<1x128xf32>
    %mul3A_4070 = arith.mulf %add3A_4067, %mul3A_4069 : vector<1x128xf32>
    %add3A_4071 = arith.addf %add3A_4061, %mul3A_4070 : vector<1x128xf32>
    %mul3A_4072 = arith.constant 3.072000e+05 : f32
    %mul3A_4073 = vector.broadcast %mul3A_4072 : f32 to vector<1x128xf32>
    %mul3A_4074 = arith.mulf %floor3A, %mul3A_4073 : vector<1x128xf32>
    %add3A_4075 = arith.addf %add3A_4071, %mul3A_4074 : vector<1x128xf32>
    %round3A = math.roundeven %add3A_4075 : vector<1x128xf32>
    %convert_element_type3A_4076 = arith.fptosi %round3A : vector<1x128xf32> to vector<1x128xi32>
    %lt3A = arith.constant 0 : i32
    %lt3A_4077 = vector.broadcast %lt3A : i32 to vector<1x128xi32>
    %lt3A_4078 = arith.cmpi slt, %convert_element_type3A_4076, %lt3A_4077 : vector<1x128xi32>
    %add3A_4079 = arith.constant 19660800 : i32
    %add3A_4080 = vector.broadcast %add3A_4079 : i32 to vector<1x128xi32>
    %add3A_4081 = arith.addi %convert_element_type3A_4076, %add3A_4080 : vector<1x128xi32>
    %select_n3A = arith.select %lt3A_4078, %add3A_4081, %convert_element_type3A_4076 : vector<1x128xi1>, vector<1x128xi32>
    %jit3A = arith.constant 0 : i32
    %jit3A_4082 = arith.constant 19660799 : i32
    %max3A_4083 = vector.broadcast %jit3A : i32 to vector<1x128xi32>
    %max3A_4084 = arith.maxsi %max3A_4083, %select_n3A : vector<1x128xi32>
    %min3A = vector.broadcast %jit3A_4082 : i32 to vector<1x128xi32>
    %min3A_4085 = arith.minsi %min3A, %max3A_4084 : vector<1x128xi32>
    %reshape3A = vector.shape_cast %add3A_4044 : vector<1x128xf32> to vector<1x1x128xf32>
    %swap3A_4086 = arith.constant 0 : index
    %swap3A_4087 = arith.constant 0 : index
    %swap3A_4088 = arith.constant 0 : index
    %swap3A_4089 = vector.load %arg4[%swap3A_4086, %swap3A_4087, %swap3A_4088] : memref<1x1x128xf32, #tpu.memory_space<vmem>>, vector<1x1x128xf32>
    tpu.vector_store %arg4[%swap3A_4086, %swap3A_4087, %swap3A_4088], %reshape3A {strides = array<i32>} : memref<1x1x128xf32, #tpu.memory_space<vmem>>, vector<1x1x128xf32>,
    %reshape3A_4090 = vector.shape_cast %add3A_4045 : vector<1x128xf32> to vector<1x1x128xf32>
    %swap3A_4091 = arith.constant 0 : index
    %swap3A_4092 = arith.constant 0 : index
    %swap3A_4093 = arith.constant 0 : index
    %swap3A_4094 = vector.load %arg5[%swap3A_4091, %swap3A_4092, %swap3A_4093] : memref<1x1x128xf32, #tpu.memory_space<vmem>>, vector<1x1x128xf32>
    tpu.vector_store %arg5[%swap3A_4091, %swap3A_4092, %swap3A_4093], %reshape3A_4090 {strides = array<i32>} : memref<1x1x128xf32, #tpu.memory_space<vmem>>, vector<1x1x128xf32>,
    %reshape3A_4095 = vector.shape_cast %min3A_4085 : vector<1x128xi32> to vector<1x1x128xi32>
    %swap3A_4096 = arith.constant 0 : index
    %swap3A_4097 = arith.constant 0 : index
    %swap3A_4098 = arith.constant 0 : index
    %swap3A_4099 = vector.load %arg6[%swap3A_4096, %swap3A_4097, %swap3A_4098] : memref<1x1x128xi32, #tpu.memory_space<vmem>>, vector<1x1x128xi32>
    tpu.vector_store %arg6[%swap3A_4096, %swap3A_4097, %swap3A_4098], %reshape3A_4095 {strides = array<i32>} : memref<1x1x128xi32, #tpu.memory_space<vmem>>, vector<1x1x128xi32>,
    return
  }
  func.func @transform_0(%arg0: i32) -> (i32, i32) {
    %c0_i32 = arith.constant 0 : i32
    %c0_i32_0 = arith.constant 0 : i32
    return %c0_i32, %arg0 : i32, i32
  }
  func.func @transform_1(%arg0: i32) -> (i32, i32) {
    %c0_i32 = arith.constant 0 : i32
    %c0_i32_0 = arith.constant 0 : i32
    %c0_i32_1 = arith.constant 0 : i32
    return %c0_i32, %c0_i32_0 : i32, i32
  }
  func.func @transform_2(%arg0: i32) -> (i32, i32) {
    %c0_i32 = arith.constant 0 : i32
    %c0_i32_0 = arith.constant 0 : i32
    %c0_i32_1 = arith.constant 0 : i32
    return %c0_i32, %c0_i32_0 : i32, i32
  }
  func.func @transform_3(%arg0: i32) -> (i32, i32, i32) {
    %c0_i32 = arith.constant 0 : i32
    %c0_i32_0 = arith.constant 0 : i32
    %c0_i32_1 = arith.constant 0 : i32
    return %arg0, %c0_i32, %c0_i32_0 : i32, i32, i32
  }
  func.func @transform_4(%arg0: i32) -> (i32, i32, i32) {
    %c0_i32 = arith.constant 0 : i32
    %c0_i32_0 = arith.constant 0 : i32
    %c0_i32_1 = arith.constant 0 : i32
    return %arg0, %c0_i32, %c0_i32_0 : i32, i32, i32
  }
  func.func @transform_5(%arg0: i32) -> (i32, i32, i32) {
    %c0_i32 = arith.constant 0 : i32
    %c0_i32_0 = arith.constant 0 : i32
    %c0_i32_1 = arith.constant 0 : i32
    return %arg0, %c0_i32, %c0_i32_0 : i32, i32, i32
  }
}

</mosaic_0001>

<sc_bundles>
// kernel: kernel.4.cloned.1.call-start
scs
__scs_entry_jumppad:
0x0: {  	(pc) =	sbr.rel $0x88, $3  }
0x1: {  	(tag) =	ssettag $0x0;
	lr =	simm.s32 $0x1  }
0x2: {  	[smem:$0x3F9F] =	sst lr;
	_ =	strace $0xD0000000  }
0x3: {  	_ = 	snop  }
0x4: {  	_ = 	snop  }
0x5: {  	_ = 	snop  }
0x6: {  	_ = 	snop  }
0x7: {  	_ = 	snop  }
__scs_overlays_trampoline_lowered:
0x8: {  	[smem:$0x3FAE] =	sst s0  }
0x9: {  	[smem:$0x3FAF] =	sst s1  }
0xa: {  	[smem:$0x3FB0] =	sst s2  }
0xb: {  	[smem:$0x3FB1] =	sst s3  }
0xc: {  	[smem:$0x3FB2] =	sst s4  }
0xd: {  	[smem:$0x3FB3] =	sst s5  }
0xe: {  	[smem:$0x3FB4] =	sst s6  }
0xf: {  	[smem:$0x3FB5] =	sst s7  }
0x10: {  	[smem:$0x3FB6] =	sst s8  }
0x11: {  	[smem:$0x3FB7] =	sst s9;
	s0 =	simm.s32 @!p0 $0x0  }
0x12: {  	s1 =	sld [smem:$0x3F9D];
	s0 =	simm.s32 @p0 $0x1  }
0x13: {  	[smem:$0x3FB8] =	sst s0;
	s0 =	simm.s32 @!p1 $0x0  }
0x14: {  	s2 =	sld [smem:$0x3F9C];
	s0 =	simm.s32 @p1 $0x1  }
0x15: {  	[smem:$0x3FB9] =	sst s0;
	s0 =	simm.s32 @!p2 $0x0  }
0x16: {  	s3 =	sld [smem:$0x3FDB];
	s0 =	simm.s32 @p2 $0x1  }
0x17: {  	s4 =	simm.s32 $0x1BF5;
	[smem:$0x3FBB] =	sst s0  }
0x18: {  	s0 =	sld [smem:$0x3F9E];
	_ =	swait.ge [sflag:s4], $0x0  }
0x19: {  	s7 =	sld [smem:$0x3F9F]  }
0x1a: {  	s8 =	sadd.s32 $0xFFFFE003, lr  }
0x1b: {  	s9 =	sadd.s32 $0xFFFFFEF7, lr;
	s5 =	simm.s32 $0xFFFFFFFF;
	p2 =	slt.u32 s8, $0xFFFFF086  }
0x1c: {  	p1 =	slt.u32 s9, $0xF7A;
	s5 =	simm.s32 @!p2 $0x0  }
0x1d: {  	s5 =	simm.s32 @p1 $0x1;
	p0 =	seq.s32 s7, s2  }
0x1e: {  	s7 =	smul.u32 @!p0 $0xF7A, s2;
	p2 =	seq.s32 @!p0 s5, $0x0  }
0x1f: {  	s9 =	smul.u32 $0xF7A, s1;
	s8 =	simm.s32 @!p0 $0x1BF5;
	p2 =	por !p2, p0  }
0x20: {  	[sflag:s8] =	ssyncset.s32 @!p0 $0xFFFFF086;
	s6 =	sadd.s32 @!p0 s3, s7;
	s7 =	simm.s32 @!p0 $0x108  }
0x21: {  	s3 =	sadd.s32 s3, s9;
	s6 =	sadd.s32 @!p0 $0x88, s6;
	s7 =	simm.s32 @p2 $0x1082  }
0x22: {  	[simem:s7], [sflag:s8] =	dma.local @!p0 [hbm:s6], $0xF7A  }
0x23: {  	s9 =	sor.u32 $0xD0000000, s2;
	s6 =	simm.s32 $0x108;
	_ =	swait.ge @!p0 [sflag:s8], $0x0  }
0x24: {  	s3 =	sadd.s32 $0x88, s3;
	s6 =	simm.s32 @!p1 $0x1082;
	[sflag:s4] =	ssyncset.s32 $0xFFFFF086  }
0x25: {  	[simem:s6], [sflag:s4] =	dma.local [hbm:s3], $0xF7A  }
0x26: {  	[smem:$0x3F9F] =	sst s1;
	(tag) =	ssettag s2;
	_ =	strace s9  }
0x27: {  	s1 =	sld [smem:$0x3FAF]  }
0x28: {  	s2 =	sld [smem:$0x3FB0]  }
0x29: {  	s4 =	sld [smem:$0x3FB2]  }
0x2a: {  	p0 =	seq.s32 s5, $0x0;
	s5 =	sld [smem:$0x3FB3]  }
0x2b: {  	s6 =	sld [smem:$0x3FB4]  }
0x2c: {  	s7 =	sld [smem:$0x3FB5]  }
0x2d: {  	s3 =	simm.s32 $0x108;
	s8 =	sld [smem:$0x3FB6]  }
0x2e: {  	s3 =	simm.s32 @!p0 $0x1082;
	s9 =	sld [smem:$0x3FB7]  }
0x2f: {  	lr =	sadd.s32 s0, s3;
	s0 =	sld [smem:$0x3FAE]  }
0x30: {  	s3 =	sld [smem:$0x3FB1]  }
0x31: {  	[smem:$0x3FBA] =	sst s10  }
0x32: {  	s10 =	sld [smem:$0x3FB8];
	_ =	sdelay $0x3  }
0x33: {  	p0 =	seq.s32 s10, $0x1;
	s10 =	sld [smem:$0x3FBA];
	_ =	sdelay $0x3  }
0x34: {  	[smem:$0x3FBA] =	sst s10  }
0x35: {  	s10 =	sld [smem:$0x3FB9];
	_ =	sdelay $0x3  }
0x36: {  	p1 =	seq.s32 s10, $0x1;
	s10 =	sld [smem:$0x3FBA];
	_ =	sdelay $0x3  }
0x37: {  	[smem:$0x3FBA] =	sst s10  }
0x38: {  	s10 =	sld [smem:$0x3FBB]  }
0x39: {  	_ = 	snop;
	(pc) =	sbr.ind lr, $3  }
0x3a: {  	_ = 	snop  }
0x3b: {  	_ = 	snop  }
0x3c: {  	p2 =	seq.s32 s10, $0x1;
	s10 =	sld [smem:$0x3FBA]  }
0x3d: {  	_ =	shalt  }
0x3e: {  	_ =	shalt  }
0x3f: {  	_ =	shalt  }
0x40: {  	_ =	shalt  }
0x41: {  	_ =	shalt  }
0x42: {  	_ =	shalt  }
0x43: {  	_ =	shalt  }
0x44: {  	_ =	shalt  }
0x45: {  	_ =	shalt  }
0x46: {  	_ =	shalt  }
0x47: {  	_ =	shalt  }
0x48: {  	_ =	shalt  }
0x49: {  	_ =	shalt  }
0x4a: {  	_ =	shalt  }
0x4b: {  	_ =	shalt  }
0x4c: {  	_ =	shalt  }
0x4d: {  	_ =	shalt  }
0x4e: {  	_ =	shalt  }
0x4f: {  	_ =	shalt  }
0x50: {  	_ =	shalt  }
0x51: {  	_ =	shalt  }
0x52: {  	_ =	shalt  }
0x53: {  	_ =	shalt  }
0x54: {  	_ =	shalt  }
0x55: {  	_ =	shalt  }
0x56: {  	_ =	shalt  }
0x57: {  	_ =	shalt  }
0x58: {  	_ =	shalt  }
0x59: {  	_ =	shalt  }
0x5a: {  	_ =	shalt  }
0x5b: {  	_ =	shalt  }
0x5c: {  	_ =	shalt  }
0x5d: {  	_ =	shalt  }
0x5e: {  	_ =	shalt  }
0x5f: {  	_ =	shalt  }
0x60: {  	_ =	shalt  }
0x61: {  	_ =	shalt  }
0x62: {  	_ =	shalt  }
0x63: {  	_ =	shalt  }
0x64: {  	_ =	shalt  }
0x65: {  	_ =	shalt  }
0x66: {  	_ =	shalt  }
0x67: {  	_ =	shalt  }
0x68: {  	_ =	shalt  }
0x69: {  	_ =	shalt  }
0x6a: {  	_ =	shalt  }
0x6b: {  	_ =	shalt  }
0x6c: {  	_ =	shalt  }
0x6d: {  	_ =	shalt  }
0x6e: {  	_ =	shalt  }
0x6f: {  	_ =	shalt  }
0x70: {  	_ =	shalt  }
0x71: {  	_ =	shalt  }
0x72: {  	_ =	shalt  }
0x73: {  	_ =	shalt  }
0x74: {  	_ =	shalt  }
0x75: {  	_ =	shalt  }
0x76: {  	_ =	shalt  }
0x77: {  	_ =	shalt  }
0x78: {  	_ =	shalt  }
0x79: {  	_ =	shalt  }
0x7a: {  	_ =	shalt  }
0x7b: {  	_ =	shalt  }
0x7c: {  	_ =	shalt  }
0x7d: {  	_ =	shalt  }
0x7e: {  	_ =	shalt  }
0x7f: {  	_ =	shalt  }
0x80: {  	_ =	shalt  }
0x81: {  	_ =	shalt  }
0x82: {  	_ =	shalt  }
0x83: {  	_ =	shalt  }
0x84: {  	_ =	shalt  }
0x85: {  	_ =	shalt  }
0x86: {  	_ =	shalt  }
0x87: {  	_ =	shalt  }
.Lfunc_end0:
.L_simem_size_0:
called_computation_lowered:
.L_overlay_start_0:
0x88: {  	s2 =	sld [smem:$0x3FD9]  }
0x89: {  	s3 =	sld [smem:$0x3FFE];
	_ =	sdelay $0x1  }
0x8a: {  	s1 =	srdreg.scid  }
0x8b: {  	s0 =	sand.u32 $0x1, s1  }
0x8c: {  	s17 =	sshll.u32 s0, $0xA;
	s2 =	sadd.s32 s3, s2  }
0x8d: {  	s2 =	sadd.s32 s2, s17  }
0x8e: {  	[smem:$0x3FC6] =	sst s2  }
0x8f: {  	_ = 	snop  }
0x90: {  	s2 =	sld [smem:$0x3FD0];
	(tm) =	ssettm $0x1  }
0x91: {  	s18 =	sld [smem:$0x3FFB];
	_ =	sdelay $0x3  }
0x92: {  	_ =	strace s18  }
0x93: {  	s3 =	sld [smem:$0x3FFC];
	_ =	sdelay $0x3  }
0x94: {  	_ =	strace s3  }
0x95: {  	s3 =	sld [smem:$0x3FFD];
	_ =	sdelay $0x3  }
0x96: {  	_ =	strace s3  }
0x97: {  	_ =	strace $0x8FFFFFFF  }
0x98: {  	s19 =	sld [smem:$0x3FDB];
	_ =	sdelay $0x1  }
0x99: {  	s4 =	simm.s32 $_scs_section_size  }
0x9a: {  	s5 =	simm.s32 $_size__tile_overlayer_lowered;
	s6 =	simm.s32 $_tile_overlayer_lowered  }
0x9b: {  	s22 =	simm.s32 $0x1BFF;
	s21 =	sshll.u32 s6, $0x1;
	s3 =	sadd.s32 s4, s19  }
0x9c: {  	s7 =	simm.s32 $0x0;
	s20 =	sshll.u32 s5, $0x1;
	s5 =	sadd.s32 s21, s3  }
0x9d: {  	[timem:s7], [sflag:s22] =	dma.local [hbm:s5], s20  }
0x9e: {  	_ =	swait.ge [sflag:s22], s20  }
0x9f: {  	s4 =	ssub.s32 $0x0, s20;
	[sflag:s22] =	ssyncset.done $0x0  }
0xa0: {  	[sflag:s22] =	ssyncadd.s32 s4;
	_ =	sdelay $0x1  }
0xa1: {  	s23 =	simm.s32 $0x1B8B  }
0xa2: {  	_ =	swait.ge [sflag:s23], $0x1  }
0xa3: {  	[sflag:s23] =	ssyncset.done $0x0  }
0xa4: {  	s25 =	simm.s32 $0x1B8E;
	s24 =	sld [smem:$0x3FFE];
	[sflag:s23] =	ssyncadd.s32 $0xFFFFFFFF  }
0xa5: {  	s26 =	simm.s32 $execute0_lowered;
	[smem:$0x3FD2] =	sst s25  }
0xa6: {  	s5 =	sshll.u32 s26, $0x1;
	_ =	strace $0x80000046;
	[dreg:$0x1] =	wrdreg $0xFFFFFFFF  }
0xa7: {  	s28 =	simm.s32 $_size_execute0_lowered;
	s3 =	sadd.s32 s3, s5;
	[dreg:$0x0] =	wrdreg $0x0  }
0xa8: {  	s5 =	sshll.u32 s28, $0x1;
	[dreg:$0x2] =	wrdreg s3  }
0xa9: {  	[dreg:$0x3] =	wrdreg s5  }
0xaa: {  	[dreg:$0x4] =	wrdreg $0xC0  }
0xab: {  	_ =	task [dreg:s7], $0x5FFFF  }
0xac: {  	[dreg:$0x1] =	wrdreg $0xFFFFFFFF  }
0xad: {  	[dreg:$0x0] =	wrdreg $0x60  }
0xae: {  	[dreg:$0x2] =	wrdreg s2  }
0xaf: {  	[dreg:$0x3] =	wrdreg s24  }
0xb0: {  	[dreg:$0x4] =	wrdreg $0x9  }
0xb1: {  	_ =	task.clear_ibuf [dreg:s7], $0x5FFFF;
	_ =	strace $0x90000046  }
0xb2: {  	s29 =	simm.s32 $0x9;
	_ =	strace $0x80000048  }
0xb3: {  	_ =	swait.ge [sflag:s29], $0x1  }
0xb4: {  	[sflag:s29] =	ssyncadd.s32 $0xFFFFFFFF  }
0xb5: {  	_ =	strace $0x90000048  }
0xb6: {  	_ =	sfence  }
0xb7: {  	s30 =	sld [smem:$0x0];
	_ =	sdelay $0x2  }
0xb8: {  	s31 =	sshll.u32 s1, $0xD;
	s1 =	sshrl.u32 s1, $0x2  }
0xb9: {  	s3 =	sand.u32 $0x4000, s31;
	s1 =	sadd.s32 s1, s30  }
0xba: {  	s0 =	sor.u32 s3, s0;
	s1 =	sshll.u32 s1, $0x11  }
0xbb: {  	s0 =	sor.u32 s1, s0  }
0xbc: {  	s0 =	sadd.s32 $0x8F2B, s0  }
0xbd: {  	[sflag:s0] =	ssyncadd.remote.s32 $0x1  }
0xbe: {  	_ =	sfence.sel $0xFFFF  }
0xbf: {  	[dreg:$0x0] =	wrdreg $0xFFFFFFFF;
	(pc) =	sbr.abs _section_cstart, $3  }
0xc0: {  	[dreg:$0x1] =	wrdreg $0xFFFFFFFF  }
0xc1: {  	_ =	task.clear_ibuf [dreg:s7], $0x2FFFF;
	_ =	strace $0x9FFFFFFF  }
0xc2: {  	(tm) =	ssettm $0x7FFFFFFF  }
0xc3: {  	_ =	shalt  }
tec
execute0_lowered:
.L_overlay_start_1:
0x0: {  	(tag) =	ssettag $0x1  }
0x1: {  	s5 =	rddreg [dreg:$0x0];
	s1 =	srdreg.scid  }
0x2: {  	s0 =	stileid.u32;
	s4 =	rddreg [dreg:$0x1];
	s2 =	simm.s32 $0x0  }
0x3: {  	s11 =	simm.s32 $0x2;
	s12 =	simm.s32 $0x200;
	s13 =	simm.s32 $0x400  }
0x4: {  	s14 =	simm.s32 $0x80;
	s15 =	simm.s32 $0x600;
	s16 =	simm.s32 $0x480  }
0x5: {  	s17 =	simm.s32 $0x680;
	s18 =	simm.s32 $0x500;
	s19 =	simm.s32 $0x700  }
0x6: {  	s20 =	simm.s32 $0x8;
	s21 =	simm.s32 $0x580;
	s22 =	simm.s32 $0x780  }
0x7: {  	s23 =	simm.s32 $0x1;
	s3 =	sand.u32 $0x1, s1;
	s6 =	sshll.u32 s0, $0x1  }
0x8: {  	s24 =	simm.s32 $0x800;
	s25 =	simm.s32 $0xA00;
	s6 =	sor.u32 s3, s6  }
0x9: {  	[smem:$0x7FF] =	sst s2;
	s7 =	ssub.s32 $0x2, s3;
	s6 =	smul.u32 $0x31, s6  }
0xa: {  	s1 =	rddreg [dreg:$0x2];
	_ =	strace $0x80000047;
	s8 =	sshrl.u32 s7, $0x1  }
0xb: {  	s3 =	sadd.s32 $0x280800, s4;
	s10 =	ssub.s32 s7, s8;
	s4 =	sadd.s32 s4, s6  }
0xc: {  	s5 =	sadd.s32 s5, s6;
	s10 =	smax.u32 s10, $0x1;
	s6 =	sadd.s32 $0x800, s4  }
0xd: {  	s7 =	sadd.s32 $0x1000, s4;
	s8 =	sadd.s32 $0x1800, s4;
	s9 =	sadd.s32 $0x2000, s4  }
.LBB2_1:
0xe: {  	[tilespmem:s2], [sflag:$0x2] =	stream.linear.gather [hbm4b:s5+s2], $0x188, $0x38;
	[tilespmem:$0xC00] =	vst v63  }
0xf: {  	_ =	swait.ge [sflag:s11], $0x188  }
0x10: {  	[sflag:s11] =	ssyncset.done $0x0  }
0x11: {  	[sflag:s11] =	ssyncadd.s32 $0xFFFFFE78  }
0x12: {  	[tilespmem:s12], [sflag:$0x2] =	stream.linear.gather [hbm4b:s4+s2], $0x188, $0x38;
	[tilespmem:$0xC00] =	vst v63  }
0x13: {  	_ =	swait.ge [sflag:s11], $0x188  }
0x14: {  	[sflag:s11] =	ssyncset.done $0x0  }
0x15: {  	[sflag:s11] =	ssyncadd.s32 $0xFFFFFE78  }
0x16: {  	[tilespmem:s13], [sflag:$0x2] =	stream.linear.gather [hbm4b:s6+s2], $0x188, $0x38;
	[tilespmem:$0xC00] =	vst v63  }
0x17: {  	_ =	swait.ge [sflag:s11], $0x188  }
0x18: {  	[sflag:s11] =	ssyncset.done $0x0  }
0x19: {  	[sflag:s11] =	ssyncadd.s32 $0xFFFFFE78  }
0x1a: {  	[tilespmem:s15], [sflag:$0x1] =	stream.indirect.gather [hbm4b:s3+s14], $0x1, s13, s14, $0xb8;
	[tilespmem:$0xC00] =	vst v63  }
0x1b: {  	_ = 	snop  }
0x1c: {  	[tilespmem:s17], [sflag:$0x1] =	stream.indirect.gather [hbm4b:s3+s14], $0x1, s16, s14, $0xb8;
	[tilespmem:$0xC00] =	vst v63  }
0x1d: {  	_ = 	snop  }
0x1e: {  	[tilespmem:s19], [sflag:$0x1] =	stream.indirect.gather [hbm4b:s3+s14], $0x1, s18, s14, $0xb8;
	[tilespmem:$0xC00] =	vst v63  }
0x1f: {  	_ = 	snop  }
0x20: {  	[tilespmem:s22], [sflag:$0x1] =	stream.indirect.gather [hbm4b:s3+s20], $0x1, s21, s20, $0xb8;
	[tilespmem:$0xC00] =	vst v63  }
0x21: {  	_ =	swait.ge [sflag:s23], $0x80  }
0x22: {  	[sflag:s23] =	ssyncset.done $0x0  }
0x23: {  	[sflag:s23] =	ssyncadd.s32 $0xFFFFFF80  }
0x24: {  	_ =	swait.ge [sflag:s23], $0x80  }
0x25: {  	[sflag:s23] =	ssyncset.done $0x0  }
0x26: {  	[sflag:s23] =	ssyncadd.s32 $0xFFFFFF80  }
0x27: {  	_ =	swait.ge [sflag:s23], $0x80  }
0x28: {  	[sflag:s23] =	ssyncset.done $0x0  }
0x29: {  	[sflag:s23] =	ssyncadd.s32 $0xFFFFFF80  }
0x2a: {  	_ =	swait.ge [sflag:s23], $0x8  }
0x2b: {  	[sflag:s23] =	ssyncset.done $0x0  }
0x2c: {  	[sflag:s23] =	ssyncadd.s32 $0xFFFFFFF8  }
0x2d: {  	v0 =	vld [tilespmem:$0x600]  }
0x2e: {  	v1 =	vld [tilespmem:$0x0]  }
0x2f: {  	v2 =	vld [tilespmem:$0x200]  }
0x30: {  	v3 =	vld [tilespmem:$0x610]  }
0x31: {  	v4 =	vld [tilespmem:$0x10]  }
0x32: {  	v5 =	vld [tilespmem:$0x210]  }
0x33: {  	v6 =	vld [tilespmem:$0x620]  }
0x34: {  	v7 =	vld [tilespmem:$0x20]  }
0x35: {  	v8 =	vld [tilespmem:$0x220]  }
0x36: {  	v9 =	vld [tilespmem:$0x630]  }
0x37: {  	v10 =	vld [tilespmem:$0x30]  }
0x38: {  	v11 =	vld [tilespmem:$0x230]  }
0x39: {  	v12 =	vld [tilespmem:$0x640]  }
0x3a: {  	v13 =	vld [tilespmem:$0x40]  }
0x3b: {  	v14 =	vld [tilespmem:$0x240]  }
0x3c: {  	v15 =	vld [tilespmem:$0x650]  }
0x3d: {  	v16 =	vld [tilespmem:$0x50]  }
0x3e: {  	v17 =	vld [tilespmem:$0x250]  }
0x3f: {  	v18 =	vld [tilespmem:$0x660]  }
0x40: {  	v19 =	vld [tilespmem:$0x60]  }
0x41: {  	v20 =	vld [tilespmem:$0x260]  }
0x42: {  	v21 =	vld [tilespmem:$0x670]  }
0x43: {  	v22 =	vld [tilespmem:$0x70]  }
0x44: {  	v23 =	vld [tilespmem:$0x270]  }
0x45: {  	v24 =	vld [tilespmem:$0x680]  }
0x46: {  	v25 =	vld [tilespmem:$0x80]  }
0x47: {  	v26 =	vld [tilespmem:$0x280];
	v28 =	vmul.f32 $7.111111280e-01, v0  }
0x48: {  	v27 =	vld [tilespmem:$0x690];
	v0 =	vmul.f32 $5.333333610e-01, v0;
	v55 =	vmul.f32 $7.111111280e-01, v3  }
0x49: {  	v29 =	vld [tilespmem:$0x90];
	v56 =	vmul.f32 $5.333333610e-01, v3;
	v58 =	vmul.f32 $7.111111280e-01, v6  }
0x4a: {  	v30 =	vld [tilespmem:$0x290];
	v60 =	vmul.f32 $5.333333610e-01, v6;
	v62 =	vmul.f32 $7.111111280e-01, v9  }
0x4b: {  	v31 =	vld [tilespmem:$0x6A0];
	v32 =	vmul.f32 $5.333333610e-01, v9;
	v1 =	vmul.f32 v28, v1  }
0x4c: {  	v3 =	vld [tilespmem:$0xA0];
	v34 =	vmul.f32 $7.111111280e-01, v12;
	v0 =	vmul.f32 v2, v0  }
0x4d: {  	v6 =	vld [tilespmem:$0xB0];
	v36 =	vmul.f32 $5.333333610e-01, v12;
	v57 =	vmul.f32 v55, v4;
	[tilespmem:$0x800] =	vst v1  }
0x4e: {  	v9 =	vld [tilespmem:$0xC0];
	v38 =	vmul.f32 $7.111111280e-01, v15;
	v59 =	vmul.f32 v5, v56;
	[tilespmem:$0xA00] =	vst v0  }
0x4f: {  	v40 =	vmul.f32 $5.333333610e-01, v15;
	v12 =	vld [tilespmem:$0xD0];
	v61 =	vmul.f32 v58, v7;
	[tilespmem:$0x810] =	vst v57  }
0x50: {  	v15 =	vld [tilespmem:$0xE0];
	v50 =	vmul.f32 $7.111111280e-01, v24;
	v63 =	vmul.f32 v8, v60;
	[tilespmem:$0xA10] =	vst v59  }
0x51: {  	v52 =	vmul.f32 $5.333333610e-01, v24;
	v24 =	vld [tilespmem:$0x100];
	v33 =	vmul.f32 v62, v10;
	[tilespmem:$0x820] =	vst v61  }
0x52: {  	v28 =	vld [tilespmem:$0x2A0];
	v35 =	vmul.f32 v11, v32;
	[tilespmem:$0xA20] =	vst v63  }
0x53: {  	v5 =	vld [tilespmem:$0x6B0];
	v37 =	vmul.f32 v34, v13;
	[tilespmem:$0x830] =	vst v33  }
0x54: {  	v7 =	vld [tilespmem:$0x2B0];
	v39 =	vmul.f32 v14, v36;
	[tilespmem:$0xA30] =	vst v35  }
0x55: {  	v42 =	vmul.f32 $7.111111280e-01, v18;
	v8 =	vld [tilespmem:$0x6C0];
	v41 =	vmul.f32 v38, v16;
	[tilespmem:$0x840] =	vst v37  }
0x56: {  	v44 =	vmul.f32 $5.333333610e-01, v18;
	v10 =	vld [tilespmem:$0x2C0];
	v43 =	vmul.f32 v17, v40;
	[tilespmem:$0xA40] =	vst v39  }
0x57: {  	v46 =	vmul.f32 $7.111111280e-01, v21;
	v11 =	vld [tilespmem:$0x6D0];
	v45 =	vmul.f32 v42, v19;
	[tilespmem:$0x850] =	vst v41  }
0x58: {  	v48 =	vmul.f32 $5.333333610e-01, v21;
	v13 =	vld [tilespmem:$0x2D0];
	v47 =	vmul.f32 v20, v44;
	[tilespmem:$0xA50] =	vst v43  }
0x59: {  	v14 =	vld [tilespmem:$0x6E0];
	v49 =	vmul.f32 v46, v22;
	[tilespmem:$0x860] =	vst v45  }
0x5a: {  	v16 =	vld [tilespmem:$0x2E0];
	v51 =	vmul.f32 v23, v48;
	[tilespmem:$0xA60] =	vst v47  }
0x5b: {  	v54 =	vmul.f32 $7.111111280e-01, v27;
	v17 =	vld [tilespmem:$0x6F0];
	v53 =	vmul.f32 v50, v25;
	[tilespmem:$0x870] =	vst v49  }
0x5c: {  	v55 =	vld [tilespmem:$0xF0];
	v56 =	vmul.f32 v26, v52;
	v60 =	vmul.f32 $7.111111280e-01, v31;
	[tilespmem:$0xA70] =	vst v51  }
0x5d: {  	v58 =	vld [tilespmem:$0x2F0];
	v57 =	vmul.f32 $5.333333610e-01, v27;
	[tilespmem:$0x880] =	vst v53;
	v59 =	vmul.f32 v54, v29  }
0x5e: {  	v36 =	vld [tilespmem:$0x310];
	[tilespmem:$0xA80] =	vst v56;
	v63 =	vmul.f32 $5.333333610e-01, v31;
	v25 =	vmul.f32 v60, v3  }
0x5f: {  	v42 =	vld [tilespmem:$0x120];
	v62 =	vmul.f32 v30, v57;
	[tilespmem:$0x890] =	vst v59;
	v26 =	vmul.f32 $7.111111280e-01, v5  }
0x60: {  	v48 =	vld [tilespmem:$0x730];
	v28 =	vmul.f32 v28, v63;
	v29 =	vmul.f32 $5.333333610e-01, v5;
	[tilespmem:$0x8A0] =	vst v25  }
0x61: {  	v22 =	vld [tilespmem:$0x750];
	v32 =	vmul.f32 $7.111111280e-01, v8;
	[tilespmem:$0xA90] =	vst v62;
	v31 =	vmul.f32 v26, v6  }
0x62: {  	v61 =	vld [tilespmem:$0x700];
	v35 =	vmul.f32 $5.333333610e-01, v8;
	[tilespmem:$0xAA0] =	vst v28;
	v34 =	vmul.f32 v7, v29  }
0x63: {  	v27 =	vld [tilespmem:$0x300];
	v38 =	vmul.f32 $7.111111280e-01, v11;
	v37 =	vmul.f32 v32, v9;
	[tilespmem:$0x8B0] =	vst v31  }
0x64: {  	v33 =	vld [tilespmem:$0x110];
	v41 =	vmul.f32 $5.333333610e-01, v11;
	v40 =	vmul.f32 v10, v35;
	[tilespmem:$0xAB0] =	vst v34  }
0x65: {  	v39 =	vld [tilespmem:$0x720];
	v44 =	vmul.f32 $7.111111280e-01, v14;
	v43 =	vmul.f32 v38, v12;
	[tilespmem:$0x8C0] =	vst v37  }
0x66: {  	v30 =	vld [tilespmem:$0x710];
	v47 =	vmul.f32 $5.333333610e-01, v14;
	v46 =	vmul.f32 v13, v41;
	[tilespmem:$0xAC0] =	vst v40  }
0x67: {  	v45 =	vld [tilespmem:$0x320];
	v50 =	vmul.f32 $7.111111280e-01, v17;
	v49 =	vmul.f32 v44, v15;
	[tilespmem:$0x8D0] =	vst v43  }
0x68: {  	v51 =	vld [tilespmem:$0x130];
	v53 =	vmul.f32 $5.333333610e-01, v17;
	v52 =	vmul.f32 v16, v47;
	[tilespmem:$0xAD0] =	vst v46  }
0x69: {  	v54 =	vld [tilespmem:$0x330];
	v55 =	vmul.f32 v50, v55;
	v56 =	vmul.f32 $7.111111280e-01, v61;
	[tilespmem:$0x8E0] =	vst v49  }
0x6a: {  	v60 =	vld [tilespmem:$0x140];
	v58 =	vmul.f32 v58, v53;
	v59 =	vmul.f32 $5.333333610e-01, v61;
	[tilespmem:$0xAE0] =	vst v52  }
0x6b: {  	v57 =	vld [tilespmem:$0x740];
	[tilespmem:$0x8F0] =	vst v55;
	v61 =	vmul.f32 v56, v24;
	v62 =	vmul.f32 $7.111111280e-01, v30  }
0x6c: {  	v63 =	vld [tilespmem:$0x340];
	[tilespmem:$0xAF0] =	vst v58;
	v20 =	vmul.f32 v27, v59;
	v21 =	vmul.f32 $5.333333610e-01, v30  }
0x6d: {  	v25 =	vld [tilespmem:$0x150];
	v24 =	vmul.f32 $7.111111280e-01, v39;
	[tilespmem:$0x900] =	vst v61;
	v23 =	vmul.f32 v62, v33  }
0x6e: {  	v28 =	vld [tilespmem:$0x350];
	v27 =	vmul.f32 $5.333333610e-01, v39;
	[tilespmem:$0xB00] =	vst v20;
	v26 =	vmul.f32 v36, v21  }
0x6f: {  	v30 =	vmul.f32 $7.111111280e-01, v48;
	v31 =	vld [tilespmem:$0x760];
	v29 =	vmul.f32 v24, v42;
	[tilespmem:$0x910] =	vst v23  }
0x70: {  	v34 =	vld [tilespmem:$0x160];
	v39 =	vmul.f32 $5.333333610e-01, v57;
	v32 =	vmul.f32 v45, v27;
	[tilespmem:$0xB10] =	vst v26  }
0x71: {  	v37 =	vld [tilespmem:$0x360];
	v33 =	vmul.f32 $5.333333610e-01, v48;
	v35 =	vmul.f32 v30, v51;
	[tilespmem:$0x920] =	vst v29  }
0x72: {  	v40 =	vld [tilespmem:$0x770];
	v36 =	vmul.f32 $7.111111280e-01, v57;
	v44 =	vmul.f32 v63, v39;
	[tilespmem:$0xB20] =	vst v32  }
0x73: {  	v43 =	vld [tilespmem:$0x170];
	v42 =	vmul.f32 $7.111111280e-01, v22;
	v38 =	vmul.f32 v54, v33;
	[tilespmem:$0x930] =	vst v35  }
0x74: {  	v46 =	vld [tilespmem:$0x778];
	v45 =	vmul.f32 $5.333333610e-01, v22;
	v41 =	vmul.f32 v36, v60;
	[tilespmem:$0xB40] =	vst v44  }
0x75: {  	v49 =	vld [tilespmem:$0x370];
	v47 =	vmul.f32 v42, v25;
	v48 =	vmul.f32 $7.111111280e-01, v31;
	[tilespmem:$0xB30] =	vst v38  }
0x76: {  	v52 =	vld [tilespmem:$0x178];
	v50 =	vmul.f32 v28, v45;
	v51 =	vmul.f32 $5.333333610e-01, v31;
	[tilespmem:$0x940] =	vst v41  }
0x77: {  	v55 =	vld [tilespmem:$0x378];
	v54 =	vmul.f32 $7.111111280e-01, v40;
	[tilespmem:$0x950] =	vst v47;
	v53 =	vmul.f32 v48, v34  }
0x78: {  	v57 =	vmul.f32 $5.333333610e-01, v40;
	[tilespmem:$0xB50] =	vst v50;
	v56 =	vmul.f32 v37, v51  }
0x79: {  	v59 =	vmul.f32 $7.111111280e-01, v46;
	v58 =	vmul.f32 v54, v43;
	[tilespmem:$0x960] =	vst v53  }
0x7a: {  	v61 =	vmul.f32 $5.333333610e-01, v46;
	v60 =	vmul.f32 v49, v57;
	[tilespmem:$0xB60] =	vst v56  }
0x7b: {  	v62 =	vmul.f32 v59, v52;
	[tilespmem:$0x970] =	vst v58  }
0x7c: {  	v63 =	vmul.f32 v55, v61;
	[tilespmem:$0xB70] =	vst v60  }
0x7d: {  	[tilespmem:$0x978] =	vst v62  }
0x7e: {  	[tilespmem:$0xB78] =	vst v63  }
0x7f: {  	[hbm4b:s7+s2] =	stream.linear.scatter [tilespmem:s24], [sflag:$0x2], $0x188, $0x38;
	[tilespmem:$0xC00] =	vst v63  }
0x80: {  	_ =	swait.ge [sflag:s11], $0x188  }
0x81: {  	[sflag:s11] =	ssyncset.done $0x0  }
0x82: {  	[sflag:s11] =	ssyncadd.s32 $0xFFFFFE78  }
0x83: {  	[hbm4b:s8+s2] =	stream.linear.scatter [tilespmem:s25], [sflag:$0x2], $0x188, $0x38;
	[tilespmem:$0xC00] =	vst v63  }
0x84: {  	_ =	swait.ge [sflag:s11], $0x188  }
0x85: {  	p0 =	sne.s32 s10, $0x1;
	[sflag:s11] =	ssyncset.done $0x0  }
.Ltmp0:
0x86: {  	[sflag:s11] =	ssyncadd.s32 $0xFFFFFE78;
	(pc) =	sbr.rel @p0 .LBB2_1-.Ltmp0, $4  }
0x87: {  	[hbm4b:s9+s2] =	stream.linear.scatter [tilespmem:s15], [sflag:$0x2], $0x188, $0x38;
	[tilespmem:$0xC00] =	vst v63  }
0x88: {  	_ =	swait.ge [sflag:s11], $0x188  }
0x89: {  	[sflag:s11] =	ssyncset.done $0x0  }
0x8a: {  	s10 =	sadd.s32 $0xFFFFFFFF, s10;
	[sflag:s11] =	ssyncadd.s32 $0xFFFFFE78  }
0x8b: {  	_ =	sfence.sel $0x180000  }
0x8c: {  	[bflag:$0x0] =	sbarrier.arrive $0xFFFF  }
0x8d: {  	p0 =	sne.s32 s0, $0x0;
	_ =	strace $0x90000047  }
0x8e: {  	s0 =	sadd.s32 @!p0 $0x100000, s1;
	[bflag:$0x2] =	sbarrier.arrive $0xFFFF  }
0x8f: {  	[sflag:s0] =	ssyncadd.tile.s32 @!p0 $0x1;
	_ =	shalt  }
.Lfunc_end2:
_tile_overlayer_lowered:
.L_overlay_start_2:
0x90: {  	(tag) =	ssettag $0x2  }
0x91: {  	s0 =	rddreg [dreg:$0x0];
	s2 =	stileid.u32  }
0x92: {  	s1 =	rddreg [dreg:$0x1];
	p0 =	sne.s32 s2, $0x0  }
0x93: {  	s3 =	rddreg [dreg:$0x2];
	[bflag:$0x3] =	sbarrier.arrive $0xFFFF;
	s2 =	simm.s32 @!p0 $0x1C02  }
0x94: {  	[timem:s3], [sflag:s2] =	dma.local @!p0 [hbm:s0], s1  }
0x95: {  	s0 =	simm.s32 @!p0 $0x2  }
0x96: {  	_ =	swait.ge @!p0 [sflag:s0], s1  }
0x97: {  	s1 =	ssub.s32 @!p0 $0x0, s1;
	[sflag:s0] =	ssyncset.done @!p0 $0x0  }
0x98: {  	[sflag:s0] =	ssyncadd.s32 @!p0 s1  }
0x99: {  	[bflag:$0x3] =	sbarrier.arrive $0xFFFF  }
0x9a: {  	_ =	shalt  }

</sc_bundles>
